<compile_context>
chip_gen: v7x
topology: tpu7x:2x2x1
jax: 0.10.2.dev20260603
libtpu: 0.0.44.dev20260713+nightly
codegen_flags: <defaults>
</compile_context>

<pallas_src>
import functools

import jax
import jax.numpy as jnp
from jax import lax
from jax.experimental import pallas as pl
from jax.experimental.pallas import tpu as pltpu
from jax.experimental.pallas import tpu_sc as plsc

B, L, D = 16384, 50, 32
NC, NS = 2, 16
NW = NC * NS
BPW = B // NW
WL = BPW * L
C = 16
NCHUNK = BPW // C
CL = C * L
SL = [128] * 6 + [32]
SOFF = [0, 128, 256, 384, 512, 640, 768]


def _emb_kernel(idx_m_hbm, idx_s_hbm, w_hbm, table_hbm, out_hbm,
                idxm_v, idxs_v, w_v, rowsm_v, rowss_v, out_v,
                sem_g0, sem_g1, sem_o0, sem_o1, sem_st):
    wid = lax.axis_index("s") * NC + lax.axis_index("c")
    wbase = wid * BPW
    sem_g = [sem_g0, sem_g1]
    sem_o = [sem_o0, sem_o1]

    cp1 = pltpu.async_copy(idx_m_hbm.at[pl.ds(wbase * L, WL)], idxm_v, sem_st)
    cp2 = pltpu.async_copy(idx_s_hbm.at[pl.ds(wbase, BPW)], idxs_v, sem_st)
    cp3 = pltpu.async_copy(w_hbm.at[pl.ds(wbase * L, WL)], w_v, sem_st)
    cp1.wait()
    cp2.wait()
    cp3.wait()

    def fire(g, par):
        cps = [pltpu.async_copy(
            table_hbm.at[idxm_v.at[pl.ds(g * CL + SOFF[j], SL[j])]],
            rowsm_v.at[par].at[pl.ds(SOFF[j], SL[j])], sem_g[par])
            for j in range(len(SL))]
        cps.append(pltpu.async_copy(table_hbm.at[idxs_v.at[pl.ds(g * C, C)]],
                                    rowss_v.at[par], sem_g[par]))
        return cps

    def drain(g, par):
        for cp in fire_descs(g, par):
            cp.wait()

    def fire_descs(g, par):
        return [pltpu.make_async_copy(
            table_hbm.at[idxm_v.at[pl.ds(g * CL + SOFF[j], SL[j])]],
            rowsm_v.at[par].at[pl.ds(SOFF[j], SL[j])], sem_g[par])
            for j in range(len(SL))] + [
            pltpu.make_async_copy(table_hbm.at[idxs_v.at[pl.ds(g * C, C)]],
                                  rowss_v.at[par], sem_g[par])]

    def compute(g, par):
        rows = rowsm_v.at[par]
        srows = rowss_v.at[par]
        outb = out_v.at[par]

        def row_body(c, _):
            lookbase = g * CL + c * L
            rowbase = c * L
            lbase = jnp.full((16,), lookbase, jnp.int32)
            z = jnp.zeros((16,), jnp.float32)
            a0 = [z, z]
            a1 = [z, z]
            ws = [z, z]
            for l in range(L):
                p = l & 1
                r = rowbase + l
                wv = plsc.load_gather(w_v, [lbase + l])
                a0[p] = a0[p] + wv * rows[r, pl.ds(0, 16)]
                a1[p] = a1[p] + wv * rows[r, pl.ds(16, 16)]
                ws[p] = ws[p] + wv
            acc0 = a0[0] + a0[1]
            acc1 = a1[0] + a1[1]
            wsum = ws[0] + ws[1]
            outb[c, pl.ds(0, 16)] = srows[c, pl.ds(0, 16)]
            outb[c, pl.ds(16, 16)] = srows[c, pl.ds(16, 16)]
            outb[c, pl.ds(32, 16)] = acc0 / wsum
            outb[c, pl.ds(48, 16)] = acc1 / wsum
            return 0

        lax.fori_loop(0, C, row_body, 0)

    fire(0, 0)

    def step_body(s, _):
        for par in (0, 1):
            g = 2 * s + par
            gn = jnp.minimum(g + 1, NCHUNK - 1)
            fire(gn, 1 - par)

            @pl.when(g >= 2)
            def _():
                pltpu.make_async_copy(
                    out_v.at[par],
                    out_hbm.at[pl.ds(wbase + (g - 2) * C, C)],
                    sem_o[par]).wait()

            drain(g, par)
            compute(g, par)
            pltpu.async_copy(out_v.at[par],
                             out_hbm.at[pl.ds(wbase + g * C, C)], sem_o[par])
        return 0

    lax.fori_loop(0, NCHUNK // 2, step_body, 0)

    drain(NCHUNK - 1, 0)
    for par in (0, 1):
        pltpu.make_async_copy(
            out_v.at[par],
            out_hbm.at[pl.ds(wbase + (NCHUNK - 2 + par) * C, C)],
            sem_o[par]).wait()


def kernel(indices_single, indices_multi, weights_multi, table):
    idx_m = indices_multi.reshape(-1).astype(jnp.int32)
    idx_s = indices_single.astype(jnp.int32)
    w = weights_multi.reshape(-1)
    mesh = plsc.VectorSubcoreMesh(core_axis_name="c", subcore_axis_name="s",
                                  num_cores=NC, num_subcores=NS)
    run = functools.partial(
        pl.kernel, mesh=mesh,
        compiler_params=pltpu.CompilerParams(needs_layout_passes=False,
                                             use_tc_tiling_on_sc=False),
        out_type=jax.ShapeDtypeStruct((B, 2 * D), jnp.float32),
        scratch_types=[
            pltpu.VMEM((WL,), jnp.int32),
            pltpu.VMEM((BPW,), jnp.int32),
            pltpu.VMEM((WL,), jnp.float32),
            pltpu.VMEM((2, CL, D), jnp.float32),
            pltpu.VMEM((2, C, D), jnp.float32),
            pltpu.VMEM((2, C, 2 * D), jnp.float32),
            pltpu.SemaphoreType.DMA,
            pltpu.SemaphoreType.DMA,
            pltpu.SemaphoreType.DMA,
            pltpu.SemaphoreType.DMA,
            pltpu.SemaphoreType.DMA,
        ],
    )(_emb_kernel)
    return run(idx_m, idx_s, w, table)

# --- scband reference (transcript-rebuilt; emitter-appended) ---
"""Pipeline reference for scband-embedding-layer-17892833755532 (READ-ONLY COPY).

The authoritative reference and input builder live on the scoring server;
editing this copy changes nothing except your own understanding.
"""

import jax, jax.numpy as jnp
import numpy as np

B, L, V, D = 16384, 50, 1000000, 32

def setup_inputs(seed: int = 0):
    key = jax.random.key(seed)
    k1, k2, k3, k4 = jax.random.split(key, 4)
    indices_single = jax.random.randint(k1, (B,), 0, V)
    indices_multi = jax.random.randint(k2, (B, L), 0, V)
    weights_multi = jax.random.uniform(k3, (B, L), dtype=jnp.float32)
    table = jax.random.normal(k4, (V, D), dtype=jnp.float32) * 0.02
    return {"indices_single": indices_single, "indices_multi": indices_multi, "weights_multi": weights_multi, "table": table}

def reference(indices_single, indices_multi, weights_multi, table):
    # Flatten all index fields and do a single gather, mirroring the keras layer
    flat_single = jnp.reshape(indices_single, (-1,))
    flat_multi = jnp.reshape(indices_multi, (-1,))
    all_indices = jnp.concatenate([flat_single, flat_multi], axis=0)
    all_embeddings = jnp.take(table, all_indices, axis=0)
    # Split back per-field
    n_single = flat_single.shape[0]
    emb_single = all_embeddings[:n_single]  # [B, D]
    emb_multi = jnp.reshape(all_embeddings[n_single:], (B, L, D))
    # combiner == 'weight': normalized weighted sum over the sequence axis
    sum_weights = jnp.sum(weights_multi, axis=1, keepdims=True)
    w = jnp.expand_dims(weights_multi / sum_weights, axis=-1)  # [B, L, 1]
    emb_multi_combined = jnp.sum(emb_multi * w, axis=1)  # [B, D]
    # do_concat=True: concat all field embeddings along last dim
    out = jnp.concatenate([emb_single, emb_multi_combined], axis=-1)  # [B, 2D]
    return out

if __name__ == "__main__":
    import jax
    _d = setup_inputs()
    print(jax.jit(kernel)(*tuple(_d.values())))

</pallas_src>

<mosaic_0001>
#map = affine_map<(d0, d1) -> (0)>
#map1 = affine_map<(d0, d1) -> (0, 0)>
module attributes {stable_mosaic.version = 14 : i64} {
  func.func @_emb_kernel(%arg0: i32, %arg1: i32, %arg2: memref<819200xi32, #tpu.memory_space<hbm>>, %arg3: memref<16384xi32, #tpu.memory_space<hbm>>, %arg4: memref<819200xf32, #tpu.memory_space<hbm>>, %arg5: memref<1000000x32xf32, #tpu.memory_space<hbm>>, %arg6: memref<16384x64xf32, #tpu.memory_space<hbm>>, %arg7: memref<25600xi32, #tpu.memory_space<vmem>>, %arg8: memref<512xi32, #tpu.memory_space<vmem>>, %arg9: memref<25600xf32, #tpu.memory_space<vmem>>, %arg10: memref<2x800x32xf32, #tpu.memory_space<vmem>>, %arg11: memref<2x16x32xf32, #tpu.memory_space<vmem>>, %arg12: memref<2x16x64xf32, #tpu.memory_space<vmem>>, %arg13: memref<!tpu.dma_semaphore, #tpu.memory_space<semaphore_mem>>, %arg14: memref<!tpu.dma_semaphore, #tpu.memory_space<semaphore_mem>>, %arg15: memref<!tpu.dma_semaphore, #tpu.memory_space<semaphore_mem>>, %arg16: memref<!tpu.dma_semaphore, #tpu.memory_space<semaphore_mem>>, %arg17: memref<!tpu.dma_semaphore, #tpu.memory_space<semaphore_mem>>) attributes {dimension_semantics = [#tpu.dimension_semantics<core_parallel>, #tpu.dimension_semantics<subcore_parallel>], iteration_bounds = array<i64: 2, 16>, scalar_prefetch = 0 : i64, scratch_operands = 11 : i64, tpu.core_type = #tpu.core_type<sc_vector_subcore>, window_params = [{transform_indices = #map}, {transform_indices = #map}, {transform_indices = #map}, {transform_indices = #map1}, {transform_indices = #map1}]} {
    %mul3A = arith.constant 2 : i32
    %mul3A_0 = arith.muli %arg1, %mul3A : i32
    %add3A = arith.addi %mul3A_0, %arg0 : i32
    %mul3A_1 = arith.constant 512 : i32
    %mul3A_2 = arith.muli %add3A, %mul3A_1 : i32
    %mul3A_3 = arith.constant 50 : i32
    %mul3A_4 = arith.muli %mul3A_2, %mul3A_3 : i32
    %dma_start3A = tpu.memref_slice %arg2[%mul3A_4] : memref<819200xi32, #tpu.memory_space<hbm>> -> memref<25600xi32, #tpu.memory_space<hbm>>
    %dma_start3A_5 = tpu.memref_slice %arg2[%mul3A_4] : memref<819200xi32, #tpu.memory_space<hbm>> -> memref<25600xi32, #tpu.memory_space<hbm>>
    tpu.enqueue_dma source(%dma_start3A_5 : memref<25600xi32, #tpu.memory_space<hbm>>) target(%arg7 : memref<25600xi32, #tpu.memory_space<vmem>>) target_semaphore(%arg17 : memref<!tpu.dma_semaphore, #tpu.memory_space<semaphore_mem>>)
    %dma_start3A_6 = tpu.memref_slice %arg3[%mul3A_2] : memref<16384xi32, #tpu.memory_space<hbm>> -> memref<512xi32, #tpu.memory_space<hbm>>
    %dma_start3A_7 = tpu.memref_slice %arg3[%mul3A_2] : memref<16384xi32, #tpu.memory_space<hbm>> -> memref<512xi32, #tpu.memory_space<hbm>>
    tpu.enqueue_dma source(%dma_start3A_7 : memref<512xi32, #tpu.memory_space<hbm>>) target(%arg8 : memref<512xi32, #tpu.memory_space<vmem>>) target_semaphore(%arg17 : memref<!tpu.dma_semaphore, #tpu.memory_space<semaphore_mem>>)
    %mul3A_8 = arith.constant 50 : i32
    %mul3A_9 = arith.muli %mul3A_2, %mul3A_8 : i32
    %dma_start3A_10 = tpu.memref_slice %arg4[%mul3A_9] : memref<819200xf32, #tpu.memory_space<hbm>> -> memref<25600xf32, #tpu.memory_space<hbm>>
    %dma_start3A_11 = tpu.memref_slice %arg4[%mul3A_9] : memref<819200xf32, #tpu.memory_space<hbm>> -> memref<25600xf32, #tpu.memory_space<hbm>>
    tpu.enqueue_dma source(%dma_start3A_11 : memref<25600xf32, #tpu.memory_space<hbm>>) target(%arg9 : memref<25600xf32, #tpu.memory_space<vmem>>) target_semaphore(%arg17 : memref<!tpu.dma_semaphore, #tpu.memory_space<semaphore_mem>>)
    %dma_wait3A = tpu.memref_slice %arg2[%mul3A_4] : memref<819200xi32, #tpu.memory_space<hbm>> -> memref<25600xi32, #tpu.memory_space<hbm>>
    %dma_wait3A_12 = tpu.memref_slice %arg2[%mul3A_4] : memref<819200xi32, #tpu.memory_space<hbm>> -> memref<25600xi32, #tpu.memory_space<hbm>>
    tpu.wait_dma2 semaphore(%arg17 : memref<!tpu.dma_semaphore, #tpu.memory_space<semaphore_mem>>) src(%dma_wait3A_12 : memref<25600xi32, #tpu.memory_space<hbm>>) dst(%arg7 : memref<25600xi32, #tpu.memory_space<vmem>>)
    %dma_wait3A_13 = tpu.memref_slice %arg3[%mul3A_2] : memref<16384xi32, #tpu.memory_space<hbm>> -> memref<512xi32, #tpu.memory_space<hbm>>
    %dma_wait3A_14 = tpu.memref_slice %arg3[%mul3A_2] : memref<16384xi32, #tpu.memory_space<hbm>> -> memref<512xi32, #tpu.memory_space<hbm>>
    tpu.wait_dma2 semaphore(%arg17 : memref<!tpu.dma_semaphore, #tpu.memory_space<semaphore_mem>>) src(%dma_wait3A_14 : memref<512xi32, #tpu.memory_space<hbm>>) dst(%arg8 : memref<512xi32, #tpu.memory_space<vmem>>)
    %dma_wait3A_15 = tpu.memref_slice %arg4[%mul3A_9] : memref<819200xf32, #tpu.memory_space<hbm>> -> memref<25600xf32, #tpu.memory_space<hbm>>
    %dma_wait3A_16 = tpu.memref_slice %arg4[%mul3A_9] : memref<819200xf32, #tpu.memory_space<hbm>> -> memref<25600xf32, #tpu.memory_space<hbm>>
    tpu.wait_dma2 semaphore(%arg17 : memref<!tpu.dma_semaphore, #tpu.memory_space<semaphore_mem>>) src(%dma_wait3A_16 : memref<25600xf32, #tpu.memory_space<hbm>>) dst(%arg9 : memref<25600xf32, #tpu.memory_space<vmem>>)
    %dma_start3A_17 = arith.constant 0 : i32
    %dma_start3A_18 = arith.constant 0 : i32
    %dma_start3A_19 = arith.constant 0 : i32
    %dma_start3A_20 = tpu.memref_slice %arg10[%dma_start3A_17, %dma_start3A_18, %dma_start3A_19] : memref<2x800x32xf32, #tpu.memory_space<vmem>> -> memref<1x800x32xf32, #tpu.memory_space<vmem>>
    %dma_start3A_21 = tpu.memref_squeeze %dma_start3A_20 : memref<1x800x32xf32, #tpu.memory_space<vmem>> -> memref<800x32xf32, #tpu.memory_space<vmem>>
    %dma_start3A_22 = arith.constant 0 : i32
    %dma_start3A_23 = arith.constant 0 : i32
    %dma_start3A_24 = tpu.memref_slice %dma_start3A_21[%dma_start3A_22, %dma_start3A_23] : memref<800x32xf32, #tpu.memory_space<vmem>> -> memref<128x32xf32, #tpu.memory_space<vmem>>
    %dma_start3A_25 = arith.constant 0 : i32
    %dma_start3A_26 = tpu.memref_slice %arg7[%dma_start3A_25] : memref<25600xi32, #tpu.memory_space<vmem>> -> memref<128xi32, #tpu.memory_space<vmem>>
    %dma_start3A_27 = arith.constant 0 : i32
    %dma_start3A_28 = arith.constant 0 : i32
    %dma_start3A_29 = tpu.memref_slice %arg5[%dma_start3A_27, %dma_start3A_28] : memref<1000000x32xf32, #tpu.memory_space<hbm>> -> memref<1000000x32xf32, #tpu.memory_space<hbm>>
    tpu.enqueue_indirect_dma source(%dma_start3A_29 : memref<1000000x32xf32, #tpu.memory_space<hbm>>) target(%dma_start3A_24 : memref<128x32xf32, #tpu.memory_space<vmem>>) offsets(%dma_start3A_26 : memref<128xi32, #tpu.memory_space<vmem>>) semaphore(%arg13 : memref<!tpu.dma_semaphore, #tpu.memory_space<semaphore_mem>>)
    %dma_start3A_30 = arith.constant 0 : i32
    %dma_start3A_31 = arith.constant 0 : i32
    %dma_start3A_32 = arith.constant 0 : i32
    %dma_start3A_33 = tpu.memref_slice %arg10[%dma_start3A_30, %dma_start3A_31, %dma_start3A_32] : memref<2x800x32xf32, #tpu.memory_space<vmem>> -> memref<1x800x32xf32, #tpu.memory_space<vmem>>
    %dma_start3A_34 = tpu.memref_squeeze %dma_start3A_33 : memref<1x800x32xf32, #tpu.memory_space<vmem>> -> memref<800x32xf32, #tpu.memory_space<vmem>>
    %dma_start3A_35 = arith.constant 128 : i32
    %dma_start3A_36 = arith.constant 0 : i32
    %dma_start3A_37 = tpu.memref_slice %dma_start3A_34[%dma_start3A_35, %dma_start3A_36] : memref<800x32xf32, #tpu.memory_space<vmem>> -> memref<128x32xf32, #tpu.memory_space<vmem>>
    %dma_start3A_38 = arith.constant 128 : i32
    %dma_start3A_39 = tpu.memref_slice %arg7[%dma_start3A_38] : memref<25600xi32, #tpu.memory_space<vmem>> -> memref<128xi32, #tpu.memory_space<vmem>>
    %dma_start3A_40 = arith.constant 0 : i32
    %dma_start3A_41 = arith.constant 0 : i32
    %dma_start3A_42 = tpu.memref_slice %arg5[%dma_start3A_40, %dma_start3A_41] : memref<1000000x32xf32, #tpu.memory_space<hbm>> -> memref<1000000x32xf32, #tpu.memory_space<hbm>>
    tpu.enqueue_indirect_dma source(%dma_start3A_42 : memref<1000000x32xf32, #tpu.memory_space<hbm>>) target(%dma_start3A_37 : memref<128x32xf32, #tpu.memory_space<vmem>>) offsets(%dma_start3A_39 : memref<128xi32, #tpu.memory_space<vmem>>) semaphore(%arg13 : memref<!tpu.dma_semaphore, #tpu.memory_space<semaphore_mem>>)
    %dma_start3A_43 = arith.constant 0 : i32
    %dma_start3A_44 = arith.constant 0 : i32
    %dma_start3A_45 = arith.constant 0 : i32
    %dma_start3A_46 = tpu.memref_slice %arg10[%dma_start3A_43, %dma_start3A_44, %dma_start3A_45] : memref<2x800x32xf32, #tpu.memory_space<vmem>> -> memref<1x800x32xf32, #tpu.memory_space<vmem>>
    %dma_start3A_47 = tpu.memref_squeeze %dma_start3A_46 : memref<1x800x32xf32, #tpu.memory_space<vmem>> -> memref<800x32xf32, #tpu.memory_space<vmem>>
    %dma_start3A_48 = arith.constant 256 : i32
    %dma_start3A_49 = arith.constant 0 : i32
    %dma_start3A_50 = tpu.memref_slice %dma_start3A_47[%dma_start3A_48, %dma_start3A_49] : memref<800x32xf32, #tpu.memory_space<vmem>> -> memref<128x32xf32, #tpu.memory_space<vmem>>
    %dma_start3A_51 = arith.constant 256 : i32
    %dma_start3A_52 = tpu.memref_slice %arg7[%dma_start3A_51] : memref<25600xi32, #tpu.memory_space<vmem>> -> memref<128xi32, #tpu.memory_space<vmem>>
    %dma_start3A_53 = arith.constant 0 : i32
    %dma_start3A_54 = arith.constant 0 : i32
    %dma_start3A_55 = tpu.memref_slice %arg5[%dma_start3A_53, %dma_start3A_54] : memref<1000000x32xf32, #tpu.memory_space<hbm>> -> memref<1000000x32xf32, #tpu.memory_space<hbm>>
    tpu.enqueue_indirect_dma source(%dma_start3A_55 : memref<1000000x32xf32, #tpu.memory_space<hbm>>) target(%dma_start3A_50 : memref<128x32xf32, #tpu.memory_space<vmem>>) offsets(%dma_start3A_52 : memref<128xi32, #tpu.memory_space<vmem>>) semaphore(%arg13 : memref<!tpu.dma_semaphore, #tpu.memory_space<semaphore_mem>>)
    %dma_start3A_56 = arith.constant 0 : i32
    %dma_start3A_57 = arith.constant 0 : i32
    %dma_start3A_58 = arith.constant 0 : i32
    %dma_start3A_59 = tpu.memref_slice %arg10[%dma_start3A_56, %dma_start3A_57, %dma_start3A_58] : memref<2x800x32xf32, #tpu.memory_space<vmem>> -> memref<1x800x32xf32, #tpu.memory_space<vmem>>
    %dma_start3A_60 = tpu.memref_squeeze %dma_start3A_59 : memref<1x800x32xf32, #tpu.memory_space<vmem>> -> memref<800x32xf32, #tpu.memory_space<vmem>>
    %dma_start3A_61 = arith.constant 384 : i32
    %dma_start3A_62 = arith.constant 0 : i32
    %dma_start3A_63 = tpu.memref_slice %dma_start3A_60[%dma_start3A_61, %dma_start3A_62] : memref<800x32xf32, #tpu.memory_space<vmem>> -> memref<128x32xf32, #tpu.memory_space<vmem>>
    %dma_start3A_64 = arith.constant 384 : i32
    %dma_start3A_65 = tpu.memref_slice %arg7[%dma_start3A_64] : memref<25600xi32, #tpu.memory_space<vmem>> -> memref<128xi32, #tpu.memory_space<vmem>>
    %dma_start3A_66 = arith.constant 0 : i32
    %dma_start3A_67 = arith.constant 0 : i32
    %dma_start3A_68 = tpu.memref_slice %arg5[%dma_start3A_66, %dma_start3A_67] : memref<1000000x32xf32, #tpu.memory_space<hbm>> -> memref<1000000x32xf32, #tpu.memory_space<hbm>>
    tpu.enqueue_indirect_dma source(%dma_start3A_68 : memref<1000000x32xf32, #tpu.memory_space<hbm>>) target(%dma_start3A_63 : memref<128x32xf32, #tpu.memory_space<vmem>>) offsets(%dma_start3A_65 : memref<128xi32, #tpu.memory_space<vmem>>) semaphore(%arg13 : memref<!tpu.dma_semaphore, #tpu.memory_space<semaphore_mem>>)
    %dma_start3A_69 = arith.constant 0 : i32
    %dma_start3A_70 = arith.constant 0 : i32
    %dma_start3A_71 = arith.constant 0 : i32
    %dma_start3A_72 = tpu.memref_slice %arg10[%dma_start3A_69, %dma_start3A_70, %dma_start3A_71] : memref<2x800x32xf32, #tpu.memory_space<vmem>> -> memref<1x800x32xf32, #tpu.memory_space<vmem>>
    %dma_start3A_73 = tpu.memref_squeeze %dma_start3A_72 : memref<1x800x32xf32, #tpu.memory_space<vmem>> -> memref<800x32xf32, #tpu.memory_space<vmem>>
    %dma_start3A_74 = arith.constant 512 : i32
    %dma_start3A_75 = arith.constant 0 : i32
    %dma_start3A_76 = tpu.memref_slice %dma_start3A_73[%dma_start3A_74, %dma_start3A_75] : memref<800x32xf32, #tpu.memory_space<vmem>> -> memref<128x32xf32, #tpu.memory_space<vmem>>
    %dma_start3A_77 = arith.constant 512 : i32
    %dma_start3A_78 = tpu.memref_slice %arg7[%dma_start3A_77] : memref<25600xi32, #tpu.memory_space<vmem>> -> memref<128xi32, #tpu.memory_space<vmem>>
    %dma_start3A_79 = arith.constant 0 : i32
    %dma_start3A_80 = arith.constant 0 : i32
    %dma_start3A_81 = tpu.memref_slice %arg5[%dma_start3A_79, %dma_start3A_80] : memref<1000000x32xf32, #tpu.memory_space<hbm>> -> memref<1000000x32xf32, #tpu.memory_space<hbm>>
    tpu.enqueue_indirect_dma source(%dma_start3A_81 : memref<1000000x32xf32, #tpu.memory_space<hbm>>) target(%dma_start3A_76 : memref<128x32xf32, #tpu.memory_space<vmem>>) offsets(%dma_start3A_78 : memref<128xi32, #tpu.memory_space<vmem>>) semaphore(%arg13 : memref<!tpu.dma_semaphore, #tpu.memory_space<semaphore_mem>>)
    %dma_start3A_82 = arith.constant 0 : i32
    %dma_start3A_83 = arith.constant 0 : i32
    %dma_start3A_84 = arith.constant 0 : i32
    %dma_start3A_85 = tpu.memref_slice %arg10[%dma_start3A_82, %dma_start3A_83, %dma_start3A_84] : memref<2x800x32xf32, #tpu.memory_space<vmem>> -> memref<1x800x32xf32, #tpu.memory_space<vmem>>
    %dma_start3A_86 = tpu.memref_squeeze %dma_start3A_85 : memref<1x800x32xf32, #tpu.memory_space<vmem>> -> memref<800x32xf32, #tpu.memory_space<vmem>>
    %dma_start3A_87 = arith.constant 640 : i32
    %dma_start3A_88 = arith.constant 0 : i32
    %dma_start3A_89 = tpu.memref_slice %dma_start3A_86[%dma_start3A_87, %dma_start3A_88] : memref<800x32xf32, #tpu.memory_space<vmem>> -> memref<128x32xf32, #tpu.memory_space<vmem>>
    %dma_start3A_90 = arith.constant 640 : i32
    %dma_start3A_91 = tpu.memref_slice %arg7[%dma_start3A_90] : memref<25600xi32, #tpu.memory_space<vmem>> -> memref<128xi32, #tpu.memory_space<vmem>>
    %dma_start3A_92 = arith.constant 0 : i32
    %dma_start3A_93 = arith.constant 0 : i32
    %dma_start3A_94 = tpu.memref_slice %arg5[%dma_start3A_92, %dma_start3A_93] : memref<1000000x32xf32, #tpu.memory_space<hbm>> -> memref<1000000x32xf32, #tpu.memory_space<hbm>>
    tpu.enqueue_indirect_dma source(%dma_start3A_94 : memref<1000000x32xf32, #tpu.memory_space<hbm>>) target(%dma_start3A_89 : memref<128x32xf32, #tpu.memory_space<vmem>>) offsets(%dma_start3A_91 : memref<128xi32, #tpu.memory_space<vmem>>) semaphore(%arg13 : memref<!tpu.dma_semaphore, #tpu.memory_space<semaphore_mem>>)
    %dma_start3A_95 = arith.constant 0 : i32
    %dma_start3A_96 = arith.constant 0 : i32
    %dma_start3A_97 = arith.constant 0 : i32
    %dma_start3A_98 = tpu.memref_slice %arg10[%dma_start3A_95, %dma_start3A_96, %dma_start3A_97] : memref<2x800x32xf32, #tpu.memory_space<vmem>> -> memref<1x800x32xf32, #tpu.memory_space<vmem>>
    %dma_start3A_99 = tpu.memref_squeeze %dma_start3A_98 : memref<1x800x32xf32, #tpu.memory_space<vmem>> -> memref<800x32xf32, #tpu.memory_space<vmem>>
    %dma_start3A_100 = arith.constant 768 : i32
    %dma_start3A_101 = arith.constant 0 : i32
    %dma_start3A_102 = tpu.memref_slice %dma_start3A_99[%dma_start3A_100, %dma_start3A_101] : memref<800x32xf32, #tpu.memory_space<vmem>> -> memref<32x32xf32, #tpu.memory_space<vmem>>
    %dma_start3A_103 = arith.constant 768 : i32
    %dma_start3A_104 = tpu.memref_slice %arg7[%dma_start3A_103] : memref<25600xi32, #tpu.memory_space<vmem>> -> memref<32xi32, #tpu.memory_space<vmem>>
    %dma_start3A_105 = arith.constant 0 : i32
    %dma_start3A_106 = arith.constant 0 : i32
    %dma_start3A_107 = tpu.memref_slice %arg5[%dma_start3A_105, %dma_start3A_106] : memref<1000000x32xf32, #tpu.memory_space<hbm>> -> memref<1000000x32xf32, #tpu.memory_space<hbm>>
    tpu.enqueue_indirect_dma source(%dma_start3A_107 : memref<1000000x32xf32, #tpu.memory_space<hbm>>) target(%dma_start3A_102 : memref<32x32xf32, #tpu.memory_space<vmem>>) offsets(%dma_start3A_104 : memref<32xi32, #tpu.memory_space<vmem>>) semaphore(%arg13 : memref<!tpu.dma_semaphore, #tpu.memory_space<semaphore_mem>>)
    %dma_start3A_108 = arith.constant 0 : i32
    %dma_start3A_109 = arith.constant 0 : i32
    %dma_start3A_110 = arith.constant 0 : i32
    %dma_start3A_111 = tpu.memref_slice %arg11[%dma_start3A_108, %dma_start3A_109, %dma_start3A_110] : memref<2x16x32xf32, #tpu.memory_space<vmem>> -> memref<1x16x32xf32, #tpu.memory_space<vmem>>
    %dma_start3A_112 = tpu.memref_squeeze %dma_start3A_111 : memref<1x16x32xf32, #tpu.memory_space<vmem>> -> memref<16x32xf32, #tpu.memory_space<vmem>>
    %dma_start3A_113 = arith.constant 0 : i32
    %dma_start3A_114 = tpu.memref_slice %arg8[%dma_start3A_113] : memref<512xi32, #tpu.memory_space<vmem>> -> memref<16xi32, #tpu.memory_space<vmem>>
    %dma_start3A_115 = arith.constant 0 : i32
    %dma_start3A_116 = arith.constant 0 : i32
    %dma_start3A_117 = tpu.memref_slice %arg5[%dma_start3A_115, %dma_start3A_116] : memref<1000000x32xf32, #tpu.memory_space<hbm>> -> memref<1000000x32xf32, #tpu.memory_space<hbm>>
    tpu.enqueue_indirect_dma source(%dma_start3A_117 : memref<1000000x32xf32, #tpu.memory_space<hbm>>) target(%dma_start3A_112 : memref<16x32xf32, #tpu.memory_space<vmem>>) offsets(%dma_start3A_114 : memref<16xi32, #tpu.memory_space<vmem>>) semaphore(%arg13 : memref<!tpu.dma_semaphore, #tpu.memory_space<semaphore_mem>>)
    %scan3A = arith.constant 0 : i32
    %scan3A_118 = arith.constant 0 : i32
    %scan3A_119 = arith.constant 16 : i32
    %scan3A_120 = arith.addi %scan3A_118, %scan3A_119 : i32
    %scan3A_121 = arith.constant 1 : i32
    %scan3A_122 = scf.for %scan3A_255 = %scan3A_118 to %scan3A_120 step %scan3A_121 iter_args(%scan3A_256 = %scan3A) -> (i32)  : i32 {
      %mul3A_257 = arith.constant 2 : i32
      %mul3A_258 = arith.muli %mul3A_257, %scan3A_255 : i32
      %add3A_259 = arith.constant 0 : i32
      %add3A_260 = arith.addi %mul3A_258, %add3A_259 : i32
      %add3A_261 = arith.constant 1 : i32
      %add3A_262 = arith.addi %add3A_260, %add3A_261 : i32
      %min3A = arith.constant 31 : i32
      %min3A_263 = arith.minsi %add3A_262, %min3A : i32
      %mul3A_264 = arith.constant 800 : i32
      %mul3A_265 = arith.muli %min3A_263, %mul3A_264 : i32
      %add3A_266 = arith.constant 0 : i32
      %add3A_267 = arith.addi %mul3A_265, %add3A_266 : i32
      %dma_start3A_268 = arith.constant 1 : i32
      %dma_start3A_269 = arith.constant 0 : i32
      %dma_start3A_270 = arith.constant 0 : i32
      %dma_start3A_271 = tpu.memref_slice %arg10[%dma_start3A_268, %dma_start3A_269, %dma_start3A_270] : memref<2x800x32xf32, #tpu.memory_space<vmem>> -> memref<1x800x32xf32, #tpu.memory_space<vmem>>
      %dma_start3A_272 = tpu.memref_squeeze %dma_start3A_271 : memref<1x800x32xf32, #tpu.memory_space<vmem>> -> memref<800x32xf32, #tpu.memory_space<vmem>>
      %dma_start3A_273 = arith.constant 0 : i32
      %dma_start3A_274 = arith.constant 0 : i32
      %dma_start3A_275 = tpu.memref_slice %dma_start3A_272[%dma_start3A_273, %dma_start3A_274] : memref<800x32xf32, #tpu.memory_space<vmem>> -> memref<128x32xf32, #tpu.memory_space<vmem>>
      %dma_start3A_276 = tpu.memref_slice %arg7[%add3A_267] : memref<25600xi32, #tpu.memory_space<vmem>> -> memref<128xi32, #tpu.memory_space<vmem>>
      %dma_start3A_277 = arith.constant 0 : i32
      %dma_start3A_278 = arith.constant 0 : i32
      %dma_start3A_279 = tpu.memref_slice %arg5[%dma_start3A_277, %dma_start3A_278] : memref<1000000x32xf32, #tpu.memory_space<hbm>> -> memref<1000000x32xf32, #tpu.memory_space<hbm>>
      tpu.enqueue_indirect_dma source(%dma_start3A_279 : memref<1000000x32xf32, #tpu.memory_space<hbm>>) target(%dma_start3A_275 : memref<128x32xf32, #tpu.memory_space<vmem>>) offsets(%dma_start3A_276 : memref<128xi32, #tpu.memory_space<vmem>>) semaphore(%arg14 : memref<!tpu.dma_semaphore, #tpu.memory_space<semaphore_mem>>)
      %mul3A_280 = arith.constant 800 : i32
      %mul3A_281 = arith.muli %min3A_263, %mul3A_280 : i32
      %add3A_282 = arith.constant 128 : i32
      %add3A_283 = arith.addi %mul3A_281, %add3A_282 : i32
      %dma_start3A_284 = arith.constant 1 : i32
      %dma_start3A_285 = arith.constant 0 : i32
      %dma_start3A_286 = arith.constant 0 : i32
      %dma_start3A_287 = tpu.memref_slice %arg10[%dma_start3A_284, %dma_start3A_285, %dma_start3A_286] : memref<2x800x32xf32, #tpu.memory_space<vmem>> -> memref<1x800x32xf32, #tpu.memory_space<vmem>>
      %dma_start3A_288 = tpu.memref_squeeze %dma_start3A_287 : memref<1x800x32xf32, #tpu.memory_space<vmem>> -> memref<800x32xf32, #tpu.memory_space<vmem>>
      %dma_start3A_289 = arith.constant 128 : i32
      %dma_start3A_290 = arith.constant 0 : i32
      %dma_start3A_291 = tpu.memref_slice %dma_start3A_288[%dma_start3A_289, %dma_start3A_290] : memref<800x32xf32, #tpu.memory_space<vmem>> -> memref<128x32xf32, #tpu.memory_space<vmem>>
      %dma_start3A_292 = tpu.memref_slice %arg7[%add3A_283] : memref<25600xi32, #tpu.memory_space<vmem>> -> memref<128xi32, #tpu.memory_space<vmem>>
      %dma_start3A_293 = arith.constant 0 : i32
      %dma_start3A_294 = arith.constant 0 : i32
      %dma_start3A_295 = tpu.memref_slice %arg5[%dma_start3A_293, %dma_start3A_294] : memref<1000000x32xf32, #tpu.memory_space<hbm>> -> memref<1000000x32xf32, #tpu.memory_space<hbm>>
      tpu.enqueue_indirect_dma source(%dma_start3A_295 : memref<1000000x32xf32, #tpu.memory_space<hbm>>) target(%dma_start3A_291 : memref<128x32xf32, #tpu.memory_space<vmem>>) offsets(%dma_start3A_292 : memref<128xi32, #tpu.memory_space<vmem>>) semaphore(%arg14 : memref<!tpu.dma_semaphore, #tpu.memory_space<semaphore_mem>>)
      %mul3A_296 = arith.constant 800 : i32
      %mul3A_297 = arith.muli %min3A_263, %mul3A_296 : i32
      %add3A_298 = arith.constant 256 : i32
      %add3A_299 = arith.addi %mul3A_297, %add3A_298 : i32
      %dma_start3A_300 = arith.constant 1 : i32
      %dma_start3A_301 = arith.constant 0 : i32
      %dma_start3A_302 = arith.constant 0 : i32
      %dma_start3A_303 = tpu.memref_slice %arg10[%dma_start3A_300, %dma_start3A_301, %dma_start3A_302] : memref<2x800x32xf32, #tpu.memory_space<vmem>> -> memref<1x800x32xf32, #tpu.memory_space<vmem>>
      %dma_start3A_304 = tpu.memref_squeeze %dma_start3A_303 : memref<1x800x32xf32, #tpu.memory_space<vmem>> -> memref<800x32xf32, #tpu.memory_space<vmem>>
      %dma_start3A_305 = arith.constant 256 : i32
      %dma_start3A_306 = arith.constant 0 : i32
      %dma_start3A_307 = tpu.memref_slice %dma_start3A_304[%dma_start3A_305, %dma_start3A_306] : memref<800x32xf32, #tpu.memory_space<vmem>> -> memref<128x32xf32, #tpu.memory_space<vmem>>
      %dma_start3A_308 = tpu.memref_slice %arg7[%add3A_299] : memref<25600xi32, #tpu.memory_space<vmem>> -> memref<128xi32, #tpu.memory_space<vmem>>
      %dma_start3A_309 = arith.constant 0 : i32
      %dma_start3A_310 = arith.constant 0 : i32
      %dma_start3A_311 = tpu.memref_slice %arg5[%dma_start3A_309, %dma_start3A_310] : memref<1000000x32xf32, #tpu.memory_space<hbm>> -> memref<1000000x32xf32, #tpu.memory_space<hbm>>
      tpu.enqueue_indirect_dma source(%dma_start3A_311 : memref<1000000x32xf32, #tpu.memory_space<hbm>>) target(%dma_start3A_307 : memref<128x32xf32, #tpu.memory_space<vmem>>) offsets(%dma_start3A_308 : memref<128xi32, #tpu.memory_space<vmem>>) semaphore(%arg14 : memref<!tpu.dma_semaphore, #tpu.memory_space<semaphore_mem>>)
      %mul3A_312 = arith.constant 800 : i32
      %mul3A_313 = arith.muli %min3A_263, %mul3A_312 : i32
      %add3A_314 = arith.constant 384 : i32
      %add3A_315 = arith.addi %mul3A_313, %add3A_314 : i32
      %dma_start3A_316 = arith.constant 1 : i32
      %dma_start3A_317 = arith.constant 0 : i32
      %dma_start3A_318 = arith.constant 0 : i32
      %dma_start3A_319 = tpu.memref_slice %arg10[%dma_start3A_316, %dma_start3A_317, %dma_start3A_318] : memref<2x800x32xf32, #tpu.memory_space<vmem>> -> memref<1x800x32xf32, #tpu.memory_space<vmem>>
      %dma_start3A_320 = tpu.memref_squeeze %dma_start3A_319 : memref<1x800x32xf32, #tpu.memory_space<vmem>> -> memref<800x32xf32, #tpu.memory_space<vmem>>
      %dma_start3A_321 = arith.constant 384 : i32
      %dma_start3A_322 = arith.constant 0 : i32
      %dma_start3A_323 = tpu.memref_slice %dma_start3A_320[%dma_start3A_321, %dma_start3A_322] : memref<800x32xf32, #tpu.memory_space<vmem>> -> memref<128x32xf32, #tpu.memory_space<vmem>>
      %dma_start3A_324 = tpu.memref_slice %arg7[%add3A_315] : memref<25600xi32, #tpu.memory_space<vmem>> -> memref<128xi32, #tpu.memory_space<vmem>>
      %dma_start3A_325 = arith.constant 0 : i32
      %dma_start3A_326 = arith.constant 0 : i32
      %dma_start3A_327 = tpu.memref_slice %arg5[%dma_start3A_325, %dma_start3A_326] : memref<1000000x32xf32, #tpu.memory_space<hbm>> -> memref<1000000x32xf32, #tpu.memory_space<hbm>>
      tpu.enqueue_indirect_dma source(%dma_start3A_327 : memref<1000000x32xf32, #tpu.memory_space<hbm>>) target(%dma_start3A_323 : memref<128x32xf32, #tpu.memory_space<vmem>>) offsets(%dma_start3A_324 : memref<128xi32, #tpu.memory_space<vmem>>) semaphore(%arg14 : memref<!tpu.dma_semaphore, #tpu.memory_space<semaphore_mem>>)
      %mul3A_328 = arith.constant 800 : i32
      %mul3A_329 = arith.muli %min3A_263, %mul3A_328 : i32
      %add3A_330 = arith.constant 512 : i32
      %add3A_331 = arith.addi %mul3A_329, %add3A_330 : i32
      %dma_start3A_332 = arith.constant 1 : i32
      %dma_start3A_333 = arith.constant 0 : i32
      %dma_start3A_334 = arith.constant 0 : i32
      %dma_start3A_335 = tpu.memref_slice %arg10[%dma_start3A_332, %dma_start3A_333, %dma_start3A_334] : memref<2x800x32xf32, #tpu.memory_space<vmem>> -> memref<1x800x32xf32, #tpu.memory_space<vmem>>
      %dma_start3A_336 = tpu.memref_squeeze %dma_start3A_335 : memref<1x800x32xf32, #tpu.memory_space<vmem>> -> memref<800x32xf32, #tpu.memory_space<vmem>>
      %dma_start3A_337 = arith.constant 512 : i32
      %dma_start3A_338 = arith.constant 0 : i32
      %dma_start3A_339 = tpu.memref_slice %dma_start3A_336[%dma_start3A_337, %dma_start3A_338] : memref<800x32xf32, #tpu.memory_space<vmem>> -> memref<128x32xf32, #tpu.memory_space<vmem>>
      %dma_start3A_340 = tpu.memref_slice %arg7[%add3A_331] : memref<25600xi32, #tpu.memory_space<vmem>> -> memref<128xi32, #tpu.memory_space<vmem>>
      %dma_start3A_341 = arith.constant 0 : i32
      %dma_start3A_342 = arith.constant 0 : i32
      %dma_start3A_343 = tpu.memref_slice %arg5[%dma_start3A_341, %dma_start3A_342] : memref<1000000x32xf32, #tpu.memory_space<hbm>> -> memref<1000000x32xf32, #tpu.memory_space<hbm>>
      tpu.enqueue_indirect_dma source(%dma_start3A_343 : memref<1000000x32xf32, #tpu.memory_space<hbm>>) target(%dma_start3A_339 : memref<128x32xf32, #tpu.memory_space<vmem>>) offsets(%dma_start3A_340 : memref<128xi32, #tpu.memory_space<vmem>>) semaphore(%arg14 : memref<!tpu.dma_semaphore, #tpu.memory_space<semaphore_mem>>)
      %mul3A_344 = arith.constant 800 : i32
      %mul3A_345 = arith.muli %min3A_263, %mul3A_344 : i32
      %add3A_346 = arith.constant 640 : i32
      %add3A_347 = arith.addi %mul3A_345, %add3A_346 : i32
      %dma_start3A_348 = arith.constant 1 : i32
      %dma_start3A_349 = arith.constant 0 : i32
      %dma_start3A_350 = arith.constant 0 : i32
      %dma_start3A_351 = tpu.memref_slice %arg10[%dma_start3A_348, %dma_start3A_349, %dma_start3A_350] : memref<2x800x32xf32, #tpu.memory_space<vmem>> -> memref<1x800x32xf32, #tpu.memory_space<vmem>>
      %dma_start3A_352 = tpu.memref_squeeze %dma_start3A_351 : memref<1x800x32xf32, #tpu.memory_space<vmem>> -> memref<800x32xf32, #tpu.memory_space<vmem>>
      %dma_start3A_353 = arith.constant 640 : i32
      %dma_start3A_354 = arith.constant 0 : i32
      %dma_start3A_355 = tpu.memref_slice %dma_start3A_352[%dma_start3A_353, %dma_start3A_354] : memref<800x32xf32, #tpu.memory_space<vmem>> -> memref<128x32xf32, #tpu.memory_space<vmem>>
      %dma_start3A_356 = tpu.memref_slice %arg7[%add3A_347] : memref<25600xi32, #tpu.memory_space<vmem>> -> memref<128xi32, #tpu.memory_space<vmem>>
      %dma_start3A_357 = arith.constant 0 : i32
      %dma_start3A_358 = arith.constant 0 : i32
      %dma_start3A_359 = tpu.memref_slice %arg5[%dma_start3A_357, %dma_start3A_358] : memref<1000000x32xf32, #tpu.memory_space<hbm>> -> memref<1000000x32xf32, #tpu.memory_space<hbm>>
      tpu.enqueue_indirect_dma source(%dma_start3A_359 : memref<1000000x32xf32, #tpu.memory_space<hbm>>) target(%dma_start3A_355 : memref<128x32xf32, #tpu.memory_space<vmem>>) offsets(%dma_start3A_356 : memref<128xi32, #tpu.memory_space<vmem>>) semaphore(%arg14 : memref<!tpu.dma_semaphore, #tpu.memory_space<semaphore_mem>>)
      %mul3A_360 = arith.constant 800 : i32
      %mul3A_361 = arith.muli %min3A_263, %mul3A_360 : i32
      %add3A_362 = arith.constant 768 : i32
      %add3A_363 = arith.addi %mul3A_361, %add3A_362 : i32
      %dma_start3A_364 = arith.constant 1 : i32
      %dma_start3A_365 = arith.constant 0 : i32
      %dma_start3A_366 = arith.constant 0 : i32
      %dma_start3A_367 = tpu.memref_slice %arg10[%dma_start3A_364, %dma_start3A_365, %dma_start3A_366] : memref<2x800x32xf32, #tpu.memory_space<vmem>> -> memref<1x800x32xf32, #tpu.memory_space<vmem>>
      %dma_start3A_368 = tpu.memref_squeeze %dma_start3A_367 : memref<1x800x32xf32, #tpu.memory_space<vmem>> -> memref<800x32xf32, #tpu.memory_space<vmem>>
      %dma_start3A_369 = arith.constant 768 : i32
      %dma_start3A_370 = arith.constant 0 : i32
      %dma_start3A_371 = tpu.memref_slice %dma_start3A_368[%dma_start3A_369, %dma_start3A_370] : memref<800x32xf32, #tpu.memory_space<vmem>> -> memref<32x32xf32, #tpu.memory_space<vmem>>
      %dma_start3A_372 = tpu.memref_slice %arg7[%add3A_363] : memref<25600xi32, #tpu.memory_space<vmem>> -> memref<32xi32, #tpu.memory_space<vmem>>
      %dma_start3A_373 = arith.constant 0 : i32
      %dma_start3A_374 = arith.constant 0 : i32
      %dma_start3A_375 = tpu.memref_slice %arg5[%dma_start3A_373, %dma_start3A_374] : memref<1000000x32xf32, #tpu.memory_space<hbm>> -> memref<1000000x32xf32, #tpu.memory_space<hbm>>
      tpu.enqueue_indirect_dma source(%dma_start3A_375 : memref<1000000x32xf32, #tpu.memory_space<hbm>>) target(%dma_start3A_371 : memref<32x32xf32, #tpu.memory_space<vmem>>) offsets(%dma_start3A_372 : memref<32xi32, #tpu.memory_space<vmem>>) semaphore(%arg14 : memref<!tpu.dma_semaphore, #tpu.memory_space<semaphore_mem>>)
      %mul3A_376 = arith.constant 16 : i32
      %mul3A_377 = arith.muli %min3A_263, %mul3A_376 : i32
      %dma_start3A_378 = arith.constant 1 : i32
      %dma_start3A_379 = arith.constant 0 : i32
      %dma_start3A_380 = arith.constant 0 : i32
      %dma_start3A_381 = tpu.memref_slice %arg11[%dma_start3A_378, %dma_start3A_379, %dma_start3A_380] : memref<2x16x32xf32, #tpu.memory_space<vmem>> -> memref<1x16x32xf32, #tpu.memory_space<vmem>>
      %dma_start3A_382 = tpu.memref_squeeze %dma_start3A_381 : memref<1x16x32xf32, #tpu.memory_space<vmem>> -> memref<16x32xf32, #tpu.memory_space<vmem>>
      %dma_start3A_383 = tpu.memref_slice %arg8[%mul3A_377] : memref<512xi32, #tpu.memory_space<vmem>> -> memref<16xi32, #tpu.memory_space<vmem>>
      %dma_start3A_384 = arith.constant 0 : i32
      %dma_start3A_385 = arith.constant 0 : i32
      %dma_start3A_386 = tpu.memref_slice %arg5[%dma_start3A_384, %dma_start3A_385] : memref<1000000x32xf32, #tpu.memory_space<hbm>> -> memref<1000000x32xf32, #tpu.memory_space<hbm>>
      tpu.enqueue_indirect_dma source(%dma_start3A_386 : memref<1000000x32xf32, #tpu.memory_space<hbm>>) target(%dma_start3A_382 : memref<16x32xf32, #tpu.memory_space<vmem>>) offsets(%dma_start3A_383 : memref<16xi32, #tpu.memory_space<vmem>>) semaphore(%arg14 : memref<!tpu.dma_semaphore, #tpu.memory_space<semaphore_mem>>)
      %ge3A = arith.constant 2 : i32
      %ge3A_387 = arith.cmpi sge, %add3A_260, %ge3A : i32
      %convert_element_type3A = arith.extui %ge3A_387 : i1 to i32
      %cond3A = arith.constant 0 : i32
      %cond3A_388 = arith.cmpi ne, %convert_element_type3A, %cond3A : i32
      scf.if %cond3A_388 {
        %sub3A = arith.constant 2 : i32
        %sub3A_824 = arith.subi %add3A_260, %sub3A : i32
        %mul3A_825 = arith.constant 16 : i32
        %mul3A_826 = arith.muli %sub3A_824, %mul3A_825 : i32
        %add3A_827 = arith.addi %mul3A_2, %mul3A_826 : i32
        %dma_wait3A_828 = arith.constant 0 : i32
        %dma_wait3A_829 = arith.constant 0 : i32
        %dma_wait3A_830 = arith.constant 0 : i32
        %dma_wait3A_831 = tpu.memref_slice %arg12[%dma_wait3A_828, %dma_wait3A_829, %dma_wait3A_830] : memref<2x16x64xf32, #tpu.memory_space<vmem>> -> memref<1x16x64xf32, #tpu.memory_space<vmem>>
        %dma_wait3A_832 = tpu.memref_squeeze %dma_wait3A_831 : memref<1x16x64xf32, #tpu.memory_space<vmem>> -> memref<16x64xf32, #tpu.memory_space<vmem>>
        %dma_wait3A_833 = arith.constant 0 : i32
        %dma_wait3A_834 = tpu.memref_slice %arg6[%add3A_827, %dma_wait3A_833] : memref<16384x64xf32, #tpu.memory_space<hbm>> -> memref<16x64xf32, #tpu.memory_space<hbm>>
        %dma_wait3A_835 = arith.constant 0 : i32
        %dma_wait3A_836 = tpu.memref_slice %arg6[%add3A_827, %dma_wait3A_835] : memref<16384x64xf32, #tpu.memory_space<hbm>> -> memref<16x64xf32, #tpu.memory_space<hbm>>
        %dma_wait3A_837 = arith.constant 0 : i32
        %dma_wait3A_838 = arith.constant 0 : i32
        %dma_wait3A_839 = tpu.memref_slice %arg12[%dma_wait3A_828, %dma_wait3A_837, %dma_wait3A_838] : memref<2x16x64xf32, #tpu.memory_space<vmem>> -> memref<1x16x64xf32, #tpu.memory_space<vmem>>
        %dma_wait3A_840 = tpu.memref_squeeze %dma_wait3A_839 : memref<1x16x64xf32, #tpu.memory_space<vmem>> -> memref<16x64xf32, #tpu.memory_space<vmem>>
        tpu.wait_dma2 semaphore(%arg15 : memref<!tpu.dma_semaphore, #tpu.memory_space<semaphore_mem>>) src(%dma_wait3A_840 : memref<16x64xf32, #tpu.memory_space<vmem>>) dst(%dma_wait3A_836 : memref<16x64xf32, #tpu.memory_space<hbm>>)
      } else {
      }
      %mul3A_389 = arith.constant 800 : i32
      %mul3A_390 = arith.muli %add3A_260, %mul3A_389 : i32
      %add3A_391 = arith.constant 0 : i32
      %add3A_392 = arith.addi %mul3A_390, %add3A_391 : i32
      %mul3A_393 = arith.constant 800 : i32
      %mul3A_394 = arith.muli %add3A_260, %mul3A_393 : i32
      %add3A_395 = arith.constant 128 : i32
      %add3A_396 = arith.addi %mul3A_394, %add3A_395 : i32
      %mul3A_397 = arith.constant 800 : i32
      %mul3A_398 = arith.muli %add3A_260, %mul3A_397 : i32
      %add3A_399 = arith.constant 256 : i32
      %add3A_400 = arith.addi %mul3A_398, %add3A_399 : i32
      %mul3A_401 = arith.constant 800 : i32
      %mul3A_402 = arith.muli %add3A_260, %mul3A_401 : i32
      %add3A_403 = arith.constant 384 : i32
      %add3A_404 = arith.addi %mul3A_402, %add3A_403 : i32
      %mul3A_405 = arith.constant 800 : i32
      %mul3A_406 = arith.muli %add3A_260, %mul3A_405 : i32
      %add3A_407 = arith.constant 512 : i32
      %add3A_408 = arith.addi %mul3A_406, %add3A_407 : i32
      %mul3A_409 = arith.constant 800 : i32
      %mul3A_410 = arith.muli %add3A_260, %mul3A_409 : i32
      %add3A_411 = arith.constant 640 : i32
      %add3A_412 = arith.addi %mul3A_410, %add3A_411 : i32
      %mul3A_413 = arith.constant 800 : i32
      %mul3A_414 = arith.muli %add3A_260, %mul3A_413 : i32
      %add3A_415 = arith.constant 768 : i32
      %add3A_416 = arith.addi %mul3A_414, %add3A_415 : i32
      %mul3A_417 = arith.constant 16 : i32
      %mul3A_418 = arith.muli %add3A_260, %mul3A_417 : i32
      %dma_wait3A_419 = arith.constant 0 : i32
      %dma_wait3A_420 = arith.constant 0 : i32
      %dma_wait3A_421 = arith.constant 0 : i32
      %dma_wait3A_422 = tpu.memref_slice %arg10[%dma_wait3A_419, %dma_wait3A_420, %dma_wait3A_421] : memref<2x800x32xf32, #tpu.memory_space<vmem>> -> memref<1x800x32xf32, #tpu.memory_space<vmem>>
      %dma_wait3A_423 = tpu.memref_squeeze %dma_wait3A_422 : memref<1x800x32xf32, #tpu.memory_space<vmem>> -> memref<800x32xf32, #tpu.memory_space<vmem>>
      %dma_wait3A_424 = arith.constant 0 : i32
      %dma_wait3A_425 = arith.constant 0 : i32
      %dma_wait3A_426 = tpu.memref_slice %dma_wait3A_423[%dma_wait3A_424, %dma_wait3A_425] : memref<800x32xf32, #tpu.memory_space<vmem>> -> memref<128x32xf32, #tpu.memory_space<vmem>>
      %dma_wait3A_427 = tpu.memref_slice %arg7[%add3A_392] : memref<25600xi32, #tpu.memory_space<vmem>> -> memref<128xi32, #tpu.memory_space<vmem>>
      %dma_wait3A_428 = arith.constant 0 : i32
      %dma_wait3A_429 = arith.constant 0 : i32
      %dma_wait3A_430 = tpu.memref_slice %arg5[%dma_wait3A_428, %dma_wait3A_429] : memref<1000000x32xf32, #tpu.memory_space<hbm>> -> memref<1000000x32xf32, #tpu.memory_space<hbm>>
      tpu.wait_indirect_dma semaphore(%arg13 : memref<!tpu.dma_semaphore, #tpu.memory_space<semaphore_mem>>) src(%dma_wait3A_430 : memref<1000000x32xf32, #tpu.memory_space<hbm>>) dst(%dma_wait3A_426 : memref<128x32xf32, #tpu.memory_space<vmem>>)
      %dma_wait3A_431 = arith.constant 0 : i32
      %dma_wait3A_432 = arith.constant 0 : i32
      %dma_wait3A_433 = arith.constant 0 : i32
      %dma_wait3A_434 = tpu.memref_slice %arg10[%dma_wait3A_431, %dma_wait3A_432, %dma_wait3A_433] : memref<2x800x32xf32, #tpu.memory_space<vmem>> -> memref<1x800x32xf32, #tpu.memory_space<vmem>>
      %dma_wait3A_435 = tpu.memref_squeeze %dma_wait3A_434 : memref<1x800x32xf32, #tpu.memory_space<vmem>> -> memref<800x32xf32, #tpu.memory_space<vmem>>
      %dma_wait3A_436 = arith.constant 128 : i32
      %dma_wait3A_437 = arith.constant 0 : i32
      %dma_wait3A_438 = tpu.memref_slice %dma_wait3A_435[%dma_wait3A_436, %dma_wait3A_437] : memref<800x32xf32, #tpu.memory_space<vmem>> -> memref<128x32xf32, #tpu.memory_space<vmem>>
      %dma_wait3A_439 = tpu.memref_slice %arg7[%add3A_396] : memref<25600xi32, #tpu.memory_space<vmem>> -> memref<128xi32, #tpu.memory_space<vmem>>
      %dma_wait3A_440 = arith.constant 0 : i32
      %dma_wait3A_441 = arith.constant 0 : i32
      %dma_wait3A_442 = tpu.memref_slice %arg5[%dma_wait3A_440, %dma_wait3A_441] : memref<1000000x32xf32, #tpu.memory_space<hbm>> -> memref<1000000x32xf32, #tpu.memory_space<hbm>>
      tpu.wait_indirect_dma semaphore(%arg13 : memref<!tpu.dma_semaphore, #tpu.memory_space<semaphore_mem>>) src(%dma_wait3A_442 : memref<1000000x32xf32, #tpu.memory_space<hbm>>) dst(%dma_wait3A_438 : memref<128x32xf32, #tpu.memory_space<vmem>>)
      %dma_wait3A_443 = arith.constant 0 : i32
      %dma_wait3A_444 = arith.constant 0 : i32
      %dma_wait3A_445 = arith.constant 0 : i32
      %dma_wait3A_446 = tpu.memref_slice %arg10[%dma_wait3A_443, %dma_wait3A_444, %dma_wait3A_445] : memref<2x800x32xf32, #tpu.memory_space<vmem>> -> memref<1x800x32xf32, #tpu.memory_space<vmem>>
      %dma_wait3A_447 = tpu.memref_squeeze %dma_wait3A_446 : memref<1x800x32xf32, #tpu.memory_space<vmem>> -> memref<800x32xf32, #tpu.memory_space<vmem>>
      %dma_wait3A_448 = arith.constant 256 : i32
      %dma_wait3A_449 = arith.constant 0 : i32
      %dma_wait3A_450 = tpu.memref_slice %dma_wait3A_447[%dma_wait3A_448, %dma_wait3A_449] : memref<800x32xf32, #tpu.memory_space<vmem>> -> memref<128x32xf32, #tpu.memory_space<vmem>>
      %dma_wait3A_451 = tpu.memref_slice %arg7[%add3A_400] : memref<25600xi32, #tpu.memory_space<vmem>> -> memref<128xi32, #tpu.memory_space<vmem>>
      %dma_wait3A_452 = arith.constant 0 : i32
      %dma_wait3A_453 = arith.constant 0 : i32
      %dma_wait3A_454 = tpu.memref_slice %arg5[%dma_wait3A_452, %dma_wait3A_453] : memref<1000000x32xf32, #tpu.memory_space<hbm>> -> memref<1000000x32xf32, #tpu.memory_space<hbm>>
      tpu.wait_indirect_dma semaphore(%arg13 : memref<!tpu.dma_semaphore, #tpu.memory_space<semaphore_mem>>) src(%dma_wait3A_454 : memref<1000000x32xf32, #tpu.memory_space<hbm>>) dst(%dma_wait3A_450 : memref<128x32xf32, #tpu.memory_space<vmem>>)
      %dma_wait3A_455 = arith.constant 0 : i32
      %dma_wait3A_456 = arith.constant 0 : i32
      %dma_wait3A_457 = arith.constant 0 : i32
      %dma_wait3A_458 = tpu.memref_slice %arg10[%dma_wait3A_455, %dma_wait3A_456, %dma_wait3A_457] : memref<2x800x32xf32, #tpu.memory_space<vmem>> -> memref<1x800x32xf32, #tpu.memory_space<vmem>>
      %dma_wait3A_459 = tpu.memref_squeeze %dma_wait3A_458 : memref<1x800x32xf32, #tpu.memory_space<vmem>> -> memref<800x32xf32, #tpu.memory_space<vmem>>
      %dma_wait3A_460 = arith.constant 384 : i32
      %dma_wait3A_461 = arith.constant 0 : i32
      %dma_wait3A_462 = tpu.memref_slice %dma_wait3A_459[%dma_wait3A_460, %dma_wait3A_461] : memref<800x32xf32, #tpu.memory_space<vmem>> -> memref<128x32xf32, #tpu.memory_space<vmem>>
      %dma_wait3A_463 = tpu.memref_slice %arg7[%add3A_404] : memref<25600xi32, #tpu.memory_space<vmem>> -> memref<128xi32, #tpu.memory_space<vmem>>
      %dma_wait3A_464 = arith.constant 0 : i32
      %dma_wait3A_465 = arith.constant 0 : i32
      %dma_wait3A_466 = tpu.memref_slice %arg5[%dma_wait3A_464, %dma_wait3A_465] : memref<1000000x32xf32, #tpu.memory_space<hbm>> -> memref<1000000x32xf32, #tpu.memory_space<hbm>>
      tpu.wait_indirect_dma semaphore(%arg13 : memref<!tpu.dma_semaphore, #tpu.memory_space<semaphore_mem>>) src(%dma_wait3A_466 : memref<1000000x32xf32, #tpu.memory_space<hbm>>) dst(%dma_wait3A_462 : memref<128x32xf32, #tpu.memory_space<vmem>>)
      %dma_wait3A_467 = arith.constant 0 : i32
      %dma_wait3A_468 = arith.constant 0 : i32
      %dma_wait3A_469 = arith.constant 0 : i32
      %dma_wait3A_470 = tpu.memref_slice %arg10[%dma_wait3A_467, %dma_wait3A_468, %dma_wait3A_469] : memref<2x800x32xf32, #tpu.memory_space<vmem>> -> memref<1x800x32xf32, #tpu.memory_space<vmem>>
      %dma_wait3A_471 = tpu.memref_squeeze %dma_wait3A_470 : memref<1x800x32xf32, #tpu.memory_space<vmem>> -> memref<800x32xf32, #tpu.memory_space<vmem>>
      %dma_wait3A_472 = arith.constant 512 : i32
      %dma_wait3A_473 = arith.constant 0 : i32
      %dma_wait3A_474 = tpu.memref_slice %dma_wait3A_471[%dma_wait3A_472, %dma_wait3A_473] : memref<800x32xf32, #tpu.memory_space<vmem>> -> memref<128x32xf32, #tpu.memory_space<vmem>>
      %dma_wait3A_475 = tpu.memref_slice %arg7[%add3A_408] : memref<25600xi32, #tpu.memory_space<vmem>> -> memref<128xi32, #tpu.memory_space<vmem>>
      %dma_wait3A_476 = arith.constant 0 : i32
      %dma_wait3A_477 = arith.constant 0 : i32
      %dma_wait3A_478 = tpu.memref_slice %arg5[%dma_wait3A_476, %dma_wait3A_477] : memref<1000000x32xf32, #tpu.memory_space<hbm>> -> memref<1000000x32xf32, #tpu.memory_space<hbm>>
      tpu.wait_indirect_dma semaphore(%arg13 : memref<!tpu.dma_semaphore, #tpu.memory_space<semaphore_mem>>) src(%dma_wait3A_478 : memref<1000000x32xf32, #tpu.memory_space<hbm>>) dst(%dma_wait3A_474 : memref<128x32xf32, #tpu.memory_space<vmem>>)
      %dma_wait3A_479 = arith.constant 0 : i32
      %dma_wait3A_480 = arith.constant 0 : i32
      %dma_wait3A_481 = arith.constant 0 : i32
      %dma_wait3A_482 = tpu.memref_slice %arg10[%dma_wait3A_479, %dma_wait3A_480, %dma_wait3A_481] : memref<2x800x32xf32, #tpu.memory_space<vmem>> -> memref<1x800x32xf32, #tpu.memory_space<vmem>>
      %dma_wait3A_483 = tpu.memref_squeeze %dma_wait3A_482 : memref<1x800x32xf32, #tpu.memory_space<vmem>> -> memref<800x32xf32, #tpu.memory_space<vmem>>
      %dma_wait3A_484 = arith.constant 640 : i32
      %dma_wait3A_485 = arith.constant 0 : i32
      %dma_wait3A_486 = tpu.memref_slice %dma_wait3A_483[%dma_wait3A_484, %dma_wait3A_485] : memref<800x32xf32, #tpu.memory_space<vmem>> -> memref<128x32xf32, #tpu.memory_space<vmem>>
      %dma_wait3A_487 = tpu.memref_slice %arg7[%add3A_412] : memref<25600xi32, #tpu.memory_space<vmem>> -> memref<128xi32, #tpu.memory_space<vmem>>
      %dma_wait3A_488 = arith.constant 0 : i32
      %dma_wait3A_489 = arith.constant 0 : i32
      %dma_wait3A_490 = tpu.memref_slice %arg5[%dma_wait3A_488, %dma_wait3A_489] : memref<1000000x32xf32, #tpu.memory_space<hbm>> -> memref<1000000x32xf32, #tpu.memory_space<hbm>>
      tpu.wait_indirect_dma semaphore(%arg13 : memref<!tpu.dma_semaphore, #tpu.memory_space<semaphore_mem>>) src(%dma_wait3A_490 : memref<1000000x32xf32, #tpu.memory_space<hbm>>) dst(%dma_wait3A_486 : memref<128x32xf32, #tpu.memory_space<vmem>>)
      %dma_wait3A_491 = arith.constant 0 : i32
      %dma_wait3A_492 = arith.constant 0 : i32
      %dma_wait3A_493 = arith.constant 0 : i32
      %dma_wait3A_494 = tpu.memref_slice %arg10[%dma_wait3A_491, %dma_wait3A_492, %dma_wait3A_493] : memref<2x800x32xf32, #tpu.memory_space<vmem>> -> memref<1x800x32xf32, #tpu.memory_space<vmem>>
      %dma_wait3A_495 = tpu.memref_squeeze %dma_wait3A_494 : memref<1x800x32xf32, #tpu.memory_space<vmem>> -> memref<800x32xf32, #tpu.memory_space<vmem>>
      %dma_wait3A_496 = arith.constant 768 : i32
      %dma_wait3A_497 = arith.constant 0 : i32
      %dma_wait3A_498 = tpu.memref_slice %dma_wait3A_495[%dma_wait3A_496, %dma_wait3A_497] : memref<800x32xf32, #tpu.memory_space<vmem>> -> memref<32x32xf32, #tpu.memory_space<vmem>>
      %dma_wait3A_499 = tpu.memref_slice %arg7[%add3A_416] : memref<25600xi32, #tpu.memory_space<vmem>> -> memref<32xi32, #tpu.memory_space<vmem>>
      %dma_wait3A_500 = arith.constant 0 : i32
      %dma_wait3A_501 = arith.constant 0 : i32
      %dma_wait3A_502 = tpu.memref_slice %arg5[%dma_wait3A_500, %dma_wait3A_501] : memref<1000000x32xf32, #tpu.memory_space<hbm>> -> memref<1000000x32xf32, #tpu.memory_space<hbm>>
      tpu.wait_indirect_dma semaphore(%arg13 : memref<!tpu.dma_semaphore, #tpu.memory_space<semaphore_mem>>) src(%dma_wait3A_502 : memref<1000000x32xf32, #tpu.memory_space<hbm>>) dst(%dma_wait3A_498 : memref<32x32xf32, #tpu.memory_space<vmem>>)
      %dma_wait3A_503 = arith.constant 0 : i32
      %dma_wait3A_504 = arith.constant 0 : i32
      %dma_wait3A_505 = arith.constant 0 : i32
      %dma_wait3A_506 = tpu.memref_slice %arg11[%dma_wait3A_503, %dma_wait3A_504, %dma_wait3A_505] : memref<2x16x32xf32, #tpu.memory_space<vmem>> -> memref<1x16x32xf32, #tpu.memory_space<vmem>>
      %dma_wait3A_507 = tpu.memref_squeeze %dma_wait3A_506 : memref<1x16x32xf32, #tpu.memory_space<vmem>> -> memref<16x32xf32, #tpu.memory_space<vmem>>
      %dma_wait3A_508 = tpu.memref_slice %arg8[%mul3A_418] : memref<512xi32, #tpu.memory_space<vmem>> -> memref<16xi32, #tpu.memory_space<vmem>>
      %dma_wait3A_509 = arith.constant 0 : i32
      %dma_wait3A_510 = arith.constant 0 : i32
      %dma_wait3A_511 = tpu.memref_slice %arg5[%dma_wait3A_509, %dma_wait3A_510] : memref<1000000x32xf32, #tpu.memory_space<hbm>> -> memref<1000000x32xf32, #tpu.memory_space<hbm>>
      tpu.wait_indirect_dma semaphore(%arg13 : memref<!tpu.dma_semaphore, #tpu.memory_space<semaphore_mem>>) src(%dma_wait3A_511 : memref<1000000x32xf32, #tpu.memory_space<hbm>>) dst(%dma_wait3A_507 : memref<16x32xf32, #tpu.memory_space<vmem>>)
      %scan3A_512 = arith.constant 0 : i32
      %scan3A_513 = arith.constant 0 : i32
      %scan3A_514 = arith.constant 0 : i32
      %scan3A_515 = arith.constant 0 : i32
      %scan3A_516 = arith.constant 0 : i32
      %scan3A_517 = arith.constant 16 : i32
      %scan3A_518 = arith.addi %scan3A_516, %scan3A_517 : i32
      %scan3A_519 = arith.constant 1 : i32
      %scan3A_520 = scf.for %scan3A_824 = %scan3A_516 to %scan3A_518 step %scan3A_519 iter_args(%scan3A_825 = %scan3A_515) -> (i32)  : i32 {
        %mul3A_826 = arith.constant 800 : i32
        %mul3A_827 = arith.muli %add3A_260, %mul3A_826 : i32
        %mul3A_828 = arith.constant 50 : i32
        %mul3A_829 = arith.muli %scan3A_824, %mul3A_828 : i32
        %add3A_830 = arith.addi %mul3A_827, %mul3A_829 : i32
        %mul3A_831 = arith.constant 50 : i32
        %mul3A_832 = arith.muli %scan3A_824, %mul3A_831 : i32
        %broadcast_in_dim3A = vector.broadcast %add3A_830 : i32 to vector<16xi32>
        %broadcast_in_dim3A_833 = arith.constant 0.000000e+00 : f32
        %broadcast_in_dim3A_834 = vector.broadcast %broadcast_in_dim3A_833 : f32 to vector<16xf32>
        %add3A_835 = arith.constant 0 : i32
        %add3A_836 = arith.addi %mul3A_832, %add3A_835 : i32
        %add3A_837 = arith.constant 0 : i32
        %add3A_838 = vector.broadcast %add3A_837 : i32 to vector<16xi32>
        %add3A_839 = arith.addi %broadcast_in_dim3A, %add3A_838 : vector<16xi32>
        %gather3A = tpu.vector_load_idx %arg9[%add3A_839] : memref<25600xf32, #tpu.memory_space<vmem>>[vector<16xi32>], vector<16xf32>,
        %get3A = arith.constant 0 : i32
        %get3A_840 = arith.constant 0 : i32
        %get3A_841 = tpu.memref_slice %arg10[%scan3A_512, %get3A, %get3A_840] : memref<2x800x32xf32, #tpu.memory_space<vmem>> -> memref<1x800x32xf32, #tpu.memory_space<vmem>>
        %get3A_842 = tpu.memref_squeeze %get3A_841 : memref<1x800x32xf32, #tpu.memory_space<vmem>> -> memref<800x32xf32, #tpu.memory_space<vmem>>
        %get3A_843 = arith.index_cast %add3A_836 : i32 to index
        %get3A_844 = arith.constant 0 : index
        %get3A_845 = tpu.vector_load %get3A_842[%get3A_843, %get3A_844] {strides = array<i32>} : memref<800x32xf32, #tpu.memory_space<vmem>>, vector<16xf32>,
        %mul3A_846 = arith.mulf %gather3A, %get3A_845 : vector<16xf32>
        %add3A_847 = arith.addf %broadcast_in_dim3A_834, %mul3A_846 : vector<16xf32>
        %get3A_848 = arith.constant 0 : i32
        %get3A_849 = arith.constant 0 : i32
        %get3A_850 = tpu.memref_slice %arg10[%scan3A_512, %get3A_848, %get3A_849] : memref<2x800x32xf32, #tpu.memory_space<vmem>> -> memref<1x800x32xf32, #tpu.memory_space<vmem>>
        %get3A_851 = tpu.memref_squeeze %get3A_850 : memref<1x800x32xf32, #tpu.memory_space<vmem>> -> memref<800x32xf32, #tpu.memory_space<vmem>>
        %get3A_852 = arith.index_cast %add3A_836 : i32 to index
        %get3A_853 = arith.constant 16 : index
        %get3A_854 = tpu.vector_load %get3A_851[%get3A_852, %get3A_853] {strides = array<i32>} : memref<800x32xf32, #tpu.memory_space<vmem>>, vector<16xf32>,
        %mul3A_855 = arith.mulf %gather3A, %get3A_854 : vector<16xf32>
        %add3A_856 = arith.addf %broadcast_in_dim3A_834, %mul3A_855 : vector<16xf32>
        %add3A_857 = arith.addf %broadcast_in_dim3A_834, %gather3A : vector<16xf32>
        %add3A_858 = arith.constant 1 : i32
        %add3A_859 = arith.addi %mul3A_832, %add3A_858 : i32
        %add3A_860 = arith.constant 1 : i32
        %add3A_861 = vector.broadcast %add3A_860 : i32 to vector<16xi32>
        %add3A_862 = arith.addi %broadcast_in_dim3A, %add3A_861 : vector<16xi32>
        %gather3A_863 = tpu.vector_load_idx %arg9[%add3A_862] : memref<25600xf32, #tpu.memory_space<vmem>>[vector<16xi32>], vector<16xf32>,
        %get3A_864 = arith.constant 0 : i32
        %get3A_865 = arith.constant 0 : i32
        %get3A_866 = tpu.memref_slice %arg10[%scan3A_512, %get3A_864, %get3A_865] : memref<2x800x32xf32, #tpu.memory_space<vmem>> -> memref<1x800x32xf32, #tpu.memory_space<vmem>>
        %get3A_867 = tpu.memref_squeeze %get3A_866 : memref<1x800x32xf32, #tpu.memory_space<vmem>> -> memref<800x32xf32, #tpu.memory_space<vmem>>
        %get3A_868 = arith.index_cast %add3A_859 : i32 to index
        %get3A_869 = arith.constant 0 : index
        %get3A_870 = tpu.vector_load %get3A_867[%get3A_868, %get3A_869] {strides = array<i32>} : memref<800x32xf32, #tpu.memory_space<vmem>>, vector<16xf32>,
        %mul3A_871 = arith.mulf %gather3A_863, %get3A_870 : vector<16xf32>
        %add3A_872 = arith.addf %broadcast_in_dim3A_834, %mul3A_871 : vector<16xf32>
        %get3A_873 = arith.constant 0 : i32
        %get3A_874 = arith.constant 0 : i32
        %get3A_875 = tpu.memref_slice %arg10[%scan3A_512, %get3A_873, %get3A_874] : memref<2x800x32xf32, #tpu.memory_space<vmem>> -> memref<1x800x32xf32, #tpu.memory_space<vmem>>
        %get3A_876 = tpu.memref_squeeze %get3A_875 : memref<1x800x32xf32, #tpu.memory_space<vmem>> -> memref<800x32xf32, #tpu.memory_space<vmem>>
        %get3A_877 = arith.index_cast %add3A_859 : i32 to index
        %get3A_878 = arith.constant 16 : index
        %get3A_879 = tpu.vector_load %get3A_876[%get3A_877, %get3A_878] {strides = array<i32>} : memref<800x32xf32, #tpu.memory_space<vmem>>, vector<16xf32>,
        %mul3A_880 = arith.mulf %gather3A_863, %get3A_879 : vector<16xf32>
        %add3A_881 = arith.addf %broadcast_in_dim3A_834, %mul3A_880 : vector<16xf32>
        %add3A_882 = arith.addf %broadcast_in_dim3A_834, %gather3A_863 : vector<16xf32>
        %add3A_883 = arith.constant 2 : i32
        %add3A_884 = arith.addi %mul3A_832, %add3A_883 : i32
        %add3A_885 = arith.constant 2 : i32
        %add3A_886 = vector.broadcast %add3A_885 : i32 to vector<16xi32>
        %add3A_887 = arith.addi %broadcast_in_dim3A, %add3A_886 : vector<16xi32>
        %gather3A_888 = tpu.vector_load_idx %arg9[%add3A_887] : memref<25600xf32, #tpu.memory_space<vmem>>[vector<16xi32>], vector<16xf32>,
        %get3A_889 = arith.constant 0 : i32
        %get3A_890 = arith.constant 0 : i32
        %get3A_891 = tpu.memref_slice %arg10[%scan3A_512, %get3A_889, %get3A_890] : memref<2x800x32xf32, #tpu.memory_space<vmem>> -> memref<1x800x32xf32, #tpu.memory_space<vmem>>
        %get3A_892 = tpu.memref_squeeze %get3A_891 : memref<1x800x32xf32, #tpu.memory_space<vmem>> -> memref<800x32xf32, #tpu.memory_space<vmem>>
        %get3A_893 = arith.index_cast %add3A_884 : i32 to index
        %get3A_894 = arith.constant 0 : index
        %get3A_895 = tpu.vector_load %get3A_892[%get3A_893, %get3A_894] {strides = array<i32>} : memref<800x32xf32, #tpu.memory_space<vmem>>, vector<16xf32>,
        %mul3A_896 = arith.mulf %gather3A_888, %get3A_895 : vector<16xf32>
        %add3A_897 = arith.addf %add3A_847, %mul3A_896 : vector<16xf32>
        %get3A_898 = arith.constant 0 : i32
        %get3A_899 = arith.constant 0 : i32
        %get3A_900 = tpu.memref_slice %arg10[%scan3A_512, %get3A_898, %get3A_899] : memref<2x800x32xf32, #tpu.memory_space<vmem>> -> memref<1x800x32xf32, #tpu.memory_space<vmem>>
        %get3A_901 = tpu.memref_squeeze %get3A_900 : memref<1x800x32xf32, #tpu.memory_space<vmem>> -> memref<800x32xf32, #tpu.memory_space<vmem>>
        %get3A_902 = arith.index_cast %add3A_884 : i32 to index
        %get3A_903 = arith.constant 16 : index
        %get3A_904 = tpu.vector_load %get3A_901[%get3A_902, %get3A_903] {strides = array<i32>} : memref<800x32xf32, #tpu.memory_space<vmem>>, vector<16xf32>,
        %mul3A_905 = arith.mulf %gather3A_888, %get3A_904 : vector<16xf32>
        %add3A_906 = arith.addf %add3A_856, %mul3A_905 : vector<16xf32>
        %add3A_907 = arith.addf %add3A_857, %gather3A_888 : vector<16xf32>
        %add3A_908 = arith.constant 3 : i32
        %add3A_909 = arith.addi %mul3A_832, %add3A_908 : i32
        %add3A_910 = arith.constant 3 : i32
        %add3A_911 = vector.broadcast %add3A_910 : i32 to vector<16xi32>
        %add3A_912 = arith.addi %broadcast_in_dim3A, %add3A_911 : vector<16xi32>
        %gather3A_913 = tpu.vector_load_idx %arg9[%add3A_912] : memref<25600xf32, #tpu.memory_space<vmem>>[vector<16xi32>], vector<16xf32>,
        %get3A_914 = arith.constant 0 : i32
        %get3A_915 = arith.constant 0 : i32
        %get3A_916 = tpu.memref_slice %arg10[%scan3A_512, %get3A_914, %get3A_915] : memref<2x800x32xf32, #tpu.memory_space<vmem>> -> memref<1x800x32xf32, #tpu.memory_space<vmem>>
        %get3A_917 = tpu.memref_squeeze %get3A_916 : memref<1x800x32xf32, #tpu.memory_space<vmem>> -> memref<800x32xf32, #tpu.memory_space<vmem>>
        %get3A_918 = arith.index_cast %add3A_909 : i32 to index
        %get3A_919 = arith.constant 0 : index
        %get3A_920 = tpu.vector_load %get3A_917[%get3A_918, %get3A_919] {strides = array<i32>} : memref<800x32xf32, #tpu.memory_space<vmem>>, vector<16xf32>,
        %mul3A_921 = arith.mulf %gather3A_913, %get3A_920 : vector<16xf32>
        %add3A_922 = arith.addf %add3A_872, %mul3A_921 : vector<16xf32>
        %get3A_923 = arith.constant 0 : i32
        %get3A_924 = arith.constant 0 : i32
        %get3A_925 = tpu.memref_slice %arg10[%scan3A_512, %get3A_923, %get3A_924] : memref<2x800x32xf32, #tpu.memory_space<vmem>> -> memref<1x800x32xf32, #tpu.memory_space<vmem>>
        %get3A_926 = tpu.memref_squeeze %get3A_925 : memref<1x800x32xf32, #tpu.memory_space<vmem>> -> memref<800x32xf32, #tpu.memory_space<vmem>>
        %get3A_927 = arith.index_cast %add3A_909 : i32 to index
        %get3A_928 = arith.constant 16 : index
        %get3A_929 = tpu.vector_load %get3A_926[%get3A_927, %get3A_928] {strides = array<i32>} : memref<800x32xf32, #tpu.memory_space<vmem>>, vector<16xf32>,
        %mul3A_930 = arith.mulf %gather3A_913, %get3A_929 : vector<16xf32>
        %add3A_931 = arith.addf %add3A_881, %mul3A_930 : vector<16xf32>
        %add3A_932 = arith.addf %add3A_882, %gather3A_913 : vector<16xf32>
        %add3A_933 = arith.constant 4 : i32
        %add3A_934 = arith.addi %mul3A_832, %add3A_933 : i32
        %add3A_935 = arith.constant 4 : i32
        %add3A_936 = vector.broadcast %add3A_935 : i32 to vector<16xi32>
        %add3A_937 = arith.addi %broadcast_in_dim3A, %add3A_936 : vector<16xi32>
        %gather3A_938 = tpu.vector_load_idx %arg9[%add3A_937] : memref<25600xf32, #tpu.memory_space<vmem>>[vector<16xi32>], vector<16xf32>,
        %get3A_939 = arith.constant 0 : i32
        %get3A_940 = arith.constant 0 : i32
        %get3A_941 = tpu.memref_slice %arg10[%scan3A_512, %get3A_939, %get3A_940] : memref<2x800x32xf32, #tpu.memory_space<vmem>> -> memref<1x800x32xf32, #tpu.memory_space<vmem>>
        %get3A_942 = tpu.memref_squeeze %get3A_941 : memref<1x800x32xf32, #tpu.memory_space<vmem>> -> memref<800x32xf32, #tpu.memory_space<vmem>>
        %get3A_943 = arith.index_cast %add3A_934 : i32 to index
        %get3A_944 = arith.constant 0 : index
        %get3A_945 = tpu.vector_load %get3A_942[%get3A_943, %get3A_944] {strides = array<i32>} : memref<800x32xf32, #tpu.memory_space<vmem>>, vector<16xf32>,
        %mul3A_946 = arith.mulf %gather3A_938, %get3A_945 : vector<16xf32>
        %add3A_947 = arith.addf %add3A_897, %mul3A_946 : vector<16xf32>
        %get3A_948 = arith.constant 0 : i32
        %get3A_949 = arith.constant 0 : i32
        %get3A_950 = tpu.memref_slice %arg10[%scan3A_512, %get3A_948, %get3A_949] : memref<2x800x32xf32, #tpu.memory_space<vmem>> -> memref<1x800x32xf32, #tpu.memory_space<vmem>>
        %get3A_951 = tpu.memref_squeeze %get3A_950 : memref<1x800x32xf32, #tpu.memory_space<vmem>> -> memref<800x32xf32, #tpu.memory_space<vmem>>
        %get3A_952 = arith.index_cast %add3A_934 : i32 to index
        %get3A_953 = arith.constant 16 : index
        %get3A_954 = tpu.vector_load %get3A_951[%get3A_952, %get3A_953] {strides = array<i32>} : memref<800x32xf32, #tpu.memory_space<vmem>>, vector<16xf32>,
        %mul3A_955 = arith.mulf %gather3A_938, %get3A_954 : vector<16xf32>
        %add3A_956 = arith.addf %add3A_906, %mul3A_955 : vector<16xf32>
        %add3A_957 = arith.addf %add3A_907, %gather3A_938 : vector<16xf32>
        %add3A_958 = arith.constant 5 : i32
        %add3A_959 = arith.addi %mul3A_832, %add3A_958 : i32
        %add3A_960 = arith.constant 5 : i32
        %add3A_961 = vector.broadcast %add3A_960 : i32 to vector<16xi32>
        %add3A_962 = arith.addi %broadcast_in_dim3A, %add3A_961 : vector<16xi32>
        %gather3A_963 = tpu.vector_load_idx %arg9[%add3A_962] : memref<25600xf32, #tpu.memory_space<vmem>>[vector<16xi32>], vector<16xf32>,
        %get3A_964 = arith.constant 0 : i32
        %get3A_965 = arith.constant 0 : i32
        %get3A_966 = tpu.memref_slice %arg10[%scan3A_512, %get3A_964, %get3A_965] : memref<2x800x32xf32, #tpu.memory_space<vmem>> -> memref<1x800x32xf32, #tpu.memory_space<vmem>>
        %get3A_967 = tpu.memref_squeeze %get3A_966 : memref<1x800x32xf32, #tpu.memory_space<vmem>> -> memref<800x32xf32, #tpu.memory_space<vmem>>
        %get3A_968 = arith.index_cast %add3A_959 : i32 to index
        %get3A_969 = arith.constant 0 : index
        %get3A_970 = tpu.vector_load %get3A_967[%get3A_968, %get3A_969] {strides = array<i32>} : memref<800x32xf32, #tpu.memory_space<vmem>>, vector<16xf32>,
        %mul3A_971 = arith.mulf %gather3A_963, %get3A_970 : vector<16xf32>
        %add3A_972 = arith.addf %add3A_922, %mul3A_971 : vector<16xf32>
        %get3A_973 = arith.constant 0 : i32
        %get3A_974 = arith.constant 0 : i32
        %get3A_975 = tpu.memref_slice %arg10[%scan3A_512, %get3A_973, %get3A_974] : memref<2x800x32xf32, #tpu.memory_space<vmem>> -> memref<1x800x32xf32, #tpu.memory_space<vmem>>
        %get3A_976 = tpu.memref_squeeze %get3A_975 : memref<1x800x32xf32, #tpu.memory_space<vmem>> -> memref<800x32xf32, #tpu.memory_space<vmem>>
        %get3A_977 = arith.index_cast %add3A_959 : i32 to index
        %get3A_978 = arith.constant 16 : index
        %get3A_979 = tpu.vector_load %get3A_976[%get3A_977, %get3A_978] {strides = array<i32>} : memref<800x32xf32, #tpu.memory_space<vmem>>, vector<16xf32>,
        %mul3A_980 = arith.mulf %gather3A_963, %get3A_979 : vector<16xf32>
        %add3A_981 = arith.addf %add3A_931, %mul3A_980 : vector<16xf32>
        %add3A_982 = arith.addf %add3A_932, %gather3A_963 : vector<16xf32>
        %add3A_983 = arith.constant 6 : i32
        %add3A_984 = arith.addi %mul3A_832, %add3A_983 : i32
        %add3A_985 = arith.constant 6 : i32
        %add3A_986 = vector.broadcast %add3A_985 : i32 to vector<16xi32>
        %add3A_987 = arith.addi %broadcast_in_dim3A, %add3A_986 : vector<16xi32>
        %gather3A_988 = tpu.vector_load_idx %arg9[%add3A_987] : memref<25600xf32, #tpu.memory_space<vmem>>[vector<16xi32>], vector<16xf32>,
        %get3A_989 = arith.constant 0 : i32
        %get3A_990 = arith.constant 0 : i32
        %get3A_991 = tpu.memref_slice %arg10[%scan3A_512, %get3A_989, %get3A_990] : memref<2x800x32xf32, #tpu.memory_space<vmem>> -> memref<1x800x32xf32, #tpu.memory_space<vmem>>
        %get3A_992 = tpu.memref_squeeze %get3A_991 : memref<1x800x32xf32, #tpu.memory_space<vmem>> -> memref<800x32xf32, #tpu.memory_space<vmem>>
        %get3A_993 = arith.index_cast %add3A_984 : i32 to index
        %get3A_994 = arith.constant 0 : index
        %get3A_995 = tpu.vector_load %get3A_992[%get3A_993, %get3A_994] {strides = array<i32>} : memref<800x32xf32, #tpu.memory_space<vmem>>, vector<16xf32>,
        %mul3A_996 = arith.mulf %gather3A_988, %get3A_995 : vector<16xf32>
        %add3A_997 = arith.addf %add3A_947, %mul3A_996 : vector<16xf32>
        %get3A_998 = arith.constant 0 : i32
        %get3A_999 = arith.constant 0 : i32
        %get3A_1000 = tpu.memref_slice %arg10[%scan3A_512, %get3A_998, %get3A_999] : memref<2x800x32xf32, #tpu.memory_space<vmem>> -> memref<1x800x32xf32, #tpu.memory_space<vmem>>
        %get3A_1001 = tpu.memref_squeeze %get3A_1000 : memref<1x800x32xf32, #tpu.memory_space<vmem>> -> memref<800x32xf32, #tpu.memory_space<vmem>>
        %get3A_1002 = arith.index_cast %add3A_984 : i32 to index
        %get3A_1003 = arith.constant 16 : index
        %get3A_1004 = tpu.vector_load %get3A_1001[%get3A_1002, %get3A_1003] {strides = array<i32>} : memref<800x32xf32, #tpu.memory_space<vmem>>, vector<16xf32>,
        %mul3A_1005 = arith.mulf %gather3A_988, %get3A_1004 : vector<16xf32>
        %add3A_1006 = arith.addf %add3A_956, %mul3A_1005 : vector<16xf32>
        %add3A_1007 = arith.addf %add3A_957, %gather3A_988 : vector<16xf32>
        %add3A_1008 = arith.constant 7 : i32
        %add3A_1009 = arith.addi %mul3A_832, %add3A_1008 : i32
        %add3A_1010 = arith.constant 7 : i32
        %add3A_1011 = vector.broadcast %add3A_1010 : i32 to vector<16xi32>
        %add3A_1012 = arith.addi %broadcast_in_dim3A, %add3A_1011 : vector<16xi32>
        %gather3A_1013 = tpu.vector_load_idx %arg9[%add3A_1012] : memref<25600xf32, #tpu.memory_space<vmem>>[vector<16xi32>], vector<16xf32>,
        %get3A_1014 = arith.constant 0 : i32
        %get3A_1015 = arith.constant 0 : i32
        %get3A_1016 = tpu.memref_slice %arg10[%scan3A_512, %get3A_1014, %get3A_1015] : memref<2x800x32xf32, #tpu.memory_space<vmem>> -> memref<1x800x32xf32, #tpu.memory_space<vmem>>
        %get3A_1017 = tpu.memref_squeeze %get3A_1016 : memref<1x800x32xf32, #tpu.memory_space<vmem>> -> memref<800x32xf32, #tpu.memory_space<vmem>>
        %get3A_1018 = arith.index_cast %add3A_1009 : i32 to index
        %get3A_1019 = arith.constant 0 : index
        %get3A_1020 = tpu.vector_load %get3A_1017[%get3A_1018, %get3A_1019] {strides = array<i32>} : memref<800x32xf32, #tpu.memory_space<vmem>>, vector<16xf32>,
        %mul3A_1021 = arith.mulf %gather3A_1013, %get3A_1020 : vector<16xf32>
        %add3A_1022 = arith.addf %add3A_972, %mul3A_1021 : vector<16xf32>
        %get3A_1023 = arith.constant 0 : i32
        %get3A_1024 = arith.constant 0 : i32
        %get3A_1025 = tpu.memref_slice %arg10[%scan3A_512, %get3A_1023, %get3A_1024] : memref<2x800x32xf32, #tpu.memory_space<vmem>> -> memref<1x800x32xf32, #tpu.memory_space<vmem>>
        %get3A_1026 = tpu.memref_squeeze %get3A_1025 : memref<1x800x32xf32, #tpu.memory_space<vmem>> -> memref<800x32xf32, #tpu.memory_space<vmem>>
        %get3A_1027 = arith.index_cast %add3A_1009 : i32 to index
        %get3A_1028 = arith.constant 16 : index
        %get3A_1029 = tpu.vector_load %get3A_1026[%get3A_1027, %get3A_1028] {strides = array<i32>} : memref<800x32xf32, #tpu.memory_space<vmem>>, vector<16xf32>,
        %mul3A_1030 = arith.mulf %gather3A_1013, %get3A_1029 : vector<16xf32>
        %add3A_1031 = arith.addf %add3A_981, %mul3A_1030 : vector<16xf32>
        %add3A_1032 = arith.addf %add3A_982, %gather3A_1013 : vector<16xf32>
        %add3A_1033 = arith.constant 8 : i32
        %add3A_1034 = arith.addi %mul3A_832, %add3A_1033 : i32
        %add3A_1035 = arith.constant 8 : i32
        %add3A_1036 = vector.broadcast %add3A_1035 : i32 to vector<16xi32>
        %add3A_1037 = arith.addi %broadcast_in_dim3A, %add3A_1036 : vector<16xi32>
        %gather3A_1038 = tpu.vector_load_idx %arg9[%add3A_1037] : memref<25600xf32, #tpu.memory_space<vmem>>[vector<16xi32>], vector<16xf32>,
        %get3A_1039 = arith.constant 0 : i32
        %get3A_1040 = arith.constant 0 : i32
        %get3A_1041 = tpu.memref_slice %arg10[%scan3A_512, %get3A_1039, %get3A_1040] : memref<2x800x32xf32, #tpu.memory_space<vmem>> -> memref<1x800x32xf32, #tpu.memory_space<vmem>>
        %get3A_1042 = tpu.memref_squeeze %get3A_1041 : memref<1x800x32xf32, #tpu.memory_space<vmem>> -> memref<800x32xf32, #tpu.memory_space<vmem>>
        %get3A_1043 = arith.index_cast %add3A_1034 : i32 to index
        %get3A_1044 = arith.constant 0 : index
        %get3A_1045 = tpu.vector_load %get3A_1042[%get3A_1043, %get3A_1044] {strides = array<i32>} : memref<800x32xf32, #tpu.memory_space<vmem>>, vector<16xf32>,
        %mul3A_1046 = arith.mulf %gather3A_1038, %get3A_1045 : vector<16xf32>
        %add3A_1047 = arith.addf %add3A_997, %mul3A_1046 : vector<16xf32>
        %get3A_1048 = arith.constant 0 : i32
        %get3A_1049 = arith.constant 0 : i32
        %get3A_1050 = tpu.memref_slice %arg10[%scan3A_512, %get3A_1048, %get3A_1049] : memref<2x800x32xf32, #tpu.memory_space<vmem>> -> memref<1x800x32xf32, #tpu.memory_space<vmem>>
        %get3A_1051 = tpu.memref_squeeze %get3A_1050 : memref<1x800x32xf32, #tpu.memory_space<vmem>> -> memref<800x32xf32, #tpu.memory_space<vmem>>
        %get3A_1052 = arith.index_cast %add3A_1034 : i32 to index
        %get3A_1053 = arith.constant 16 : index
        %get3A_1054 = tpu.vector_load %get3A_1051[%get3A_1052, %get3A_1053] {strides = array<i32>} : memref<800x32xf32, #tpu.memory_space<vmem>>, vector<16xf32>,
        %mul3A_1055 = arith.mulf %gather3A_1038, %get3A_1054 : vector<16xf32>
        %add3A_1056 = arith.addf %add3A_1006, %mul3A_1055 : vector<16xf32>
        %add3A_1057 = arith.addf %add3A_1007, %gather3A_1038 : vector<16xf32>
        %add3A_1058 = arith.constant 9 : i32
        %add3A_1059 = arith.addi %mul3A_832, %add3A_1058 : i32
        %add3A_1060 = arith.constant 9 : i32
        %add3A_1061 = vector.broadcast %add3A_1060 : i32 to vector<16xi32>
        %add3A_1062 = arith.addi %broadcast_in_dim3A, %add3A_1061 : vector<16xi32>
        %gather3A_1063 = tpu.vector_load_idx %arg9[%add3A_1062] : memref<25600xf32, #tpu.memory_space<vmem>>[vector<16xi32>], vector<16xf32>,
        %get3A_1064 = arith.constant 0 : i32
        %get3A_1065 = arith.constant 0 : i32
        %get3A_1066 = tpu.memref_slice %arg10[%scan3A_512, %get3A_1064, %get3A_1065] : memref<2x800x32xf32, #tpu.memory_space<vmem>> -> memref<1x800x32xf32, #tpu.memory_space<vmem>>
        %get3A_1067 = tpu.memref_squeeze %get3A_1066 : memref<1x800x32xf32, #tpu.memory_space<vmem>> -> memref<800x32xf32, #tpu.memory_space<vmem>>
        %get3A_1068 = arith.index_cast %add3A_1059 : i32 to index
        %get3A_1069 = arith.constant 0 : index
        %get3A_1070 = tpu.vector_load %get3A_1067[%get3A_1068, %get3A_1069] {strides = array<i32>} : memref<800x32xf32, #tpu.memory_space<vmem>>, vector<16xf32>,
        %mul3A_1071 = arith.mulf %gather3A_1063, %get3A_1070 : vector<16xf32>
        %add3A_1072 = arith.addf %add3A_1022, %mul3A_1071 : vector<16xf32>
        %get3A_1073 = arith.constant 0 : i32
        %get3A_1074 = arith.constant 0 : i32
        %get3A_1075 = tpu.memref_slice %arg10[%scan3A_512, %get3A_1073, %get3A_1074] : memref<2x800x32xf32, #tpu.memory_space<vmem>> -> memref<1x800x32xf32, #tpu.memory_space<vmem>>
        %get3A_1076 = tpu.memref_squeeze %get3A_1075 : memref<1x800x32xf32, #tpu.memory_space<vmem>> -> memref<800x32xf32, #tpu.memory_space<vmem>>
        %get3A_1077 = arith.index_cast %add3A_1059 : i32 to index
        %get3A_1078 = arith.constant 16 : index
        %get3A_1079 = tpu.vector_load %get3A_1076[%get3A_1077, %get3A_1078] {strides = array<i32>} : memref<800x32xf32, #tpu.memory_space<vmem>>, vector<16xf32>,
        %mul3A_1080 = arith.mulf %gather3A_1063, %get3A_1079 : vector<16xf32>
        %add3A_1081 = arith.addf %add3A_1031, %mul3A_1080 : vector<16xf32>
        %add3A_1082 = arith.addf %add3A_1032, %gather3A_1063 : vector<16xf32>
        %add3A_1083 = arith.constant 10 : i32
        %add3A_1084 = arith.addi %mul3A_832, %add3A_1083 : i32
        %add3A_1085 = arith.constant 10 : i32
        %add3A_1086 = vector.broadcast %add3A_1085 : i32 to vector<16xi32>
        %add3A_1087 = arith.addi %broadcast_in_dim3A, %add3A_1086 : vector<16xi32>
        %gather3A_1088 = tpu.vector_load_idx %arg9[%add3A_1087] : memref<25600xf32, #tpu.memory_space<vmem>>[vector<16xi32>], vector<16xf32>,
        %get3A_1089 = arith.constant 0 : i32
        %get3A_1090 = arith.constant 0 : i32
        %get3A_1091 = tpu.memref_slice %arg10[%scan3A_512, %get3A_1089, %get3A_1090] : memref<2x800x32xf32, #tpu.memory_space<vmem>> -> memref<1x800x32xf32, #tpu.memory_space<vmem>>
        %get3A_1092 = tpu.memref_squeeze %get3A_1091 : memref<1x800x32xf32, #tpu.memory_space<vmem>> -> memref<800x32xf32, #tpu.memory_space<vmem>>
        %get3A_1093 = arith.index_cast %add3A_1084 : i32 to index
        %get3A_1094 = arith.constant 0 : index
        %get3A_1095 = tpu.vector_load %get3A_1092[%get3A_1093, %get3A_1094] {strides = array<i32>} : memref<800x32xf32, #tpu.memory_space<vmem>>, vector<16xf32>,
        %mul3A_1096 = arith.mulf %gather3A_1088, %get3A_1095 : vector<16xf32>
        %add3A_1097 = arith.addf %add3A_1047, %mul3A_1096 : vector<16xf32>
        %get3A_1098 = arith.constant 0 : i32
        %get3A_1099 = arith.constant 0 : i32
        %get3A_1100 = tpu.memref_slice %arg10[%scan3A_512, %get3A_1098, %get3A_1099] : memref<2x800x32xf32, #tpu.memory_space<vmem>> -> memref<1x800x32xf32, #tpu.memory_space<vmem>>
        %get3A_1101 = tpu.memref_squeeze %get3A_1100 : memref<1x800x32xf32, #tpu.memory_space<vmem>> -> memref<800x32xf32, #tpu.memory_space<vmem>>
        %get3A_1102 = arith.index_cast %add3A_1084 : i32 to index
        %get3A_1103 = arith.constant 16 : index
        %get3A_1104 = tpu.vector_load %get3A_1101[%get3A_1102, %get3A_1103] {strides = array<i32>} : memref<800x32xf32, #tpu.memory_space<vmem>>, vector<16xf32>,
        %mul3A_1105 = arith.mulf %gather3A_1088, %get3A_1104 : vector<16xf32>
        %add3A_1106 = arith.addf %add3A_1056, %mul3A_1105 : vector<16xf32>
        %add3A_1107 = arith.addf %add3A_1057, %gather3A_1088 : vector<16xf32>
        %add3A_1108 = arith.constant 11 : i32
        %add3A_1109 = arith.addi %mul3A_832, %add3A_1108 : i32
        %add3A_1110 = arith.constant 11 : i32
        %add3A_1111 = vector.broadcast %add3A_1110 : i32 to vector<16xi32>
        %add3A_1112 = arith.addi %broadcast_in_dim3A, %add3A_1111 : vector<16xi32>
        %gather3A_1113 = tpu.vector_load_idx %arg9[%add3A_1112] : memref<25600xf32, #tpu.memory_space<vmem>>[vector<16xi32>], vector<16xf32>,
        %get3A_1114 = arith.constant 0 : i32
        %get3A_1115 = arith.constant 0 : i32
        %get3A_1116 = tpu.memref_slice %arg10[%scan3A_512, %get3A_1114, %get3A_1115] : memref<2x800x32xf32, #tpu.memory_space<vmem>> -> memref<1x800x32xf32, #tpu.memory_space<vmem>>
        %get3A_1117 = tpu.memref_squeeze %get3A_1116 : memref<1x800x32xf32, #tpu.memory_space<vmem>> -> memref<800x32xf32, #tpu.memory_space<vmem>>
        %get3A_1118 = arith.index_cast %add3A_1109 : i32 to index
        %get3A_1119 = arith.constant 0 : index
        %get3A_1120 = tpu.vector_load %get3A_1117[%get3A_1118, %get3A_1119] {strides = array<i32>} : memref<800x32xf32, #tpu.memory_space<vmem>>, vector<16xf32>,
        %mul3A_1121 = arith.mulf %gather3A_1113, %get3A_1120 : vector<16xf32>
        %add3A_1122 = arith.addf %add3A_1072, %mul3A_1121 : vector<16xf32>
        %get3A_1123 = arith.constant 0 : i32
        %get3A_1124 = arith.constant 0 : i32
        %get3A_1125 = tpu.memref_slice %arg10[%scan3A_512, %get3A_1123, %get3A_1124] : memref<2x800x32xf32, #tpu.memory_space<vmem>> -> memref<1x800x32xf32, #tpu.memory_space<vmem>>
        %get3A_1126 = tpu.memref_squeeze %get3A_1125 : memref<1x800x32xf32, #tpu.memory_space<vmem>> -> memref<800x32xf32, #tpu.memory_space<vmem>>
        %get3A_1127 = arith.index_cast %add3A_1109 : i32 to index
        %get3A_1128 = arith.constant 16 : index
        %get3A_1129 = tpu.vector_load %get3A_1126[%get3A_1127, %get3A_1128] {strides = array<i32>} : memref<800x32xf32, #tpu.memory_space<vmem>>, vector<16xf32>,
        %mul3A_1130 = arith.mulf %gather3A_1113, %get3A_1129 : vector<16xf32>
        %add3A_1131 = arith.addf %add3A_1081, %mul3A_1130 : vector<16xf32>
        %add3A_1132 = arith.addf %add3A_1082, %gather3A_1113 : vector<16xf32>
        %add3A_1133 = arith.constant 12 : i32
        %add3A_1134 = arith.addi %mul3A_832, %add3A_1133 : i32
        %add3A_1135 = arith.constant 12 : i32
        %add3A_1136 = vector.broadcast %add3A_1135 : i32 to vector<16xi32>
        %add3A_1137 = arith.addi %broadcast_in_dim3A, %add3A_1136 : vector<16xi32>
        %gather3A_1138 = tpu.vector_load_idx %arg9[%add3A_1137] : memref<25600xf32, #tpu.memory_space<vmem>>[vector<16xi32>], vector<16xf32>,
        %get3A_1139 = arith.constant 0 : i32
        %get3A_1140 = arith.constant 0 : i32
        %get3A_1141 = tpu.memref_slice %arg10[%scan3A_512, %get3A_1139, %get3A_1140] : memref<2x800x32xf32, #tpu.memory_space<vmem>> -> memref<1x800x32xf32, #tpu.memory_space<vmem>>
        %get3A_1142 = tpu.memref_squeeze %get3A_1141 : memref<1x800x32xf32, #tpu.memory_space<vmem>> -> memref<800x32xf32, #tpu.memory_space<vmem>>
        %get3A_1143 = arith.index_cast %add3A_1134 : i32 to index
        %get3A_1144 = arith.constant 0 : index
        %get3A_1145 = tpu.vector_load %get3A_1142[%get3A_1143, %get3A_1144] {strides = array<i32>} : memref<800x32xf32, #tpu.memory_space<vmem>>, vector<16xf32>,
        %mul3A_1146 = arith.mulf %gather3A_1138, %get3A_1145 : vector<16xf32>
        %add3A_1147 = arith.addf %add3A_1097, %mul3A_1146 : vector<16xf32>
        %get3A_1148 = arith.constant 0 : i32
        %get3A_1149 = arith.constant 0 : i32
        %get3A_1150 = tpu.memref_slice %arg10[%scan3A_512, %get3A_1148, %get3A_1149] : memref<2x800x32xf32, #tpu.memory_space<vmem>> -> memref<1x800x32xf32, #tpu.memory_space<vmem>>
        %get3A_1151 = tpu.memref_squeeze %get3A_1150 : memref<1x800x32xf32, #tpu.memory_space<vmem>> -> memref<800x32xf32, #tpu.memory_space<vmem>>
        %get3A_1152 = arith.index_cast %add3A_1134 : i32 to index
        %get3A_1153 = arith.constant 16 : index
        %get3A_1154 = tpu.vector_load %get3A_1151[%get3A_1152, %get3A_1153] {strides = array<i32>} : memref<800x32xf32, #tpu.memory_space<vmem>>, vector<16xf32>,
        %mul3A_1155 = arith.mulf %gather3A_1138, %get3A_1154 : vector<16xf32>
        %add3A_1156 = arith.addf %add3A_1106, %mul3A_1155 : vector<16xf32>
        %add3A_1157 = arith.addf %add3A_1107, %gather3A_1138 : vector<16xf32>
        %add3A_1158 = arith.constant 13 : i32
        %add3A_1159 = arith.addi %mul3A_832, %add3A_1158 : i32
        %add3A_1160 = arith.constant 13 : i32
        %add3A_1161 = vector.broadcast %add3A_1160 : i32 to vector<16xi32>
        %add3A_1162 = arith.addi %broadcast_in_dim3A, %add3A_1161 : vector<16xi32>
        %gather3A_1163 = tpu.vector_load_idx %arg9[%add3A_1162] : memref<25600xf32, #tpu.memory_space<vmem>>[vector<16xi32>], vector<16xf32>,
        %get3A_1164 = arith.constant 0 : i32
        %get3A_1165 = arith.constant 0 : i32
        %get3A_1166 = tpu.memref_slice %arg10[%scan3A_512, %get3A_1164, %get3A_1165] : memref<2x800x32xf32, #tpu.memory_space<vmem>> -> memref<1x800x32xf32, #tpu.memory_space<vmem>>
        %get3A_1167 = tpu.memref_squeeze %get3A_1166 : memref<1x800x32xf32, #tpu.memory_space<vmem>> -> memref<800x32xf32, #tpu.memory_space<vmem>>
        %get3A_1168 = arith.index_cast %add3A_1159 : i32 to index
        %get3A_1169 = arith.constant 0 : index
        %get3A_1170 = tpu.vector_load %get3A_1167[%get3A_1168, %get3A_1169] {strides = array<i32>} : memref<800x32xf32, #tpu.memory_space<vmem>>, vector<16xf32>,
        %mul3A_1171 = arith.mulf %gather3A_1163, %get3A_1170 : vector<16xf32>
        %add3A_1172 = arith.addf %add3A_1122, %mul3A_1171 : vector<16xf32>
        %get3A_1173 = arith.constant 0 : i32
        %get3A_1174 = arith.constant 0 : i32
        %get3A_1175 = tpu.memref_slice %arg10[%scan3A_512, %get3A_1173, %get3A_1174] : memref<2x800x32xf32, #tpu.memory_space<vmem>> -> memref<1x800x32xf32, #tpu.memory_space<vmem>>
        %get3A_1176 = tpu.memref_squeeze %get3A_1175 : memref<1x800x32xf32, #tpu.memory_space<vmem>> -> memref<800x32xf32, #tpu.memory_space<vmem>>
        %get3A_1177 = arith.index_cast %add3A_1159 : i32 to index
        %get3A_1178 = arith.constant 16 : index
        %get3A_1179 = tpu.vector_load %get3A_1176[%get3A_1177, %get3A_1178] {strides = array<i32>} : memref<800x32xf32, #tpu.memory_space<vmem>>, vector<16xf32>,
        %mul3A_1180 = arith.mulf %gather3A_1163, %get3A_1179 : vector<16xf32>
        %add3A_1181 = arith.addf %add3A_1131, %mul3A_1180 : vector<16xf32>
        %add3A_1182 = arith.addf %add3A_1132, %gather3A_1163 : vector<16xf32>
        %add3A_1183 = arith.constant 14 : i32
        %add3A_1184 = arith.addi %mul3A_832, %add3A_1183 : i32
        %add3A_1185 = arith.constant 14 : i32
        %add3A_1186 = vector.broadcast %add3A_1185 : i32 to vector<16xi32>
        %add3A_1187 = arith.addi %broadcast_in_dim3A, %add3A_1186 : vector<16xi32>
        %gather3A_1188 = tpu.vector_load_idx %arg9[%add3A_1187] : memref<25600xf32, #tpu.memory_space<vmem>>[vector<16xi32>], vector<16xf32>,
        %get3A_1189 = arith.constant 0 : i32
        %get3A_1190 = arith.constant 0 : i32
        %get3A_1191 = tpu.memref_slice %arg10[%scan3A_512, %get3A_1189, %get3A_1190] : memref<2x800x32xf32, #tpu.memory_space<vmem>> -> memref<1x800x32xf32, #tpu.memory_space<vmem>>
        %get3A_1192 = tpu.memref_squeeze %get3A_1191 : memref<1x800x32xf32, #tpu.memory_space<vmem>> -> memref<800x32xf32, #tpu.memory_space<vmem>>
        %get3A_1193 = arith.index_cast %add3A_1184 : i32 to index
        %get3A_1194 = arith.constant 0 : index
        %get3A_1195 = tpu.vector_load %get3A_1192[%get3A_1193, %get3A_1194] {strides = array<i32>} : memref<800x32xf32, #tpu.memory_space<vmem>>, vector<16xf32>,
        %mul3A_1196 = arith.mulf %gather3A_1188, %get3A_1195 : vector<16xf32>
        %add3A_1197 = arith.addf %add3A_1147, %mul3A_1196 : vector<16xf32>
        %get3A_1198 = arith.constant 0 : i32
        %get3A_1199 = arith.constant 0 : i32
        %get3A_1200 = tpu.memref_slice %arg10[%scan3A_512, %get3A_1198, %get3A_1199] : memref<2x800x32xf32, #tpu.memory_space<vmem>> -> memref<1x800x32xf32, #tpu.memory_space<vmem>>
        %get3A_1201 = tpu.memref_squeeze %get3A_1200 : memref<1x800x32xf32, #tpu.memory_space<vmem>> -> memref<800x32xf32, #tpu.memory_space<vmem>>
        %get3A_1202 = arith.index_cast %add3A_1184 : i32 to index
        %get3A_1203 = arith.constant 16 : index
        %get3A_1204 = tpu.vector_load %get3A_1201[%get3A_1202, %get3A_1203] {strides = array<i32>} : memref<800x32xf32, #tpu.memory_space<vmem>>, vector<16xf32>,
        %mul3A_1205 = arith.mulf %gather3A_1188, %get3A_1204 : vector<16xf32>
        %add3A_1206 = arith.addf %add3A_1156, %mul3A_1205 : vector<16xf32>
        %add3A_1207 = arith.addf %add3A_1157, %gather3A_1188 : vector<16xf32>
        %add3A_1208 = arith.constant 15 : i32
        %add3A_1209 = arith.addi %mul3A_832, %add3A_1208 : i32
        %add3A_1210 = arith.constant 15 : i32
        %add3A_1211 = vector.broadcast %add3A_1210 : i32 to vector<16xi32>
        %add3A_1212 = arith.addi %broadcast_in_dim3A, %add3A_1211 : vector<16xi32>
        %gather3A_1213 = tpu.vector_load_idx %arg9[%add3A_1212] : memref<25600xf32, #tpu.memory_space<vmem>>[vector<16xi32>], vector<16xf32>,
        %get3A_1214 = arith.constant 0 : i32
        %get3A_1215 = arith.constant 0 : i32
        %get3A_1216 = tpu.memref_slice %arg10[%scan3A_512, %get3A_1214, %get3A_1215] : memref<2x800x32xf32, #tpu.memory_space<vmem>> -> memref<1x800x32xf32, #tpu.memory_space<vmem>>
        %get3A_1217 = tpu.memref_squeeze %get3A_1216 : memref<1x800x32xf32, #tpu.memory_space<vmem>> -> memref<800x32xf32, #tpu.memory_space<vmem>>
        %get3A_1218 = arith.index_cast %add3A_1209 : i32 to index
        %get3A_1219 = arith.constant 0 : index
        %get3A_1220 = tpu.vector_load %get3A_1217[%get3A_1218, %get3A_1219] {strides = array<i32>} : memref<800x32xf32, #tpu.memory_space<vmem>>, vector<16xf32>,
        %mul3A_1221 = arith.mulf %gather3A_1213, %get3A_1220 : vector<16xf32>
        %add3A_1222 = arith.addf %add3A_1172, %mul3A_1221 : vector<16xf32>
        %get3A_1223 = arith.constant 0 : i32
        %get3A_1224 = arith.constant 0 : i32
        %get3A_1225 = tpu.memref_slice %arg10[%scan3A_512, %get3A_1223, %get3A_1224] : memref<2x800x32xf32, #tpu.memory_space<vmem>> -> memref<1x800x32xf32, #tpu.memory_space<vmem>>
        %get3A_1226 = tpu.memref_squeeze %get3A_1225 : memref<1x800x32xf32, #tpu.memory_space<vmem>> -> memref<800x32xf32, #tpu.memory_space<vmem>>
        %get3A_1227 = arith.index_cast %add3A_1209 : i32 to index
        %get3A_1228 = arith.constant 16 : index
        %get3A_1229 = tpu.vector_load %get3A_1226[%get3A_1227, %get3A_1228] {strides = array<i32>} : memref<800x32xf32, #tpu.memory_space<vmem>>, vector<16xf32>,
        %mul3A_1230 = arith.mulf %gather3A_1213, %get3A_1229 : vector<16xf32>
        %add3A_1231 = arith.addf %add3A_1181, %mul3A_1230 : vector<16xf32>
        %add3A_1232 = arith.addf %add3A_1182, %gather3A_1213 : vector<16xf32>
        %add3A_1233 = arith.constant 16 : i32
        %add3A_1234 = arith.addi %mul3A_832, %add3A_1233 : i32
        %add3A_1235 = arith.constant 16 : i32
        %add3A_1236 = vector.broadcast %add3A_1235 : i32 to vector<16xi32>
        %add3A_1237 = arith.addi %broadcast_in_dim3A, %add3A_1236 : vector<16xi32>
        %gather3A_1238 = tpu.vector_load_idx %arg9[%add3A_1237] : memref<25600xf32, #tpu.memory_space<vmem>>[vector<16xi32>], vector<16xf32>,
        %get3A_1239 = arith.constant 0 : i32
        %get3A_1240 = arith.constant 0 : i32
        %get3A_1241 = tpu.memref_slice %arg10[%scan3A_512, %get3A_1239, %get3A_1240] : memref<2x800x32xf32, #tpu.memory_space<vmem>> -> memref<1x800x32xf32, #tpu.memory_space<vmem>>
        %get3A_1242 = tpu.memref_squeeze %get3A_1241 : memref<1x800x32xf32, #tpu.memory_space<vmem>> -> memref<800x32xf32, #tpu.memory_space<vmem>>
        %get3A_1243 = arith.index_cast %add3A_1234 : i32 to index
        %get3A_1244 = arith.constant 0 : index
        %get3A_1245 = tpu.vector_load %get3A_1242[%get3A_1243, %get3A_1244] {strides = array<i32>} : memref<800x32xf32, #tpu.memory_space<vmem>>, vector<16xf32>,
        %mul3A_1246 = arith.mulf %gather3A_1238, %get3A_1245 : vector<16xf32>
        %add3A_1247 = arith.addf %add3A_1197, %mul3A_1246 : vector<16xf32>
        %get3A_1248 = arith.constant 0 : i32
        %get3A_1249 = arith.constant 0 : i32
        %get3A_1250 = tpu.memref_slice %arg10[%scan3A_512, %get3A_1248, %get3A_1249] : memref<2x800x32xf32, #tpu.memory_space<vmem>> -> memref<1x800x32xf32, #tpu.memory_space<vmem>>
        %get3A_1251 = tpu.memref_squeeze %get3A_1250 : memref<1x800x32xf32, #tpu.memory_space<vmem>> -> memref<800x32xf32, #tpu.memory_space<vmem>>
        %get3A_1252 = arith.index_cast %add3A_1234 : i32 to index
        %get3A_1253 = arith.constant 16 : index
        %get3A_1254 = tpu.vector_load %get3A_1251[%get3A_1252, %get3A_1253] {strides = array<i32>} : memref<800x32xf32, #tpu.memory_space<vmem>>, vector<16xf32>,
        %mul3A_1255 = arith.mulf %gather3A_1238, %get3A_1254 : vector<16xf32>
        %add3A_1256 = arith.addf %add3A_1206, %mul3A_1255 : vector<16xf32>
        %add3A_1257 = arith.addf %add3A_1207, %gather3A_1238 : vector<16xf32>
        %add3A_1258 = arith.constant 17 : i32
        %add3A_1259 = arith.addi %mul3A_832, %add3A_1258 : i32
        %add3A_1260 = arith.constant 17 : i32
        %add3A_1261 = vector.broadcast %add3A_1260 : i32 to vector<16xi32>
        %add3A_1262 = arith.addi %broadcast_in_dim3A, %add3A_1261 : vector<16xi32>
        %gather3A_1263 = tpu.vector_load_idx %arg9[%add3A_1262] : memref<25600xf32, #tpu.memory_space<vmem>>[vector<16xi32>], vector<16xf32>,
        %get3A_1264 = arith.constant 0 : i32
        %get3A_1265 = arith.constant 0 : i32
        %get3A_1266 = tpu.memref_slice %arg10[%scan3A_512, %get3A_1264, %get3A_1265] : memref<2x800x32xf32, #tpu.memory_space<vmem>> -> memref<1x800x32xf32, #tpu.memory_space<vmem>>
        %get3A_1267 = tpu.memref_squeeze %get3A_1266 : memref<1x800x32xf32, #tpu.memory_space<vmem>> -> memref<800x32xf32, #tpu.memory_space<vmem>>
        %get3A_1268 = arith.index_cast %add3A_1259 : i32 to index
        %get3A_1269 = arith.constant 0 : index
        %get3A_1270 = tpu.vector_load %get3A_1267[%get3A_1268, %get3A_1269] {strides = array<i32>} : memref<800x32xf32, #tpu.memory_space<vmem>>, vector<16xf32>,
        %mul3A_1271 = arith.mulf %gather3A_1263, %get3A_1270 : vector<16xf32>
        %add3A_1272 = arith.addf %add3A_1222, %mul3A_1271 : vector<16xf32>
        %get3A_1273 = arith.constant 0 : i32
        %get3A_1274 = arith.constant 0 : i32
        %get3A_1275 = tpu.memref_slice %arg10[%scan3A_512, %get3A_1273, %get3A_1274] : memref<2x800x32xf32, #tpu.memory_space<vmem>> -> memref<1x800x32xf32, #tpu.memory_space<vmem>>
        %get3A_1276 = tpu.memref_squeeze %get3A_1275 : memref<1x800x32xf32, #tpu.memory_space<vmem>> -> memref<800x32xf32, #tpu.memory_space<vmem>>
        %get3A_1277 = arith.index_cast %add3A_1259 : i32 to index
        %get3A_1278 = arith.constant 16 : index
        %get3A_1279 = tpu.vector_load %get3A_1276[%get3A_1277, %get3A_1278] {strides = array<i32>} : memref<800x32xf32, #tpu.memory_space<vmem>>, vector<16xf32>,
        %mul3A_1280 = arith.mulf %gather3A_1263, %get3A_1279 : vector<16xf32>
        %add3A_1281 = arith.addf %add3A_1231, %mul3A_1280 : vector<16xf32>
        %add3A_1282 = arith.addf %add3A_1232, %gather3A_1263 : vector<16xf32>
        %add3A_1283 = arith.constant 18 : i32
        %add3A_1284 = arith.addi %mul3A_832, %add3A_1283 : i32
        %add3A_1285 = arith.constant 18 : i32
        %add3A_1286 = vector.broadcast %add3A_1285 : i32 to vector<16xi32>
        %add3A_1287 = arith.addi %broadcast_in_dim3A, %add3A_1286 : vector<16xi32>
        %gather3A_1288 = tpu.vector_load_idx %arg9[%add3A_1287] : memref<25600xf32, #tpu.memory_space<vmem>>[vector<16xi32>], vector<16xf32>,
        %get3A_1289 = arith.constant 0 : i32
        %get3A_1290 = arith.constant 0 : i32
        %get3A_1291 = tpu.memref_slice %arg10[%scan3A_512, %get3A_1289, %get3A_1290] : memref<2x800x32xf32, #tpu.memory_space<vmem>> -> memref<1x800x32xf32, #tpu.memory_space<vmem>>
        %get3A_1292 = tpu.memref_squeeze %get3A_1291 : memref<1x800x32xf32, #tpu.memory_space<vmem>> -> memref<800x32xf32, #tpu.memory_space<vmem>>
        %get3A_1293 = arith.index_cast %add3A_1284 : i32 to index
        %get3A_1294 = arith.constant 0 : index
        %get3A_1295 = tpu.vector_load %get3A_1292[%get3A_1293, %get3A_1294] {strides = array<i32>} : memref<800x32xf32, #tpu.memory_space<vmem>>, vector<16xf32>,
        %mul3A_1296 = arith.mulf %gather3A_1288, %get3A_1295 : vector<16xf32>
        %add3A_1297 = arith.addf %add3A_1247, %mul3A_1296 : vector<16xf32>
        %get3A_1298 = arith.constant 0 : i32
        %get3A_1299 = arith.constant 0 : i32
        %get3A_1300 = tpu.memref_slice %arg10[%scan3A_512, %get3A_1298, %get3A_1299] : memref<2x800x32xf32, #tpu.memory_space<vmem>> -> memref<1x800x32xf32, #tpu.memory_space<vmem>>
        %get3A_1301 = tpu.memref_squeeze %get3A_1300 : memref<1x800x32xf32, #tpu.memory_space<vmem>> -> memref<800x32xf32, #tpu.memory_space<vmem>>
        %get3A_1302 = arith.index_cast %add3A_1284 : i32 to index
        %get3A_1303 = arith.constant 16 : index
        %get3A_1304 = tpu.vector_load %get3A_1301[%get3A_1302, %get3A_1303] {strides = array<i32>} : memref<800x32xf32, #tpu.memory_space<vmem>>, vector<16xf32>,
        %mul3A_1305 = arith.mulf %gather3A_1288, %get3A_1304 : vector<16xf32>
        %add3A_1306 = arith.addf %add3A_1256, %mul3A_1305 : vector<16xf32>
        %add3A_1307 = arith.addf %add3A_1257, %gather3A_1288 : vector<16xf32>
        %add3A_1308 = arith.constant 19 : i32
        %add3A_1309 = arith.addi %mul3A_832, %add3A_1308 : i32
        %add3A_1310 = arith.constant 19 : i32
        %add3A_1311 = vector.broadcast %add3A_1310 : i32 to vector<16xi32>
        %add3A_1312 = arith.addi %broadcast_in_dim3A, %add3A_1311 : vector<16xi32>
        %gather3A_1313 = tpu.vector_load_idx %arg9[%add3A_1312] : memref<25600xf32, #tpu.memory_space<vmem>>[vector<16xi32>], vector<16xf32>,
        %get3A_1314 = arith.constant 0 : i32
        %get3A_1315 = arith.constant 0 : i32
        %get3A_1316 = tpu.memref_slice %arg10[%scan3A_512, %get3A_1314, %get3A_1315] : memref<2x800x32xf32, #tpu.memory_space<vmem>> -> memref<1x800x32xf32, #tpu.memory_space<vmem>>
        %get3A_1317 = tpu.memref_squeeze %get3A_1316 : memref<1x800x32xf32, #tpu.memory_space<vmem>> -> memref<800x32xf32, #tpu.memory_space<vmem>>
        %get3A_1318 = arith.index_cast %add3A_1309 : i32 to index
        %get3A_1319 = arith.constant 0 : index
        %get3A_1320 = tpu.vector_load %get3A_1317[%get3A_1318, %get3A_1319] {strides = array<i32>} : memref<800x32xf32, #tpu.memory_space<vmem>>, vector<16xf32>,
        %mul3A_1321 = arith.mulf %gather3A_1313, %get3A_1320 : vector<16xf32>
        %add3A_1322 = arith.addf %add3A_1272, %mul3A_1321 : vector<16xf32>
        %get3A_1323 = arith.constant 0 : i32
        %get3A_1324 = arith.constant 0 : i32
        %get3A_1325 = tpu.memref_slice %arg10[%scan3A_512, %get3A_1323, %get3A_1324] : memref<2x800x32xf32, #tpu.memory_space<vmem>> -> memref<1x800x32xf32, #tpu.memory_space<vmem>>
        %get3A_1326 = tpu.memref_squeeze %get3A_1325 : memref<1x800x32xf32, #tpu.memory_space<vmem>> -> memref<800x32xf32, #tpu.memory_space<vmem>>
        %get3A_1327 = arith.index_cast %add3A_1309 : i32 to index
        %get3A_1328 = arith.constant 16 : index
        %get3A_1329 = tpu.vector_load %get3A_1326[%get3A_1327, %get3A_1328] {strides = array<i32>} : memref<800x32xf32, #tpu.memory_space<vmem>>, vector<16xf32>,
        %mul3A_1330 = arith.mulf %gather3A_1313, %get3A_1329 : vector<16xf32>
        %add3A_1331 = arith.addf %add3A_1281, %mul3A_1330 : vector<16xf32>
        %add3A_1332 = arith.addf %add3A_1282, %gather3A_1313 : vector<16xf32>
        %add3A_1333 = arith.constant 20 : i32
        %add3A_1334 = arith.addi %mul3A_832, %add3A_1333 : i32
        %add3A_1335 = arith.constant 20 : i32
        %add3A_1336 = vector.broadcast %add3A_1335 : i32 to vector<16xi32>
        %add3A_1337 = arith.addi %broadcast_in_dim3A, %add3A_1336 : vector<16xi32>
        %gather3A_1338 = tpu.vector_load_idx %arg9[%add3A_1337] : memref<25600xf32, #tpu.memory_space<vmem>>[vector<16xi32>], vector<16xf32>,
        %get3A_1339 = arith.constant 0 : i32
        %get3A_1340 = arith.constant 0 : i32
        %get3A_1341 = tpu.memref_slice %arg10[%scan3A_512, %get3A_1339, %get3A_1340] : memref<2x800x32xf32, #tpu.memory_space<vmem>> -> memref<1x800x32xf32, #tpu.memory_space<vmem>>
        %get3A_1342 = tpu.memref_squeeze %get3A_1341 : memref<1x800x32xf32, #tpu.memory_space<vmem>> -> memref<800x32xf32, #tpu.memory_space<vmem>>
        %get3A_1343 = arith.index_cast %add3A_1334 : i32 to index
        %get3A_1344 = arith.constant 0 : index
        %get3A_1345 = tpu.vector_load %get3A_1342[%get3A_1343, %get3A_1344] {strides = array<i32>} : memref<800x32xf32, #tpu.memory_space<vmem>>, vector<16xf32>,
        %mul3A_1346 = arith.mulf %gather3A_1338, %get3A_1345 : vector<16xf32>
        %add3A_1347 = arith.addf %add3A_1297, %mul3A_1346 : vector<16xf32>
        %get3A_1348 = arith.constant 0 : i32
        %get3A_1349 = arith.constant 0 : i32
        %get3A_1350 = tpu.memref_slice %arg10[%scan3A_512, %get3A_1348, %get3A_1349] : memref<2x800x32xf32, #tpu.memory_space<vmem>> -> memref<1x800x32xf32, #tpu.memory_space<vmem>>
        %get3A_1351 = tpu.memref_squeeze %get3A_1350 : memref<1x800x32xf32, #tpu.memory_space<vmem>> -> memref<800x32xf32, #tpu.memory_space<vmem>>
        %get3A_1352 = arith.index_cast %add3A_1334 : i32 to index
        %get3A_1353 = arith.constant 16 : index
        %get3A_1354 = tpu.vector_load %get3A_1351[%get3A_1352, %get3A_1353] {strides = array<i32>} : memref<800x32xf32, #tpu.memory_space<vmem>>, vector<16xf32>,
        %mul3A_1355 = arith.mulf %gather3A_1338, %get3A_1354 : vector<16xf32>
        %add3A_1356 = arith.addf %add3A_1306, %mul3A_1355 : vector<16xf32>
        %add3A_1357 = arith.addf %add3A_1307, %gather3A_1338 : vector<16xf32>
        %add3A_1358 = arith.constant 21 : i32
        %add3A_1359 = arith.addi %mul3A_832, %add3A_1358 : i32
        %add3A_1360 = arith.constant 21 : i32
        %add3A_1361 = vector.broadcast %add3A_1360 : i32 to vector<16xi32>
        %add3A_1362 = arith.addi %broadcast_in_dim3A, %add3A_1361 : vector<16xi32>
        %gather3A_1363 = tpu.vector_load_idx %arg9[%add3A_1362] : memref<25600xf32, #tpu.memory_space<vmem>>[vector<16xi32>], vector<16xf32>,
        %get3A_1364 = arith.constant 0 : i32
        %get3A_1365 = arith.constant 0 : i32
        %get3A_1366 = tpu.memref_slice %arg10[%scan3A_512, %get3A_1364, %get3A_1365] : memref<2x800x32xf32, #tpu.memory_space<vmem>> -> memref<1x800x32xf32, #tpu.memory_space<vmem>>
        %get3A_1367 = tpu.memref_squeeze %get3A_1366 : memref<1x800x32xf32, #tpu.memory_space<vmem>> -> memref<800x32xf32, #tpu.memory_space<vmem>>
        %get3A_1368 = arith.index_cast %add3A_1359 : i32 to index
        %get3A_1369 = arith.constant 0 : index
        %get3A_1370 = tpu.vector_load %get3A_1367[%get3A_1368, %get3A_1369] {strides = array<i32>} : memref<800x32xf32, #tpu.memory_space<vmem>>, vector<16xf32>,
        %mul3A_1371 = arith.mulf %gather3A_1363, %get3A_1370 : vector<16xf32>
        %add3A_1372 = arith.addf %add3A_1322, %mul3A_1371 : vector<16xf32>
        %get3A_1373 = arith.constant 0 : i32
        %get3A_1374 = arith.constant 0 : i32
        %get3A_1375 = tpu.memref_slice %arg10[%scan3A_512, %get3A_1373, %get3A_1374] : memref<2x800x32xf32, #tpu.memory_space<vmem>> -> memref<1x800x32xf32, #tpu.memory_space<vmem>>
        %get3A_1376 = tpu.memref_squeeze %get3A_1375 : memref<1x800x32xf32, #tpu.memory_space<vmem>> -> memref<800x32xf32, #tpu.memory_space<vmem>>
        %get3A_1377 = arith.index_cast %add3A_1359 : i32 to index
        %get3A_1378 = arith.constant 16 : index
        %get3A_1379 = tpu.vector_load %get3A_1376[%get3A_1377, %get3A_1378] {strides = array<i32>} : memref<800x32xf32, #tpu.memory_space<vmem>>, vector<16xf32>,
        %mul3A_1380 = arith.mulf %gather3A_1363, %get3A_1379 : vector<16xf32>
        %add3A_1381 = arith.addf %add3A_1331, %mul3A_1380 : vector<16xf32>
        %add3A_1382 = arith.addf %add3A_1332, %gather3A_1363 : vector<16xf32>
        %add3A_1383 = arith.constant 22 : i32
        %add3A_1384 = arith.addi %mul3A_832, %add3A_1383 : i32
        %add3A_1385 = arith.constant 22 : i32
        %add3A_1386 = vector.broadcast %add3A_1385 : i32 to vector<16xi32>
        %add3A_1387 = arith.addi %broadcast_in_dim3A, %add3A_1386 : vector<16xi32>
        %gather3A_1388 = tpu.vector_load_idx %arg9[%add3A_1387] : memref<25600xf32, #tpu.memory_space<vmem>>[vector<16xi32>], vector<16xf32>,
        %get3A_1389 = arith.constant 0 : i32
        %get3A_1390 = arith.constant 0 : i32
        %get3A_1391 = tpu.memref_slice %arg10[%scan3A_512, %get3A_1389, %get3A_1390] : memref<2x800x32xf32, #tpu.memory_space<vmem>> -> memref<1x800x32xf32, #tpu.memory_space<vmem>>
        %get3A_1392 = tpu.memref_squeeze %get3A_1391 : memref<1x800x32xf32, #tpu.memory_space<vmem>> -> memref<800x32xf32, #tpu.memory_space<vmem>>
        %get3A_1393 = arith.index_cast %add3A_1384 : i32 to index
        %get3A_1394 = arith.constant 0 : index
        %get3A_1395 = tpu.vector_load %get3A_1392[%get3A_1393, %get3A_1394] {strides = array<i32>} : memref<800x32xf32, #tpu.memory_space<vmem>>, vector<16xf32>,
        %mul3A_1396 = arith.mulf %gather3A_1388, %get3A_1395 : vector<16xf32>
        %add3A_1397 = arith.addf %add3A_1347, %mul3A_1396 : vector<16xf32>
        %get3A_1398 = arith.constant 0 : i32
        %get3A_1399 = arith.constant 0 : i32
        %get3A_1400 = tpu.memref_slice %arg10[%scan3A_512, %get3A_1398, %get3A_1399] : memref<2x800x32xf32, #tpu.memory_space<vmem>> -> memref<1x800x32xf32, #tpu.memory_space<vmem>>
        %get3A_1401 = tpu.memref_squeeze %get3A_1400 : memref<1x800x32xf32, #tpu.memory_space<vmem>> -> memref<800x32xf32, #tpu.memory_space<vmem>>
        %get3A_1402 = arith.index_cast %add3A_1384 : i32 to index
        %get3A_1403 = arith.constant 16 : index
        %get3A_1404 = tpu.vector_load %get3A_1401[%get3A_1402, %get3A_1403] {strides = array<i32>} : memref<800x32xf32, #tpu.memory_space<vmem>>, vector<16xf32>,
        %mul3A_1405 = arith.mulf %gather3A_1388, %get3A_1404 : vector<16xf32>
        %add3A_1406 = arith.addf %add3A_1356, %mul3A_1405 : vector<16xf32>
        %add3A_1407 = arith.addf %add3A_1357, %gather3A_1388 : vector<16xf32>
        %add3A_1408 = arith.constant 23 : i32
        %add3A_1409 = arith.addi %mul3A_832, %add3A_1408 : i32
        %add3A_1410 = arith.constant 23 : i32
        %add3A_1411 = vector.broadcast %add3A_1410 : i32 to vector<16xi32>
        %add3A_1412 = arith.addi %broadcast_in_dim3A, %add3A_1411 : vector<16xi32>
        %gather3A_1413 = tpu.vector_load_idx %arg9[%add3A_1412] : memref<25600xf32, #tpu.memory_space<vmem>>[vector<16xi32>], vector<16xf32>,
        %get3A_1414 = arith.constant 0 : i32
        %get3A_1415 = arith.constant 0 : i32
        %get3A_1416 = tpu.memref_slice %arg10[%scan3A_512, %get3A_1414, %get3A_1415] : memref<2x800x32xf32, #tpu.memory_space<vmem>> -> memref<1x800x32xf32, #tpu.memory_space<vmem>>
        %get3A_1417 = tpu.memref_squeeze %get3A_1416 : memref<1x800x32xf32, #tpu.memory_space<vmem>> -> memref<800x32xf32, #tpu.memory_space<vmem>>
        %get3A_1418 = arith.index_cast %add3A_1409 : i32 to index
        %get3A_1419 = arith.constant 0 : index
        %get3A_1420 = tpu.vector_load %get3A_1417[%get3A_1418, %get3A_1419] {strides = array<i32>} : memref<800x32xf32, #tpu.memory_space<vmem>>, vector<16xf32>,
        %mul3A_1421 = arith.mulf %gather3A_1413, %get3A_1420 : vector<16xf32>
        %add3A_1422 = arith.addf %add3A_1372, %mul3A_1421 : vector<16xf32>
        %get3A_1423 = arith.constant 0 : i32
        %get3A_1424 = arith.constant 0 : i32
        %get3A_1425 = tpu.memref_slice %arg10[%scan3A_512, %get3A_1423, %get3A_1424] : memref<2x800x32xf32, #tpu.memory_space<vmem>> -> memref<1x800x32xf32, #tpu.memory_space<vmem>>
        %get3A_1426 = tpu.memref_squeeze %get3A_1425 : memref<1x800x32xf32, #tpu.memory_space<vmem>> -> memref<800x32xf32, #tpu.memory_space<vmem>>
        %get3A_1427 = arith.index_cast %add3A_1409 : i32 to index
        %get3A_1428 = arith.constant 16 : index
        %get3A_1429 = tpu.vector_load %get3A_1426[%get3A_1427, %get3A_1428] {strides = array<i32>} : memref<800x32xf32, #tpu.memory_space<vmem>>, vector<16xf32>,
        %mul3A_1430 = arith.mulf %gather3A_1413, %get3A_1429 : vector<16xf32>
        %add3A_1431 = arith.addf %add3A_1381, %mul3A_1430 : vector<16xf32>
        %add3A_1432 = arith.addf %add3A_1382, %gather3A_1413 : vector<16xf32>
        %add3A_1433 = arith.constant 24 : i32
        %add3A_1434 = arith.addi %mul3A_832, %add3A_1433 : i32
        %add3A_1435 = arith.constant 24 : i32
        %add3A_1436 = vector.broadcast %add3A_1435 : i32 to vector<16xi32>
        %add3A_1437 = arith.addi %broadcast_in_dim3A, %add3A_1436 : vector<16xi32>
        %gather3A_1438 = tpu.vector_load_idx %arg9[%add3A_1437] : memref<25600xf32, #tpu.memory_space<vmem>>[vector<16xi32>], vector<16xf32>,
        %get3A_1439 = arith.constant 0 : i32
        %get3A_1440 = arith.constant 0 : i32
        %get3A_1441 = tpu.memref_slice %arg10[%scan3A_512, %get3A_1439, %get3A_1440] : memref<2x800x32xf32, #tpu.memory_space<vmem>> -> memref<1x800x32xf32, #tpu.memory_space<vmem>>
        %get3A_1442 = tpu.memref_squeeze %get3A_1441 : memref<1x800x32xf32, #tpu.memory_space<vmem>> -> memref<800x32xf32, #tpu.memory_space<vmem>>
        %get3A_1443 = arith.index_cast %add3A_1434 : i32 to index
        %get3A_1444 = arith.constant 0 : index
        %get3A_1445 = tpu.vector_load %get3A_1442[%get3A_1443, %get3A_1444] {strides = array<i32>} : memref<800x32xf32, #tpu.memory_space<vmem>>, vector<16xf32>,
        %mul3A_1446 = arith.mulf %gather3A_1438, %get3A_1445 : vector<16xf32>
        %add3A_1447 = arith.addf %add3A_1397, %mul3A_1446 : vector<16xf32>
        %get3A_1448 = arith.constant 0 : i32
        %get3A_1449 = arith.constant 0 : i32
        %get3A_1450 = tpu.memref_slice %arg10[%scan3A_512, %get3A_1448, %get3A_1449] : memref<2x800x32xf32, #tpu.memory_space<vmem>> -> memref<1x800x32xf32, #tpu.memory_space<vmem>>
        %get3A_1451 = tpu.memref_squeeze %get3A_1450 : memref<1x800x32xf32, #tpu.memory_space<vmem>> -> memref<800x32xf32, #tpu.memory_space<vmem>>
        %get3A_1452 = arith.index_cast %add3A_1434 : i32 to index
        %get3A_1453 = arith.constant 16 : index
        %get3A_1454 = tpu.vector_load %get3A_1451[%get3A_1452, %get3A_1453] {strides = array<i32>} : memref<800x32xf32, #tpu.memory_space<vmem>>, vector<16xf32>,
        %mul3A_1455 = arith.mulf %gather3A_1438, %get3A_1454 : vector<16xf32>
        %add3A_1456 = arith.addf %add3A_1406, %mul3A_1455 : vector<16xf32>
        %add3A_1457 = arith.addf %add3A_1407, %gather3A_1438 : vector<16xf32>
        %add3A_1458 = arith.constant 25 : i32
        %add3A_1459 = arith.addi %mul3A_832, %add3A_1458 : i32
        %add3A_1460 = arith.constant 25 : i32
        %add3A_1461 = vector.broadcast %add3A_1460 : i32 to vector<16xi32>
        %add3A_1462 = arith.addi %broadcast_in_dim3A, %add3A_1461 : vector<16xi32>
        %gather3A_1463 = tpu.vector_load_idx %arg9[%add3A_1462] : memref<25600xf32, #tpu.memory_space<vmem>>[vector<16xi32>], vector<16xf32>,
        %get3A_1464 = arith.constant 0 : i32
        %get3A_1465 = arith.constant 0 : i32
        %get3A_1466 = tpu.memref_slice %arg10[%scan3A_512, %get3A_1464, %get3A_1465] : memref<2x800x32xf32, #tpu.memory_space<vmem>> -> memref<1x800x32xf32, #tpu.memory_space<vmem>>
        %get3A_1467 = tpu.memref_squeeze %get3A_1466 : memref<1x800x32xf32, #tpu.memory_space<vmem>> -> memref<800x32xf32, #tpu.memory_space<vmem>>
        %get3A_1468 = arith.index_cast %add3A_1459 : i32 to index
        %get3A_1469 = arith.constant 0 : index
        %get3A_1470 = tpu.vector_load %get3A_1467[%get3A_1468, %get3A_1469] {strides = array<i32>} : memref<800x32xf32, #tpu.memory_space<vmem>>, vector<16xf32>,
        %mul3A_1471 = arith.mulf %gather3A_1463, %get3A_1470 : vector<16xf32>
        %add3A_1472 = arith.addf %add3A_1422, %mul3A_1471 : vector<16xf32>
        %get3A_1473 = arith.constant 0 : i32
        %get3A_1474 = arith.constant 0 : i32
        %get3A_1475 = tpu.memref_slice %arg10[%scan3A_512, %get3A_1473, %get3A_1474] : memref<2x800x32xf32, #tpu.memory_space<vmem>> -> memref<1x800x32xf32, #tpu.memory_space<vmem>>
        %get3A_1476 = tpu.memref_squeeze %get3A_1475 : memref<1x800x32xf32, #tpu.memory_space<vmem>> -> memref<800x32xf32, #tpu.memory_space<vmem>>
        %get3A_1477 = arith.index_cast %add3A_1459 : i32 to index
        %get3A_1478 = arith.constant 16 : index
        %get3A_1479 = tpu.vector_load %get3A_1476[%get3A_1477, %get3A_1478] {strides = array<i32>} : memref<800x32xf32, #tpu.memory_space<vmem>>, vector<16xf32>,
        %mul3A_1480 = arith.mulf %gather3A_1463, %get3A_1479 : vector<16xf32>
        %add3A_1481 = arith.addf %add3A_1431, %mul3A_1480 : vector<16xf32>
        %add3A_1482 = arith.addf %add3A_1432, %gather3A_1463 : vector<16xf32>
        %add3A_1483 = arith.constant 26 : i32
        %add3A_1484 = arith.addi %mul3A_832, %add3A_1483 : i32
        %add3A_1485 = arith.constant 26 : i32
        %add3A_1486 = vector.broadcast %add3A_1485 : i32 to vector<16xi32>
        %add3A_1487 = arith.addi %broadcast_in_dim3A, %add3A_1486 : vector<16xi32>
        %gather3A_1488 = tpu.vector_load_idx %arg9[%add3A_1487] : memref<25600xf32, #tpu.memory_space<vmem>>[vector<16xi32>], vector<16xf32>,
        %get3A_1489 = arith.constant 0 : i32
        %get3A_1490 = arith.constant 0 : i32
        %get3A_1491 = tpu.memref_slice %arg10[%scan3A_512, %get3A_1489, %get3A_1490] : memref<2x800x32xf32, #tpu.memory_space<vmem>> -> memref<1x800x32xf32, #tpu.memory_space<vmem>>
        %get3A_1492 = tpu.memref_squeeze %get3A_1491 : memref<1x800x32xf32, #tpu.memory_space<vmem>> -> memref<800x32xf32, #tpu.memory_space<vmem>>
        %get3A_1493 = arith.index_cast %add3A_1484 : i32 to index
        %get3A_1494 = arith.constant 0 : index
        %get3A_1495 = tpu.vector_load %get3A_1492[%get3A_1493, %get3A_1494] {strides = array<i32>} : memref<800x32xf32, #tpu.memory_space<vmem>>, vector<16xf32>,
        %mul3A_1496 = arith.mulf %gather3A_1488, %get3A_1495 : vector<16xf32>
        %add3A_1497 = arith.addf %add3A_1447, %mul3A_1496 : vector<16xf32>
        %get3A_1498 = arith.constant 0 : i32
        %get3A_1499 = arith.constant 0 : i32
        %get3A_1500 = tpu.memref_slice %arg10[%scan3A_512, %get3A_1498, %get3A_1499] : memref<2x800x32xf32, #tpu.memory_space<vmem>> -> memref<1x800x32xf32, #tpu.memory_space<vmem>>
        %get3A_1501 = tpu.memref_squeeze %get3A_1500 : memref<1x800x32xf32, #tpu.memory_space<vmem>> -> memref<800x32xf32, #tpu.memory_space<vmem>>
        %get3A_1502 = arith.index_cast %add3A_1484 : i32 to index
        %get3A_1503 = arith.constant 16 : index
        %get3A_1504 = tpu.vector_load %get3A_1501[%get3A_1502, %get3A_1503] {strides = array<i32>} : memref<800x32xf32, #tpu.memory_space<vmem>>, vector<16xf32>,
        %mul3A_1505 = arith.mulf %gather3A_1488, %get3A_1504 : vector<16xf32>
        %add3A_1506 = arith.addf %add3A_1456, %mul3A_1505 : vector<16xf32>
        %add3A_1507 = arith.addf %add3A_1457, %gather3A_1488 : vector<16xf32>
        %add3A_1508 = arith.constant 27 : i32
        %add3A_1509 = arith.addi %mul3A_832, %add3A_1508 : i32
        %add3A_1510 = arith.constant 27 : i32
        %add3A_1511 = vector.broadcast %add3A_1510 : i32 to vector<16xi32>
        %add3A_1512 = arith.addi %broadcast_in_dim3A, %add3A_1511 : vector<16xi32>
        %gather3A_1513 = tpu.vector_load_idx %arg9[%add3A_1512] : memref<25600xf32, #tpu.memory_space<vmem>>[vector<16xi32>], vector<16xf32>,
        %get3A_1514 = arith.constant 0 : i32
        %get3A_1515 = arith.constant 0 : i32
        %get3A_1516 = tpu.memref_slice %arg10[%scan3A_512, %get3A_1514, %get3A_1515] : memref<2x800x32xf32, #tpu.memory_space<vmem>> -> memref<1x800x32xf32, #tpu.memory_space<vmem>>
        %get3A_1517 = tpu.memref_squeeze %get3A_1516 : memref<1x800x32xf32, #tpu.memory_space<vmem>> -> memref<800x32xf32, #tpu.memory_space<vmem>>
        %get3A_1518 = arith.index_cast %add3A_1509 : i32 to index
        %get3A_1519 = arith.constant 0 : index
        %get3A_1520 = tpu.vector_load %get3A_1517[%get3A_1518, %get3A_1519] {strides = array<i32>} : memref<800x32xf32, #tpu.memory_space<vmem>>, vector<16xf32>,
        %mul3A_1521 = arith.mulf %gather3A_1513, %get3A_1520 : vector<16xf32>
        %add3A_1522 = arith.addf %add3A_1472, %mul3A_1521 : vector<16xf32>
        %get3A_1523 = arith.constant 0 : i32
        %get3A_1524 = arith.constant 0 : i32
        %get3A_1525 = tpu.memref_slice %arg10[%scan3A_512, %get3A_1523, %get3A_1524] : memref<2x800x32xf32, #tpu.memory_space<vmem>> -> memref<1x800x32xf32, #tpu.memory_space<vmem>>
        %get3A_1526 = tpu.memref_squeeze %get3A_1525 : memref<1x800x32xf32, #tpu.memory_space<vmem>> -> memref<800x32xf32, #tpu.memory_space<vmem>>
        %get3A_1527 = arith.index_cast %add3A_1509 : i32 to index
        %get3A_1528 = arith.constant 16 : index
        %get3A_1529 = tpu.vector_load %get3A_1526[%get3A_1527, %get3A_1528] {strides = array<i32>} : memref<800x32xf32, #tpu.memory_space<vmem>>, vector<16xf32>,
        %mul3A_1530 = arith.mulf %gather3A_1513, %get3A_1529 : vector<16xf32>
        %add3A_1531 = arith.addf %add3A_1481, %mul3A_1530 : vector<16xf32>
        %add3A_1532 = arith.addf %add3A_1482, %gather3A_1513 : vector<16xf32>
        %add3A_1533 = arith.constant 28 : i32
        %add3A_1534 = arith.addi %mul3A_832, %add3A_1533 : i32
        %add3A_1535 = arith.constant 28 : i32
        %add3A_1536 = vector.broadcast %add3A_1535 : i32 to vector<16xi32>
        %add3A_1537 = arith.addi %broadcast_in_dim3A, %add3A_1536 : vector<16xi32>
        %gather3A_1538 = tpu.vector_load_idx %arg9[%add3A_1537] : memref<25600xf32, #tpu.memory_space<vmem>>[vector<16xi32>], vector<16xf32>,
        %get3A_1539 = arith.constant 0 : i32
        %get3A_1540 = arith.constant 0 : i32
        %get3A_1541 = tpu.memref_slice %arg10[%scan3A_512, %get3A_1539, %get3A_1540] : memref<2x800x32xf32, #tpu.memory_space<vmem>> -> memref<1x800x32xf32, #tpu.memory_space<vmem>>
        %get3A_1542 = tpu.memref_squeeze %get3A_1541 : memref<1x800x32xf32, #tpu.memory_space<vmem>> -> memref<800x32xf32, #tpu.memory_space<vmem>>
        %get3A_1543 = arith.index_cast %add3A_1534 : i32 to index
        %get3A_1544 = arith.constant 0 : index
        %get3A_1545 = tpu.vector_load %get3A_1542[%get3A_1543, %get3A_1544] {strides = array<i32>} : memref<800x32xf32, #tpu.memory_space<vmem>>, vector<16xf32>,
        %mul3A_1546 = arith.mulf %gather3A_1538, %get3A_1545 : vector<16xf32>
        %add3A_1547 = arith.addf %add3A_1497, %mul3A_1546 : vector<16xf32>
        %get3A_1548 = arith.constant 0 : i32
        %get3A_1549 = arith.constant 0 : i32
        %get3A_1550 = tpu.memref_slice %arg10[%scan3A_512, %get3A_1548, %get3A_1549] : memref<2x800x32xf32, #tpu.memory_space<vmem>> -> memref<1x800x32xf32, #tpu.memory_space<vmem>>
        %get3A_1551 = tpu.memref_squeeze %get3A_1550 : memref<1x800x32xf32, #tpu.memory_space<vmem>> -> memref<800x32xf32, #tpu.memory_space<vmem>>
        %get3A_1552 = arith.index_cast %add3A_1534 : i32 to index
        %get3A_1553 = arith.constant 16 : index
        %get3A_1554 = tpu.vector_load %get3A_1551[%get3A_1552, %get3A_1553] {strides = array<i32>} : memref<800x32xf32, #tpu.memory_space<vmem>>, vector<16xf32>,
        %mul3A_1555 = arith.mulf %gather3A_1538, %get3A_1554 : vector<16xf32>
        %add3A_1556 = arith.addf %add3A_1506, %mul3A_1555 : vector<16xf32>
        %add3A_1557 = arith.addf %add3A_1507, %gather3A_1538 : vector<16xf32>
        %add3A_1558 = arith.constant 29 : i32
        %add3A_1559 = arith.addi %mul3A_832, %add3A_1558 : i32
        %add3A_1560 = arith.constant 29 : i32
        %add3A_1561 = vector.broadcast %add3A_1560 : i32 to vector<16xi32>
        %add3A_1562 = arith.addi %broadcast_in_dim3A, %add3A_1561 : vector<16xi32>
        %gather3A_1563 = tpu.vector_load_idx %arg9[%add3A_1562] : memref<25600xf32, #tpu.memory_space<vmem>>[vector<16xi32>], vector<16xf32>,
        %get3A_1564 = arith.constant 0 : i32
        %get3A_1565 = arith.constant 0 : i32
        %get3A_1566 = tpu.memref_slice %arg10[%scan3A_512, %get3A_1564, %get3A_1565] : memref<2x800x32xf32, #tpu.memory_space<vmem>> -> memref<1x800x32xf32, #tpu.memory_space<vmem>>
        %get3A_1567 = tpu.memref_squeeze %get3A_1566 : memref<1x800x32xf32, #tpu.memory_space<vmem>> -> memref<800x32xf32, #tpu.memory_space<vmem>>
        %get3A_1568 = arith.index_cast %add3A_1559 : i32 to index
        %get3A_1569 = arith.constant 0 : index
        %get3A_1570 = tpu.vector_load %get3A_1567[%get3A_1568, %get3A_1569] {strides = array<i32>} : memref<800x32xf32, #tpu.memory_space<vmem>>, vector<16xf32>,
        %mul3A_1571 = arith.mulf %gather3A_1563, %get3A_1570 : vector<16xf32>
        %add3A_1572 = arith.addf %add3A_1522, %mul3A_1571 : vector<16xf32>
        %get3A_1573 = arith.constant 0 : i32
        %get3A_1574 = arith.constant 0 : i32
        %get3A_1575 = tpu.memref_slice %arg10[%scan3A_512, %get3A_1573, %get3A_1574] : memref<2x800x32xf32, #tpu.memory_space<vmem>> -> memref<1x800x32xf32, #tpu.memory_space<vmem>>
        %get3A_1576 = tpu.memref_squeeze %get3A_1575 : memref<1x800x32xf32, #tpu.memory_space<vmem>> -> memref<800x32xf32, #tpu.memory_space<vmem>>
        %get3A_1577 = arith.index_cast %add3A_1559 : i32 to index
        %get3A_1578 = arith.constant 16 : index
        %get3A_1579 = tpu.vector_load %get3A_1576[%get3A_1577, %get3A_1578] {strides = array<i32>} : memref<800x32xf32, #tpu.memory_space<vmem>>, vector<16xf32>,
        %mul3A_1580 = arith.mulf %gather3A_1563, %get3A_1579 : vector<16xf32>
        %add3A_1581 = arith.addf %add3A_1531, %mul3A_1580 : vector<16xf32>
        %add3A_1582 = arith.addf %add3A_1532, %gather3A_1563 : vector<16xf32>
        %add3A_1583 = arith.constant 30 : i32
        %add3A_1584 = arith.addi %mul3A_832, %add3A_1583 : i32
        %add3A_1585 = arith.constant 30 : i32
        %add3A_1586 = vector.broadcast %add3A_1585 : i32 to vector<16xi32>
        %add3A_1587 = arith.addi %broadcast_in_dim3A, %add3A_1586 : vector<16xi32>
        %gather3A_1588 = tpu.vector_load_idx %arg9[%add3A_1587] : memref<25600xf32, #tpu.memory_space<vmem>>[vector<16xi32>], vector<16xf32>,
        %get3A_1589 = arith.constant 0 : i32
        %get3A_1590 = arith.constant 0 : i32
        %get3A_1591 = tpu.memref_slice %arg10[%scan3A_512, %get3A_1589, %get3A_1590] : memref<2x800x32xf32, #tpu.memory_space<vmem>> -> memref<1x800x32xf32, #tpu.memory_space<vmem>>
        %get3A_1592 = tpu.memref_squeeze %get3A_1591 : memref<1x800x32xf32, #tpu.memory_space<vmem>> -> memref<800x32xf32, #tpu.memory_space<vmem>>
        %get3A_1593 = arith.index_cast %add3A_1584 : i32 to index
        %get3A_1594 = arith.constant 0 : index
        %get3A_1595 = tpu.vector_load %get3A_1592[%get3A_1593, %get3A_1594] {strides = array<i32>} : memref<800x32xf32, #tpu.memory_space<vmem>>, vector<16xf32>,
        %mul3A_1596 = arith.mulf %gather3A_1588, %get3A_1595 : vector<16xf32>
        %add3A_1597 = arith.addf %add3A_1547, %mul3A_1596 : vector<16xf32>
        %get3A_1598 = arith.constant 0 : i32
        %get3A_1599 = arith.constant 0 : i32
        %get3A_1600 = tpu.memref_slice %arg10[%scan3A_512, %get3A_1598, %get3A_1599] : memref<2x800x32xf32, #tpu.memory_space<vmem>> -> memref<1x800x32xf32, #tpu.memory_space<vmem>>
        %get3A_1601 = tpu.memref_squeeze %get3A_1600 : memref<1x800x32xf32, #tpu.memory_space<vmem>> -> memref<800x32xf32, #tpu.memory_space<vmem>>
        %get3A_1602 = arith.index_cast %add3A_1584 : i32 to index
        %get3A_1603 = arith.constant 16 : index
        %get3A_1604 = tpu.vector_load %get3A_1601[%get3A_1602, %get3A_1603] {strides = array<i32>} : memref<800x32xf32, #tpu.memory_space<vmem>>, vector<16xf32>,
        %mul3A_1605 = arith.mulf %gather3A_1588, %get3A_1604 : vector<16xf32>
        %add3A_1606 = arith.addf %add3A_1556, %mul3A_1605 : vector<16xf32>
        %add3A_1607 = arith.addf %add3A_1557, %gather3A_1588 : vector<16xf32>
        %add3A_1608 = arith.constant 31 : i32
        %add3A_1609 = arith.addi %mul3A_832, %add3A_1608 : i32
        %add3A_1610 = arith.constant 31 : i32
        %add3A_1611 = vector.broadcast %add3A_1610 : i32 to vector<16xi32>
        %add3A_1612 = arith.addi %broadcast_in_dim3A, %add3A_1611 : vector<16xi32>
        %gather3A_1613 = tpu.vector_load_idx %arg9[%add3A_1612] : memref<25600xf32, #tpu.memory_space<vmem>>[vector<16xi32>], vector<16xf32>,
        %get3A_1614 = arith.constant 0 : i32
        %get3A_1615 = arith.constant 0 : i32
        %get3A_1616 = tpu.memref_slice %arg10[%scan3A_512, %get3A_1614, %get3A_1615] : memref<2x800x32xf32, #tpu.memory_space<vmem>> -> memref<1x800x32xf32, #tpu.memory_space<vmem>>
        %get3A_1617 = tpu.memref_squeeze %get3A_1616 : memref<1x800x32xf32, #tpu.memory_space<vmem>> -> memref<800x32xf32, #tpu.memory_space<vmem>>
        %get3A_1618 = arith.index_cast %add3A_1609 : i32 to index
        %get3A_1619 = arith.constant 0 : index
        %get3A_1620 = tpu.vector_load %get3A_1617[%get3A_1618, %get3A_1619] {strides = array<i32>} : memref<800x32xf32, #tpu.memory_space<vmem>>, vector<16xf32>,
        %mul3A_1621 = arith.mulf %gather3A_1613, %get3A_1620 : vector<16xf32>
        %add3A_1622 = arith.addf %add3A_1572, %mul3A_1621 : vector<16xf32>
        %get3A_1623 = arith.constant 0 : i32
        %get3A_1624 = arith.constant 0 : i32
        %get3A_1625 = tpu.memref_slice %arg10[%scan3A_512, %get3A_1623, %get3A_1624] : memref<2x800x32xf32, #tpu.memory_space<vmem>> -> memref<1x800x32xf32, #tpu.memory_space<vmem>>
        %get3A_1626 = tpu.memref_squeeze %get3A_1625 : memref<1x800x32xf32, #tpu.memory_space<vmem>> -> memref<800x32xf32, #tpu.memory_space<vmem>>
        %get3A_1627 = arith.index_cast %add3A_1609 : i32 to index
        %get3A_1628 = arith.constant 16 : index
        %get3A_1629 = tpu.vector_load %get3A_1626[%get3A_1627, %get3A_1628] {strides = array<i32>} : memref<800x32xf32, #tpu.memory_space<vmem>>, vector<16xf32>,
        %mul3A_1630 = arith.mulf %gather3A_1613, %get3A_1629 : vector<16xf32>
        %add3A_1631 = arith.addf %add3A_1581, %mul3A_1630 : vector<16xf32>
        %add3A_1632 = arith.addf %add3A_1582, %gather3A_1613 : vector<16xf32>
        %add3A_1633 = arith.constant 32 : i32
        %add3A_1634 = arith.addi %mul3A_832, %add3A_1633 : i32
        %add3A_1635 = arith.constant 32 : i32
        %add3A_1636 = vector.broadcast %add3A_1635 : i32 to vector<16xi32>
        %add3A_1637 = arith.addi %broadcast_in_dim3A, %add3A_1636 : vector<16xi32>
        %gather3A_1638 = tpu.vector_load_idx %arg9[%add3A_1637] : memref<25600xf32, #tpu.memory_space<vmem>>[vector<16xi32>], vector<16xf32>,
        %get3A_1639 = arith.constant 0 : i32
        %get3A_1640 = arith.constant 0 : i32
        %get3A_1641 = tpu.memref_slice %arg10[%scan3A_512, %get3A_1639, %get3A_1640] : memref<2x800x32xf32, #tpu.memory_space<vmem>> -> memref<1x800x32xf32, #tpu.memory_space<vmem>>
        %get3A_1642 = tpu.memref_squeeze %get3A_1641 : memref<1x800x32xf32, #tpu.memory_space<vmem>> -> memref<800x32xf32, #tpu.memory_space<vmem>>
        %get3A_1643 = arith.index_cast %add3A_1634 : i32 to index
        %get3A_1644 = arith.constant 0 : index
        %get3A_1645 = tpu.vector_load %get3A_1642[%get3A_1643, %get3A_1644] {strides = array<i32>} : memref<800x32xf32, #tpu.memory_space<vmem>>, vector<16xf32>,
        %mul3A_1646 = arith.mulf %gather3A_1638, %get3A_1645 : vector<16xf32>
        %add3A_1647 = arith.addf %add3A_1597, %mul3A_1646 : vector<16xf32>
        %get3A_1648 = arith.constant 0 : i32
        %get3A_1649 = arith.constant 0 : i32
        %get3A_1650 = tpu.memref_slice %arg10[%scan3A_512, %get3A_1648, %get3A_1649] : memref<2x800x32xf32, #tpu.memory_space<vmem>> -> memref<1x800x32xf32, #tpu.memory_space<vmem>>
        %get3A_1651 = tpu.memref_squeeze %get3A_1650 : memref<1x800x32xf32, #tpu.memory_space<vmem>> -> memref<800x32xf32, #tpu.memory_space<vmem>>
        %get3A_1652 = arith.index_cast %add3A_1634 : i32 to index
        %get3A_1653 = arith.constant 16 : index
        %get3A_1654 = tpu.vector_load %get3A_1651[%get3A_1652, %get3A_1653] {strides = array<i32>} : memref<800x32xf32, #tpu.memory_space<vmem>>, vector<16xf32>,
        %mul3A_1655 = arith.mulf %gather3A_1638, %get3A_1654 : vector<16xf32>
        %add3A_1656 = arith.addf %add3A_1606, %mul3A_1655 : vector<16xf32>
        %add3A_1657 = arith.addf %add3A_1607, %gather3A_1638 : vector<16xf32>
        %add3A_1658 = arith.constant 33 : i32
        %add3A_1659 = arith.addi %mul3A_832, %add3A_1658 : i32
        %add3A_1660 = arith.constant 33 : i32
        %add3A_1661 = vector.broadcast %add3A_1660 : i32 to vector<16xi32>
        %add3A_1662 = arith.addi %broadcast_in_dim3A, %add3A_1661 : vector<16xi32>
        %gather3A_1663 = tpu.vector_load_idx %arg9[%add3A_1662] : memref<25600xf32, #tpu.memory_space<vmem>>[vector<16xi32>], vector<16xf32>,
        %get3A_1664 = arith.constant 0 : i32
        %get3A_1665 = arith.constant 0 : i32
        %get3A_1666 = tpu.memref_slice %arg10[%scan3A_512, %get3A_1664, %get3A_1665] : memref<2x800x32xf32, #tpu.memory_space<vmem>> -> memref<1x800x32xf32, #tpu.memory_space<vmem>>
        %get3A_1667 = tpu.memref_squeeze %get3A_1666 : memref<1x800x32xf32, #tpu.memory_space<vmem>> -> memref<800x32xf32, #tpu.memory_space<vmem>>
        %get3A_1668 = arith.index_cast %add3A_1659 : i32 to index
        %get3A_1669 = arith.constant 0 : index
        %get3A_1670 = tpu.vector_load %get3A_1667[%get3A_1668, %get3A_1669] {strides = array<i32>} : memref<800x32xf32, #tpu.memory_space<vmem>>, vector<16xf32>,
        %mul3A_1671 = arith.mulf %gather3A_1663, %get3A_1670 : vector<16xf32>
        %add3A_1672 = arith.addf %add3A_1622, %mul3A_1671 : vector<16xf32>
        %get3A_1673 = arith.constant 0 : i32
        %get3A_1674 = arith.constant 0 : i32
        %get3A_1675 = tpu.memref_slice %arg10[%scan3A_512, %get3A_1673, %get3A_1674] : memref<2x800x32xf32, #tpu.memory_space<vmem>> -> memref<1x800x32xf32, #tpu.memory_space<vmem>>
        %get3A_1676 = tpu.memref_squeeze %get3A_1675 : memref<1x800x32xf32, #tpu.memory_space<vmem>> -> memref<800x32xf32, #tpu.memory_space<vmem>>
        %get3A_1677 = arith.index_cast %add3A_1659 : i32 to index
        %get3A_1678 = arith.constant 16 : index
        %get3A_1679 = tpu.vector_load %get3A_1676[%get3A_1677, %get3A_1678] {strides = array<i32>} : memref<800x32xf32, #tpu.memory_space<vmem>>, vector<16xf32>,
        %mul3A_1680 = arith.mulf %gather3A_1663, %get3A_1679 : vector<16xf32>
        %add3A_1681 = arith.addf %add3A_1631, %mul3A_1680 : vector<16xf32>
        %add3A_1682 = arith.addf %add3A_1632, %gather3A_1663 : vector<16xf32>
        %add3A_1683 = arith.constant 34 : i32
        %add3A_1684 = arith.addi %mul3A_832, %add3A_1683 : i32
        %add3A_1685 = arith.constant 34 : i32
        %add3A_1686 = vector.broadcast %add3A_1685 : i32 to vector<16xi32>
        %add3A_1687 = arith.addi %broadcast_in_dim3A, %add3A_1686 : vector<16xi32>
        %gather3A_1688 = tpu.vector_load_idx %arg9[%add3A_1687] : memref<25600xf32, #tpu.memory_space<vmem>>[vector<16xi32>], vector<16xf32>,
        %get3A_1689 = arith.constant 0 : i32
        %get3A_1690 = arith.constant 0 : i32
        %get3A_1691 = tpu.memref_slice %arg10[%scan3A_512, %get3A_1689, %get3A_1690] : memref<2x800x32xf32, #tpu.memory_space<vmem>> -> memref<1x800x32xf32, #tpu.memory_space<vmem>>
        %get3A_1692 = tpu.memref_squeeze %get3A_1691 : memref<1x800x32xf32, #tpu.memory_space<vmem>> -> memref<800x32xf32, #tpu.memory_space<vmem>>
        %get3A_1693 = arith.index_cast %add3A_1684 : i32 to index
        %get3A_1694 = arith.constant 0 : index
        %get3A_1695 = tpu.vector_load %get3A_1692[%get3A_1693, %get3A_1694] {strides = array<i32>} : memref<800x32xf32, #tpu.memory_space<vmem>>, vector<16xf32>,
        %mul3A_1696 = arith.mulf %gather3A_1688, %get3A_1695 : vector<16xf32>
        %add3A_1697 = arith.addf %add3A_1647, %mul3A_1696 : vector<16xf32>
        %get3A_1698 = arith.constant 0 : i32
        %get3A_1699 = arith.constant 0 : i32
        %get3A_1700 = tpu.memref_slice %arg10[%scan3A_512, %get3A_1698, %get3A_1699] : memref<2x800x32xf32, #tpu.memory_space<vmem>> -> memref<1x800x32xf32, #tpu.memory_space<vmem>>
        %get3A_1701 = tpu.memref_squeeze %get3A_1700 : memref<1x800x32xf32, #tpu.memory_space<vmem>> -> memref<800x32xf32, #tpu.memory_space<vmem>>
        %get3A_1702 = arith.index_cast %add3A_1684 : i32 to index
        %get3A_1703 = arith.constant 16 : index
        %get3A_1704 = tpu.vector_load %get3A_1701[%get3A_1702, %get3A_1703] {strides = array<i32>} : memref<800x32xf32, #tpu.memory_space<vmem>>, vector<16xf32>,
        %mul3A_1705 = arith.mulf %gather3A_1688, %get3A_1704 : vector<16xf32>
        %add3A_1706 = arith.addf %add3A_1656, %mul3A_1705 : vector<16xf32>
        %add3A_1707 = arith.addf %add3A_1657, %gather3A_1688 : vector<16xf32>
        %add3A_1708 = arith.constant 35 : i32
        %add3A_1709 = arith.addi %mul3A_832, %add3A_1708 : i32
        %add3A_1710 = arith.constant 35 : i32
        %add3A_1711 = vector.broadcast %add3A_1710 : i32 to vector<16xi32>
        %add3A_1712 = arith.addi %broadcast_in_dim3A, %add3A_1711 : vector<16xi32>
        %gather3A_1713 = tpu.vector_load_idx %arg9[%add3A_1712] : memref<25600xf32, #tpu.memory_space<vmem>>[vector<16xi32>], vector<16xf32>,
        %get3A_1714 = arith.constant 0 : i32
        %get3A_1715 = arith.constant 0 : i32
        %get3A_1716 = tpu.memref_slice %arg10[%scan3A_512, %get3A_1714, %get3A_1715] : memref<2x800x32xf32, #tpu.memory_space<vmem>> -> memref<1x800x32xf32, #tpu.memory_space<vmem>>
        %get3A_1717 = tpu.memref_squeeze %get3A_1716 : memref<1x800x32xf32, #tpu.memory_space<vmem>> -> memref<800x32xf32, #tpu.memory_space<vmem>>
        %get3A_1718 = arith.index_cast %add3A_1709 : i32 to index
        %get3A_1719 = arith.constant 0 : index
        %get3A_1720 = tpu.vector_load %get3A_1717[%get3A_1718, %get3A_1719] {strides = array<i32>} : memref<800x32xf32, #tpu.memory_space<vmem>>, vector<16xf32>,
        %mul3A_1721 = arith.mulf %gather3A_1713, %get3A_1720 : vector<16xf32>
        %add3A_1722 = arith.addf %add3A_1672, %mul3A_1721 : vector<16xf32>
        %get3A_1723 = arith.constant 0 : i32
        %get3A_1724 = arith.constant 0 : i32
        %get3A_1725 = tpu.memref_slice %arg10[%scan3A_512, %get3A_1723, %get3A_1724] : memref<2x800x32xf32, #tpu.memory_space<vmem>> -> memref<1x800x32xf32, #tpu.memory_space<vmem>>
        %get3A_1726 = tpu.memref_squeeze %get3A_1725 : memref<1x800x32xf32, #tpu.memory_space<vmem>> -> memref<800x32xf32, #tpu.memory_space<vmem>>
        %get3A_1727 = arith.index_cast %add3A_1709 : i32 to index
        %get3A_1728 = arith.constant 16 : index
        %get3A_1729 = tpu.vector_load %get3A_1726[%get3A_1727, %get3A_1728] {strides = array<i32>} : memref<800x32xf32, #tpu.memory_space<vmem>>, vector<16xf32>,
        %mul3A_1730 = arith.mulf %gather3A_1713, %get3A_1729 : vector<16xf32>
        %add3A_1731 = arith.addf %add3A_1681, %mul3A_1730 : vector<16xf32>
        %add3A_1732 = arith.addf %add3A_1682, %gather3A_1713 : vector<16xf32>
        %add3A_1733 = arith.constant 36 : i32
        %add3A_1734 = arith.addi %mul3A_832, %add3A_1733 : i32
        %add3A_1735 = arith.constant 36 : i32
        %add3A_1736 = vector.broadcast %add3A_1735 : i32 to vector<16xi32>
        %add3A_1737 = arith.addi %broadcast_in_dim3A, %add3A_1736 : vector<16xi32>
        %gather3A_1738 = tpu.vector_load_idx %arg9[%add3A_1737] : memref<25600xf32, #tpu.memory_space<vmem>>[vector<16xi32>], vector<16xf32>,
        %get3A_1739 = arith.constant 0 : i32
        %get3A_1740 = arith.constant 0 : i32
        %get3A_1741 = tpu.memref_slice %arg10[%scan3A_512, %get3A_1739, %get3A_1740] : memref<2x800x32xf32, #tpu.memory_space<vmem>> -> memref<1x800x32xf32, #tpu.memory_space<vmem>>
        %get3A_1742 = tpu.memref_squeeze %get3A_1741 : memref<1x800x32xf32, #tpu.memory_space<vmem>> -> memref<800x32xf32, #tpu.memory_space<vmem>>
        %get3A_1743 = arith.index_cast %add3A_1734 : i32 to index
        %get3A_1744 = arith.constant 0 : index
        %get3A_1745 = tpu.vector_load %get3A_1742[%get3A_1743, %get3A_1744] {strides = array<i32>} : memref<800x32xf32, #tpu.memory_space<vmem>>, vector<16xf32>,
        %mul3A_1746 = arith.mulf %gather3A_1738, %get3A_1745 : vector<16xf32>
        %add3A_1747 = arith.addf %add3A_1697, %mul3A_1746 : vector<16xf32>
        %get3A_1748 = arith.constant 0 : i32
        %get3A_1749 = arith.constant 0 : i32
        %get3A_1750 = tpu.memref_slice %arg10[%scan3A_512, %get3A_1748, %get3A_1749] : memref<2x800x32xf32, #tpu.memory_space<vmem>> -> memref<1x800x32xf32, #tpu.memory_space<vmem>>
        %get3A_1751 = tpu.memref_squeeze %get3A_1750 : memref<1x800x32xf32, #tpu.memory_space<vmem>> -> memref<800x32xf32, #tpu.memory_space<vmem>>
        %get3A_1752 = arith.index_cast %add3A_1734 : i32 to index
        %get3A_1753 = arith.constant 16 : index
        %get3A_1754 = tpu.vector_load %get3A_1751[%get3A_1752, %get3A_1753] {strides = array<i32>} : memref<800x32xf32, #tpu.memory_space<vmem>>, vector<16xf32>,
        %mul3A_1755 = arith.mulf %gather3A_1738, %get3A_1754 : vector<16xf32>
        %add3A_1756 = arith.addf %add3A_1706, %mul3A_1755 : vector<16xf32>
        %add3A_1757 = arith.addf %add3A_1707, %gather3A_1738 : vector<16xf32>
        %add3A_1758 = arith.constant 37 : i32
        %add3A_1759 = arith.addi %mul3A_832, %add3A_1758 : i32
        %add3A_1760 = arith.constant 37 : i32
        %add3A_1761 = vector.broadcast %add3A_1760 : i32 to vector<16xi32>
        %add3A_1762 = arith.addi %broadcast_in_dim3A, %add3A_1761 : vector<16xi32>
        %gather3A_1763 = tpu.vector_load_idx %arg9[%add3A_1762] : memref<25600xf32, #tpu.memory_space<vmem>>[vector<16xi32>], vector<16xf32>,
        %get3A_1764 = arith.constant 0 : i32
        %get3A_1765 = arith.constant 0 : i32
        %get3A_1766 = tpu.memref_slice %arg10[%scan3A_512, %get3A_1764, %get3A_1765] : memref<2x800x32xf32, #tpu.memory_space<vmem>> -> memref<1x800x32xf32, #tpu.memory_space<vmem>>
        %get3A_1767 = tpu.memref_squeeze %get3A_1766 : memref<1x800x32xf32, #tpu.memory_space<vmem>> -> memref<800x32xf32, #tpu.memory_space<vmem>>
        %get3A_1768 = arith.index_cast %add3A_1759 : i32 to index
        %get3A_1769 = arith.constant 0 : index
        %get3A_1770 = tpu.vector_load %get3A_1767[%get3A_1768, %get3A_1769] {strides = array<i32>} : memref<800x32xf32, #tpu.memory_space<vmem>>, vector<16xf32>,
        %mul3A_1771 = arith.mulf %gather3A_1763, %get3A_1770 : vector<16xf32>
        %add3A_1772 = arith.addf %add3A_1722, %mul3A_1771 : vector<16xf32>
        %get3A_1773 = arith.constant 0 : i32
        %get3A_1774 = arith.constant 0 : i32
        %get3A_1775 = tpu.memref_slice %arg10[%scan3A_512, %get3A_1773, %get3A_1774] : memref<2x800x32xf32, #tpu.memory_space<vmem>> -> memref<1x800x32xf32, #tpu.memory_space<vmem>>
        %get3A_1776 = tpu.memref_squeeze %get3A_1775 : memref<1x800x32xf32, #tpu.memory_space<vmem>> -> memref<800x32xf32, #tpu.memory_space<vmem>>
        %get3A_1777 = arith.index_cast %add3A_1759 : i32 to index
        %get3A_1778 = arith.constant 16 : index
        %get3A_1779 = tpu.vector_load %get3A_1776[%get3A_1777, %get3A_1778] {strides = array<i32>} : memref<800x32xf32, #tpu.memory_space<vmem>>, vector<16xf32>,
        %mul3A_1780 = arith.mulf %gather3A_1763, %get3A_1779 : vector<16xf32>
        %add3A_1781 = arith.addf %add3A_1731, %mul3A_1780 : vector<16xf32>
        %add3A_1782 = arith.addf %add3A_1732, %gather3A_1763 : vector<16xf32>
        %add3A_1783 = arith.constant 38 : i32
        %add3A_1784 = arith.addi %mul3A_832, %add3A_1783 : i32
        %add3A_1785 = arith.constant 38 : i32
        %add3A_1786 = vector.broadcast %add3A_1785 : i32 to vector<16xi32>
        %add3A_1787 = arith.addi %broadcast_in_dim3A, %add3A_1786 : vector<16xi32>
        %gather3A_1788 = tpu.vector_load_idx %arg9[%add3A_1787] : memref<25600xf32, #tpu.memory_space<vmem>>[vector<16xi32>], vector<16xf32>,
        %get3A_1789 = arith.constant 0 : i32
        %get3A_1790 = arith.constant 0 : i32
        %get3A_1791 = tpu.memref_slice %arg10[%scan3A_512, %get3A_1789, %get3A_1790] : memref<2x800x32xf32, #tpu.memory_space<vmem>> -> memref<1x800x32xf32, #tpu.memory_space<vmem>>
        %get3A_1792 = tpu.memref_squeeze %get3A_1791 : memref<1x800x32xf32, #tpu.memory_space<vmem>> -> memref<800x32xf32, #tpu.memory_space<vmem>>
        %get3A_1793 = arith.index_cast %add3A_1784 : i32 to index
        %get3A_1794 = arith.constant 0 : index
        %get3A_1795 = tpu.vector_load %get3A_1792[%get3A_1793, %get3A_1794] {strides = array<i32>} : memref<800x32xf32, #tpu.memory_space<vmem>>, vector<16xf32>,
        %mul3A_1796 = arith.mulf %gather3A_1788, %get3A_1795 : vector<16xf32>
        %add3A_1797 = arith.addf %add3A_1747, %mul3A_1796 : vector<16xf32>
        %get3A_1798 = arith.constant 0 : i32
        %get3A_1799 = arith.constant 0 : i32
        %get3A_1800 = tpu.memref_slice %arg10[%scan3A_512, %get3A_1798, %get3A_1799] : memref<2x800x32xf32, #tpu.memory_space<vmem>> -> memref<1x800x32xf32, #tpu.memory_space<vmem>>
        %get3A_1801 = tpu.memref_squeeze %get3A_1800 : memref<1x800x32xf32, #tpu.memory_space<vmem>> -> memref<800x32xf32, #tpu.memory_space<vmem>>
        %get3A_1802 = arith.index_cast %add3A_1784 : i32 to index
        %get3A_1803 = arith.constant 16 : index
        %get3A_1804 = tpu.vector_load %get3A_1801[%get3A_1802, %get3A_1803] {strides = array<i32>} : memref<800x32xf32, #tpu.memory_space<vmem>>, vector<16xf32>,
        %mul3A_1805 = arith.mulf %gather3A_1788, %get3A_1804 : vector<16xf32>
        %add3A_1806 = arith.addf %add3A_1756, %mul3A_1805 : vector<16xf32>
        %add3A_1807 = arith.addf %add3A_1757, %gather3A_1788 : vector<16xf32>
        %add3A_1808 = arith.constant 39 : i32
        %add3A_1809 = arith.addi %mul3A_832, %add3A_1808 : i32
        %add3A_1810 = arith.constant 39 : i32
        %add3A_1811 = vector.broadcast %add3A_1810 : i32 to vector<16xi32>
        %add3A_1812 = arith.addi %broadcast_in_dim3A, %add3A_1811 : vector<16xi32>
        %gather3A_1813 = tpu.vector_load_idx %arg9[%add3A_1812] : memref<25600xf32, #tpu.memory_space<vmem>>[vector<16xi32>], vector<16xf32>,
        %get3A_1814 = arith.constant 0 : i32
        %get3A_1815 = arith.constant 0 : i32
        %get3A_1816 = tpu.memref_slice %arg10[%scan3A_512, %get3A_1814, %get3A_1815] : memref<2x800x32xf32, #tpu.memory_space<vmem>> -> memref<1x800x32xf32, #tpu.memory_space<vmem>>
        %get3A_1817 = tpu.memref_squeeze %get3A_1816 : memref<1x800x32xf32, #tpu.memory_space<vmem>> -> memref<800x32xf32, #tpu.memory_space<vmem>>
        %get3A_1818 = arith.index_cast %add3A_1809 : i32 to index
        %get3A_1819 = arith.constant 0 : index
        %get3A_1820 = tpu.vector_load %get3A_1817[%get3A_1818, %get3A_1819] {strides = array<i32>} : memref<800x32xf32, #tpu.memory_space<vmem>>, vector<16xf32>,
        %mul3A_1821 = arith.mulf %gather3A_1813, %get3A_1820 : vector<16xf32>
        %add3A_1822 = arith.addf %add3A_1772, %mul3A_1821 : vector<16xf32>
        %get3A_1823 = arith.constant 0 : i32
        %get3A_1824 = arith.constant 0 : i32
        %get3A_1825 = tpu.memref_slice %arg10[%scan3A_512, %get3A_1823, %get3A_1824] : memref<2x800x32xf32, #tpu.memory_space<vmem>> -> memref<1x800x32xf32, #tpu.memory_space<vmem>>
        %get3A_1826 = tpu.memref_squeeze %get3A_1825 : memref<1x800x32xf32, #tpu.memory_space<vmem>> -> memref<800x32xf32, #tpu.memory_space<vmem>>
        %get3A_1827 = arith.index_cast %add3A_1809 : i32 to index
        %get3A_1828 = arith.constant 16 : index
        %get3A_1829 = tpu.vector_load %get3A_1826[%get3A_1827, %get3A_1828] {strides = array<i32>} : memref<800x32xf32, #tpu.memory_space<vmem>>, vector<16xf32>,
        %mul3A_1830 = arith.mulf %gather3A_1813, %get3A_1829 : vector<16xf32>
        %add3A_1831 = arith.addf %add3A_1781, %mul3A_1830 : vector<16xf32>
        %add3A_1832 = arith.addf %add3A_1782, %gather3A_1813 : vector<16xf32>
        %add3A_1833 = arith.constant 40 : i32
        %add3A_1834 = arith.addi %mul3A_832, %add3A_1833 : i32
        %add3A_1835 = arith.constant 40 : i32
        %add3A_1836 = vector.broadcast %add3A_1835 : i32 to vector<16xi32>
        %add3A_1837 = arith.addi %broadcast_in_dim3A, %add3A_1836 : vector<16xi32>
        %gather3A_1838 = tpu.vector_load_idx %arg9[%add3A_1837] : memref<25600xf32, #tpu.memory_space<vmem>>[vector<16xi32>], vector<16xf32>,
        %get3A_1839 = arith.constant 0 : i32
        %get3A_1840 = arith.constant 0 : i32
        %get3A_1841 = tpu.memref_slice %arg10[%scan3A_512, %get3A_1839, %get3A_1840] : memref<2x800x32xf32, #tpu.memory_space<vmem>> -> memref<1x800x32xf32, #tpu.memory_space<vmem>>
        %get3A_1842 = tpu.memref_squeeze %get3A_1841 : memref<1x800x32xf32, #tpu.memory_space<vmem>> -> memref<800x32xf32, #tpu.memory_space<vmem>>
        %get3A_1843 = arith.index_cast %add3A_1834 : i32 to index
        %get3A_1844 = arith.constant 0 : index
        %get3A_1845 = tpu.vector_load %get3A_1842[%get3A_1843, %get3A_1844] {strides = array<i32>} : memref<800x32xf32, #tpu.memory_space<vmem>>, vector<16xf32>,
        %mul3A_1846 = arith.mulf %gather3A_1838, %get3A_1845 : vector<16xf32>
        %add3A_1847 = arith.addf %add3A_1797, %mul3A_1846 : vector<16xf32>
        %get3A_1848 = arith.constant 0 : i32
        %get3A_1849 = arith.constant 0 : i32
        %get3A_1850 = tpu.memref_slice %arg10[%scan3A_512, %get3A_1848, %get3A_1849] : memref<2x800x32xf32, #tpu.memory_space<vmem>> -> memref<1x800x32xf32, #tpu.memory_space<vmem>>
        %get3A_1851 = tpu.memref_squeeze %get3A_1850 : memref<1x800x32xf32, #tpu.memory_space<vmem>> -> memref<800x32xf32, #tpu.memory_space<vmem>>
        %get3A_1852 = arith.index_cast %add3A_1834 : i32 to index
        %get3A_1853 = arith.constant 16 : index
        %get3A_1854 = tpu.vector_load %get3A_1851[%get3A_1852, %get3A_1853] {strides = array<i32>} : memref<800x32xf32, #tpu.memory_space<vmem>>, vector<16xf32>,
        %mul3A_1855 = arith.mulf %gather3A_1838, %get3A_1854 : vector<16xf32>
        %add3A_1856 = arith.addf %add3A_1806, %mul3A_1855 : vector<16xf32>
        %add3A_1857 = arith.addf %add3A_1807, %gather3A_1838 : vector<16xf32>
        %add3A_1858 = arith.constant 41 : i32
        %add3A_1859 = arith.addi %mul3A_832, %add3A_1858 : i32
        %add3A_1860 = arith.constant 41 : i32
        %add3A_1861 = vector.broadcast %add3A_1860 : i32 to vector<16xi32>
        %add3A_1862 = arith.addi %broadcast_in_dim3A, %add3A_1861 : vector<16xi32>
        %gather3A_1863 = tpu.vector_load_idx %arg9[%add3A_1862] : memref<25600xf32, #tpu.memory_space<vmem>>[vector<16xi32>], vector<16xf32>,
        %get3A_1864 = arith.constant 0 : i32
        %get3A_1865 = arith.constant 0 : i32
        %get3A_1866 = tpu.memref_slice %arg10[%scan3A_512, %get3A_1864, %get3A_1865] : memref<2x800x32xf32, #tpu.memory_space<vmem>> -> memref<1x800x32xf32, #tpu.memory_space<vmem>>
        %get3A_1867 = tpu.memref_squeeze %get3A_1866 : memref<1x800x32xf32, #tpu.memory_space<vmem>> -> memref<800x32xf32, #tpu.memory_space<vmem>>
        %get3A_1868 = arith.index_cast %add3A_1859 : i32 to index
        %get3A_1869 = arith.constant 0 : index
        %get3A_1870 = tpu.vector_load %get3A_1867[%get3A_1868, %get3A_1869] {strides = array<i32>} : memref<800x32xf32, #tpu.memory_space<vmem>>, vector<16xf32>,
        %mul3A_1871 = arith.mulf %gather3A_1863, %get3A_1870 : vector<16xf32>
        %add3A_1872 = arith.addf %add3A_1822, %mul3A_1871 : vector<16xf32>
        %get3A_1873 = arith.constant 0 : i32
        %get3A_1874 = arith.constant 0 : i32
        %get3A_1875 = tpu.memref_slice %arg10[%scan3A_512, %get3A_1873, %get3A_1874] : memref<2x800x32xf32, #tpu.memory_space<vmem>> -> memref<1x800x32xf32, #tpu.memory_space<vmem>>
        %get3A_1876 = tpu.memref_squeeze %get3A_1875 : memref<1x800x32xf32, #tpu.memory_space<vmem>> -> memref<800x32xf32, #tpu.memory_space<vmem>>
        %get3A_1877 = arith.index_cast %add3A_1859 : i32 to index
        %get3A_1878 = arith.constant 16 : index
        %get3A_1879 = tpu.vector_load %get3A_1876[%get3A_1877, %get3A_1878] {strides = array<i32>} : memref<800x32xf32, #tpu.memory_space<vmem>>, vector<16xf32>,
        %mul3A_1880 = arith.mulf %gather3A_1863, %get3A_1879 : vector<16xf32>
        %add3A_1881 = arith.addf %add3A_1831, %mul3A_1880 : vector<16xf32>
        %add3A_1882 = arith.addf %add3A_1832, %gather3A_1863 : vector<16xf32>
        %add3A_1883 = arith.constant 42 : i32
        %add3A_1884 = arith.addi %mul3A_832, %add3A_1883 : i32
        %add3A_1885 = arith.constant 42 : i32
        %add3A_1886 = vector.broadcast %add3A_1885 : i32 to vector<16xi32>
        %add3A_1887 = arith.addi %broadcast_in_dim3A, %add3A_1886 : vector<16xi32>
        %gather3A_1888 = tpu.vector_load_idx %arg9[%add3A_1887] : memref<25600xf32, #tpu.memory_space<vmem>>[vector<16xi32>], vector<16xf32>,
        %get3A_1889 = arith.constant 0 : i32
        %get3A_1890 = arith.constant 0 : i32
        %get3A_1891 = tpu.memref_slice %arg10[%scan3A_512, %get3A_1889, %get3A_1890] : memref<2x800x32xf32, #tpu.memory_space<vmem>> -> memref<1x800x32xf32, #tpu.memory_space<vmem>>
        %get3A_1892 = tpu.memref_squeeze %get3A_1891 : memref<1x800x32xf32, #tpu.memory_space<vmem>> -> memref<800x32xf32, #tpu.memory_space<vmem>>
        %get3A_1893 = arith.index_cast %add3A_1884 : i32 to index
        %get3A_1894 = arith.constant 0 : index
        %get3A_1895 = tpu.vector_load %get3A_1892[%get3A_1893, %get3A_1894] {strides = array<i32>} : memref<800x32xf32, #tpu.memory_space<vmem>>, vector<16xf32>,
        %mul3A_1896 = arith.mulf %gather3A_1888, %get3A_1895 : vector<16xf32>
        %add3A_1897 = arith.addf %add3A_1847, %mul3A_1896 : vector<16xf32>
        %get3A_1898 = arith.constant 0 : i32
        %get3A_1899 = arith.constant 0 : i32
        %get3A_1900 = tpu.memref_slice %arg10[%scan3A_512, %get3A_1898, %get3A_1899] : memref<2x800x32xf32, #tpu.memory_space<vmem>> -> memref<1x800x32xf32, #tpu.memory_space<vmem>>
        %get3A_1901 = tpu.memref_squeeze %get3A_1900 : memref<1x800x32xf32, #tpu.memory_space<vmem>> -> memref<800x32xf32, #tpu.memory_space<vmem>>
        %get3A_1902 = arith.index_cast %add3A_1884 : i32 to index
        %get3A_1903 = arith.constant 16 : index
        %get3A_1904 = tpu.vector_load %get3A_1901[%get3A_1902, %get3A_1903] {strides = array<i32>} : memref<800x32xf32, #tpu.memory_space<vmem>>, vector<16xf32>,
        %mul3A_1905 = arith.mulf %gather3A_1888, %get3A_1904 : vector<16xf32>
        %add3A_1906 = arith.addf %add3A_1856, %mul3A_1905 : vector<16xf32>
        %add3A_1907 = arith.addf %add3A_1857, %gather3A_1888 : vector<16xf32>
        %add3A_1908 = arith.constant 43 : i32
        %add3A_1909 = arith.addi %mul3A_832, %add3A_1908 : i32
        %add3A_1910 = arith.constant 43 : i32
        %add3A_1911 = vector.broadcast %add3A_1910 : i32 to vector<16xi32>
        %add3A_1912 = arith.addi %broadcast_in_dim3A, %add3A_1911 : vector<16xi32>
        %gather3A_1913 = tpu.vector_load_idx %arg9[%add3A_1912] : memref<25600xf32, #tpu.memory_space<vmem>>[vector<16xi32>], vector<16xf32>,
        %get3A_1914 = arith.constant 0 : i32
        %get3A_1915 = arith.constant 0 : i32
        %get3A_1916 = tpu.memref_slice %arg10[%scan3A_512, %get3A_1914, %get3A_1915] : memref<2x800x32xf32, #tpu.memory_space<vmem>> -> memref<1x800x32xf32, #tpu.memory_space<vmem>>
        %get3A_1917 = tpu.memref_squeeze %get3A_1916 : memref<1x800x32xf32, #tpu.memory_space<vmem>> -> memref<800x32xf32, #tpu.memory_space<vmem>>
        %get3A_1918 = arith.index_cast %add3A_1909 : i32 to index
        %get3A_1919 = arith.constant 0 : index
        %get3A_1920 = tpu.vector_load %get3A_1917[%get3A_1918, %get3A_1919] {strides = array<i32>} : memref<800x32xf32, #tpu.memory_space<vmem>>, vector<16xf32>,
        %mul3A_1921 = arith.mulf %gather3A_1913, %get3A_1920 : vector<16xf32>
        %add3A_1922 = arith.addf %add3A_1872, %mul3A_1921 : vector<16xf32>
        %get3A_1923 = arith.constant 0 : i32
        %get3A_1924 = arith.constant 0 : i32
        %get3A_1925 = tpu.memref_slice %arg10[%scan3A_512, %get3A_1923, %get3A_1924] : memref<2x800x32xf32, #tpu.memory_space<vmem>> -> memref<1x800x32xf32, #tpu.memory_space<vmem>>
        %get3A_1926 = tpu.memref_squeeze %get3A_1925 : memref<1x800x32xf32, #tpu.memory_space<vmem>> -> memref<800x32xf32, #tpu.memory_space<vmem>>
        %get3A_1927 = arith.index_cast %add3A_1909 : i32 to index
        %get3A_1928 = arith.constant 16 : index
        %get3A_1929 = tpu.vector_load %get3A_1926[%get3A_1927, %get3A_1928] {strides = array<i32>} : memref<800x32xf32, #tpu.memory_space<vmem>>, vector<16xf32>,
        %mul3A_1930 = arith.mulf %gather3A_1913, %get3A_1929 : vector<16xf32>
        %add3A_1931 = arith.addf %add3A_1881, %mul3A_1930 : vector<16xf32>
        %add3A_1932 = arith.addf %add3A_1882, %gather3A_1913 : vector<16xf32>
        %add3A_1933 = arith.constant 44 : i32
        %add3A_1934 = arith.addi %mul3A_832, %add3A_1933 : i32
        %add3A_1935 = arith.constant 44 : i32
        %add3A_1936 = vector.broadcast %add3A_1935 : i32 to vector<16xi32>
        %add3A_1937 = arith.addi %broadcast_in_dim3A, %add3A_1936 : vector<16xi32>
        %gather3A_1938 = tpu.vector_load_idx %arg9[%add3A_1937] : memref<25600xf32, #tpu.memory_space<vmem>>[vector<16xi32>], vector<16xf32>,
        %get3A_1939 = arith.constant 0 : i32
        %get3A_1940 = arith.constant 0 : i32
        %get3A_1941 = tpu.memref_slice %arg10[%scan3A_512, %get3A_1939, %get3A_1940] : memref<2x800x32xf32, #tpu.memory_space<vmem>> -> memref<1x800x32xf32, #tpu.memory_space<vmem>>
        %get3A_1942 = tpu.memref_squeeze %get3A_1941 : memref<1x800x32xf32, #tpu.memory_space<vmem>> -> memref<800x32xf32, #tpu.memory_space<vmem>>
        %get3A_1943 = arith.index_cast %add3A_1934 : i32 to index
        %get3A_1944 = arith.constant 0 : index
        %get3A_1945 = tpu.vector_load %get3A_1942[%get3A_1943, %get3A_1944] {strides = array<i32>} : memref<800x32xf32, #tpu.memory_space<vmem>>, vector<16xf32>,
        %mul3A_1946 = arith.mulf %gather3A_1938, %get3A_1945 : vector<16xf32>
        %add3A_1947 = arith.addf %add3A_1897, %mul3A_1946 : vector<16xf32>
        %get3A_1948 = arith.constant 0 : i32
        %get3A_1949 = arith.constant 0 : i32
        %get3A_1950 = tpu.memref_slice %arg10[%scan3A_512, %get3A_1948, %get3A_1949] : memref<2x800x32xf32, #tpu.memory_space<vmem>> -> memref<1x800x32xf32, #tpu.memory_space<vmem>>
        %get3A_1951 = tpu.memref_squeeze %get3A_1950 : memref<1x800x32xf32, #tpu.memory_space<vmem>> -> memref<800x32xf32, #tpu.memory_space<vmem>>
        %get3A_1952 = arith.index_cast %add3A_1934 : i32 to index
        %get3A_1953 = arith.constant 16 : index
        %get3A_1954 = tpu.vector_load %get3A_1951[%get3A_1952, %get3A_1953] {strides = array<i32>} : memref<800x32xf32, #tpu.memory_space<vmem>>, vector<16xf32>,
        %mul3A_1955 = arith.mulf %gather3A_1938, %get3A_1954 : vector<16xf32>
        %add3A_1956 = arith.addf %add3A_1906, %mul3A_1955 : vector<16xf32>
        %add3A_1957 = arith.addf %add3A_1907, %gather3A_1938 : vector<16xf32>
        %add3A_1958 = arith.constant 45 : i32
        %add3A_1959 = arith.addi %mul3A_832, %add3A_1958 : i32
        %add3A_1960 = arith.constant 45 : i32
        %add3A_1961 = vector.broadcast %add3A_1960 : i32 to vector<16xi32>
        %add3A_1962 = arith.addi %broadcast_in_dim3A, %add3A_1961 : vector<16xi32>
        %gather3A_1963 = tpu.vector_load_idx %arg9[%add3A_1962] : memref<25600xf32, #tpu.memory_space<vmem>>[vector<16xi32>], vector<16xf32>,
        %get3A_1964 = arith.constant 0 : i32
        %get3A_1965 = arith.constant 0 : i32
        %get3A_1966 = tpu.memref_slice %arg10[%scan3A_512, %get3A_1964, %get3A_1965] : memref<2x800x32xf32, #tpu.memory_space<vmem>> -> memref<1x800x32xf32, #tpu.memory_space<vmem>>
        %get3A_1967 = tpu.memref_squeeze %get3A_1966 : memref<1x800x32xf32, #tpu.memory_space<vmem>> -> memref<800x32xf32, #tpu.memory_space<vmem>>
        %get3A_1968 = arith.index_cast %add3A_1959 : i32 to index
        %get3A_1969 = arith.constant 0 : index
        %get3A_1970 = tpu.vector_load %get3A_1967[%get3A_1968, %get3A_1969] {strides = array<i32>} : memref<800x32xf32, #tpu.memory_space<vmem>>, vector<16xf32>,
        %mul3A_1971 = arith.mulf %gather3A_1963, %get3A_1970 : vector<16xf32>
        %add3A_1972 = arith.addf %add3A_1922, %mul3A_1971 : vector<16xf32>
        %get3A_1973 = arith.constant 0 : i32
        %get3A_1974 = arith.constant 0 : i32
        %get3A_1975 = tpu.memref_slice %arg10[%scan3A_512, %get3A_1973, %get3A_1974] : memref<2x800x32xf32, #tpu.memory_space<vmem>> -> memref<1x800x32xf32, #tpu.memory_space<vmem>>
        %get3A_1976 = tpu.memref_squeeze %get3A_1975 : memref<1x800x32xf32, #tpu.memory_space<vmem>> -> memref<800x32xf32, #tpu.memory_space<vmem>>
        %get3A_1977 = arith.index_cast %add3A_1959 : i32 to index
        %get3A_1978 = arith.constant 16 : index
        %get3A_1979 = tpu.vector_load %get3A_1976[%get3A_1977, %get3A_1978] {strides = array<i32>} : memref<800x32xf32, #tpu.memory_space<vmem>>, vector<16xf32>,
        %mul3A_1980 = arith.mulf %gather3A_1963, %get3A_1979 : vector<16xf32>
        %add3A_1981 = arith.addf %add3A_1931, %mul3A_1980 : vector<16xf32>
        %add3A_1982 = arith.addf %add3A_1932, %gather3A_1963 : vector<16xf32>
        %add3A_1983 = arith.constant 46 : i32
        %add3A_1984 = arith.addi %mul3A_832, %add3A_1983 : i32
        %add3A_1985 = arith.constant 46 : i32
        %add3A_1986 = vector.broadcast %add3A_1985 : i32 to vector<16xi32>
        %add3A_1987 = arith.addi %broadcast_in_dim3A, %add3A_1986 : vector<16xi32>
        %gather3A_1988 = tpu.vector_load_idx %arg9[%add3A_1987] : memref<25600xf32, #tpu.memory_space<vmem>>[vector<16xi32>], vector<16xf32>,
        %get3A_1989 = arith.constant 0 : i32
        %get3A_1990 = arith.constant 0 : i32
        %get3A_1991 = tpu.memref_slice %arg10[%scan3A_512, %get3A_1989, %get3A_1990] : memref<2x800x32xf32, #tpu.memory_space<vmem>> -> memref<1x800x32xf32, #tpu.memory_space<vmem>>
        %get3A_1992 = tpu.memref_squeeze %get3A_1991 : memref<1x800x32xf32, #tpu.memory_space<vmem>> -> memref<800x32xf32, #tpu.memory_space<vmem>>
        %get3A_1993 = arith.index_cast %add3A_1984 : i32 to index
        %get3A_1994 = arith.constant 0 : index
        %get3A_1995 = tpu.vector_load %get3A_1992[%get3A_1993, %get3A_1994] {strides = array<i32>} : memref<800x32xf32, #tpu.memory_space<vmem>>, vector<16xf32>,
        %mul3A_1996 = arith.mulf %gather3A_1988, %get3A_1995 : vector<16xf32>
        %add3A_1997 = arith.addf %add3A_1947, %mul3A_1996 : vector<16xf32>
        %get3A_1998 = arith.constant 0 : i32
        %get3A_1999 = arith.constant 0 : i32
        %get3A_2000 = tpu.memref_slice %arg10[%scan3A_512, %get3A_1998, %get3A_1999] : memref<2x800x32xf32, #tpu.memory_space<vmem>> -> memref<1x800x32xf32, #tpu.memory_space<vmem>>
        %get3A_2001 = tpu.memref_squeeze %get3A_2000 : memref<1x800x32xf32, #tpu.memory_space<vmem>> -> memref<800x32xf32, #tpu.memory_space<vmem>>
        %get3A_2002 = arith.index_cast %add3A_1984 : i32 to index
        %get3A_2003 = arith.constant 16 : index
        %get3A_2004 = tpu.vector_load %get3A_2001[%get3A_2002, %get3A_2003] {strides = array<i32>} : memref<800x32xf32, #tpu.memory_space<vmem>>, vector<16xf32>,
        %mul3A_2005 = arith.mulf %gather3A_1988, %get3A_2004 : vector<16xf32>
        %add3A_2006 = arith.addf %add3A_1956, %mul3A_2005 : vector<16xf32>
        %add3A_2007 = arith.addf %add3A_1957, %gather3A_1988 : vector<16xf32>
        %add3A_2008 = arith.constant 47 : i32
        %add3A_2009 = arith.addi %mul3A_832, %add3A_2008 : i32
        %add3A_2010 = arith.constant 47 : i32
        %add3A_2011 = vector.broadcast %add3A_2010 : i32 to vector<16xi32>
        %add3A_2012 = arith.addi %broadcast_in_dim3A, %add3A_2011 : vector<16xi32>
        %gather3A_2013 = tpu.vector_load_idx %arg9[%add3A_2012] : memref<25600xf32, #tpu.memory_space<vmem>>[vector<16xi32>], vector<16xf32>,
        %get3A_2014 = arith.constant 0 : i32
        %get3A_2015 = arith.constant 0 : i32
        %get3A_2016 = tpu.memref_slice %arg10[%scan3A_512, %get3A_2014, %get3A_2015] : memref<2x800x32xf32, #tpu.memory_space<vmem>> -> memref<1x800x32xf32, #tpu.memory_space<vmem>>
        %get3A_2017 = tpu.memref_squeeze %get3A_2016 : memref<1x800x32xf32, #tpu.memory_space<vmem>> -> memref<800x32xf32, #tpu.memory_space<vmem>>
        %get3A_2018 = arith.index_cast %add3A_2009 : i32 to index
        %get3A_2019 = arith.constant 0 : index
        %get3A_2020 = tpu.vector_load %get3A_2017[%get3A_2018, %get3A_2019] {strides = array<i32>} : memref<800x32xf32, #tpu.memory_space<vmem>>, vector<16xf32>,
        %mul3A_2021 = arith.mulf %gather3A_2013, %get3A_2020 : vector<16xf32>
        %add3A_2022 = arith.addf %add3A_1972, %mul3A_2021 : vector<16xf32>
        %get3A_2023 = arith.constant 0 : i32
        %get3A_2024 = arith.constant 0 : i32
        %get3A_2025 = tpu.memref_slice %arg10[%scan3A_512, %get3A_2023, %get3A_2024] : memref<2x800x32xf32, #tpu.memory_space<vmem>> -> memref<1x800x32xf32, #tpu.memory_space<vmem>>
        %get3A_2026 = tpu.memref_squeeze %get3A_2025 : memref<1x800x32xf32, #tpu.memory_space<vmem>> -> memref<800x32xf32, #tpu.memory_space<vmem>>
        %get3A_2027 = arith.index_cast %add3A_2009 : i32 to index
        %get3A_2028 = arith.constant 16 : index
        %get3A_2029 = tpu.vector_load %get3A_2026[%get3A_2027, %get3A_2028] {strides = array<i32>} : memref<800x32xf32, #tpu.memory_space<vmem>>, vector<16xf32>,
        %mul3A_2030 = arith.mulf %gather3A_2013, %get3A_2029 : vector<16xf32>
        %add3A_2031 = arith.addf %add3A_1981, %mul3A_2030 : vector<16xf32>
        %add3A_2032 = arith.addf %add3A_1982, %gather3A_2013 : vector<16xf32>
        %add3A_2033 = arith.constant 48 : i32
        %add3A_2034 = arith.addi %mul3A_832, %add3A_2033 : i32
        %add3A_2035 = arith.constant 48 : i32
        %add3A_2036 = vector.broadcast %add3A_2035 : i32 to vector<16xi32>
        %add3A_2037 = arith.addi %broadcast_in_dim3A, %add3A_2036 : vector<16xi32>
        %gather3A_2038 = tpu.vector_load_idx %arg9[%add3A_2037] : memref<25600xf32, #tpu.memory_space<vmem>>[vector<16xi32>], vector<16xf32>,
        %get3A_2039 = arith.constant 0 : i32
        %get3A_2040 = arith.constant 0 : i32
        %get3A_2041 = tpu.memref_slice %arg10[%scan3A_512, %get3A_2039, %get3A_2040] : memref<2x800x32xf32, #tpu.memory_space<vmem>> -> memref<1x800x32xf32, #tpu.memory_space<vmem>>
        %get3A_2042 = tpu.memref_squeeze %get3A_2041 : memref<1x800x32xf32, #tpu.memory_space<vmem>> -> memref<800x32xf32, #tpu.memory_space<vmem>>
        %get3A_2043 = arith.index_cast %add3A_2034 : i32 to index
        %get3A_2044 = arith.constant 0 : index
        %get3A_2045 = tpu.vector_load %get3A_2042[%get3A_2043, %get3A_2044] {strides = array<i32>} : memref<800x32xf32, #tpu.memory_space<vmem>>, vector<16xf32>,
        %mul3A_2046 = arith.mulf %gather3A_2038, %get3A_2045 : vector<16xf32>
        %add3A_2047 = arith.addf %add3A_1997, %mul3A_2046 : vector<16xf32>
        %get3A_2048 = arith.constant 0 : i32
        %get3A_2049 = arith.constant 0 : i32
        %get3A_2050 = tpu.memref_slice %arg10[%scan3A_512, %get3A_2048, %get3A_2049] : memref<2x800x32xf32, #tpu.memory_space<vmem>> -> memref<1x800x32xf32, #tpu.memory_space<vmem>>
        %get3A_2051 = tpu.memref_squeeze %get3A_2050 : memref<1x800x32xf32, #tpu.memory_space<vmem>> -> memref<800x32xf32, #tpu.memory_space<vmem>>
        %get3A_2052 = arith.index_cast %add3A_2034 : i32 to index
        %get3A_2053 = arith.constant 16 : index
        %get3A_2054 = tpu.vector_load %get3A_2051[%get3A_2052, %get3A_2053] {strides = array<i32>} : memref<800x32xf32, #tpu.memory_space<vmem>>, vector<16xf32>,
        %mul3A_2055 = arith.mulf %gather3A_2038, %get3A_2054 : vector<16xf32>
        %add3A_2056 = arith.addf %add3A_2006, %mul3A_2055 : vector<16xf32>
        %add3A_2057 = arith.addf %add3A_2007, %gather3A_2038 : vector<16xf32>
        %add3A_2058 = arith.constant 49 : i32
        %add3A_2059 = arith.addi %mul3A_832, %add3A_2058 : i32
        %add3A_2060 = arith.constant 49 : i32
        %add3A_2061 = vector.broadcast %add3A_2060 : i32 to vector<16xi32>
        %add3A_2062 = arith.addi %broadcast_in_dim3A, %add3A_2061 : vector<16xi32>
        %gather3A_2063 = tpu.vector_load_idx %arg9[%add3A_2062] : memref<25600xf32, #tpu.memory_space<vmem>>[vector<16xi32>], vector<16xf32>,
        %get3A_2064 = arith.constant 0 : i32
        %get3A_2065 = arith.constant 0 : i32
        %get3A_2066 = tpu.memref_slice %arg10[%scan3A_512, %get3A_2064, %get3A_2065] : memref<2x800x32xf32, #tpu.memory_space<vmem>> -> memref<1x800x32xf32, #tpu.memory_space<vmem>>
        %get3A_2067 = tpu.memref_squeeze %get3A_2066 : memref<1x800x32xf32, #tpu.memory_space<vmem>> -> memref<800x32xf32, #tpu.memory_space<vmem>>
        %get3A_2068 = arith.index_cast %add3A_2059 : i32 to index
        %get3A_2069 = arith.constant 0 : index
        %get3A_2070 = tpu.vector_load %get3A_2067[%get3A_2068, %get3A_2069] {strides = array<i32>} : memref<800x32xf32, #tpu.memory_space<vmem>>, vector<16xf32>,
        %mul3A_2071 = arith.mulf %gather3A_2063, %get3A_2070 : vector<16xf32>
        %add3A_2072 = arith.addf %add3A_2022, %mul3A_2071 : vector<16xf32>
        %get3A_2073 = arith.constant 0 : i32
        %get3A_2074 = arith.constant 0 : i32
        %get3A_2075 = tpu.memref_slice %arg10[%scan3A_512, %get3A_2073, %get3A_2074] : memref<2x800x32xf32, #tpu.memory_space<vmem>> -> memref<1x800x32xf32, #tpu.memory_space<vmem>>
        %get3A_2076 = tpu.memref_squeeze %get3A_2075 : memref<1x800x32xf32, #tpu.memory_space<vmem>> -> memref<800x32xf32, #tpu.memory_space<vmem>>
        %get3A_2077 = arith.index_cast %add3A_2059 : i32 to index
        %get3A_2078 = arith.constant 16 : index
        %get3A_2079 = tpu.vector_load %get3A_2076[%get3A_2077, %get3A_2078] {strides = array<i32>} : memref<800x32xf32, #tpu.memory_space<vmem>>, vector<16xf32>,
        %mul3A_2080 = arith.mulf %gather3A_2063, %get3A_2079 : vector<16xf32>
        %add3A_2081 = arith.addf %add3A_2031, %mul3A_2080 : vector<16xf32>
        %add3A_2082 = arith.addf %add3A_2032, %gather3A_2063 : vector<16xf32>
        %add3A_2083 = arith.addf %add3A_2047, %add3A_2072 : vector<16xf32>
        %add3A_2084 = arith.addf %add3A_2056, %add3A_2081 : vector<16xf32>
        %add3A_2085 = arith.addf %add3A_2057, %add3A_2082 : vector<16xf32>
        %get3A_2086 = arith.constant 0 : i32
        %get3A_2087 = arith.constant 0 : i32
        %get3A_2088 = tpu.memref_slice %arg11[%scan3A_513, %get3A_2086, %get3A_2087] : memref<2x16x32xf32, #tpu.memory_space<vmem>> -> memref<1x16x32xf32, #tpu.memory_space<vmem>>
        %get3A_2089 = tpu.memref_squeeze %get3A_2088 : memref<1x16x32xf32, #tpu.memory_space<vmem>> -> memref<16x32xf32, #tpu.memory_space<vmem>>
        %get3A_2090 = arith.index_cast %scan3A_824 : i32 to index
        %get3A_2091 = arith.constant 0 : index
        %get3A_2092 = tpu.vector_load %get3A_2089[%get3A_2090, %get3A_2091] {strides = array<i32>} : memref<16x32xf32, #tpu.memory_space<vmem>>, vector<16xf32>,
        %swap3A = arith.constant 0 : i32
        %swap3A_2093 = arith.constant 0 : i32
        %swap3A_2094 = tpu.memref_slice %arg12[%scan3A_514, %swap3A, %swap3A_2093] : memref<2x16x64xf32, #tpu.memory_space<vmem>> -> memref<1x16x64xf32, #tpu.memory_space<vmem>>
        %swap3A_2095 = tpu.memref_squeeze %swap3A_2094 : memref<1x16x64xf32, #tpu.memory_space<vmem>> -> memref<16x64xf32, #tpu.memory_space<vmem>>
        %swap3A_2096 = arith.index_cast %scan3A_824 : i32 to index
        %swap3A_2097 = arith.constant 0 : index
        %swap3A_2098 = tpu.vector_load %swap3A_2095[%swap3A_2096, %swap3A_2097] {strides = array<i32>} : memref<16x64xf32, #tpu.memory_space<vmem>>, vector<16xf32>,
        tpu.vector_store %swap3A_2095[%swap3A_2096, %swap3A_2097], %get3A_2092 {strides = array<i32>} : memref<16x64xf32, #tpu.memory_space<vmem>>, vector<16xf32>,
        %get3A_2099 = arith.constant 0 : i32
        %get3A_2100 = arith.constant 0 : i32
        %get3A_2101 = tpu.memref_slice %arg11[%scan3A_513, %get3A_2099, %get3A_2100] : memref<2x16x32xf32, #tpu.memory_space<vmem>> -> memref<1x16x32xf32, #tpu.memory_space<vmem>>
        %get3A_2102 = tpu.memref_squeeze %get3A_2101 : memref<1x16x32xf32, #tpu.memory_space<vmem>> -> memref<16x32xf32, #tpu.memory_space<vmem>>
        %get3A_2103 = arith.index_cast %scan3A_824 : i32 to index
        %get3A_2104 = arith.constant 16 : index
        %get3A_2105 = tpu.vector_load %get3A_2102[%get3A_2103, %get3A_2104] {strides = array<i32>} : memref<16x32xf32, #tpu.memory_space<vmem>>, vector<16xf32>,
        %swap3A_2106 = arith.constant 0 : i32
        %swap3A_2107 = arith.constant 0 : i32
        %swap3A_2108 = tpu.memref_slice %arg12[%scan3A_514, %swap3A_2106, %swap3A_2107] : memref<2x16x64xf32, #tpu.memory_space<vmem>> -> memref<1x16x64xf32, #tpu.memory_space<vmem>>
        %swap3A_2109 = tpu.memref_squeeze %swap3A_2108 : memref<1x16x64xf32, #tpu.memory_space<vmem>> -> memref<16x64xf32, #tpu.memory_space<vmem>>
        %swap3A_2110 = arith.index_cast %scan3A_824 : i32 to index
        %swap3A_2111 = arith.constant 16 : index
        %swap3A_2112 = tpu.vector_load %swap3A_2109[%swap3A_2110, %swap3A_2111] {strides = array<i32>} : memref<16x64xf32, #tpu.memory_space<vmem>>, vector<16xf32>,
        tpu.vector_store %swap3A_2109[%swap3A_2110, %swap3A_2111], %get3A_2105 {strides = array<i32>} : memref<16x64xf32, #tpu.memory_space<vmem>>, vector<16xf32>,
        %div3A = arith.divf %add3A_2083, %add3A_2085 : vector<16xf32>
        %swap3A_2113 = arith.constant 0 : i32
        %swap3A_2114 = arith.constant 0 : i32
        %swap3A_2115 = tpu.memref_slice %arg12[%scan3A_514, %swap3A_2113, %swap3A_2114] : memref<2x16x64xf32, #tpu.memory_space<vmem>> -> memref<1x16x64xf32, #tpu.memory_space<vmem>>
        %swap3A_2116 = tpu.memref_squeeze %swap3A_2115 : memref<1x16x64xf32, #tpu.memory_space<vmem>> -> memref<16x64xf32, #tpu.memory_space<vmem>>
        %swap3A_2117 = arith.index_cast %scan3A_824 : i32 to index
        %swap3A_2118 = arith.constant 32 : index
        %swap3A_2119 = tpu.vector_load %swap3A_2116[%swap3A_2117, %swap3A_2118] {strides = array<i32>} : memref<16x64xf32, #tpu.memory_space<vmem>>, vector<16xf32>,
        tpu.vector_store %swap3A_2116[%swap3A_2117, %swap3A_2118], %div3A {strides = array<i32>} : memref<16x64xf32, #tpu.memory_space<vmem>>, vector<16xf32>,
        %div3A_2120 = arith.divf %add3A_2084, %add3A_2085 : vector<16xf32>
        %swap3A_2121 = arith.constant 0 : i32
        %swap3A_2122 = arith.constant 0 : i32
        %swap3A_2123 = tpu.memref_slice %arg12[%scan3A_514, %swap3A_2121, %swap3A_2122] : memref<2x16x64xf32, #tpu.memory_space<vmem>> -> memref<1x16x64xf32, #tpu.memory_space<vmem>>
        %swap3A_2124 = tpu.memref_squeeze %swap3A_2123 : memref<1x16x64xf32, #tpu.memory_space<vmem>> -> memref<16x64xf32, #tpu.memory_space<vmem>>
        %swap3A_2125 = arith.index_cast %scan3A_824 : i32 to index
        %swap3A_2126 = arith.constant 48 : index
        %swap3A_2127 = tpu.vector_load %swap3A_2124[%swap3A_2125, %swap3A_2126] {strides = array<i32>} : memref<16x64xf32, #tpu.memory_space<vmem>>, vector<16xf32>,
        tpu.vector_store %swap3A_2124[%swap3A_2125, %swap3A_2126], %div3A_2120 {strides = array<i32>} : memref<16x64xf32, #tpu.memory_space<vmem>>, vector<16xf32>,
        %scan3A_2128 = arith.constant 0 : i32
        scf.yield %scan3A_2128 : i32
      }
      %scan3A_521 = arith.constant 16 : i32
      %mul3A_522 = arith.constant 16 : i32
      %mul3A_523 = arith.muli %add3A_260, %mul3A_522 : i32
      %add3A_524 = arith.addi %mul3A_2, %mul3A_523 : i32
      %dma_start3A_525 = arith.constant 0 : i32
      %dma_start3A_526 = arith.constant 0 : i32
      %dma_start3A_527 = arith.constant 0 : i32
      %dma_start3A_528 = tpu.memref_slice %arg12[%dma_start3A_525, %dma_start3A_526, %dma_start3A_527] : memref<2x16x64xf32, #tpu.memory_space<vmem>> -> memref<1x16x64xf32, #tpu.memory_space<vmem>>
      %dma_start3A_529 = tpu.memref_squeeze %dma_start3A_528 : memref<1x16x64xf32, #tpu.memory_space<vmem>> -> memref<16x64xf32, #tpu.memory_space<vmem>>
      %dma_start3A_530 = arith.constant 0 : i32
      %dma_start3A_531 = tpu.memref_slice %arg6[%add3A_524, %dma_start3A_530] : memref<16384x64xf32, #tpu.memory_space<hbm>> -> memref<16x64xf32, #tpu.memory_space<hbm>>
      %dma_start3A_532 = arith.constant 0 : i32
      %dma_start3A_533 = tpu.memref_slice %arg6[%add3A_524, %dma_start3A_532] : memref<16384x64xf32, #tpu.memory_space<hbm>> -> memref<16x64xf32, #tpu.memory_space<hbm>>
      %dma_start3A_534 = arith.constant 0 : i32
      %dma_start3A_535 = arith.constant 0 : i32
      %dma_start3A_536 = tpu.memref_slice %arg12[%dma_start3A_525, %dma_start3A_534, %dma_start3A_535] : memref<2x16x64xf32, #tpu.memory_space<vmem>> -> memref<1x16x64xf32, #tpu.memory_space<vmem>>
      %dma_start3A_537 = tpu.memref_squeeze %dma_start3A_536 : memref<1x16x64xf32, #tpu.memory_space<vmem>> -> memref<16x64xf32, #tpu.memory_space<vmem>>
      tpu.enqueue_dma source(%dma_start3A_537 : memref<16x64xf32, #tpu.memory_space<vmem>>) target(%dma_start3A_533 : memref<16x64xf32, #tpu.memory_space<hbm>>) target_semaphore(%arg15 : memref<!tpu.dma_semaphore, #tpu.memory_space<semaphore_mem>>)
      %mul3A_538 = arith.constant 2 : i32
      %mul3A_539 = arith.muli %mul3A_538, %scan3A_255 : i32
      %add3A_540 = arith.constant 1 : i32
      %add3A_541 = arith.addi %mul3A_539, %add3A_540 : i32
      %add3A_542 = arith.constant 1 : i32
      %add3A_543 = arith.addi %add3A_541, %add3A_542 : i32
      %min3A_544 = arith.constant 31 : i32
      %min3A_545 = arith.minsi %add3A_543, %min3A_544 : i32
      %mul3A_546 = arith.constant 800 : i32
      %mul3A_547 = arith.muli %min3A_545, %mul3A_546 : i32
      %add3A_548 = arith.constant 0 : i32
      %add3A_549 = arith.addi %mul3A_547, %add3A_548 : i32
      %dma_start3A_550 = arith.constant 0 : i32
      %dma_start3A_551 = arith.constant 0 : i32
      %dma_start3A_552 = arith.constant 0 : i32
      %dma_start3A_553 = tpu.memref_slice %arg10[%dma_start3A_550, %dma_start3A_551, %dma_start3A_552] : memref<2x800x32xf32, #tpu.memory_space<vmem>> -> memref<1x800x32xf32, #tpu.memory_space<vmem>>
      %dma_start3A_554 = tpu.memref_squeeze %dma_start3A_553 : memref<1x800x32xf32, #tpu.memory_space<vmem>> -> memref<800x32xf32, #tpu.memory_space<vmem>>
      %dma_start3A_555 = arith.constant 0 : i32
      %dma_start3A_556 = arith.constant 0 : i32
      %dma_start3A_557 = tpu.memref_slice %dma_start3A_554[%dma_start3A_555, %dma_start3A_556] : memref<800x32xf32, #tpu.memory_space<vmem>> -> memref<128x32xf32, #tpu.memory_space<vmem>>
      %dma_start3A_558 = tpu.memref_slice %arg7[%add3A_549] : memref<25600xi32, #tpu.memory_space<vmem>> -> memref<128xi32, #tpu.memory_space<vmem>>
      %dma_start3A_559 = arith.constant 0 : i32
      %dma_start3A_560 = arith.constant 0 : i32
      %dma_start3A_561 = tpu.memref_slice %arg5[%dma_start3A_559, %dma_start3A_560] : memref<1000000x32xf32, #tpu.memory_space<hbm>> -> memref<1000000x32xf32, #tpu.memory_space<hbm>>
      tpu.enqueue_indirect_dma source(%dma_start3A_561 : memref<1000000x32xf32, #tpu.memory_space<hbm>>) target(%dma_start3A_557 : memref<128x32xf32, #tpu.memory_space<vmem>>) offsets(%dma_start3A_558 : memref<128xi32, #tpu.memory_space<vmem>>) semaphore(%arg13 : memref<!tpu.dma_semaphore, #tpu.memory_space<semaphore_mem>>)
      %mul3A_562 = arith.constant 800 : i32
      %mul3A_563 = arith.muli %min3A_545, %mul3A_562 : i32
      %add3A_564 = arith.constant 128 : i32
      %add3A_565 = arith.addi %mul3A_563, %add3A_564 : i32
      %dma_start3A_566 = arith.constant 0 : i32
      %dma_start3A_567 = arith.constant 0 : i32
      %dma_start3A_568 = arith.constant 0 : i32
      %dma_start3A_569 = tpu.memref_slice %arg10[%dma_start3A_566, %dma_start3A_567, %dma_start3A_568] : memref<2x800x32xf32, #tpu.memory_space<vmem>> -> memref<1x800x32xf32, #tpu.memory_space<vmem>>
      %dma_start3A_570 = tpu.memref_squeeze %dma_start3A_569 : memref<1x800x32xf32, #tpu.memory_space<vmem>> -> memref<800x32xf32, #tpu.memory_space<vmem>>
      %dma_start3A_571 = arith.constant 128 : i32
      %dma_start3A_572 = arith.constant 0 : i32
      %dma_start3A_573 = tpu.memref_slice %dma_start3A_570[%dma_start3A_571, %dma_start3A_572] : memref<800x32xf32, #tpu.memory_space<vmem>> -> memref<128x32xf32, #tpu.memory_space<vmem>>
      %dma_start3A_574 = tpu.memref_slice %arg7[%add3A_565] : memref<25600xi32, #tpu.memory_space<vmem>> -> memref<128xi32, #tpu.memory_space<vmem>>
      %dma_start3A_575 = arith.constant 0 : i32
      %dma_start3A_576 = arith.constant 0 : i32
      %dma_start3A_577 = tpu.memref_slice %arg5[%dma_start3A_575, %dma_start3A_576] : memref<1000000x32xf32, #tpu.memory_space<hbm>> -> memref<1000000x32xf32, #tpu.memory_space<hbm>>
      tpu.enqueue_indirect_dma source(%dma_start3A_577 : memref<1000000x32xf32, #tpu.memory_space<hbm>>) target(%dma_start3A_573 : memref<128x32xf32, #tpu.memory_space<vmem>>) offsets(%dma_start3A_574 : memref<128xi32, #tpu.memory_space<vmem>>) semaphore(%arg13 : memref<!tpu.dma_semaphore, #tpu.memory_space<semaphore_mem>>)
      %mul3A_578 = arith.constant 800 : i32
      %mul3A_579 = arith.muli %min3A_545, %mul3A_578 : i32
      %add3A_580 = arith.constant 256 : i32
      %add3A_581 = arith.addi %mul3A_579, %add3A_580 : i32
      %dma_start3A_582 = arith.constant 0 : i32
      %dma_start3A_583 = arith.constant 0 : i32
      %dma_start3A_584 = arith.constant 0 : i32
      %dma_start3A_585 = tpu.memref_slice %arg10[%dma_start3A_582, %dma_start3A_583, %dma_start3A_584] : memref<2x800x32xf32, #tpu.memory_space<vmem>> -> memref<1x800x32xf32, #tpu.memory_space<vmem>>
      %dma_start3A_586 = tpu.memref_squeeze %dma_start3A_585 : memref<1x800x32xf32, #tpu.memory_space<vmem>> -> memref<800x32xf32, #tpu.memory_space<vmem>>
      %dma_start3A_587 = arith.constant 256 : i32
      %dma_start3A_588 = arith.constant 0 : i32
      %dma_start3A_589 = tpu.memref_slice %dma_start3A_586[%dma_start3A_587, %dma_start3A_588] : memref<800x32xf32, #tpu.memory_space<vmem>> -> memref<128x32xf32, #tpu.memory_space<vmem>>
      %dma_start3A_590 = tpu.memref_slice %arg7[%add3A_581] : memref<25600xi32, #tpu.memory_space<vmem>> -> memref<128xi32, #tpu.memory_space<vmem>>
      %dma_start3A_591 = arith.constant 0 : i32
      %dma_start3A_592 = arith.constant 0 : i32
      %dma_start3A_593 = tpu.memref_slice %arg5[%dma_start3A_591, %dma_start3A_592] : memref<1000000x32xf32, #tpu.memory_space<hbm>> -> memref<1000000x32xf32, #tpu.memory_space<hbm>>
      tpu.enqueue_indirect_dma source(%dma_start3A_593 : memref<1000000x32xf32, #tpu.memory_space<hbm>>) target(%dma_start3A_589 : memref<128x32xf32, #tpu.memory_space<vmem>>) offsets(%dma_start3A_590 : memref<128xi32, #tpu.memory_space<vmem>>) semaphore(%arg13 : memref<!tpu.dma_semaphore, #tpu.memory_space<semaphore_mem>>)
      %mul3A_594 = arith.constant 800 : i32
      %mul3A_595 = arith.muli %min3A_545, %mul3A_594 : i32
      %add3A_596 = arith.constant 384 : i32
      %add3A_597 = arith.addi %mul3A_595, %add3A_596 : i32
      %dma_start3A_598 = arith.constant 0 : i32
      %dma_start3A_599 = arith.constant 0 : i32
      %dma_start3A_600 = arith.constant 0 : i32
      %dma_start3A_601 = tpu.memref_slice %arg10[%dma_start3A_598, %dma_start3A_599, %dma_start3A_600] : memref<2x800x32xf32, #tpu.memory_space<vmem>> -> memref<1x800x32xf32, #tpu.memory_space<vmem>>
      %dma_start3A_602 = tpu.memref_squeeze %dma_start3A_601 : memref<1x800x32xf32, #tpu.memory_space<vmem>> -> memref<800x32xf32, #tpu.memory_space<vmem>>
      %dma_start3A_603 = arith.constant 384 : i32
      %dma_start3A_604 = arith.constant 0 : i32
      %dma_start3A_605 = tpu.memref_slice %dma_start3A_602[%dma_start3A_603, %dma_start3A_604] : memref<800x32xf32, #tpu.memory_space<vmem>> -> memref<128x32xf32, #tpu.memory_space<vmem>>
      %dma_start3A_606 = tpu.memref_slice %arg7[%add3A_597] : memref<25600xi32, #tpu.memory_space<vmem>> -> memref<128xi32, #tpu.memory_space<vmem>>
      %dma_start3A_607 = arith.constant 0 : i32
      %dma_start3A_608 = arith.constant 0 : i32
      %dma_start3A_609 = tpu.memref_slice %arg5[%dma_start3A_607, %dma_start3A_608] : memref<1000000x32xf32, #tpu.memory_space<hbm>> -> memref<1000000x32xf32, #tpu.memory_space<hbm>>
      tpu.enqueue_indirect_dma source(%dma_start3A_609 : memref<1000000x32xf32, #tpu.memory_space<hbm>>) target(%dma_start3A_605 : memref<128x32xf32, #tpu.memory_space<vmem>>) offsets(%dma_start3A_606 : memref<128xi32, #tpu.memory_space<vmem>>) semaphore(%arg13 : memref<!tpu.dma_semaphore, #tpu.memory_space<semaphore_mem>>)
      %mul3A_610 = arith.constant 800 : i32
      %mul3A_611 = arith.muli %min3A_545, %mul3A_610 : i32
      %add3A_612 = arith.constant 512 : i32
      %add3A_613 = arith.addi %mul3A_611, %add3A_612 : i32
      %dma_start3A_614 = arith.constant 0 : i32
      %dma_start3A_615 = arith.constant 0 : i32
      %dma_start3A_616 = arith.constant 0 : i32
      %dma_start3A_617 = tpu.memref_slice %arg10[%dma_start3A_614, %dma_start3A_615, %dma_start3A_616] : memref<2x800x32xf32, #tpu.memory_space<vmem>> -> memref<1x800x32xf32, #tpu.memory_space<vmem>>
      %dma_start3A_618 = tpu.memref_squeeze %dma_start3A_617 : memref<1x800x32xf32, #tpu.memory_space<vmem>> -> memref<800x32xf32, #tpu.memory_space<vmem>>
      %dma_start3A_619 = arith.constant 512 : i32
      %dma_start3A_620 = arith.constant 0 : i32
      %dma_start3A_621 = tpu.memref_slice %dma_start3A_618[%dma_start3A_619, %dma_start3A_620] : memref<800x32xf32, #tpu.memory_space<vmem>> -> memref<128x32xf32, #tpu.memory_space<vmem>>
      %dma_start3A_622 = tpu.memref_slice %arg7[%add3A_613] : memref<25600xi32, #tpu.memory_space<vmem>> -> memref<128xi32, #tpu.memory_space<vmem>>
      %dma_start3A_623 = arith.constant 0 : i32
      %dma_start3A_624 = arith.constant 0 : i32
      %dma_start3A_625 = tpu.memref_slice %arg5[%dma_start3A_623, %dma_start3A_624] : memref<1000000x32xf32, #tpu.memory_space<hbm>> -> memref<1000000x32xf32, #tpu.memory_space<hbm>>
      tpu.enqueue_indirect_dma source(%dma_start3A_625 : memref<1000000x32xf32, #tpu.memory_space<hbm>>) target(%dma_start3A_621 : memref<128x32xf32, #tpu.memory_space<vmem>>) offsets(%dma_start3A_622 : memref<128xi32, #tpu.memory_space<vmem>>) semaphore(%arg13 : memref<!tpu.dma_semaphore, #tpu.memory_space<semaphore_mem>>)
      %mul3A_626 = arith.constant 800 : i32
      %mul3A_627 = arith.muli %min3A_545, %mul3A_626 : i32
      %add3A_628 = arith.constant 640 : i32
      %add3A_629 = arith.addi %mul3A_627, %add3A_628 : i32
      %dma_start3A_630 = arith.constant 0 : i32
      %dma_start3A_631 = arith.constant 0 : i32
      %dma_start3A_632 = arith.constant 0 : i32
      %dma_start3A_633 = tpu.memref_slice %arg10[%dma_start3A_630, %dma_start3A_631, %dma_start3A_632] : memref<2x800x32xf32, #tpu.memory_space<vmem>> -> memref<1x800x32xf32, #tpu.memory_space<vmem>>
      %dma_start3A_634 = tpu.memref_squeeze %dma_start3A_633 : memref<1x800x32xf32, #tpu.memory_space<vmem>> -> memref<800x32xf32, #tpu.memory_space<vmem>>
      %dma_start3A_635 = arith.constant 640 : i32
      %dma_start3A_636 = arith.constant 0 : i32
      %dma_start3A_637 = tpu.memref_slice %dma_start3A_634[%dma_start3A_635, %dma_start3A_636] : memref<800x32xf32, #tpu.memory_space<vmem>> -> memref<128x32xf32, #tpu.memory_space<vmem>>
      %dma_start3A_638 = tpu.memref_slice %arg7[%add3A_629] : memref<25600xi32, #tpu.memory_space<vmem>> -> memref<128xi32, #tpu.memory_space<vmem>>
      %dma_start3A_639 = arith.constant 0 : i32
      %dma_start3A_640 = arith.constant 0 : i32
      %dma_start3A_641 = tpu.memref_slice %arg5[%dma_start3A_639, %dma_start3A_640] : memref<1000000x32xf32, #tpu.memory_space<hbm>> -> memref<1000000x32xf32, #tpu.memory_space<hbm>>
      tpu.enqueue_indirect_dma source(%dma_start3A_641 : memref<1000000x32xf32, #tpu.memory_space<hbm>>) target(%dma_start3A_637 : memref<128x32xf32, #tpu.memory_space<vmem>>) offsets(%dma_start3A_638 : memref<128xi32, #tpu.memory_space<vmem>>) semaphore(%arg13 : memref<!tpu.dma_semaphore, #tpu.memory_space<semaphore_mem>>)
      %mul3A_642 = arith.constant 800 : i32
      %mul3A_643 = arith.muli %min3A_545, %mul3A_642 : i32
      %add3A_644 = arith.constant 768 : i32
      %add3A_645 = arith.addi %mul3A_643, %add3A_644 : i32
      %dma_start3A_646 = arith.constant 0 : i32
      %dma_start3A_647 = arith.constant 0 : i32
      %dma_start3A_648 = arith.constant 0 : i32
      %dma_start3A_649 = tpu.memref_slice %arg10[%dma_start3A_646, %dma_start3A_647, %dma_start3A_648] : memref<2x800x32xf32, #tpu.memory_space<vmem>> -> memref<1x800x32xf32, #tpu.memory_space<vmem>>
      %dma_start3A_650 = tpu.memref_squeeze %dma_start3A_649 : memref<1x800x32xf32, #tpu.memory_space<vmem>> -> memref<800x32xf32, #tpu.memory_space<vmem>>
      %dma_start3A_651 = arith.constant 768 : i32
      %dma_start3A_652 = arith.constant 0 : i32
      %dma_start3A_653 = tpu.memref_slice %dma_start3A_650[%dma_start3A_651, %dma_start3A_652] : memref<800x32xf32, #tpu.memory_space<vmem>> -> memref<32x32xf32, #tpu.memory_space<vmem>>
      %dma_start3A_654 = tpu.memref_slice %arg7[%add3A_645] : memref<25600xi32, #tpu.memory_space<vmem>> -> memref<32xi32, #tpu.memory_space<vmem>>
      %dma_start3A_655 = arith.constant 0 : i32
      %dma_start3A_656 = arith.constant 0 : i32
      %dma_start3A_657 = tpu.memref_slice %arg5[%dma_start3A_655, %dma_start3A_656] : memref<1000000x32xf32, #tpu.memory_space<hbm>> -> memref<1000000x32xf32, #tpu.memory_space<hbm>>
      tpu.enqueue_indirect_dma source(%dma_start3A_657 : memref<1000000x32xf32, #tpu.memory_space<hbm>>) target(%dma_start3A_653 : memref<32x32xf32, #tpu.memory_space<vmem>>) offsets(%dma_start3A_654 : memref<32xi32, #tpu.memory_space<vmem>>) semaphore(%arg13 : memref<!tpu.dma_semaphore, #tpu.memory_space<semaphore_mem>>)
      %mul3A_658 = arith.constant 16 : i32
      %mul3A_659 = arith.muli %min3A_545, %mul3A_658 : i32
      %dma_start3A_660 = arith.constant 0 : i32
      %dma_start3A_661 = arith.constant 0 : i32
      %dma_start3A_662 = arith.constant 0 : i32
      %dma_start3A_663 = tpu.memref_slice %arg11[%dma_start3A_660, %dma_start3A_661, %dma_start3A_662] : memref<2x16x32xf32, #tpu.memory_space<vmem>> -> memref<1x16x32xf32, #tpu.memory_space<vmem>>
      %dma_start3A_664 = tpu.memref_squeeze %dma_start3A_663 : memref<1x16x32xf32, #tpu.memory_space<vmem>> -> memref<16x32xf32, #tpu.memory_space<vmem>>
      %dma_start3A_665 = tpu.memref_slice %arg8[%mul3A_659] : memref<512xi32, #tpu.memory_space<vmem>> -> memref<16xi32, #tpu.memory_space<vmem>>
      %dma_start3A_666 = arith.constant 0 : i32
      %dma_start3A_667 = arith.constant 0 : i32
      %dma_start3A_668 = tpu.memref_slice %arg5[%dma_start3A_666, %dma_start3A_667] : memref<1000000x32xf32, #tpu.memory_space<hbm>> -> memref<1000000x32xf32, #tpu.memory_space<hbm>>
      tpu.enqueue_indirect_dma source(%dma_start3A_668 : memref<1000000x32xf32, #tpu.memory_space<hbm>>) target(%dma_start3A_664 : memref<16x32xf32, #tpu.memory_space<vmem>>) offsets(%dma_start3A_665 : memref<16xi32, #tpu.memory_space<vmem>>) semaphore(%arg13 : memref<!tpu.dma_semaphore, #tpu.memory_space<semaphore_mem>>)
      %ge3A_669 = arith.constant 2 : i32
      %ge3A_670 = arith.cmpi sge, %add3A_541, %ge3A_669 : i32
      %convert_element_type3A_671 = arith.extui %ge3A_670 : i1 to i32
      %cond3A_672 = arith.constant 0 : i32
      %cond3A_673 = arith.cmpi ne, %convert_element_type3A_671, %cond3A_672 : i32
      scf.if %cond3A_673 {
        %sub3A = arith.constant 2 : i32
        %sub3A_824 = arith.subi %add3A_541, %sub3A : i32
        %mul3A_825 = arith.constant 16 : i32
        %mul3A_826 = arith.muli %sub3A_824, %mul3A_825 : i32
        %add3A_827 = arith.addi %mul3A_2, %mul3A_826 : i32
        %dma_wait3A_828 = arith.constant 1 : i32
        %dma_wait3A_829 = arith.constant 0 : i32
        %dma_wait3A_830 = arith.constant 0 : i32
        %dma_wait3A_831 = tpu.memref_slice %arg12[%dma_wait3A_828, %dma_wait3A_829, %dma_wait3A_830] : memref<2x16x64xf32, #tpu.memory_space<vmem>> -> memref<1x16x64xf32, #tpu.memory_space<vmem>>
        %dma_wait3A_832 = tpu.memref_squeeze %dma_wait3A_831 : memref<1x16x64xf32, #tpu.memory_space<vmem>> -> memref<16x64xf32, #tpu.memory_space<vmem>>
        %dma_wait3A_833 = arith.constant 0 : i32
        %dma_wait3A_834 = tpu.memref_slice %arg6[%add3A_827, %dma_wait3A_833] : memref<16384x64xf32, #tpu.memory_space<hbm>> -> memref<16x64xf32, #tpu.memory_space<hbm>>
        %dma_wait3A_835 = arith.constant 0 : i32
        %dma_wait3A_836 = tpu.memref_slice %arg6[%add3A_827, %dma_wait3A_835] : memref<16384x64xf32, #tpu.memory_space<hbm>> -> memref<16x64xf32, #tpu.memory_space<hbm>>
        %dma_wait3A_837 = arith.constant 0 : i32
        %dma_wait3A_838 = arith.constant 0 : i32
        %dma_wait3A_839 = tpu.memref_slice %arg12[%dma_wait3A_828, %dma_wait3A_837, %dma_wait3A_838] : memref<2x16x64xf32, #tpu.memory_space<vmem>> -> memref<1x16x64xf32, #tpu.memory_space<vmem>>
        %dma_wait3A_840 = tpu.memref_squeeze %dma_wait3A_839 : memref<1x16x64xf32, #tpu.memory_space<vmem>> -> memref<16x64xf32, #tpu.memory_space<vmem>>
        tpu.wait_dma2 semaphore(%arg16 : memref<!tpu.dma_semaphore, #tpu.memory_space<semaphore_mem>>) src(%dma_wait3A_840 : memref<16x64xf32, #tpu.memory_space<vmem>>) dst(%dma_wait3A_836 : memref<16x64xf32, #tpu.memory_space<hbm>>)
      } else {
      }
      %mul3A_674 = arith.constant 800 : i32
      %mul3A_675 = arith.muli %add3A_541, %mul3A_674 : i32
      %add3A_676 = arith.constant 0 : i32
      %add3A_677 = arith.addi %mul3A_675, %add3A_676 : i32
      %mul3A_678 = arith.constant 800 : i32
      %mul3A_679 = arith.muli %add3A_541, %mul3A_678 : i32
      %add3A_680 = arith.constant 128 : i32
      %add3A_681 = arith.addi %mul3A_679, %add3A_680 : i32
      %mul3A_682 = arith.constant 800 : i32
      %mul3A_683 = arith.muli %add3A_541, %mul3A_682 : i32
      %add3A_684 = arith.constant 256 : i32
      %add3A_685 = arith.addi %mul3A_683, %add3A_684 : i32
      %mul3A_686 = arith.constant 800 : i32
      %mul3A_687 = arith.muli %add3A_541, %mul3A_686 : i32
      %add3A_688 = arith.constant 384 : i32
      %add3A_689 = arith.addi %mul3A_687, %add3A_688 : i32
      %mul3A_690 = arith.constant 800 : i32
      %mul3A_691 = arith.muli %add3A_541, %mul3A_690 : i32
      %add3A_692 = arith.constant 512 : i32
      %add3A_693 = arith.addi %mul3A_691, %add3A_692 : i32
      %mul3A_694 = arith.constant 800 : i32
      %mul3A_695 = arith.muli %add3A_541, %mul3A_694 : i32
      %add3A_696 = arith.constant 640 : i32
      %add3A_697 = arith.addi %mul3A_695, %add3A_696 : i32
      %mul3A_698 = arith.constant 800 : i32
      %mul3A_699 = arith.muli %add3A_541, %mul3A_698 : i32
      %add3A_700 = arith.constant 768 : i32
      %add3A_701 = arith.addi %mul3A_699, %add3A_700 : i32
      %mul3A_702 = arith.constant 16 : i32
      %mul3A_703 = arith.muli %add3A_541, %mul3A_702 : i32
      %dma_wait3A_704 = arith.constant 1 : i32
      %dma_wait3A_705 = arith.constant 0 : i32
      %dma_wait3A_706 = arith.constant 0 : i32
      %dma_wait3A_707 = tpu.memref_slice %arg10[%dma_wait3A_704, %dma_wait3A_705, %dma_wait3A_706] : memref<2x800x32xf32, #tpu.memory_space<vmem>> -> memref<1x800x32xf32, #tpu.memory_space<vmem>>
      %dma_wait3A_708 = tpu.memref_squeeze %dma_wait3A_707 : memref<1x800x32xf32, #tpu.memory_space<vmem>> -> memref<800x32xf32, #tpu.memory_space<vmem>>
      %dma_wait3A_709 = arith.constant 0 : i32
      %dma_wait3A_710 = arith.constant 0 : i32
      %dma_wait3A_711 = tpu.memref_slice %dma_wait3A_708[%dma_wait3A_709, %dma_wait3A_710] : memref<800x32xf32, #tpu.memory_space<vmem>> -> memref<128x32xf32, #tpu.memory_space<vmem>>
      %dma_wait3A_712 = tpu.memref_slice %arg7[%add3A_677] : memref<25600xi32, #tpu.memory_space<vmem>> -> memref<128xi32, #tpu.memory_space<vmem>>
      %dma_wait3A_713 = arith.constant 0 : i32
      %dma_wait3A_714 = arith.constant 0 : i32
      %dma_wait3A_715 = tpu.memref_slice %arg5[%dma_wait3A_713, %dma_wait3A_714] : memref<1000000x32xf32, #tpu.memory_space<hbm>> -> memref<1000000x32xf32, #tpu.memory_space<hbm>>
      tpu.wait_indirect_dma semaphore(%arg14 : memref<!tpu.dma_semaphore, #tpu.memory_space<semaphore_mem>>) src(%dma_wait3A_715 : memref<1000000x32xf32, #tpu.memory_space<hbm>>) dst(%dma_wait3A_711 : memref<128x32xf32, #tpu.memory_space<vmem>>)
      %dma_wait3A_716 = arith.constant 1 : i32
      %dma_wait3A_717 = arith.constant 0 : i32
      %dma_wait3A_718 = arith.constant 0 : i32
      %dma_wait3A_719 = tpu.memref_slice %arg10[%dma_wait3A_716, %dma_wait3A_717, %dma_wait3A_718] : memref<2x800x32xf32, #tpu.memory_space<vmem>> -> memref<1x800x32xf32, #tpu.memory_space<vmem>>
      %dma_wait3A_720 = tpu.memref_squeeze %dma_wait3A_719 : memref<1x800x32xf32, #tpu.memory_space<vmem>> -> memref<800x32xf32, #tpu.memory_space<vmem>>
      %dma_wait3A_721 = arith.constant 128 : i32
      %dma_wait3A_722 = arith.constant 0 : i32
      %dma_wait3A_723 = tpu.memref_slice %dma_wait3A_720[%dma_wait3A_721, %dma_wait3A_722] : memref<800x32xf32, #tpu.memory_space<vmem>> -> memref<128x32xf32, #tpu.memory_space<vmem>>
      %dma_wait3A_724 = tpu.memref_slice %arg7[%add3A_681] : memref<25600xi32, #tpu.memory_space<vmem>> -> memref<128xi32, #tpu.memory_space<vmem>>
      %dma_wait3A_725 = arith.constant 0 : i32
      %dma_wait3A_726 = arith.constant 0 : i32
      %dma_wait3A_727 = tpu.memref_slice %arg5[%dma_wait3A_725, %dma_wait3A_726] : memref<1000000x32xf32, #tpu.memory_space<hbm>> -> memref<1000000x32xf32, #tpu.memory_space<hbm>>
      tpu.wait_indirect_dma semaphore(%arg14 : memref<!tpu.dma_semaphore, #tpu.memory_space<semaphore_mem>>) src(%dma_wait3A_727 : memref<1000000x32xf32, #tpu.memory_space<hbm>>) dst(%dma_wait3A_723 : memref<128x32xf32, #tpu.memory_space<vmem>>)
      %dma_wait3A_728 = arith.constant 1 : i32
      %dma_wait3A_729 = arith.constant 0 : i32
      %dma_wait3A_730 = arith.constant 0 : i32
      %dma_wait3A_731 = tpu.memref_slice %arg10[%dma_wait3A_728, %dma_wait3A_729, %dma_wait3A_730] : memref<2x800x32xf32, #tpu.memory_space<vmem>> -> memref<1x800x32xf32, #tpu.memory_space<vmem>>
      %dma_wait3A_732 = tpu.memref_squeeze %dma_wait3A_731 : memref<1x800x32xf32, #tpu.memory_space<vmem>> -> memref<800x32xf32, #tpu.memory_space<vmem>>
      %dma_wait3A_733 = arith.constant 256 : i32
      %dma_wait3A_734 = arith.constant 0 : i32
      %dma_wait3A_735 = tpu.memref_slice %dma_wait3A_732[%dma_wait3A_733, %dma_wait3A_734] : memref<800x32xf32, #tpu.memory_space<vmem>> -> memref<128x32xf32, #tpu.memory_space<vmem>>
      %dma_wait3A_736 = tpu.memref_slice %arg7[%add3A_685] : memref<25600xi32, #tpu.memory_space<vmem>> -> memref<128xi32, #tpu.memory_space<vmem>>
      %dma_wait3A_737 = arith.constant 0 : i32
      %dma_wait3A_738 = arith.constant 0 : i32
      %dma_wait3A_739 = tpu.memref_slice %arg5[%dma_wait3A_737, %dma_wait3A_738] : memref<1000000x32xf32, #tpu.memory_space<hbm>> -> memref<1000000x32xf32, #tpu.memory_space<hbm>>
      tpu.wait_indirect_dma semaphore(%arg14 : memref<!tpu.dma_semaphore, #tpu.memory_space<semaphore_mem>>) src(%dma_wait3A_739 : memref<1000000x32xf32, #tpu.memory_space<hbm>>) dst(%dma_wait3A_735 : memref<128x32xf32, #tpu.memory_space<vmem>>)
      %dma_wait3A_740 = arith.constant 1 : i32
      %dma_wait3A_741 = arith.constant 0 : i32
      %dma_wait3A_742 = arith.constant 0 : i32
      %dma_wait3A_743 = tpu.memref_slice %arg10[%dma_wait3A_740, %dma_wait3A_741, %dma_wait3A_742] : memref<2x800x32xf32, #tpu.memory_space<vmem>> -> memref<1x800x32xf32, #tpu.memory_space<vmem>>
      %dma_wait3A_744 = tpu.memref_squeeze %dma_wait3A_743 : memref<1x800x32xf32, #tpu.memory_space<vmem>> -> memref<800x32xf32, #tpu.memory_space<vmem>>
      %dma_wait3A_745 = arith.constant 384 : i32
      %dma_wait3A_746 = arith.constant 0 : i32
      %dma_wait3A_747 = tpu.memref_slice %dma_wait3A_744[%dma_wait3A_745, %dma_wait3A_746] : memref<800x32xf32, #tpu.memory_space<vmem>> -> memref<128x32xf32, #tpu.memory_space<vmem>>
      %dma_wait3A_748 = tpu.memref_slice %arg7[%add3A_689] : memref<25600xi32, #tpu.memory_space<vmem>> -> memref<128xi32, #tpu.memory_space<vmem>>
      %dma_wait3A_749 = arith.constant 0 : i32
      %dma_wait3A_750 = arith.constant 0 : i32
      %dma_wait3A_751 = tpu.memref_slice %arg5[%dma_wait3A_749, %dma_wait3A_750] : memref<1000000x32xf32, #tpu.memory_space<hbm>> -> memref<1000000x32xf32, #tpu.memory_space<hbm>>
      tpu.wait_indirect_dma semaphore(%arg14 : memref<!tpu.dma_semaphore, #tpu.memory_space<semaphore_mem>>) src(%dma_wait3A_751 : memref<1000000x32xf32, #tpu.memory_space<hbm>>) dst(%dma_wait3A_747 : memref<128x32xf32, #tpu.memory_space<vmem>>)
      %dma_wait3A_752 = arith.constant 1 : i32
      %dma_wait3A_753 = arith.constant 0 : i32
      %dma_wait3A_754 = arith.constant 0 : i32
      %dma_wait3A_755 = tpu.memref_slice %arg10[%dma_wait3A_752, %dma_wait3A_753, %dma_wait3A_754] : memref<2x800x32xf32, #tpu.memory_space<vmem>> -> memref<1x800x32xf32, #tpu.memory_space<vmem>>
      %dma_wait3A_756 = tpu.memref_squeeze %dma_wait3A_755 : memref<1x800x32xf32, #tpu.memory_space<vmem>> -> memref<800x32xf32, #tpu.memory_space<vmem>>
      %dma_wait3A_757 = arith.constant 512 : i32
      %dma_wait3A_758 = arith.constant 0 : i32
      %dma_wait3A_759 = tpu.memref_slice %dma_wait3A_756[%dma_wait3A_757, %dma_wait3A_758] : memref<800x32xf32, #tpu.memory_space<vmem>> -> memref<128x32xf32, #tpu.memory_space<vmem>>
      %dma_wait3A_760 = tpu.memref_slice %arg7[%add3A_693] : memref<25600xi32, #tpu.memory_space<vmem>> -> memref<128xi32, #tpu.memory_space<vmem>>
      %dma_wait3A_761 = arith.constant 0 : i32
      %dma_wait3A_762 = arith.constant 0 : i32
      %dma_wait3A_763 = tpu.memref_slice %arg5[%dma_wait3A_761, %dma_wait3A_762] : memref<1000000x32xf32, #tpu.memory_space<hbm>> -> memref<1000000x32xf32, #tpu.memory_space<hbm>>
      tpu.wait_indirect_dma semaphore(%arg14 : memref<!tpu.dma_semaphore, #tpu.memory_space<semaphore_mem>>) src(%dma_wait3A_763 : memref<1000000x32xf32, #tpu.memory_space<hbm>>) dst(%dma_wait3A_759 : memref<128x32xf32, #tpu.memory_space<vmem>>)
      %dma_wait3A_764 = arith.constant 1 : i32
      %dma_wait3A_765 = arith.constant 0 : i32
      %dma_wait3A_766 = arith.constant 0 : i32
      %dma_wait3A_767 = tpu.memref_slice %arg10[%dma_wait3A_764, %dma_wait3A_765, %dma_wait3A_766] : memref<2x800x32xf32, #tpu.memory_space<vmem>> -> memref<1x800x32xf32, #tpu.memory_space<vmem>>
      %dma_wait3A_768 = tpu.memref_squeeze %dma_wait3A_767 : memref<1x800x32xf32, #tpu.memory_space<vmem>> -> memref<800x32xf32, #tpu.memory_space<vmem>>
      %dma_wait3A_769 = arith.constant 640 : i32
      %dma_wait3A_770 = arith.constant 0 : i32
      %dma_wait3A_771 = tpu.memref_slice %dma_wait3A_768[%dma_wait3A_769, %dma_wait3A_770] : memref<800x32xf32, #tpu.memory_space<vmem>> -> memref<128x32xf32, #tpu.memory_space<vmem>>
      %dma_wait3A_772 = tpu.memref_slice %arg7[%add3A_697] : memref<25600xi32, #tpu.memory_space<vmem>> -> memref<128xi32, #tpu.memory_space<vmem>>
      %dma_wait3A_773 = arith.constant 0 : i32
      %dma_wait3A_774 = arith.constant 0 : i32
      %dma_wait3A_775 = tpu.memref_slice %arg5[%dma_wait3A_773, %dma_wait3A_774] : memref<1000000x32xf32, #tpu.memory_space<hbm>> -> memref<1000000x32xf32, #tpu.memory_space<hbm>>
      tpu.wait_indirect_dma semaphore(%arg14 : memref<!tpu.dma_semaphore, #tpu.memory_space<semaphore_mem>>) src(%dma_wait3A_775 : memref<1000000x32xf32, #tpu.memory_space<hbm>>) dst(%dma_wait3A_771 : memref<128x32xf32, #tpu.memory_space<vmem>>)
      %dma_wait3A_776 = arith.constant 1 : i32
      %dma_wait3A_777 = arith.constant 0 : i32
      %dma_wait3A_778 = arith.constant 0 : i32
      %dma_wait3A_779 = tpu.memref_slice %arg10[%dma_wait3A_776, %dma_wait3A_777, %dma_wait3A_778] : memref<2x800x32xf32, #tpu.memory_space<vmem>> -> memref<1x800x32xf32, #tpu.memory_space<vmem>>
      %dma_wait3A_780 = tpu.memref_squeeze %dma_wait3A_779 : memref<1x800x32xf32, #tpu.memory_space<vmem>> -> memref<800x32xf32, #tpu.memory_space<vmem>>
      %dma_wait3A_781 = arith.constant 768 : i32
      %dma_wait3A_782 = arith.constant 0 : i32
      %dma_wait3A_783 = tpu.memref_slice %dma_wait3A_780[%dma_wait3A_781, %dma_wait3A_782] : memref<800x32xf32, #tpu.memory_space<vmem>> -> memref<32x32xf32, #tpu.memory_space<vmem>>
      %dma_wait3A_784 = tpu.memref_slice %arg7[%add3A_701] : memref<25600xi32, #tpu.memory_space<vmem>> -> memref<32xi32, #tpu.memory_space<vmem>>
      %dma_wait3A_785 = arith.constant 0 : i32
      %dma_wait3A_786 = arith.constant 0 : i32
      %dma_wait3A_787 = tpu.memref_slice %arg5[%dma_wait3A_785, %dma_wait3A_786] : memref<1000000x32xf32, #tpu.memory_space<hbm>> -> memref<1000000x32xf32, #tpu.memory_space<hbm>>
      tpu.wait_indirect_dma semaphore(%arg14 : memref<!tpu.dma_semaphore, #tpu.memory_space<semaphore_mem>>) src(%dma_wait3A_787 : memref<1000000x32xf32, #tpu.memory_space<hbm>>) dst(%dma_wait3A_783 : memref<32x32xf32, #tpu.memory_space<vmem>>)
      %dma_wait3A_788 = arith.constant 1 : i32
      %dma_wait3A_789 = arith.constant 0 : i32
      %dma_wait3A_790 = arith.constant 0 : i32
      %dma_wait3A_791 = tpu.memref_slice %arg11[%dma_wait3A_788, %dma_wait3A_789, %dma_wait3A_790] : memref<2x16x32xf32, #tpu.memory_space<vmem>> -> memref<1x16x32xf32, #tpu.memory_space<vmem>>
      %dma_wait3A_792 = tpu.memref_squeeze %dma_wait3A_791 : memref<1x16x32xf32, #tpu.memory_space<vmem>> -> memref<16x32xf32, #tpu.memory_space<vmem>>
      %dma_wait3A_793 = tpu.memref_slice %arg8[%mul3A_703] : memref<512xi32, #tpu.memory_space<vmem>> -> memref<16xi32, #tpu.memory_space<vmem>>
      %dma_wait3A_794 = arith.constant 0 : i32
      %dma_wait3A_795 = arith.constant 0 : i32
      %dma_wait3A_796 = tpu.memref_slice %arg5[%dma_wait3A_794, %dma_wait3A_795] : memref<1000000x32xf32, #tpu.memory_space<hbm>> -> memref<1000000x32xf32, #tpu.memory_space<hbm>>
      tpu.wait_indirect_dma semaphore(%arg14 : memref<!tpu.dma_semaphore, #tpu.memory_space<semaphore_mem>>) src(%dma_wait3A_796 : memref<1000000x32xf32, #tpu.memory_space<hbm>>) dst(%dma_wait3A_792 : memref<16x32xf32, #tpu.memory_space<vmem>>)
      %scan3A_797 = arith.constant 1 : i32
      %scan3A_798 = arith.constant 1 : i32
      %scan3A_799 = arith.constant 1 : i32
      %scan3A_800 = arith.constant 0 : i32
      %scan3A_801 = arith.constant 0 : i32
      %scan3A_802 = arith.constant 16 : i32
      %scan3A_803 = arith.addi %scan3A_801, %scan3A_802 : i32
      %scan3A_804 = arith.constant 1 : i32
      %scan3A_805 = scf.for %scan3A_824 = %scan3A_801 to %scan3A_803 step %scan3A_804 iter_args(%scan3A_825 = %scan3A_800) -> (i32)  : i32 {
        %mul3A_826 = arith.constant 800 : i32
        %mul3A_827 = arith.muli %add3A_541, %mul3A_826 : i32
        %mul3A_828 = arith.constant 50 : i32
        %mul3A_829 = arith.muli %scan3A_824, %mul3A_828 : i32
        %add3A_830 = arith.addi %mul3A_827, %mul3A_829 : i32
        %mul3A_831 = arith.constant 50 : i32
        %mul3A_832 = arith.muli %scan3A_824, %mul3A_831 : i32
        %broadcast_in_dim3A = vector.broadcast %add3A_830 : i32 to vector<16xi32>
        %broadcast_in_dim3A_833 = arith.constant 0.000000e+00 : f32
        %broadcast_in_dim3A_834 = vector.broadcast %broadcast_in_dim3A_833 : f32 to vector<16xf32>
        %add3A_835 = arith.constant 0 : i32
        %add3A_836 = arith.addi %mul3A_832, %add3A_835 : i32
        %add3A_837 = arith.constant 0 : i32
        %add3A_838 = vector.broadcast %add3A_837 : i32 to vector<16xi32>
        %add3A_839 = arith.addi %broadcast_in_dim3A, %add3A_838 : vector<16xi32>
        %gather3A = tpu.vector_load_idx %arg9[%add3A_839] : memref<25600xf32, #tpu.memory_space<vmem>>[vector<16xi32>], vector<16xf32>,
        %get3A = arith.constant 0 : i32
        %get3A_840 = arith.constant 0 : i32
        %get3A_841 = tpu.memref_slice %arg10[%scan3A_797, %get3A, %get3A_840] : memref<2x800x32xf32, #tpu.memory_space<vmem>> -> memref<1x800x32xf32, #tpu.memory_space<vmem>>
        %get3A_842 = tpu.memref_squeeze %get3A_841 : memref<1x800x32xf32, #tpu.memory_space<vmem>> -> memref<800x32xf32, #tpu.memory_space<vmem>>
        %get3A_843 = arith.index_cast %add3A_836 : i32 to index
        %get3A_844 = arith.constant 0 : index
        %get3A_845 = tpu.vector_load %get3A_842[%get3A_843, %get3A_844] {strides = array<i32>} : memref<800x32xf32, #tpu.memory_space<vmem>>, vector<16xf32>,
        %mul3A_846 = arith.mulf %gather3A, %get3A_845 : vector<16xf32>
        %add3A_847 = arith.addf %broadcast_in_dim3A_834, %mul3A_846 : vector<16xf32>
        %get3A_848 = arith.constant 0 : i32
        %get3A_849 = arith.constant 0 : i32
        %get3A_850 = tpu.memref_slice %arg10[%scan3A_797, %get3A_848, %get3A_849] : memref<2x800x32xf32, #tpu.memory_space<vmem>> -> memref<1x800x32xf32, #tpu.memory_space<vmem>>
        %get3A_851 = tpu.memref_squeeze %get3A_850 : memref<1x800x32xf32, #tpu.memory_space<vmem>> -> memref<800x32xf32, #tpu.memory_space<vmem>>
        %get3A_852 = arith.index_cast %add3A_836 : i32 to index
        %get3A_853 = arith.constant 16 : index
        %get3A_854 = tpu.vector_load %get3A_851[%get3A_852, %get3A_853] {strides = array<i32>} : memref<800x32xf32, #tpu.memory_space<vmem>>, vector<16xf32>,
        %mul3A_855 = arith.mulf %gather3A, %get3A_854 : vector<16xf32>
        %add3A_856 = arith.addf %broadcast_in_dim3A_834, %mul3A_855 : vector<16xf32>
        %add3A_857 = arith.addf %broadcast_in_dim3A_834, %gather3A : vector<16xf32>
        %add3A_858 = arith.constant 1 : i32
        %add3A_859 = arith.addi %mul3A_832, %add3A_858 : i32
        %add3A_860 = arith.constant 1 : i32
        %add3A_861 = vector.broadcast %add3A_860 : i32 to vector<16xi32>
        %add3A_862 = arith.addi %broadcast_in_dim3A, %add3A_861 : vector<16xi32>
        %gather3A_863 = tpu.vector_load_idx %arg9[%add3A_862] : memref<25600xf32, #tpu.memory_space<vmem>>[vector<16xi32>], vector<16xf32>,
        %get3A_864 = arith.constant 0 : i32
        %get3A_865 = arith.constant 0 : i32
        %get3A_866 = tpu.memref_slice %arg10[%scan3A_797, %get3A_864, %get3A_865] : memref<2x800x32xf32, #tpu.memory_space<vmem>> -> memref<1x800x32xf32, #tpu.memory_space<vmem>>
        %get3A_867 = tpu.memref_squeeze %get3A_866 : memref<1x800x32xf32, #tpu.memory_space<vmem>> -> memref<800x32xf32, #tpu.memory_space<vmem>>
        %get3A_868 = arith.index_cast %add3A_859 : i32 to index
        %get3A_869 = arith.constant 0 : index
        %get3A_870 = tpu.vector_load %get3A_867[%get3A_868, %get3A_869] {strides = array<i32>} : memref<800x32xf32, #tpu.memory_space<vmem>>, vector<16xf32>,
        %mul3A_871 = arith.mulf %gather3A_863, %get3A_870 : vector<16xf32>
        %add3A_872 = arith.addf %broadcast_in_dim3A_834, %mul3A_871 : vector<16xf32>
        %get3A_873 = arith.constant 0 : i32
        %get3A_874 = arith.constant 0 : i32
        %get3A_875 = tpu.memref_slice %arg10[%scan3A_797, %get3A_873, %get3A_874] : memref<2x800x32xf32, #tpu.memory_space<vmem>> -> memref<1x800x32xf32, #tpu.memory_space<vmem>>
        %get3A_876 = tpu.memref_squeeze %get3A_875 : memref<1x800x32xf32, #tpu.memory_space<vmem>> -> memref<800x32xf32, #tpu.memory_space<vmem>>
        %get3A_877 = arith.index_cast %add3A_859 : i32 to index
        %get3A_878 = arith.constant 16 : index
        %get3A_879 = tpu.vector_load %get3A_876[%get3A_877, %get3A_878] {strides = array<i32>} : memref<800x32xf32, #tpu.memory_space<vmem>>, vector<16xf32>,
        %mul3A_880 = arith.mulf %gather3A_863, %get3A_879 : vector<16xf32>
        %add3A_881 = arith.addf %broadcast_in_dim3A_834, %mul3A_880 : vector<16xf32>
        %add3A_882 = arith.addf %broadcast_in_dim3A_834, %gather3A_863 : vector<16xf32>
        %add3A_883 = arith.constant 2 : i32
        %add3A_884 = arith.addi %mul3A_832, %add3A_883 : i32
        %add3A_885 = arith.constant 2 : i32
        %add3A_886 = vector.broadcast %add3A_885 : i32 to vector<16xi32>
        %add3A_887 = arith.addi %broadcast_in_dim3A, %add3A_886 : vector<16xi32>
        %gather3A_888 = tpu.vector_load_idx %arg9[%add3A_887] : memref<25600xf32, #tpu.memory_space<vmem>>[vector<16xi32>], vector<16xf32>,
        %get3A_889 = arith.constant 0 : i32
        %get3A_890 = arith.constant 0 : i32
        %get3A_891 = tpu.memref_slice %arg10[%scan3A_797, %get3A_889, %get3A_890] : memref<2x800x32xf32, #tpu.memory_space<vmem>> -> memref<1x800x32xf32, #tpu.memory_space<vmem>>
        %get3A_892 = tpu.memref_squeeze %get3A_891 : memref<1x800x32xf32, #tpu.memory_space<vmem>> -> memref<800x32xf32, #tpu.memory_space<vmem>>
        %get3A_893 = arith.index_cast %add3A_884 : i32 to index
        %get3A_894 = arith.constant 0 : index
        %get3A_895 = tpu.vector_load %get3A_892[%get3A_893, %get3A_894] {strides = array<i32>} : memref<800x32xf32, #tpu.memory_space<vmem>>, vector<16xf32>,
        %mul3A_896 = arith.mulf %gather3A_888, %get3A_895 : vector<16xf32>
        %add3A_897 = arith.addf %add3A_847, %mul3A_896 : vector<16xf32>
        %get3A_898 = arith.constant 0 : i32
        %get3A_899 = arith.constant 0 : i32
        %get3A_900 = tpu.memref_slice %arg10[%scan3A_797, %get3A_898, %get3A_899] : memref<2x800x32xf32, #tpu.memory_space<vmem>> -> memref<1x800x32xf32, #tpu.memory_space<vmem>>
        %get3A_901 = tpu.memref_squeeze %get3A_900 : memref<1x800x32xf32, #tpu.memory_space<vmem>> -> memref<800x32xf32, #tpu.memory_space<vmem>>
        %get3A_902 = arith.index_cast %add3A_884 : i32 to index
        %get3A_903 = arith.constant 16 : index
        %get3A_904 = tpu.vector_load %get3A_901[%get3A_902, %get3A_903] {strides = array<i32>} : memref<800x32xf32, #tpu.memory_space<vmem>>, vector<16xf32>,
        %mul3A_905 = arith.mulf %gather3A_888, %get3A_904 : vector<16xf32>
        %add3A_906 = arith.addf %add3A_856, %mul3A_905 : vector<16xf32>
        %add3A_907 = arith.addf %add3A_857, %gather3A_888 : vector<16xf32>
        %add3A_908 = arith.constant 3 : i32
        %add3A_909 = arith.addi %mul3A_832, %add3A_908 : i32
        %add3A_910 = arith.constant 3 : i32
        %add3A_911 = vector.broadcast %add3A_910 : i32 to vector<16xi32>
        %add3A_912 = arith.addi %broadcast_in_dim3A, %add3A_911 : vector<16xi32>
        %gather3A_913 = tpu.vector_load_idx %arg9[%add3A_912] : memref<25600xf32, #tpu.memory_space<vmem>>[vector<16xi32>], vector<16xf32>,
        %get3A_914 = arith.constant 0 : i32
        %get3A_915 = arith.constant 0 : i32
        %get3A_916 = tpu.memref_slice %arg10[%scan3A_797, %get3A_914, %get3A_915] : memref<2x800x32xf32, #tpu.memory_space<vmem>> -> memref<1x800x32xf32, #tpu.memory_space<vmem>>
        %get3A_917 = tpu.memref_squeeze %get3A_916 : memref<1x800x32xf32, #tpu.memory_space<vmem>> -> memref<800x32xf32, #tpu.memory_space<vmem>>
        %get3A_918 = arith.index_cast %add3A_909 : i32 to index
        %get3A_919 = arith.constant 0 : index
        %get3A_920 = tpu.vector_load %get3A_917[%get3A_918, %get3A_919] {strides = array<i32>} : memref<800x32xf32, #tpu.memory_space<vmem>>, vector<16xf32>,
        %mul3A_921 = arith.mulf %gather3A_913, %get3A_920 : vector<16xf32>
        %add3A_922 = arith.addf %add3A_872, %mul3A_921 : vector<16xf32>
        %get3A_923 = arith.constant 0 : i32
        %get3A_924 = arith.constant 0 : i32
        %get3A_925 = tpu.memref_slice %arg10[%scan3A_797, %get3A_923, %get3A_924] : memref<2x800x32xf32, #tpu.memory_space<vmem>> -> memref<1x800x32xf32, #tpu.memory_space<vmem>>
        %get3A_926 = tpu.memref_squeeze %get3A_925 : memref<1x800x32xf32, #tpu.memory_space<vmem>> -> memref<800x32xf32, #tpu.memory_space<vmem>>
        %get3A_927 = arith.index_cast %add3A_909 : i32 to index
        %get3A_928 = arith.constant 16 : index
        %get3A_929 = tpu.vector_load %get3A_926[%get3A_927, %get3A_928] {strides = array<i32>} : memref<800x32xf32, #tpu.memory_space<vmem>>, vector<16xf32>,
        %mul3A_930 = arith.mulf %gather3A_913, %get3A_929 : vector<16xf32>
        %add3A_931 = arith.addf %add3A_881, %mul3A_930 : vector<16xf32>
        %add3A_932 = arith.addf %add3A_882, %gather3A_913 : vector<16xf32>
        %add3A_933 = arith.constant 4 : i32
        %add3A_934 = arith.addi %mul3A_832, %add3A_933 : i32
        %add3A_935 = arith.constant 4 : i32
        %add3A_936 = vector.broadcast %add3A_935 : i32 to vector<16xi32>
        %add3A_937 = arith.addi %broadcast_in_dim3A, %add3A_936 : vector<16xi32>
        %gather3A_938 = tpu.vector_load_idx %arg9[%add3A_937] : memref<25600xf32, #tpu.memory_space<vmem>>[vector<16xi32>], vector<16xf32>,
        %get3A_939 = arith.constant 0 : i32
        %get3A_940 = arith.constant 0 : i32
        %get3A_941 = tpu.memref_slice %arg10[%scan3A_797, %get3A_939, %get3A_940] : memref<2x800x32xf32, #tpu.memory_space<vmem>> -> memref<1x800x32xf32, #tpu.memory_space<vmem>>
        %get3A_942 = tpu.memref_squeeze %get3A_941 : memref<1x800x32xf32, #tpu.memory_space<vmem>> -> memref<800x32xf32, #tpu.memory_space<vmem>>
        %get3A_943 = arith.index_cast %add3A_934 : i32 to index
        %get3A_944 = arith.constant 0 : index
        %get3A_945 = tpu.vector_load %get3A_942[%get3A_943, %get3A_944] {strides = array<i32>} : memref<800x32xf32, #tpu.memory_space<vmem>>, vector<16xf32>,
        %mul3A_946 = arith.mulf %gather3A_938, %get3A_945 : vector<16xf32>
        %add3A_947 = arith.addf %add3A_897, %mul3A_946 : vector<16xf32>
        %get3A_948 = arith.constant 0 : i32
        %get3A_949 = arith.constant 0 : i32
        %get3A_950 = tpu.memref_slice %arg10[%scan3A_797, %get3A_948, %get3A_949] : memref<2x800x32xf32, #tpu.memory_space<vmem>> -> memref<1x800x32xf32, #tpu.memory_space<vmem>>
        %get3A_951 = tpu.memref_squeeze %get3A_950 : memref<1x800x32xf32, #tpu.memory_space<vmem>> -> memref<800x32xf32, #tpu.memory_space<vmem>>
        %get3A_952 = arith.index_cast %add3A_934 : i32 to index
        %get3A_953 = arith.constant 16 : index
        %get3A_954 = tpu.vector_load %get3A_951[%get3A_952, %get3A_953] {strides = array<i32>} : memref<800x32xf32, #tpu.memory_space<vmem>>, vector<16xf32>,
        %mul3A_955 = arith.mulf %gather3A_938, %get3A_954 : vector<16xf32>
        %add3A_956 = arith.addf %add3A_906, %mul3A_955 : vector<16xf32>
        %add3A_957 = arith.addf %add3A_907, %gather3A_938 : vector<16xf32>
        %add3A_958 = arith.constant 5 : i32
        %add3A_959 = arith.addi %mul3A_832, %add3A_958 : i32
        %add3A_960 = arith.constant 5 : i32
        %add3A_961 = vector.broadcast %add3A_960 : i32 to vector<16xi32>
        %add3A_962 = arith.addi %broadcast_in_dim3A, %add3A_961 : vector<16xi32>
        %gather3A_963 = tpu.vector_load_idx %arg9[%add3A_962] : memref<25600xf32, #tpu.memory_space<vmem>>[vector<16xi32>], vector<16xf32>,
        %get3A_964 = arith.constant 0 : i32
        %get3A_965 = arith.constant 0 : i32
        %get3A_966 = tpu.memref_slice %arg10[%scan3A_797, %get3A_964, %get3A_965] : memref<2x800x32xf32, #tpu.memory_space<vmem>> -> memref<1x800x32xf32, #tpu.memory_space<vmem>>
        %get3A_967 = tpu.memref_squeeze %get3A_966 : memref<1x800x32xf32, #tpu.memory_space<vmem>> -> memref<800x32xf32, #tpu.memory_space<vmem>>
        %get3A_968 = arith.index_cast %add3A_959 : i32 to index
        %get3A_969 = arith.constant 0 : index
        %get3A_970 = tpu.vector_load %get3A_967[%get3A_968, %get3A_969] {strides = array<i32>} : memref<800x32xf32, #tpu.memory_space<vmem>>, vector<16xf32>,
        %mul3A_971 = arith.mulf %gather3A_963, %get3A_970 : vector<16xf32>
        %add3A_972 = arith.addf %add3A_922, %mul3A_971 : vector<16xf32>
        %get3A_973 = arith.constant 0 : i32
        %get3A_974 = arith.constant 0 : i32
        %get3A_975 = tpu.memref_slice %arg10[%scan3A_797, %get3A_973, %get3A_974] : memref<2x800x32xf32, #tpu.memory_space<vmem>> -> memref<1x800x32xf32, #tpu.memory_space<vmem>>
        %get3A_976 = tpu.memref_squeeze %get3A_975 : memref<1x800x32xf32, #tpu.memory_space<vmem>> -> memref<800x32xf32, #tpu.memory_space<vmem>>
        %get3A_977 = arith.index_cast %add3A_959 : i32 to index
        %get3A_978 = arith.constant 16 : index
        %get3A_979 = tpu.vector_load %get3A_976[%get3A_977, %get3A_978] {strides = array<i32>} : memref<800x32xf32, #tpu.memory_space<vmem>>, vector<16xf32>,
        %mul3A_980 = arith.mulf %gather3A_963, %get3A_979 : vector<16xf32>
        %add3A_981 = arith.addf %add3A_931, %mul3A_980 : vector<16xf32>
        %add3A_982 = arith.addf %add3A_932, %gather3A_963 : vector<16xf32>
        %add3A_983 = arith.constant 6 : i32
        %add3A_984 = arith.addi %mul3A_832, %add3A_983 : i32
        %add3A_985 = arith.constant 6 : i32
        %add3A_986 = vector.broadcast %add3A_985 : i32 to vector<16xi32>
        %add3A_987 = arith.addi %broadcast_in_dim3A, %add3A_986 : vector<16xi32>
        %gather3A_988 = tpu.vector_load_idx %arg9[%add3A_987] : memref<25600xf32, #tpu.memory_space<vmem>>[vector<16xi32>], vector<16xf32>,
        %get3A_989 = arith.constant 0 : i32
        %get3A_990 = arith.constant 0 : i32
        %get3A_991 = tpu.memref_slice %arg10[%scan3A_797, %get3A_989, %get3A_990] : memref<2x800x32xf32, #tpu.memory_space<vmem>> -> memref<1x800x32xf32, #tpu.memory_space<vmem>>
        %get3A_992 = tpu.memref_squeeze %get3A_991 : memref<1x800x32xf32, #tpu.memory_space<vmem>> -> memref<800x32xf32, #tpu.memory_space<vmem>>
        %get3A_993 = arith.index_cast %add3A_984 : i32 to index
        %get3A_994 = arith.constant 0 : index
        %get3A_995 = tpu.vector_load %get3A_992[%get3A_993, %get3A_994] {strides = array<i32>} : memref<800x32xf32, #tpu.memory_space<vmem>>, vector<16xf32>,
        %mul3A_996 = arith.mulf %gather3A_988, %get3A_995 : vector<16xf32>
        %add3A_997 = arith.addf %add3A_947, %mul3A_996 : vector<16xf32>
        %get3A_998 = arith.constant 0 : i32
        %get3A_999 = arith.constant 0 : i32
        %get3A_1000 = tpu.memref_slice %arg10[%scan3A_797, %get3A_998, %get3A_999] : memref<2x800x32xf32, #tpu.memory_space<vmem>> -> memref<1x800x32xf32, #tpu.memory_space<vmem>>
        %get3A_1001 = tpu.memref_squeeze %get3A_1000 : memref<1x800x32xf32, #tpu.memory_space<vmem>> -> memref<800x32xf32, #tpu.memory_space<vmem>>
        %get3A_1002 = arith.index_cast %add3A_984 : i32 to index
        %get3A_1003 = arith.constant 16 : index
        %get3A_1004 = tpu.vector_load %get3A_1001[%get3A_1002, %get3A_1003] {strides = array<i32>} : memref<800x32xf32, #tpu.memory_space<vmem>>, vector<16xf32>,
        %mul3A_1005 = arith.mulf %gather3A_988, %get3A_1004 : vector<16xf32>
        %add3A_1006 = arith.addf %add3A_956, %mul3A_1005 : vector<16xf32>
        %add3A_1007 = arith.addf %add3A_957, %gather3A_988 : vector<16xf32>
        %add3A_1008 = arith.constant 7 : i32
        %add3A_1009 = arith.addi %mul3A_832, %add3A_1008 : i32
        %add3A_1010 = arith.constant 7 : i32
        %add3A_1011 = vector.broadcast %add3A_1010 : i32 to vector<16xi32>
        %add3A_1012 = arith.addi %broadcast_in_dim3A, %add3A_1011 : vector<16xi32>
        %gather3A_1013 = tpu.vector_load_idx %arg9[%add3A_1012] : memref<25600xf32, #tpu.memory_space<vmem>>[vector<16xi32>], vector<16xf32>,
        %get3A_1014 = arith.constant 0 : i32
        %get3A_1015 = arith.constant 0 : i32
        %get3A_1016 = tpu.memref_slice %arg10[%scan3A_797, %get3A_1014, %get3A_1015] : memref<2x800x32xf32, #tpu.memory_space<vmem>> -> memref<1x800x32xf32, #tpu.memory_space<vmem>>
        %get3A_1017 = tpu.memref_squeeze %get3A_1016 : memref<1x800x32xf32, #tpu.memory_space<vmem>> -> memref<800x32xf32, #tpu.memory_space<vmem>>
        %get3A_1018 = arith.index_cast %add3A_1009 : i32 to index
        %get3A_1019 = arith.constant 0 : index
        %get3A_1020 = tpu.vector_load %get3A_1017[%get3A_1018, %get3A_1019] {strides = array<i32>} : memref<800x32xf32, #tpu.memory_space<vmem>>, vector<16xf32>,
        %mul3A_1021 = arith.mulf %gather3A_1013, %get3A_1020 : vector<16xf32>
        %add3A_1022 = arith.addf %add3A_972, %mul3A_1021 : vector<16xf32>
        %get3A_1023 = arith.constant 0 : i32
        %get3A_1024 = arith.constant 0 : i32
        %get3A_1025 = tpu.memref_slice %arg10[%scan3A_797, %get3A_1023, %get3A_1024] : memref<2x800x32xf32, #tpu.memory_space<vmem>> -> memref<1x800x32xf32, #tpu.memory_space<vmem>>
        %get3A_1026 = tpu.memref_squeeze %get3A_1025 : memref<1x800x32xf32, #tpu.memory_space<vmem>> -> memref<800x32xf32, #tpu.memory_space<vmem>>
        %get3A_1027 = arith.index_cast %add3A_1009 : i32 to index
        %get3A_1028 = arith.constant 16 : index
        %get3A_1029 = tpu.vector_load %get3A_1026[%get3A_1027, %get3A_1028] {strides = array<i32>} : memref<800x32xf32, #tpu.memory_space<vmem>>, vector<16xf32>,
        %mul3A_1030 = arith.mulf %gather3A_1013, %get3A_1029 : vector<16xf32>
        %add3A_1031 = arith.addf %add3A_981, %mul3A_1030 : vector<16xf32>
        %add3A_1032 = arith.addf %add3A_982, %gather3A_1013 : vector<16xf32>
        %add3A_1033 = arith.constant 8 : i32
        %add3A_1034 = arith.addi %mul3A_832, %add3A_1033 : i32
        %add3A_1035 = arith.constant 8 : i32
        %add3A_1036 = vector.broadcast %add3A_1035 : i32 to vector<16xi32>
        %add3A_1037 = arith.addi %broadcast_in_dim3A, %add3A_1036 : vector<16xi32>
        %gather3A_1038 = tpu.vector_load_idx %arg9[%add3A_1037] : memref<25600xf32, #tpu.memory_space<vmem>>[vector<16xi32>], vector<16xf32>,
        %get3A_1039 = arith.constant 0 : i32
        %get3A_1040 = arith.constant 0 : i32
        %get3A_1041 = tpu.memref_slice %arg10[%scan3A_797, %get3A_1039, %get3A_1040] : memref<2x800x32xf32, #tpu.memory_space<vmem>> -> memref<1x800x32xf32, #tpu.memory_space<vmem>>
        %get3A_1042 = tpu.memref_squeeze %get3A_1041 : memref<1x800x32xf32, #tpu.memory_space<vmem>> -> memref<800x32xf32, #tpu.memory_space<vmem>>
        %get3A_1043 = arith.index_cast %add3A_1034 : i32 to index
        %get3A_1044 = arith.constant 0 : index
        %get3A_1045 = tpu.vector_load %get3A_1042[%get3A_1043, %get3A_1044] {strides = array<i32>} : memref<800x32xf32, #tpu.memory_space<vmem>>, vector<16xf32>,
        %mul3A_1046 = arith.mulf %gather3A_1038, %get3A_1045 : vector<16xf32>
        %add3A_1047 = arith.addf %add3A_997, %mul3A_1046 : vector<16xf32>
        %get3A_1048 = arith.constant 0 : i32
        %get3A_1049 = arith.constant 0 : i32
        %get3A_1050 = tpu.memref_slice %arg10[%scan3A_797, %get3A_1048, %get3A_1049] : memref<2x800x32xf32, #tpu.memory_space<vmem>> -> memref<1x800x32xf32, #tpu.memory_space<vmem>>
        %get3A_1051 = tpu.memref_squeeze %get3A_1050 : memref<1x800x32xf32, #tpu.memory_space<vmem>> -> memref<800x32xf32, #tpu.memory_space<vmem>>
        %get3A_1052 = arith.index_cast %add3A_1034 : i32 to index
        %get3A_1053 = arith.constant 16 : index
        %get3A_1054 = tpu.vector_load %get3A_1051[%get3A_1052, %get3A_1053] {strides = array<i32>} : memref<800x32xf32, #tpu.memory_space<vmem>>, vector<16xf32>,
        %mul3A_1055 = arith.mulf %gather3A_1038, %get3A_1054 : vector<16xf32>
        %add3A_1056 = arith.addf %add3A_1006, %mul3A_1055 : vector<16xf32>
        %add3A_1057 = arith.addf %add3A_1007, %gather3A_1038 : vector<16xf32>
        %add3A_1058 = arith.constant 9 : i32
        %add3A_1059 = arith.addi %mul3A_832, %add3A_1058 : i32
        %add3A_1060 = arith.constant 9 : i32
        %add3A_1061 = vector.broadcast %add3A_1060 : i32 to vector<16xi32>
        %add3A_1062 = arith.addi %broadcast_in_dim3A, %add3A_1061 : vector<16xi32>
        %gather3A_1063 = tpu.vector_load_idx %arg9[%add3A_1062] : memref<25600xf32, #tpu.memory_space<vmem>>[vector<16xi32>], vector<16xf32>,
        %get3A_1064 = arith.constant 0 : i32
        %get3A_1065 = arith.constant 0 : i32
        %get3A_1066 = tpu.memref_slice %arg10[%scan3A_797, %get3A_1064, %get3A_1065] : memref<2x800x32xf32, #tpu.memory_space<vmem>> -> memref<1x800x32xf32, #tpu.memory_space<vmem>>
        %get3A_1067 = tpu.memref_squeeze %get3A_1066 : memref<1x800x32xf32, #tpu.memory_space<vmem>> -> memref<800x32xf32, #tpu.memory_space<vmem>>
        %get3A_1068 = arith.index_cast %add3A_1059 : i32 to index
        %get3A_1069 = arith.constant 0 : index
        %get3A_1070 = tpu.vector_load %get3A_1067[%get3A_1068, %get3A_1069] {strides = array<i32>} : memref<800x32xf32, #tpu.memory_space<vmem>>, vector<16xf32>,
        %mul3A_1071 = arith.mulf %gather3A_1063, %get3A_1070 : vector<16xf32>
        %add3A_1072 = arith.addf %add3A_1022, %mul3A_1071 : vector<16xf32>
        %get3A_1073 = arith.constant 0 : i32
        %get3A_1074 = arith.constant 0 : i32
        %get3A_1075 = tpu.memref_slice %arg10[%scan3A_797, %get3A_1073, %get3A_1074] : memref<2x800x32xf32, #tpu.memory_space<vmem>> -> memref<1x800x32xf32, #tpu.memory_space<vmem>>
        %get3A_1076 = tpu.memref_squeeze %get3A_1075 : memref<1x800x32xf32, #tpu.memory_space<vmem>> -> memref<800x32xf32, #tpu.memory_space<vmem>>
        %get3A_1077 = arith.index_cast %add3A_1059 : i32 to index
        %get3A_1078 = arith.constant 16 : index
        %get3A_1079 = tpu.vector_load %get3A_1076[%get3A_1077, %get3A_1078] {strides = array<i32>} : memref<800x32xf32, #tpu.memory_space<vmem>>, vector<16xf32>,
        %mul3A_1080 = arith.mulf %gather3A_1063, %get3A_1079 : vector<16xf32>
        %add3A_1081 = arith.addf %add3A_1031, %mul3A_1080 : vector<16xf32>
        %add3A_1082 = arith.addf %add3A_1032, %gather3A_1063 : vector<16xf32>
        %add3A_1083 = arith.constant 10 : i32
        %add3A_1084 = arith.addi %mul3A_832, %add3A_1083 : i32
        %add3A_1085 = arith.constant 10 : i32
        %add3A_1086 = vector.broadcast %add3A_1085 : i32 to vector<16xi32>
        %add3A_1087 = arith.addi %broadcast_in_dim3A, %add3A_1086 : vector<16xi32>
        %gather3A_1088 = tpu.vector_load_idx %arg9[%add3A_1087] : memref<25600xf32, #tpu.memory_space<vmem>>[vector<16xi32>], vector<16xf32>,
        %get3A_1089 = arith.constant 0 : i32
        %get3A_1090 = arith.constant 0 : i32
        %get3A_1091 = tpu.memref_slice %arg10[%scan3A_797, %get3A_1089, %get3A_1090] : memref<2x800x32xf32, #tpu.memory_space<vmem>> -> memref<1x800x32xf32, #tpu.memory_space<vmem>>
        %get3A_1092 = tpu.memref_squeeze %get3A_1091 : memref<1x800x32xf32, #tpu.memory_space<vmem>> -> memref<800x32xf32, #tpu.memory_space<vmem>>
        %get3A_1093 = arith.index_cast %add3A_1084 : i32 to index
        %get3A_1094 = arith.constant 0 : index
        %get3A_1095 = tpu.vector_load %get3A_1092[%get3A_1093, %get3A_1094] {strides = array<i32>} : memref<800x32xf32, #tpu.memory_space<vmem>>, vector<16xf32>,
        %mul3A_1096 = arith.mulf %gather3A_1088, %get3A_1095 : vector<16xf32>
        %add3A_1097 = arith.addf %add3A_1047, %mul3A_1096 : vector<16xf32>
        %get3A_1098 = arith.constant 0 : i32
        %get3A_1099 = arith.constant 0 : i32
        %get3A_1100 = tpu.memref_slice %arg10[%scan3A_797, %get3A_1098, %get3A_1099] : memref<2x800x32xf32, #tpu.memory_space<vmem>> -> memref<1x800x32xf32, #tpu.memory_space<vmem>>
        %get3A_1101 = tpu.memref_squeeze %get3A_1100 : memref<1x800x32xf32, #tpu.memory_space<vmem>> -> memref<800x32xf32, #tpu.memory_space<vmem>>
        %get3A_1102 = arith.index_cast %add3A_1084 : i32 to index
        %get3A_1103 = arith.constant 16 : index
        %get3A_1104 = tpu.vector_load %get3A_1101[%get3A_1102, %get3A_1103] {strides = array<i32>} : memref<800x32xf32, #tpu.memory_space<vmem>>, vector<16xf32>,
        %mul3A_1105 = arith.mulf %gather3A_1088, %get3A_1104 : vector<16xf32>
        %add3A_1106 = arith.addf %add3A_1056, %mul3A_1105 : vector<16xf32>
        %add3A_1107 = arith.addf %add3A_1057, %gather3A_1088 : vector<16xf32>
        %add3A_1108 = arith.constant 11 : i32
        %add3A_1109 = arith.addi %mul3A_832, %add3A_1108 : i32
        %add3A_1110 = arith.constant 11 : i32
        %add3A_1111 = vector.broadcast %add3A_1110 : i32 to vector<16xi32>
        %add3A_1112 = arith.addi %broadcast_in_dim3A, %add3A_1111 : vector<16xi32>
        %gather3A_1113 = tpu.vector_load_idx %arg9[%add3A_1112] : memref<25600xf32, #tpu.memory_space<vmem>>[vector<16xi32>], vector<16xf32>,
        %get3A_1114 = arith.constant 0 : i32
        %get3A_1115 = arith.constant 0 : i32
        %get3A_1116 = tpu.memref_slice %arg10[%scan3A_797, %get3A_1114, %get3A_1115] : memref<2x800x32xf32, #tpu.memory_space<vmem>> -> memref<1x800x32xf32, #tpu.memory_space<vmem>>
        %get3A_1117 = tpu.memref_squeeze %get3A_1116 : memref<1x800x32xf32, #tpu.memory_space<vmem>> -> memref<800x32xf32, #tpu.memory_space<vmem>>
        %get3A_1118 = arith.index_cast %add3A_1109 : i32 to index
        %get3A_1119 = arith.constant 0 : index
        %get3A_1120 = tpu.vector_load %get3A_1117[%get3A_1118, %get3A_1119] {strides = array<i32>} : memref<800x32xf32, #tpu.memory_space<vmem>>, vector<16xf32>,
        %mul3A_1121 = arith.mulf %gather3A_1113, %get3A_1120 : vector<16xf32>
        %add3A_1122 = arith.addf %add3A_1072, %mul3A_1121 : vector<16xf32>
        %get3A_1123 = arith.constant 0 : i32
        %get3A_1124 = arith.constant 0 : i32
        %get3A_1125 = tpu.memref_slice %arg10[%scan3A_797, %get3A_1123, %get3A_1124] : memref<2x800x32xf32, #tpu.memory_space<vmem>> -> memref<1x800x32xf32, #tpu.memory_space<vmem>>
        %get3A_1126 = tpu.memref_squeeze %get3A_1125 : memref<1x800x32xf32, #tpu.memory_space<vmem>> -> memref<800x32xf32, #tpu.memory_space<vmem>>
        %get3A_1127 = arith.index_cast %add3A_1109 : i32 to index
        %get3A_1128 = arith.constant 16 : index
        %get3A_1129 = tpu.vector_load %get3A_1126[%get3A_1127, %get3A_1128] {strides = array<i32>} : memref<800x32xf32, #tpu.memory_space<vmem>>, vector<16xf32>,
        %mul3A_1130 = arith.mulf %gather3A_1113, %get3A_1129 : vector<16xf32>
        %add3A_1131 = arith.addf %add3A_1081, %mul3A_1130 : vector<16xf32>
        %add3A_1132 = arith.addf %add3A_1082, %gather3A_1113 : vector<16xf32>
        %add3A_1133 = arith.constant 12 : i32
        %add3A_1134 = arith.addi %mul3A_832, %add3A_1133 : i32
        %add3A_1135 = arith.constant 12 : i32
        %add3A_1136 = vector.broadcast %add3A_1135 : i32 to vector<16xi32>
        %add3A_1137 = arith.addi %broadcast_in_dim3A, %add3A_1136 : vector<16xi32>
        %gather3A_1138 = tpu.vector_load_idx %arg9[%add3A_1137] : memref<25600xf32, #tpu.memory_space<vmem>>[vector<16xi32>], vector<16xf32>,
        %get3A_1139 = arith.constant 0 : i32
        %get3A_1140 = arith.constant 0 : i32
        %get3A_1141 = tpu.memref_slice %arg10[%scan3A_797, %get3A_1139, %get3A_1140] : memref<2x800x32xf32, #tpu.memory_space<vmem>> -> memref<1x800x32xf32, #tpu.memory_space<vmem>>
        %get3A_1142 = tpu.memref_squeeze %get3A_1141 : memref<1x800x32xf32, #tpu.memory_space<vmem>> -> memref<800x32xf32, #tpu.memory_space<vmem>>
        %get3A_1143 = arith.index_cast %add3A_1134 : i32 to index
        %get3A_1144 = arith.constant 0 : index
        %get3A_1145 = tpu.vector_load %get3A_1142[%get3A_1143, %get3A_1144] {strides = array<i32>} : memref<800x32xf32, #tpu.memory_space<vmem>>, vector<16xf32>,
        %mul3A_1146 = arith.mulf %gather3A_1138, %get3A_1145 : vector<16xf32>
        %add3A_1147 = arith.addf %add3A_1097, %mul3A_1146 : vector<16xf32>
        %get3A_1148 = arith.constant 0 : i32
        %get3A_1149 = arith.constant 0 : i32
        %get3A_1150 = tpu.memref_slice %arg10[%scan3A_797, %get3A_1148, %get3A_1149] : memref<2x800x32xf32, #tpu.memory_space<vmem>> -> memref<1x800x32xf32, #tpu.memory_space<vmem>>
        %get3A_1151 = tpu.memref_squeeze %get3A_1150 : memref<1x800x32xf32, #tpu.memory_space<vmem>> -> memref<800x32xf32, #tpu.memory_space<vmem>>
        %get3A_1152 = arith.index_cast %add3A_1134 : i32 to index
        %get3A_1153 = arith.constant 16 : index
        %get3A_1154 = tpu.vector_load %get3A_1151[%get3A_1152, %get3A_1153] {strides = array<i32>} : memref<800x32xf32, #tpu.memory_space<vmem>>, vector<16xf32>,
        %mul3A_1155 = arith.mulf %gather3A_1138, %get3A_1154 : vector<16xf32>
        %add3A_1156 = arith.addf %add3A_1106, %mul3A_1155 : vector<16xf32>
        %add3A_1157 = arith.addf %add3A_1107, %gather3A_1138 : vector<16xf32>
        %add3A_1158 = arith.constant 13 : i32
        %add3A_1159 = arith.addi %mul3A_832, %add3A_1158 : i32
        %add3A_1160 = arith.constant 13 : i32
        %add3A_1161 = vector.broadcast %add3A_1160 : i32 to vector<16xi32>
        %add3A_1162 = arith.addi %broadcast_in_dim3A, %add3A_1161 : vector<16xi32>
        %gather3A_1163 = tpu.vector_load_idx %arg9[%add3A_1162] : memref<25600xf32, #tpu.memory_space<vmem>>[vector<16xi32>], vector<16xf32>,
        %get3A_1164 = arith.constant 0 : i32
        %get3A_1165 = arith.constant 0 : i32
        %get3A_1166 = tpu.memref_slice %arg10[%scan3A_797, %get3A_1164, %get3A_1165] : memref<2x800x32xf32, #tpu.memory_space<vmem>> -> memref<1x800x32xf32, #tpu.memory_space<vmem>>
        %get3A_1167 = tpu.memref_squeeze %get3A_1166 : memref<1x800x32xf32, #tpu.memory_space<vmem>> -> memref<800x32xf32, #tpu.memory_space<vmem>>
        %get3A_1168 = arith.index_cast %add3A_1159 : i32 to index
        %get3A_1169 = arith.constant 0 : index
        %get3A_1170 = tpu.vector_load %get3A_1167[%get3A_1168, %get3A_1169] {strides = array<i32>} : memref<800x32xf32, #tpu.memory_space<vmem>>, vector<16xf32>,
        %mul3A_1171 = arith.mulf %gather3A_1163, %get3A_1170 : vector<16xf32>
        %add3A_1172 = arith.addf %add3A_1122, %mul3A_1171 : vector<16xf32>
        %get3A_1173 = arith.constant 0 : i32
        %get3A_1174 = arith.constant 0 : i32
        %get3A_1175 = tpu.memref_slice %arg10[%scan3A_797, %get3A_1173, %get3A_1174] : memref<2x800x32xf32, #tpu.memory_space<vmem>> -> memref<1x800x32xf32, #tpu.memory_space<vmem>>
        %get3A_1176 = tpu.memref_squeeze %get3A_1175 : memref<1x800x32xf32, #tpu.memory_space<vmem>> -> memref<800x32xf32, #tpu.memory_space<vmem>>
        %get3A_1177 = arith.index_cast %add3A_1159 : i32 to index
        %get3A_1178 = arith.constant 16 : index
        %get3A_1179 = tpu.vector_load %get3A_1176[%get3A_1177, %get3A_1178] {strides = array<i32>} : memref<800x32xf32, #tpu.memory_space<vmem>>, vector<16xf32>,
        %mul3A_1180 = arith.mulf %gather3A_1163, %get3A_1179 : vector<16xf32>
        %add3A_1181 = arith.addf %add3A_1131, %mul3A_1180 : vector<16xf32>
        %add3A_1182 = arith.addf %add3A_1132, %gather3A_1163 : vector<16xf32>
        %add3A_1183 = arith.constant 14 : i32
        %add3A_1184 = arith.addi %mul3A_832, %add3A_1183 : i32
        %add3A_1185 = arith.constant 14 : i32
        %add3A_1186 = vector.broadcast %add3A_1185 : i32 to vector<16xi32>
        %add3A_1187 = arith.addi %broadcast_in_dim3A, %add3A_1186 : vector<16xi32>
        %gather3A_1188 = tpu.vector_load_idx %arg9[%add3A_1187] : memref<25600xf32, #tpu.memory_space<vmem>>[vector<16xi32>], vector<16xf32>,
        %get3A_1189 = arith.constant 0 : i32
        %get3A_1190 = arith.constant 0 : i32
        %get3A_1191 = tpu.memref_slice %arg10[%scan3A_797, %get3A_1189, %get3A_1190] : memref<2x800x32xf32, #tpu.memory_space<vmem>> -> memref<1x800x32xf32, #tpu.memory_space<vmem>>
        %get3A_1192 = tpu.memref_squeeze %get3A_1191 : memref<1x800x32xf32, #tpu.memory_space<vmem>> -> memref<800x32xf32, #tpu.memory_space<vmem>>
        %get3A_1193 = arith.index_cast %add3A_1184 : i32 to index
        %get3A_1194 = arith.constant 0 : index
        %get3A_1195 = tpu.vector_load %get3A_1192[%get3A_1193, %get3A_1194] {strides = array<i32>} : memref<800x32xf32, #tpu.memory_space<vmem>>, vector<16xf32>,
        %mul3A_1196 = arith.mulf %gather3A_1188, %get3A_1195 : vector<16xf32>
        %add3A_1197 = arith.addf %add3A_1147, %mul3A_1196 : vector<16xf32>
        %get3A_1198 = arith.constant 0 : i32
        %get3A_1199 = arith.constant 0 : i32
        %get3A_1200 = tpu.memref_slice %arg10[%scan3A_797, %get3A_1198, %get3A_1199] : memref<2x800x32xf32, #tpu.memory_space<vmem>> -> memref<1x800x32xf32, #tpu.memory_space<vmem>>
        %get3A_1201 = tpu.memref_squeeze %get3A_1200 : memref<1x800x32xf32, #tpu.memory_space<vmem>> -> memref<800x32xf32, #tpu.memory_space<vmem>>
        %get3A_1202 = arith.index_cast %add3A_1184 : i32 to index
        %get3A_1203 = arith.constant 16 : index
        %get3A_1204 = tpu.vector_load %get3A_1201[%get3A_1202, %get3A_1203] {strides = array<i32>} : memref<800x32xf32, #tpu.memory_space<vmem>>, vector<16xf32>,
        %mul3A_1205 = arith.mulf %gather3A_1188, %get3A_1204 : vector<16xf32>
        %add3A_1206 = arith.addf %add3A_1156, %mul3A_1205 : vector<16xf32>
        %add3A_1207 = arith.addf %add3A_1157, %gather3A_1188 : vector<16xf32>
        %add3A_1208 = arith.constant 15 : i32
        %add3A_1209 = arith.addi %mul3A_832, %add3A_1208 : i32
        %add3A_1210 = arith.constant 15 : i32
        %add3A_1211 = vector.broadcast %add3A_1210 : i32 to vector<16xi32>
        %add3A_1212 = arith.addi %broadcast_in_dim3A, %add3A_1211 : vector<16xi32>
        %gather3A_1213 = tpu.vector_load_idx %arg9[%add3A_1212] : memref<25600xf32, #tpu.memory_space<vmem>>[vector<16xi32>], vector<16xf32>,
        %get3A_1214 = arith.constant 0 : i32
        %get3A_1215 = arith.constant 0 : i32
        %get3A_1216 = tpu.memref_slice %arg10[%scan3A_797, %get3A_1214, %get3A_1215] : memref<2x800x32xf32, #tpu.memory_space<vmem>> -> memref<1x800x32xf32, #tpu.memory_space<vmem>>
        %get3A_1217 = tpu.memref_squeeze %get3A_1216 : memref<1x800x32xf32, #tpu.memory_space<vmem>> -> memref<800x32xf32, #tpu.memory_space<vmem>>
        %get3A_1218 = arith.index_cast %add3A_1209 : i32 to index
        %get3A_1219 = arith.constant 0 : index
        %get3A_1220 = tpu.vector_load %get3A_1217[%get3A_1218, %get3A_1219] {strides = array<i32>} : memref<800x32xf32, #tpu.memory_space<vmem>>, vector<16xf32>,
        %mul3A_1221 = arith.mulf %gather3A_1213, %get3A_1220 : vector<16xf32>
        %add3A_1222 = arith.addf %add3A_1172, %mul3A_1221 : vector<16xf32>
        %get3A_1223 = arith.constant 0 : i32
        %get3A_1224 = arith.constant 0 : i32
        %get3A_1225 = tpu.memref_slice %arg10[%scan3A_797, %get3A_1223, %get3A_1224] : memref<2x800x32xf32, #tpu.memory_space<vmem>> -> memref<1x800x32xf32, #tpu.memory_space<vmem>>
        %get3A_1226 = tpu.memref_squeeze %get3A_1225 : memref<1x800x32xf32, #tpu.memory_space<vmem>> -> memref<800x32xf32, #tpu.memory_space<vmem>>
        %get3A_1227 = arith.index_cast %add3A_1209 : i32 to index
        %get3A_1228 = arith.constant 16 : index
        %get3A_1229 = tpu.vector_load %get3A_1226[%get3A_1227, %get3A_1228] {strides = array<i32>} : memref<800x32xf32, #tpu.memory_space<vmem>>, vector<16xf32>,
        %mul3A_1230 = arith.mulf %gather3A_1213, %get3A_1229 : vector<16xf32>
        %add3A_1231 = arith.addf %add3A_1181, %mul3A_1230 : vector<16xf32>
        %add3A_1232 = arith.addf %add3A_1182, %gather3A_1213 : vector<16xf32>
        %add3A_1233 = arith.constant 16 : i32
        %add3A_1234 = arith.addi %mul3A_832, %add3A_1233 : i32
        %add3A_1235 = arith.constant 16 : i32
        %add3A_1236 = vector.broadcast %add3A_1235 : i32 to vector<16xi32>
        %add3A_1237 = arith.addi %broadcast_in_dim3A, %add3A_1236 : vector<16xi32>
        %gather3A_1238 = tpu.vector_load_idx %arg9[%add3A_1237] : memref<25600xf32, #tpu.memory_space<vmem>>[vector<16xi32>], vector<16xf32>,
        %get3A_1239 = arith.constant 0 : i32
        %get3A_1240 = arith.constant 0 : i32
        %get3A_1241 = tpu.memref_slice %arg10[%scan3A_797, %get3A_1239, %get3A_1240] : memref<2x800x32xf32, #tpu.memory_space<vmem>> -> memref<1x800x32xf32, #tpu.memory_space<vmem>>
        %get3A_1242 = tpu.memref_squeeze %get3A_1241 : memref<1x800x32xf32, #tpu.memory_space<vmem>> -> memref<800x32xf32, #tpu.memory_space<vmem>>
        %get3A_1243 = arith.index_cast %add3A_1234 : i32 to index
        %get3A_1244 = arith.constant 0 : index
        %get3A_1245 = tpu.vector_load %get3A_1242[%get3A_1243, %get3A_1244] {strides = array<i32>} : memref<800x32xf32, #tpu.memory_space<vmem>>, vector<16xf32>,
        %mul3A_1246 = arith.mulf %gather3A_1238, %get3A_1245 : vector<16xf32>
        %add3A_1247 = arith.addf %add3A_1197, %mul3A_1246 : vector<16xf32>
        %get3A_1248 = arith.constant 0 : i32
        %get3A_1249 = arith.constant 0 : i32
        %get3A_1250 = tpu.memref_slice %arg10[%scan3A_797, %get3A_1248, %get3A_1249] : memref<2x800x32xf32, #tpu.memory_space<vmem>> -> memref<1x800x32xf32, #tpu.memory_space<vmem>>
        %get3A_1251 = tpu.memref_squeeze %get3A_1250 : memref<1x800x32xf32, #tpu.memory_space<vmem>> -> memref<800x32xf32, #tpu.memory_space<vmem>>
        %get3A_1252 = arith.index_cast %add3A_1234 : i32 to index
        %get3A_1253 = arith.constant 16 : index
        %get3A_1254 = tpu.vector_load %get3A_1251[%get3A_1252, %get3A_1253] {strides = array<i32>} : memref<800x32xf32, #tpu.memory_space<vmem>>, vector<16xf32>,
        %mul3A_1255 = arith.mulf %gather3A_1238, %get3A_1254 : vector<16xf32>
        %add3A_1256 = arith.addf %add3A_1206, %mul3A_1255 : vector<16xf32>
        %add3A_1257 = arith.addf %add3A_1207, %gather3A_1238 : vector<16xf32>
        %add3A_1258 = arith.constant 17 : i32
        %add3A_1259 = arith.addi %mul3A_832, %add3A_1258 : i32
        %add3A_1260 = arith.constant 17 : i32
        %add3A_1261 = vector.broadcast %add3A_1260 : i32 to vector<16xi32>
        %add3A_1262 = arith.addi %broadcast_in_dim3A, %add3A_1261 : vector<16xi32>
        %gather3A_1263 = tpu.vector_load_idx %arg9[%add3A_1262] : memref<25600xf32, #tpu.memory_space<vmem>>[vector<16xi32>], vector<16xf32>,
        %get3A_1264 = arith.constant 0 : i32
        %get3A_1265 = arith.constant 0 : i32
        %get3A_1266 = tpu.memref_slice %arg10[%scan3A_797, %get3A_1264, %get3A_1265] : memref<2x800x32xf32, #tpu.memory_space<vmem>> -> memref<1x800x32xf32, #tpu.memory_space<vmem>>
        %get3A_1267 = tpu.memref_squeeze %get3A_1266 : memref<1x800x32xf32, #tpu.memory_space<vmem>> -> memref<800x32xf32, #tpu.memory_space<vmem>>
        %get3A_1268 = arith.index_cast %add3A_1259 : i32 to index
        %get3A_1269 = arith.constant 0 : index
        %get3A_1270 = tpu.vector_load %get3A_1267[%get3A_1268, %get3A_1269] {strides = array<i32>} : memref<800x32xf32, #tpu.memory_space<vmem>>, vector<16xf32>,
        %mul3A_1271 = arith.mulf %gather3A_1263, %get3A_1270 : vector<16xf32>
        %add3A_1272 = arith.addf %add3A_1222, %mul3A_1271 : vector<16xf32>
        %get3A_1273 = arith.constant 0 : i32
        %get3A_1274 = arith.constant 0 : i32
        %get3A_1275 = tpu.memref_slice %arg10[%scan3A_797, %get3A_1273, %get3A_1274] : memref<2x800x32xf32, #tpu.memory_space<vmem>> -> memref<1x800x32xf32, #tpu.memory_space<vmem>>
        %get3A_1276 = tpu.memref_squeeze %get3A_1275 : memref<1x800x32xf32, #tpu.memory_space<vmem>> -> memref<800x32xf32, #tpu.memory_space<vmem>>
        %get3A_1277 = arith.index_cast %add3A_1259 : i32 to index
        %get3A_1278 = arith.constant 16 : index
        %get3A_1279 = tpu.vector_load %get3A_1276[%get3A_1277, %get3A_1278] {strides = array<i32>} : memref<800x32xf32, #tpu.memory_space<vmem>>, vector<16xf32>,
        %mul3A_1280 = arith.mulf %gather3A_1263, %get3A_1279 : vector<16xf32>
        %add3A_1281 = arith.addf %add3A_1231, %mul3A_1280 : vector<16xf32>
        %add3A_1282 = arith.addf %add3A_1232, %gather3A_1263 : vector<16xf32>
        %add3A_1283 = arith.constant 18 : i32
        %add3A_1284 = arith.addi %mul3A_832, %add3A_1283 : i32
        %add3A_1285 = arith.constant 18 : i32
        %add3A_1286 = vector.broadcast %add3A_1285 : i32 to vector<16xi32>
        %add3A_1287 = arith.addi %broadcast_in_dim3A, %add3A_1286 : vector<16xi32>
        %gather3A_1288 = tpu.vector_load_idx %arg9[%add3A_1287] : memref<25600xf32, #tpu.memory_space<vmem>>[vector<16xi32>], vector<16xf32>,
        %get3A_1289 = arith.constant 0 : i32
        %get3A_1290 = arith.constant 0 : i32
        %get3A_1291 = tpu.memref_slice %arg10[%scan3A_797, %get3A_1289, %get3A_1290] : memref<2x800x32xf32, #tpu.memory_space<vmem>> -> memref<1x800x32xf32, #tpu.memory_space<vmem>>
        %get3A_1292 = tpu.memref_squeeze %get3A_1291 : memref<1x800x32xf32, #tpu.memory_space<vmem>> -> memref<800x32xf32, #tpu.memory_space<vmem>>
        %get3A_1293 = arith.index_cast %add3A_1284 : i32 to index
        %get3A_1294 = arith.constant 0 : index
        %get3A_1295 = tpu.vector_load %get3A_1292[%get3A_1293, %get3A_1294] {strides = array<i32>} : memref<800x32xf32, #tpu.memory_space<vmem>>, vector<16xf32>,
        %mul3A_1296 = arith.mulf %gather3A_1288, %get3A_1295 : vector<16xf32>
        %add3A_1297 = arith.addf %add3A_1247, %mul3A_1296 : vector<16xf32>
        %get3A_1298 = arith.constant 0 : i32
        %get3A_1299 = arith.constant 0 : i32
        %get3A_1300 = tpu.memref_slice %arg10[%scan3A_797, %get3A_1298, %get3A_1299] : memref<2x800x32xf32, #tpu.memory_space<vmem>> -> memref<1x800x32xf32, #tpu.memory_space<vmem>>
        %get3A_1301 = tpu.memref_squeeze %get3A_1300 : memref<1x800x32xf32, #tpu.memory_space<vmem>> -> memref<800x32xf32, #tpu.memory_space<vmem>>
        %get3A_1302 = arith.index_cast %add3A_1284 : i32 to index
        %get3A_1303 = arith.constant 16 : index
        %get3A_1304 = tpu.vector_load %get3A_1301[%get3A_1302, %get3A_1303] {strides = array<i32>} : memref<800x32xf32, #tpu.memory_space<vmem>>, vector<16xf32>,
        %mul3A_1305 = arith.mulf %gather3A_1288, %get3A_1304 : vector<16xf32>
        %add3A_1306 = arith.addf %add3A_1256, %mul3A_1305 : vector<16xf32>
        %add3A_1307 = arith.addf %add3A_1257, %gather3A_1288 : vector<16xf32>
        %add3A_1308 = arith.constant 19 : i32
        %add3A_1309 = arith.addi %mul3A_832, %add3A_1308 : i32
        %add3A_1310 = arith.constant 19 : i32
        %add3A_1311 = vector.broadcast %add3A_1310 : i32 to vector<16xi32>
        %add3A_1312 = arith.addi %broadcast_in_dim3A, %add3A_1311 : vector<16xi32>
        %gather3A_1313 = tpu.vector_load_idx %arg9[%add3A_1312] : memref<25600xf32, #tpu.memory_space<vmem>>[vector<16xi32>], vector<16xf32>,
        %get3A_1314 = arith.constant 0 : i32
        %get3A_1315 = arith.constant 0 : i32
        %get3A_1316 = tpu.memref_slice %arg10[%scan3A_797, %get3A_1314, %get3A_1315] : memref<2x800x32xf32, #tpu.memory_space<vmem>> -> memref<1x800x32xf32, #tpu.memory_space<vmem>>
        %get3A_1317 = tpu.memref_squeeze %get3A_1316 : memref<1x800x32xf32, #tpu.memory_space<vmem>> -> memref<800x32xf32, #tpu.memory_space<vmem>>
        %get3A_1318 = arith.index_cast %add3A_1309 : i32 to index
        %get3A_1319 = arith.constant 0 : index
        %get3A_1320 = tpu.vector_load %get3A_1317[%get3A_1318, %get3A_1319] {strides = array<i32>} : memref<800x32xf32, #tpu.memory_space<vmem>>, vector<16xf32>,
        %mul3A_1321 = arith.mulf %gather3A_1313, %get3A_1320 : vector<16xf32>
        %add3A_1322 = arith.addf %add3A_1272, %mul3A_1321 : vector<16xf32>
        %get3A_1323 = arith.constant 0 : i32
        %get3A_1324 = arith.constant 0 : i32
        %get3A_1325 = tpu.memref_slice %arg10[%scan3A_797, %get3A_1323, %get3A_1324] : memref<2x800x32xf32, #tpu.memory_space<vmem>> -> memref<1x800x32xf32, #tpu.memory_space<vmem>>
        %get3A_1326 = tpu.memref_squeeze %get3A_1325 : memref<1x800x32xf32, #tpu.memory_space<vmem>> -> memref<800x32xf32, #tpu.memory_space<vmem>>
        %get3A_1327 = arith.index_cast %add3A_1309 : i32 to index
        %get3A_1328 = arith.constant 16 : index
        %get3A_1329 = tpu.vector_load %get3A_1326[%get3A_1327, %get3A_1328] {strides = array<i32>} : memref<800x32xf32, #tpu.memory_space<vmem>>, vector<16xf32>,
        %mul3A_1330 = arith.mulf %gather3A_1313, %get3A_1329 : vector<16xf32>
        %add3A_1331 = arith.addf %add3A_1281, %mul3A_1330 : vector<16xf32>
        %add3A_1332 = arith.addf %add3A_1282, %gather3A_1313 : vector<16xf32>
        %add3A_1333 = arith.constant 20 : i32
        %add3A_1334 = arith.addi %mul3A_832, %add3A_1333 : i32
        %add3A_1335 = arith.constant 20 : i32
        %add3A_1336 = vector.broadcast %add3A_1335 : i32 to vector<16xi32>
        %add3A_1337 = arith.addi %broadcast_in_dim3A, %add3A_1336 : vector<16xi32>
        %gather3A_1338 = tpu.vector_load_idx %arg9[%add3A_1337] : memref<25600xf32, #tpu.memory_space<vmem>>[vector<16xi32>], vector<16xf32>,
        %get3A_1339 = arith.constant 0 : i32
        %get3A_1340 = arith.constant 0 : i32
        %get3A_1341 = tpu.memref_slice %arg10[%scan3A_797, %get3A_1339, %get3A_1340] : memref<2x800x32xf32, #tpu.memory_space<vmem>> -> memref<1x800x32xf32, #tpu.memory_space<vmem>>
        %get3A_1342 = tpu.memref_squeeze %get3A_1341 : memref<1x800x32xf32, #tpu.memory_space<vmem>> -> memref<800x32xf32, #tpu.memory_space<vmem>>
        %get3A_1343 = arith.index_cast %add3A_1334 : i32 to index
        %get3A_1344 = arith.constant 0 : index
        %get3A_1345 = tpu.vector_load %get3A_1342[%get3A_1343, %get3A_1344] {strides = array<i32>} : memref<800x32xf32, #tpu.memory_space<vmem>>, vector<16xf32>,
        %mul3A_1346 = arith.mulf %gather3A_1338, %get3A_1345 : vector<16xf32>
        %add3A_1347 = arith.addf %add3A_1297, %mul3A_1346 : vector<16xf32>
        %get3A_1348 = arith.constant 0 : i32
        %get3A_1349 = arith.constant 0 : i32
        %get3A_1350 = tpu.memref_slice %arg10[%scan3A_797, %get3A_1348, %get3A_1349] : memref<2x800x32xf32, #tpu.memory_space<vmem>> -> memref<1x800x32xf32, #tpu.memory_space<vmem>>
        %get3A_1351 = tpu.memref_squeeze %get3A_1350 : memref<1x800x32xf32, #tpu.memory_space<vmem>> -> memref<800x32xf32, #tpu.memory_space<vmem>>
        %get3A_1352 = arith.index_cast %add3A_1334 : i32 to index
        %get3A_1353 = arith.constant 16 : index
        %get3A_1354 = tpu.vector_load %get3A_1351[%get3A_1352, %get3A_1353] {strides = array<i32>} : memref<800x32xf32, #tpu.memory_space<vmem>>, vector<16xf32>,
        %mul3A_1355 = arith.mulf %gather3A_1338, %get3A_1354 : vector<16xf32>
        %add3A_1356 = arith.addf %add3A_1306, %mul3A_1355 : vector<16xf32>
        %add3A_1357 = arith.addf %add3A_1307, %gather3A_1338 : vector<16xf32>
        %add3A_1358 = arith.constant 21 : i32
        %add3A_1359 = arith.addi %mul3A_832, %add3A_1358 : i32
        %add3A_1360 = arith.constant 21 : i32
        %add3A_1361 = vector.broadcast %add3A_1360 : i32 to vector<16xi32>
        %add3A_1362 = arith.addi %broadcast_in_dim3A, %add3A_1361 : vector<16xi32>
        %gather3A_1363 = tpu.vector_load_idx %arg9[%add3A_1362] : memref<25600xf32, #tpu.memory_space<vmem>>[vector<16xi32>], vector<16xf32>,
        %get3A_1364 = arith.constant 0 : i32
        %get3A_1365 = arith.constant 0 : i32
        %get3A_1366 = tpu.memref_slice %arg10[%scan3A_797, %get3A_1364, %get3A_1365] : memref<2x800x32xf32, #tpu.memory_space<vmem>> -> memref<1x800x32xf32, #tpu.memory_space<vmem>>
        %get3A_1367 = tpu.memref_squeeze %get3A_1366 : memref<1x800x32xf32, #tpu.memory_space<vmem>> -> memref<800x32xf32, #tpu.memory_space<vmem>>
        %get3A_1368 = arith.index_cast %add3A_1359 : i32 to index
        %get3A_1369 = arith.constant 0 : index
        %get3A_1370 = tpu.vector_load %get3A_1367[%get3A_1368, %get3A_1369] {strides = array<i32>} : memref<800x32xf32, #tpu.memory_space<vmem>>, vector<16xf32>,
        %mul3A_1371 = arith.mulf %gather3A_1363, %get3A_1370 : vector<16xf32>
        %add3A_1372 = arith.addf %add3A_1322, %mul3A_1371 : vector<16xf32>
        %get3A_1373 = arith.constant 0 : i32
        %get3A_1374 = arith.constant 0 : i32
        %get3A_1375 = tpu.memref_slice %arg10[%scan3A_797, %get3A_1373, %get3A_1374] : memref<2x800x32xf32, #tpu.memory_space<vmem>> -> memref<1x800x32xf32, #tpu.memory_space<vmem>>
        %get3A_1376 = tpu.memref_squeeze %get3A_1375 : memref<1x800x32xf32, #tpu.memory_space<vmem>> -> memref<800x32xf32, #tpu.memory_space<vmem>>
        %get3A_1377 = arith.index_cast %add3A_1359 : i32 to index
        %get3A_1378 = arith.constant 16 : index
        %get3A_1379 = tpu.vector_load %get3A_1376[%get3A_1377, %get3A_1378] {strides = array<i32>} : memref<800x32xf32, #tpu.memory_space<vmem>>, vector<16xf32>,
        %mul3A_1380 = arith.mulf %gather3A_1363, %get3A_1379 : vector<16xf32>
        %add3A_1381 = arith.addf %add3A_1331, %mul3A_1380 : vector<16xf32>
        %add3A_1382 = arith.addf %add3A_1332, %gather3A_1363 : vector<16xf32>
        %add3A_1383 = arith.constant 22 : i32
        %add3A_1384 = arith.addi %mul3A_832, %add3A_1383 : i32
        %add3A_1385 = arith.constant 22 : i32
        %add3A_1386 = vector.broadcast %add3A_1385 : i32 to vector<16xi32>
        %add3A_1387 = arith.addi %broadcast_in_dim3A, %add3A_1386 : vector<16xi32>
        %gather3A_1388 = tpu.vector_load_idx %arg9[%add3A_1387] : memref<25600xf32, #tpu.memory_space<vmem>>[vector<16xi32>], vector<16xf32>,
        %get3A_1389 = arith.constant 0 : i32
        %get3A_1390 = arith.constant 0 : i32
        %get3A_1391 = tpu.memref_slice %arg10[%scan3A_797, %get3A_1389, %get3A_1390] : memref<2x800x32xf32, #tpu.memory_space<vmem>> -> memref<1x800x32xf32, #tpu.memory_space<vmem>>
        %get3A_1392 = tpu.memref_squeeze %get3A_1391 : memref<1x800x32xf32, #tpu.memory_space<vmem>> -> memref<800x32xf32, #tpu.memory_space<vmem>>
        %get3A_1393 = arith.index_cast %add3A_1384 : i32 to index
        %get3A_1394 = arith.constant 0 : index
        %get3A_1395 = tpu.vector_load %get3A_1392[%get3A_1393, %get3A_1394] {strides = array<i32>} : memref<800x32xf32, #tpu.memory_space<vmem>>, vector<16xf32>,
        %mul3A_1396 = arith.mulf %gather3A_1388, %get3A_1395 : vector<16xf32>
        %add3A_1397 = arith.addf %add3A_1347, %mul3A_1396 : vector<16xf32>
        %get3A_1398 = arith.constant 0 : i32
        %get3A_1399 = arith.constant 0 : i32
        %get3A_1400 = tpu.memref_slice %arg10[%scan3A_797, %get3A_1398, %get3A_1399] : memref<2x800x32xf32, #tpu.memory_space<vmem>> -> memref<1x800x32xf32, #tpu.memory_space<vmem>>
        %get3A_1401 = tpu.memref_squeeze %get3A_1400 : memref<1x800x32xf32, #tpu.memory_space<vmem>> -> memref<800x32xf32, #tpu.memory_space<vmem>>
        %get3A_1402 = arith.index_cast %add3A_1384 : i32 to index
        %get3A_1403 = arith.constant 16 : index
        %get3A_1404 = tpu.vector_load %get3A_1401[%get3A_1402, %get3A_1403] {strides = array<i32>} : memref<800x32xf32, #tpu.memory_space<vmem>>, vector<16xf32>,
        %mul3A_1405 = arith.mulf %gather3A_1388, %get3A_1404 : vector<16xf32>
        %add3A_1406 = arith.addf %add3A_1356, %mul3A_1405 : vector<16xf32>
        %add3A_1407 = arith.addf %add3A_1357, %gather3A_1388 : vector<16xf32>
        %add3A_1408 = arith.constant 23 : i32
        %add3A_1409 = arith.addi %mul3A_832, %add3A_1408 : i32
        %add3A_1410 = arith.constant 23 : i32
        %add3A_1411 = vector.broadcast %add3A_1410 : i32 to vector<16xi32>
        %add3A_1412 = arith.addi %broadcast_in_dim3A, %add3A_1411 : vector<16xi32>
        %gather3A_1413 = tpu.vector_load_idx %arg9[%add3A_1412] : memref<25600xf32, #tpu.memory_space<vmem>>[vector<16xi32>], vector<16xf32>,
        %get3A_1414 = arith.constant 0 : i32
        %get3A_1415 = arith.constant 0 : i32
        %get3A_1416 = tpu.memref_slice %arg10[%scan3A_797, %get3A_1414, %get3A_1415] : memref<2x800x32xf32, #tpu.memory_space<vmem>> -> memref<1x800x32xf32, #tpu.memory_space<vmem>>
        %get3A_1417 = tpu.memref_squeeze %get3A_1416 : memref<1x800x32xf32, #tpu.memory_space<vmem>> -> memref<800x32xf32, #tpu.memory_space<vmem>>
        %get3A_1418 = arith.index_cast %add3A_1409 : i32 to index
        %get3A_1419 = arith.constant 0 : index
        %get3A_1420 = tpu.vector_load %get3A_1417[%get3A_1418, %get3A_1419] {strides = array<i32>} : memref<800x32xf32, #tpu.memory_space<vmem>>, vector<16xf32>,
        %mul3A_1421 = arith.mulf %gather3A_1413, %get3A_1420 : vector<16xf32>
        %add3A_1422 = arith.addf %add3A_1372, %mul3A_1421 : vector<16xf32>
        %get3A_1423 = arith.constant 0 : i32
        %get3A_1424 = arith.constant 0 : i32
        %get3A_1425 = tpu.memref_slice %arg10[%scan3A_797, %get3A_1423, %get3A_1424] : memref<2x800x32xf32, #tpu.memory_space<vmem>> -> memref<1x800x32xf32, #tpu.memory_space<vmem>>
        %get3A_1426 = tpu.memref_squeeze %get3A_1425 : memref<1x800x32xf32, #tpu.memory_space<vmem>> -> memref<800x32xf32, #tpu.memory_space<vmem>>
        %get3A_1427 = arith.index_cast %add3A_1409 : i32 to index
        %get3A_1428 = arith.constant 16 : index
        %get3A_1429 = tpu.vector_load %get3A_1426[%get3A_1427, %get3A_1428] {strides = array<i32>} : memref<800x32xf32, #tpu.memory_space<vmem>>, vector<16xf32>,
        %mul3A_1430 = arith.mulf %gather3A_1413, %get3A_1429 : vector<16xf32>
        %add3A_1431 = arith.addf %add3A_1381, %mul3A_1430 : vector<16xf32>
        %add3A_1432 = arith.addf %add3A_1382, %gather3A_1413 : vector<16xf32>
        %add3A_1433 = arith.constant 24 : i32
        %add3A_1434 = arith.addi %mul3A_832, %add3A_1433 : i32
        %add3A_1435 = arith.constant 24 : i32
        %add3A_1436 = vector.broadcast %add3A_1435 : i32 to vector<16xi32>
        %add3A_1437 = arith.addi %broadcast_in_dim3A, %add3A_1436 : vector<16xi32>
        %gather3A_1438 = tpu.vector_load_idx %arg9[%add3A_1437] : memref<25600xf32, #tpu.memory_space<vmem>>[vector<16xi32>], vector<16xf32>,
        %get3A_1439 = arith.constant 0 : i32
        %get3A_1440 = arith.constant 0 : i32
        %get3A_1441 = tpu.memref_slice %arg10[%scan3A_797, %get3A_1439, %get3A_1440] : memref<2x800x32xf32, #tpu.memory_space<vmem>> -> memref<1x800x32xf32, #tpu.memory_space<vmem>>
        %get3A_1442 = tpu.memref_squeeze %get3A_1441 : memref<1x800x32xf32, #tpu.memory_space<vmem>> -> memref<800x32xf32, #tpu.memory_space<vmem>>
        %get3A_1443 = arith.index_cast %add3A_1434 : i32 to index
        %get3A_1444 = arith.constant 0 : index
        %get3A_1445 = tpu.vector_load %get3A_1442[%get3A_1443, %get3A_1444] {strides = array<i32>} : memref<800x32xf32, #tpu.memory_space<vmem>>, vector<16xf32>,
        %mul3A_1446 = arith.mulf %gather3A_1438, %get3A_1445 : vector<16xf32>
        %add3A_1447 = arith.addf %add3A_1397, %mul3A_1446 : vector<16xf32>
        %get3A_1448 = arith.constant 0 : i32
        %get3A_1449 = arith.constant 0 : i32
        %get3A_1450 = tpu.memref_slice %arg10[%scan3A_797, %get3A_1448, %get3A_1449] : memref<2x800x32xf32, #tpu.memory_space<vmem>> -> memref<1x800x32xf32, #tpu.memory_space<vmem>>
        %get3A_1451 = tpu.memref_squeeze %get3A_1450 : memref<1x800x32xf32, #tpu.memory_space<vmem>> -> memref<800x32xf32, #tpu.memory_space<vmem>>
        %get3A_1452 = arith.index_cast %add3A_1434 : i32 to index
        %get3A_1453 = arith.constant 16 : index
        %get3A_1454 = tpu.vector_load %get3A_1451[%get3A_1452, %get3A_1453] {strides = array<i32>} : memref<800x32xf32, #tpu.memory_space<vmem>>, vector<16xf32>,
        %mul3A_1455 = arith.mulf %gather3A_1438, %get3A_1454 : vector<16xf32>
        %add3A_1456 = arith.addf %add3A_1406, %mul3A_1455 : vector<16xf32>
        %add3A_1457 = arith.addf %add3A_1407, %gather3A_1438 : vector<16xf32>
        %add3A_1458 = arith.constant 25 : i32
        %add3A_1459 = arith.addi %mul3A_832, %add3A_1458 : i32
        %add3A_1460 = arith.constant 25 : i32
        %add3A_1461 = vector.broadcast %add3A_1460 : i32 to vector<16xi32>
        %add3A_1462 = arith.addi %broadcast_in_dim3A, %add3A_1461 : vector<16xi32>
        %gather3A_1463 = tpu.vector_load_idx %arg9[%add3A_1462] : memref<25600xf32, #tpu.memory_space<vmem>>[vector<16xi32>], vector<16xf32>,
        %get3A_1464 = arith.constant 0 : i32
        %get3A_1465 = arith.constant 0 : i32
        %get3A_1466 = tpu.memref_slice %arg10[%scan3A_797, %get3A_1464, %get3A_1465] : memref<2x800x32xf32, #tpu.memory_space<vmem>> -> memref<1x800x32xf32, #tpu.memory_space<vmem>>
        %get3A_1467 = tpu.memref_squeeze %get3A_1466 : memref<1x800x32xf32, #tpu.memory_space<vmem>> -> memref<800x32xf32, #tpu.memory_space<vmem>>
        %get3A_1468 = arith.index_cast %add3A_1459 : i32 to index
        %get3A_1469 = arith.constant 0 : index
        %get3A_1470 = tpu.vector_load %get3A_1467[%get3A_1468, %get3A_1469] {strides = array<i32>} : memref<800x32xf32, #tpu.memory_space<vmem>>, vector<16xf32>,
        %mul3A_1471 = arith.mulf %gather3A_1463, %get3A_1470 : vector<16xf32>
        %add3A_1472 = arith.addf %add3A_1422, %mul3A_1471 : vector<16xf32>
        %get3A_1473 = arith.constant 0 : i32
        %get3A_1474 = arith.constant 0 : i32
        %get3A_1475 = tpu.memref_slice %arg10[%scan3A_797, %get3A_1473, %get3A_1474] : memref<2x800x32xf32, #tpu.memory_space<vmem>> -> memref<1x800x32xf32, #tpu.memory_space<vmem>>
        %get3A_1476 = tpu.memref_squeeze %get3A_1475 : memref<1x800x32xf32, #tpu.memory_space<vmem>> -> memref<800x32xf32, #tpu.memory_space<vmem>>
        %get3A_1477 = arith.index_cast %add3A_1459 : i32 to index
        %get3A_1478 = arith.constant 16 : index
        %get3A_1479 = tpu.vector_load %get3A_1476[%get3A_1477, %get3A_1478] {strides = array<i32>} : memref<800x32xf32, #tpu.memory_space<vmem>>, vector<16xf32>,
        %mul3A_1480 = arith.mulf %gather3A_1463, %get3A_1479 : vector<16xf32>
        %add3A_1481 = arith.addf %add3A_1431, %mul3A_1480 : vector<16xf32>
        %add3A_1482 = arith.addf %add3A_1432, %gather3A_1463 : vector<16xf32>
        %add3A_1483 = arith.constant 26 : i32
        %add3A_1484 = arith.addi %mul3A_832, %add3A_1483 : i32
        %add3A_1485 = arith.constant 26 : i32
        %add3A_1486 = vector.broadcast %add3A_1485 : i32 to vector<16xi32>
        %add3A_1487 = arith.addi %broadcast_in_dim3A, %add3A_1486 : vector<16xi32>
        %gather3A_1488 = tpu.vector_load_idx %arg9[%add3A_1487] : memref<25600xf32, #tpu.memory_space<vmem>>[vector<16xi32>], vector<16xf32>,
        %get3A_1489 = arith.constant 0 : i32
        %get3A_1490 = arith.constant 0 : i32
        %get3A_1491 = tpu.memref_slice %arg10[%scan3A_797, %get3A_1489, %get3A_1490] : memref<2x800x32xf32, #tpu.memory_space<vmem>> -> memref<1x800x32xf32, #tpu.memory_space<vmem>>
        %get3A_1492 = tpu.memref_squeeze %get3A_1491 : memref<1x800x32xf32, #tpu.memory_space<vmem>> -> memref<800x32xf32, #tpu.memory_space<vmem>>
        %get3A_1493 = arith.index_cast %add3A_1484 : i32 to index
        %get3A_1494 = arith.constant 0 : index
        %get3A_1495 = tpu.vector_load %get3A_1492[%get3A_1493, %get3A_1494] {strides = array<i32>} : memref<800x32xf32, #tpu.memory_space<vmem>>, vector<16xf32>,
        %mul3A_1496 = arith.mulf %gather3A_1488, %get3A_1495 : vector<16xf32>
        %add3A_1497 = arith.addf %add3A_1447, %mul3A_1496 : vector<16xf32>
        %get3A_1498 = arith.constant 0 : i32
        %get3A_1499 = arith.constant 0 : i32
        %get3A_1500 = tpu.memref_slice %arg10[%scan3A_797, %get3A_1498, %get3A_1499] : memref<2x800x32xf32, #tpu.memory_space<vmem>> -> memref<1x800x32xf32, #tpu.memory_space<vmem>>
        %get3A_1501 = tpu.memref_squeeze %get3A_1500 : memref<1x800x32xf32, #tpu.memory_space<vmem>> -> memref<800x32xf32, #tpu.memory_space<vmem>>
        %get3A_1502 = arith.index_cast %add3A_1484 : i32 to index
        %get3A_1503 = arith.constant 16 : index
        %get3A_1504 = tpu.vector_load %get3A_1501[%get3A_1502, %get3A_1503] {strides = array<i32>} : memref<800x32xf32, #tpu.memory_space<vmem>>, vector<16xf32>,
        %mul3A_1505 = arith.mulf %gather3A_1488, %get3A_1504 : vector<16xf32>
        %add3A_1506 = arith.addf %add3A_1456, %mul3A_1505 : vector<16xf32>
        %add3A_1507 = arith.addf %add3A_1457, %gather3A_1488 : vector<16xf32>
        %add3A_1508 = arith.constant 27 : i32
        %add3A_1509 = arith.addi %mul3A_832, %add3A_1508 : i32
        %add3A_1510 = arith.constant 27 : i32
        %add3A_1511 = vector.broadcast %add3A_1510 : i32 to vector<16xi32>
        %add3A_1512 = arith.addi %broadcast_in_dim3A, %add3A_1511 : vector<16xi32>
        %gather3A_1513 = tpu.vector_load_idx %arg9[%add3A_1512] : memref<25600xf32, #tpu.memory_space<vmem>>[vector<16xi32>], vector<16xf32>,
        %get3A_1514 = arith.constant 0 : i32
        %get3A_1515 = arith.constant 0 : i32
        %get3A_1516 = tpu.memref_slice %arg10[%scan3A_797, %get3A_1514, %get3A_1515] : memref<2x800x32xf32, #tpu.memory_space<vmem>> -> memref<1x800x32xf32, #tpu.memory_space<vmem>>
        %get3A_1517 = tpu.memref_squeeze %get3A_1516 : memref<1x800x32xf32, #tpu.memory_space<vmem>> -> memref<800x32xf32, #tpu.memory_space<vmem>>
        %get3A_1518 = arith.index_cast %add3A_1509 : i32 to index
        %get3A_1519 = arith.constant 0 : index
        %get3A_1520 = tpu.vector_load %get3A_1517[%get3A_1518, %get3A_1519] {strides = array<i32>} : memref<800x32xf32, #tpu.memory_space<vmem>>, vector<16xf32>,
        %mul3A_1521 = arith.mulf %gather3A_1513, %get3A_1520 : vector<16xf32>
        %add3A_1522 = arith.addf %add3A_1472, %mul3A_1521 : vector<16xf32>
        %get3A_1523 = arith.constant 0 : i32
        %get3A_1524 = arith.constant 0 : i32
        %get3A_1525 = tpu.memref_slice %arg10[%scan3A_797, %get3A_1523, %get3A_1524] : memref<2x800x32xf32, #tpu.memory_space<vmem>> -> memref<1x800x32xf32, #tpu.memory_space<vmem>>
        %get3A_1526 = tpu.memref_squeeze %get3A_1525 : memref<1x800x32xf32, #tpu.memory_space<vmem>> -> memref<800x32xf32, #tpu.memory_space<vmem>>
        %get3A_1527 = arith.index_cast %add3A_1509 : i32 to index
        %get3A_1528 = arith.constant 16 : index
        %get3A_1529 = tpu.vector_load %get3A_1526[%get3A_1527, %get3A_1528] {strides = array<i32>} : memref<800x32xf32, #tpu.memory_space<vmem>>, vector<16xf32>,
        %mul3A_1530 = arith.mulf %gather3A_1513, %get3A_1529 : vector<16xf32>
        %add3A_1531 = arith.addf %add3A_1481, %mul3A_1530 : vector<16xf32>
        %add3A_1532 = arith.addf %add3A_1482, %gather3A_1513 : vector<16xf32>
        %add3A_1533 = arith.constant 28 : i32
        %add3A_1534 = arith.addi %mul3A_832, %add3A_1533 : i32
        %add3A_1535 = arith.constant 28 : i32
        %add3A_1536 = vector.broadcast %add3A_1535 : i32 to vector<16xi32>
        %add3A_1537 = arith.addi %broadcast_in_dim3A, %add3A_1536 : vector<16xi32>
        %gather3A_1538 = tpu.vector_load_idx %arg9[%add3A_1537] : memref<25600xf32, #tpu.memory_space<vmem>>[vector<16xi32>], vector<16xf32>,
        %get3A_1539 = arith.constant 0 : i32
        %get3A_1540 = arith.constant 0 : i32
        %get3A_1541 = tpu.memref_slice %arg10[%scan3A_797, %get3A_1539, %get3A_1540] : memref<2x800x32xf32, #tpu.memory_space<vmem>> -> memref<1x800x32xf32, #tpu.memory_space<vmem>>
        %get3A_1542 = tpu.memref_squeeze %get3A_1541 : memref<1x800x32xf32, #tpu.memory_space<vmem>> -> memref<800x32xf32, #tpu.memory_space<vmem>>
        %get3A_1543 = arith.index_cast %add3A_1534 : i32 to index
        %get3A_1544 = arith.constant 0 : index
        %get3A_1545 = tpu.vector_load %get3A_1542[%get3A_1543, %get3A_1544] {strides = array<i32>} : memref<800x32xf32, #tpu.memory_space<vmem>>, vector<16xf32>,
        %mul3A_1546 = arith.mulf %gather3A_1538, %get3A_1545 : vector<16xf32>
        %add3A_1547 = arith.addf %add3A_1497, %mul3A_1546 : vector<16xf32>
        %get3A_1548 = arith.constant 0 : i32
        %get3A_1549 = arith.constant 0 : i32
        %get3A_1550 = tpu.memref_slice %arg10[%scan3A_797, %get3A_1548, %get3A_1549] : memref<2x800x32xf32, #tpu.memory_space<vmem>> -> memref<1x800x32xf32, #tpu.memory_space<vmem>>
        %get3A_1551 = tpu.memref_squeeze %get3A_1550 : memref<1x800x32xf32, #tpu.memory_space<vmem>> -> memref<800x32xf32, #tpu.memory_space<vmem>>
        %get3A_1552 = arith.index_cast %add3A_1534 : i32 to index
        %get3A_1553 = arith.constant 16 : index
        %get3A_1554 = tpu.vector_load %get3A_1551[%get3A_1552, %get3A_1553] {strides = array<i32>} : memref<800x32xf32, #tpu.memory_space<vmem>>, vector<16xf32>,
        %mul3A_1555 = arith.mulf %gather3A_1538, %get3A_1554 : vector<16xf32>
        %add3A_1556 = arith.addf %add3A_1506, %mul3A_1555 : vector<16xf32>
        %add3A_1557 = arith.addf %add3A_1507, %gather3A_1538 : vector<16xf32>
        %add3A_1558 = arith.constant 29 : i32
        %add3A_1559 = arith.addi %mul3A_832, %add3A_1558 : i32
        %add3A_1560 = arith.constant 29 : i32
        %add3A_1561 = vector.broadcast %add3A_1560 : i32 to vector<16xi32>
        %add3A_1562 = arith.addi %broadcast_in_dim3A, %add3A_1561 : vector<16xi32>
        %gather3A_1563 = tpu.vector_load_idx %arg9[%add3A_1562] : memref<25600xf32, #tpu.memory_space<vmem>>[vector<16xi32>], vector<16xf32>,
        %get3A_1564 = arith.constant 0 : i32
        %get3A_1565 = arith.constant 0 : i32
        %get3A_1566 = tpu.memref_slice %arg10[%scan3A_797, %get3A_1564, %get3A_1565] : memref<2x800x32xf32, #tpu.memory_space<vmem>> -> memref<1x800x32xf32, #tpu.memory_space<vmem>>
        %get3A_1567 = tpu.memref_squeeze %get3A_1566 : memref<1x800x32xf32, #tpu.memory_space<vmem>> -> memref<800x32xf32, #tpu.memory_space<vmem>>
        %get3A_1568 = arith.index_cast %add3A_1559 : i32 to index
        %get3A_1569 = arith.constant 0 : index
        %get3A_1570 = tpu.vector_load %get3A_1567[%get3A_1568, %get3A_1569] {strides = array<i32>} : memref<800x32xf32, #tpu.memory_space<vmem>>, vector<16xf32>,
        %mul3A_1571 = arith.mulf %gather3A_1563, %get3A_1570 : vector<16xf32>
        %add3A_1572 = arith.addf %add3A_1522, %mul3A_1571 : vector<16xf32>
        %get3A_1573 = arith.constant 0 : i32
        %get3A_1574 = arith.constant 0 : i32
        %get3A_1575 = tpu.memref_slice %arg10[%scan3A_797, %get3A_1573, %get3A_1574] : memref<2x800x32xf32, #tpu.memory_space<vmem>> -> memref<1x800x32xf32, #tpu.memory_space<vmem>>
        %get3A_1576 = tpu.memref_squeeze %get3A_1575 : memref<1x800x32xf32, #tpu.memory_space<vmem>> -> memref<800x32xf32, #tpu.memory_space<vmem>>
        %get3A_1577 = arith.index_cast %add3A_1559 : i32 to index
        %get3A_1578 = arith.constant 16 : index
        %get3A_1579 = tpu.vector_load %get3A_1576[%get3A_1577, %get3A_1578] {strides = array<i32>} : memref<800x32xf32, #tpu.memory_space<vmem>>, vector<16xf32>,
        %mul3A_1580 = arith.mulf %gather3A_1563, %get3A_1579 : vector<16xf32>
        %add3A_1581 = arith.addf %add3A_1531, %mul3A_1580 : vector<16xf32>
        %add3A_1582 = arith.addf %add3A_1532, %gather3A_1563 : vector<16xf32>
        %add3A_1583 = arith.constant 30 : i32
        %add3A_1584 = arith.addi %mul3A_832, %add3A_1583 : i32
        %add3A_1585 = arith.constant 30 : i32
        %add3A_1586 = vector.broadcast %add3A_1585 : i32 to vector<16xi32>
        %add3A_1587 = arith.addi %broadcast_in_dim3A, %add3A_1586 : vector<16xi32>
        %gather3A_1588 = tpu.vector_load_idx %arg9[%add3A_1587] : memref<25600xf32, #tpu.memory_space<vmem>>[vector<16xi32>], vector<16xf32>,
        %get3A_1589 = arith.constant 0 : i32
        %get3A_1590 = arith.constant 0 : i32
        %get3A_1591 = tpu.memref_slice %arg10[%scan3A_797, %get3A_1589, %get3A_1590] : memref<2x800x32xf32, #tpu.memory_space<vmem>> -> memref<1x800x32xf32, #tpu.memory_space<vmem>>
        %get3A_1592 = tpu.memref_squeeze %get3A_1591 : memref<1x800x32xf32, #tpu.memory_space<vmem>> -> memref<800x32xf32, #tpu.memory_space<vmem>>
        %get3A_1593 = arith.index_cast %add3A_1584 : i32 to index
        %get3A_1594 = arith.constant 0 : index
        %get3A_1595 = tpu.vector_load %get3A_1592[%get3A_1593, %get3A_1594] {strides = array<i32>} : memref<800x32xf32, #tpu.memory_space<vmem>>, vector<16xf32>,
        %mul3A_1596 = arith.mulf %gather3A_1588, %get3A_1595 : vector<16xf32>
        %add3A_1597 = arith.addf %add3A_1547, %mul3A_1596 : vector<16xf32>
        %get3A_1598 = arith.constant 0 : i32
        %get3A_1599 = arith.constant 0 : i32
        %get3A_1600 = tpu.memref_slice %arg10[%scan3A_797, %get3A_1598, %get3A_1599] : memref<2x800x32xf32, #tpu.memory_space<vmem>> -> memref<1x800x32xf32, #tpu.memory_space<vmem>>
        %get3A_1601 = tpu.memref_squeeze %get3A_1600 : memref<1x800x32xf32, #tpu.memory_space<vmem>> -> memref<800x32xf32, #tpu.memory_space<vmem>>
        %get3A_1602 = arith.index_cast %add3A_1584 : i32 to index
        %get3A_1603 = arith.constant 16 : index
        %get3A_1604 = tpu.vector_load %get3A_1601[%get3A_1602, %get3A_1603] {strides = array<i32>} : memref<800x32xf32, #tpu.memory_space<vmem>>, vector<16xf32>,
        %mul3A_1605 = arith.mulf %gather3A_1588, %get3A_1604 : vector<16xf32>
        %add3A_1606 = arith.addf %add3A_1556, %mul3A_1605 : vector<16xf32>
        %add3A_1607 = arith.addf %add3A_1557, %gather3A_1588 : vector<16xf32>
        %add3A_1608 = arith.constant 31 : i32
        %add3A_1609 = arith.addi %mul3A_832, %add3A_1608 : i32
        %add3A_1610 = arith.constant 31 : i32
        %add3A_1611 = vector.broadcast %add3A_1610 : i32 to vector<16xi32>
        %add3A_1612 = arith.addi %broadcast_in_dim3A, %add3A_1611 : vector<16xi32>
        %gather3A_1613 = tpu.vector_load_idx %arg9[%add3A_1612] : memref<25600xf32, #tpu.memory_space<vmem>>[vector<16xi32>], vector<16xf32>,
        %get3A_1614 = arith.constant 0 : i32
        %get3A_1615 = arith.constant 0 : i32
        %get3A_1616 = tpu.memref_slice %arg10[%scan3A_797, %get3A_1614, %get3A_1615] : memref<2x800x32xf32, #tpu.memory_space<vmem>> -> memref<1x800x32xf32, #tpu.memory_space<vmem>>
        %get3A_1617 = tpu.memref_squeeze %get3A_1616 : memref<1x800x32xf32, #tpu.memory_space<vmem>> -> memref<800x32xf32, #tpu.memory_space<vmem>>
        %get3A_1618 = arith.index_cast %add3A_1609 : i32 to index
        %get3A_1619 = arith.constant 0 : index
        %get3A_1620 = tpu.vector_load %get3A_1617[%get3A_1618, %get3A_1619] {strides = array<i32>} : memref<800x32xf32, #tpu.memory_space<vmem>>, vector<16xf32>,
        %mul3A_1621 = arith.mulf %gather3A_1613, %get3A_1620 : vector<16xf32>
        %add3A_1622 = arith.addf %add3A_1572, %mul3A_1621 : vector<16xf32>
        %get3A_1623 = arith.constant 0 : i32
        %get3A_1624 = arith.constant 0 : i32
        %get3A_1625 = tpu.memref_slice %arg10[%scan3A_797, %get3A_1623, %get3A_1624] : memref<2x800x32xf32, #tpu.memory_space<vmem>> -> memref<1x800x32xf32, #tpu.memory_space<vmem>>
        %get3A_1626 = tpu.memref_squeeze %get3A_1625 : memref<1x800x32xf32, #tpu.memory_space<vmem>> -> memref<800x32xf32, #tpu.memory_space<vmem>>
        %get3A_1627 = arith.index_cast %add3A_1609 : i32 to index
        %get3A_1628 = arith.constant 16 : index
        %get3A_1629 = tpu.vector_load %get3A_1626[%get3A_1627, %get3A_1628] {strides = array<i32>} : memref<800x32xf32, #tpu.memory_space<vmem>>, vector<16xf32>,
        %mul3A_1630 = arith.mulf %gather3A_1613, %get3A_1629 : vector<16xf32>
        %add3A_1631 = arith.addf %add3A_1581, %mul3A_1630 : vector<16xf32>
        %add3A_1632 = arith.addf %add3A_1582, %gather3A_1613 : vector<16xf32>
        %add3A_1633 = arith.constant 32 : i32
        %add3A_1634 = arith.addi %mul3A_832, %add3A_1633 : i32
        %add3A_1635 = arith.constant 32 : i32
        %add3A_1636 = vector.broadcast %add3A_1635 : i32 to vector<16xi32>
        %add3A_1637 = arith.addi %broadcast_in_dim3A, %add3A_1636 : vector<16xi32>
        %gather3A_1638 = tpu.vector_load_idx %arg9[%add3A_1637] : memref<25600xf32, #tpu.memory_space<vmem>>[vector<16xi32>], vector<16xf32>,
        %get3A_1639 = arith.constant 0 : i32
        %get3A_1640 = arith.constant 0 : i32
        %get3A_1641 = tpu.memref_slice %arg10[%scan3A_797, %get3A_1639, %get3A_1640] : memref<2x800x32xf32, #tpu.memory_space<vmem>> -> memref<1x800x32xf32, #tpu.memory_space<vmem>>
        %get3A_1642 = tpu.memref_squeeze %get3A_1641 : memref<1x800x32xf32, #tpu.memory_space<vmem>> -> memref<800x32xf32, #tpu.memory_space<vmem>>
        %get3A_1643 = arith.index_cast %add3A_1634 : i32 to index
        %get3A_1644 = arith.constant 0 : index
        %get3A_1645 = tpu.vector_load %get3A_1642[%get3A_1643, %get3A_1644] {strides = array<i32>} : memref<800x32xf32, #tpu.memory_space<vmem>>, vector<16xf32>,
        %mul3A_1646 = arith.mulf %gather3A_1638, %get3A_1645 : vector<16xf32>
        %add3A_1647 = arith.addf %add3A_1597, %mul3A_1646 : vector<16xf32>
        %get3A_1648 = arith.constant 0 : i32
        %get3A_1649 = arith.constant 0 : i32
        %get3A_1650 = tpu.memref_slice %arg10[%scan3A_797, %get3A_1648, %get3A_1649] : memref<2x800x32xf32, #tpu.memory_space<vmem>> -> memref<1x800x32xf32, #tpu.memory_space<vmem>>
        %get3A_1651 = tpu.memref_squeeze %get3A_1650 : memref<1x800x32xf32, #tpu.memory_space<vmem>> -> memref<800x32xf32, #tpu.memory_space<vmem>>
        %get3A_1652 = arith.index_cast %add3A_1634 : i32 to index
        %get3A_1653 = arith.constant 16 : index
        %get3A_1654 = tpu.vector_load %get3A_1651[%get3A_1652, %get3A_1653] {strides = array<i32>} : memref<800x32xf32, #tpu.memory_space<vmem>>, vector<16xf32>,
        %mul3A_1655 = arith.mulf %gather3A_1638, %get3A_1654 : vector<16xf32>
        %add3A_1656 = arith.addf %add3A_1606, %mul3A_1655 : vector<16xf32>
        %add3A_1657 = arith.addf %add3A_1607, %gather3A_1638 : vector<16xf32>
        %add3A_1658 = arith.constant 33 : i32
        %add3A_1659 = arith.addi %mul3A_832, %add3A_1658 : i32
        %add3A_1660 = arith.constant 33 : i32
        %add3A_1661 = vector.broadcast %add3A_1660 : i32 to vector<16xi32>
        %add3A_1662 = arith.addi %broadcast_in_dim3A, %add3A_1661 : vector<16xi32>
        %gather3A_1663 = tpu.vector_load_idx %arg9[%add3A_1662] : memref<25600xf32, #tpu.memory_space<vmem>>[vector<16xi32>], vector<16xf32>,
        %get3A_1664 = arith.constant 0 : i32
        %get3A_1665 = arith.constant 0 : i32
        %get3A_1666 = tpu.memref_slice %arg10[%scan3A_797, %get3A_1664, %get3A_1665] : memref<2x800x32xf32, #tpu.memory_space<vmem>> -> memref<1x800x32xf32, #tpu.memory_space<vmem>>
        %get3A_1667 = tpu.memref_squeeze %get3A_1666 : memref<1x800x32xf32, #tpu.memory_space<vmem>> -> memref<800x32xf32, #tpu.memory_space<vmem>>
        %get3A_1668 = arith.index_cast %add3A_1659 : i32 to index
        %get3A_1669 = arith.constant 0 : index
        %get3A_1670 = tpu.vector_load %get3A_1667[%get3A_1668, %get3A_1669] {strides = array<i32>} : memref<800x32xf32, #tpu.memory_space<vmem>>, vector<16xf32>,
        %mul3A_1671 = arith.mulf %gather3A_1663, %get3A_1670 : vector<16xf32>
        %add3A_1672 = arith.addf %add3A_1622, %mul3A_1671 : vector<16xf32>
        %get3A_1673 = arith.constant 0 : i32
        %get3A_1674 = arith.constant 0 : i32
        %get3A_1675 = tpu.memref_slice %arg10[%scan3A_797, %get3A_1673, %get3A_1674] : memref<2x800x32xf32, #tpu.memory_space<vmem>> -> memref<1x800x32xf32, #tpu.memory_space<vmem>>
        %get3A_1676 = tpu.memref_squeeze %get3A_1675 : memref<1x800x32xf32, #tpu.memory_space<vmem>> -> memref<800x32xf32, #tpu.memory_space<vmem>>
        %get3A_1677 = arith.index_cast %add3A_1659 : i32 to index
        %get3A_1678 = arith.constant 16 : index
        %get3A_1679 = tpu.vector_load %get3A_1676[%get3A_1677, %get3A_1678] {strides = array<i32>} : memref<800x32xf32, #tpu.memory_space<vmem>>, vector<16xf32>,
        %mul3A_1680 = arith.mulf %gather3A_1663, %get3A_1679 : vector<16xf32>
        %add3A_1681 = arith.addf %add3A_1631, %mul3A_1680 : vector<16xf32>
        %add3A_1682 = arith.addf %add3A_1632, %gather3A_1663 : vector<16xf32>
        %add3A_1683 = arith.constant 34 : i32
        %add3A_1684 = arith.addi %mul3A_832, %add3A_1683 : i32
        %add3A_1685 = arith.constant 34 : i32
        %add3A_1686 = vector.broadcast %add3A_1685 : i32 to vector<16xi32>
        %add3A_1687 = arith.addi %broadcast_in_dim3A, %add3A_1686 : vector<16xi32>
        %gather3A_1688 = tpu.vector_load_idx %arg9[%add3A_1687] : memref<25600xf32, #tpu.memory_space<vmem>>[vector<16xi32>], vector<16xf32>,
        %get3A_1689 = arith.constant 0 : i32
        %get3A_1690 = arith.constant 0 : i32
        %get3A_1691 = tpu.memref_slice %arg10[%scan3A_797, %get3A_1689, %get3A_1690] : memref<2x800x32xf32, #tpu.memory_space<vmem>> -> memref<1x800x32xf32, #tpu.memory_space<vmem>>
        %get3A_1692 = tpu.memref_squeeze %get3A_1691 : memref<1x800x32xf32, #tpu.memory_space<vmem>> -> memref<800x32xf32, #tpu.memory_space<vmem>>
        %get3A_1693 = arith.index_cast %add3A_1684 : i32 to index
        %get3A_1694 = arith.constant 0 : index
        %get3A_1695 = tpu.vector_load %get3A_1692[%get3A_1693, %get3A_1694] {strides = array<i32>} : memref<800x32xf32, #tpu.memory_space<vmem>>, vector<16xf32>,
        %mul3A_1696 = arith.mulf %gather3A_1688, %get3A_1695 : vector<16xf32>
        %add3A_1697 = arith.addf %add3A_1647, %mul3A_1696 : vector<16xf32>
        %get3A_1698 = arith.constant 0 : i32
        %get3A_1699 = arith.constant 0 : i32
        %get3A_1700 = tpu.memref_slice %arg10[%scan3A_797, %get3A_1698, %get3A_1699] : memref<2x800x32xf32, #tpu.memory_space<vmem>> -> memref<1x800x32xf32, #tpu.memory_space<vmem>>
        %get3A_1701 = tpu.memref_squeeze %get3A_1700 : memref<1x800x32xf32, #tpu.memory_space<vmem>> -> memref<800x32xf32, #tpu.memory_space<vmem>>
        %get3A_1702 = arith.index_cast %add3A_1684 : i32 to index
        %get3A_1703 = arith.constant 16 : index
        %get3A_1704 = tpu.vector_load %get3A_1701[%get3A_1702, %get3A_1703] {strides = array<i32>} : memref<800x32xf32, #tpu.memory_space<vmem>>, vector<16xf32>,
        %mul3A_1705 = arith.mulf %gather3A_1688, %get3A_1704 : vector<16xf32>
        %add3A_1706 = arith.addf %add3A_1656, %mul3A_1705 : vector<16xf32>
        %add3A_1707 = arith.addf %add3A_1657, %gather3A_1688 : vector<16xf32>
        %add3A_1708 = arith.constant 35 : i32
        %add3A_1709 = arith.addi %mul3A_832, %add3A_1708 : i32
        %add3A_1710 = arith.constant 35 : i32
        %add3A_1711 = vector.broadcast %add3A_1710 : i32 to vector<16xi32>
        %add3A_1712 = arith.addi %broadcast_in_dim3A, %add3A_1711 : vector<16xi32>
        %gather3A_1713 = tpu.vector_load_idx %arg9[%add3A_1712] : memref<25600xf32, #tpu.memory_space<vmem>>[vector<16xi32>], vector<16xf32>,
        %get3A_1714 = arith.constant 0 : i32
        %get3A_1715 = arith.constant 0 : i32
        %get3A_1716 = tpu.memref_slice %arg10[%scan3A_797, %get3A_1714, %get3A_1715] : memref<2x800x32xf32, #tpu.memory_space<vmem>> -> memref<1x800x32xf32, #tpu.memory_space<vmem>>
        %get3A_1717 = tpu.memref_squeeze %get3A_1716 : memref<1x800x32xf32, #tpu.memory_space<vmem>> -> memref<800x32xf32, #tpu.memory_space<vmem>>
        %get3A_1718 = arith.index_cast %add3A_1709 : i32 to index
        %get3A_1719 = arith.constant 0 : index
        %get3A_1720 = tpu.vector_load %get3A_1717[%get3A_1718, %get3A_1719] {strides = array<i32>} : memref<800x32xf32, #tpu.memory_space<vmem>>, vector<16xf32>,
        %mul3A_1721 = arith.mulf %gather3A_1713, %get3A_1720 : vector<16xf32>
        %add3A_1722 = arith.addf %add3A_1672, %mul3A_1721 : vector<16xf32>
        %get3A_1723 = arith.constant 0 : i32
        %get3A_1724 = arith.constant 0 : i32
        %get3A_1725 = tpu.memref_slice %arg10[%scan3A_797, %get3A_1723, %get3A_1724] : memref<2x800x32xf32, #tpu.memory_space<vmem>> -> memref<1x800x32xf32, #tpu.memory_space<vmem>>
        %get3A_1726 = tpu.memref_squeeze %get3A_1725 : memref<1x800x32xf32, #tpu.memory_space<vmem>> -> memref<800x32xf32, #tpu.memory_space<vmem>>
        %get3A_1727 = arith.index_cast %add3A_1709 : i32 to index
        %get3A_1728 = arith.constant 16 : index
        %get3A_1729 = tpu.vector_load %get3A_1726[%get3A_1727, %get3A_1728] {strides = array<i32>} : memref<800x32xf32, #tpu.memory_space<vmem>>, vector<16xf32>,
        %mul3A_1730 = arith.mulf %gather3A_1713, %get3A_1729 : vector<16xf32>
        %add3A_1731 = arith.addf %add3A_1681, %mul3A_1730 : vector<16xf32>
        %add3A_1732 = arith.addf %add3A_1682, %gather3A_1713 : vector<16xf32>
        %add3A_1733 = arith.constant 36 : i32
        %add3A_1734 = arith.addi %mul3A_832, %add3A_1733 : i32
        %add3A_1735 = arith.constant 36 : i32
        %add3A_1736 = vector.broadcast %add3A_1735 : i32 to vector<16xi32>
        %add3A_1737 = arith.addi %broadcast_in_dim3A, %add3A_1736 : vector<16xi32>
        %gather3A_1738 = tpu.vector_load_idx %arg9[%add3A_1737] : memref<25600xf32, #tpu.memory_space<vmem>>[vector<16xi32>], vector<16xf32>,
        %get3A_1739 = arith.constant 0 : i32
        %get3A_1740 = arith.constant 0 : i32
        %get3A_1741 = tpu.memref_slice %arg10[%scan3A_797, %get3A_1739, %get3A_1740] : memref<2x800x32xf32, #tpu.memory_space<vmem>> -> memref<1x800x32xf32, #tpu.memory_space<vmem>>
        %get3A_1742 = tpu.memref_squeeze %get3A_1741 : memref<1x800x32xf32, #tpu.memory_space<vmem>> -> memref<800x32xf32, #tpu.memory_space<vmem>>
        %get3A_1743 = arith.index_cast %add3A_1734 : i32 to index
        %get3A_1744 = arith.constant 0 : index
        %get3A_1745 = tpu.vector_load %get3A_1742[%get3A_1743, %get3A_1744] {strides = array<i32>} : memref<800x32xf32, #tpu.memory_space<vmem>>, vector<16xf32>,
        %mul3A_1746 = arith.mulf %gather3A_1738, %get3A_1745 : vector<16xf32>
        %add3A_1747 = arith.addf %add3A_1697, %mul3A_1746 : vector<16xf32>
        %get3A_1748 = arith.constant 0 : i32
        %get3A_1749 = arith.constant 0 : i32
        %get3A_1750 = tpu.memref_slice %arg10[%scan3A_797, %get3A_1748, %get3A_1749] : memref<2x800x32xf32, #tpu.memory_space<vmem>> -> memref<1x800x32xf32, #tpu.memory_space<vmem>>
        %get3A_1751 = tpu.memref_squeeze %get3A_1750 : memref<1x800x32xf32, #tpu.memory_space<vmem>> -> memref<800x32xf32, #tpu.memory_space<vmem>>
        %get3A_1752 = arith.index_cast %add3A_1734 : i32 to index
        %get3A_1753 = arith.constant 16 : index
        %get3A_1754 = tpu.vector_load %get3A_1751[%get3A_1752, %get3A_1753] {strides = array<i32>} : memref<800x32xf32, #tpu.memory_space<vmem>>, vector<16xf32>,
        %mul3A_1755 = arith.mulf %gather3A_1738, %get3A_1754 : vector<16xf32>
        %add3A_1756 = arith.addf %add3A_1706, %mul3A_1755 : vector<16xf32>
        %add3A_1757 = arith.addf %add3A_1707, %gather3A_1738 : vector<16xf32>
        %add3A_1758 = arith.constant 37 : i32
        %add3A_1759 = arith.addi %mul3A_832, %add3A_1758 : i32
        %add3A_1760 = arith.constant 37 : i32
        %add3A_1761 = vector.broadcast %add3A_1760 : i32 to vector<16xi32>
        %add3A_1762 = arith.addi %broadcast_in_dim3A, %add3A_1761 : vector<16xi32>
        %gather3A_1763 = tpu.vector_load_idx %arg9[%add3A_1762] : memref<25600xf32, #tpu.memory_space<vmem>>[vector<16xi32>], vector<16xf32>,
        %get3A_1764 = arith.constant 0 : i32
        %get3A_1765 = arith.constant 0 : i32
        %get3A_1766 = tpu.memref_slice %arg10[%scan3A_797, %get3A_1764, %get3A_1765] : memref<2x800x32xf32, #tpu.memory_space<vmem>> -> memref<1x800x32xf32, #tpu.memory_space<vmem>>
        %get3A_1767 = tpu.memref_squeeze %get3A_1766 : memref<1x800x32xf32, #tpu.memory_space<vmem>> -> memref<800x32xf32, #tpu.memory_space<vmem>>
        %get3A_1768 = arith.index_cast %add3A_1759 : i32 to index
        %get3A_1769 = arith.constant 0 : index
        %get3A_1770 = tpu.vector_load %get3A_1767[%get3A_1768, %get3A_1769] {strides = array<i32>} : memref<800x32xf32, #tpu.memory_space<vmem>>, vector<16xf32>,
        %mul3A_1771 = arith.mulf %gather3A_1763, %get3A_1770 : vector<16xf32>
        %add3A_1772 = arith.addf %add3A_1722, %mul3A_1771 : vector<16xf32>
        %get3A_1773 = arith.constant 0 : i32
        %get3A_1774 = arith.constant 0 : i32
        %get3A_1775 = tpu.memref_slice %arg10[%scan3A_797, %get3A_1773, %get3A_1774] : memref<2x800x32xf32, #tpu.memory_space<vmem>> -> memref<1x800x32xf32, #tpu.memory_space<vmem>>
        %get3A_1776 = tpu.memref_squeeze %get3A_1775 : memref<1x800x32xf32, #tpu.memory_space<vmem>> -> memref<800x32xf32, #tpu.memory_space<vmem>>
        %get3A_1777 = arith.index_cast %add3A_1759 : i32 to index
        %get3A_1778 = arith.constant 16 : index
        %get3A_1779 = tpu.vector_load %get3A_1776[%get3A_1777, %get3A_1778] {strides = array<i32>} : memref<800x32xf32, #tpu.memory_space<vmem>>, vector<16xf32>,
        %mul3A_1780 = arith.mulf %gather3A_1763, %get3A_1779 : vector<16xf32>
        %add3A_1781 = arith.addf %add3A_1731, %mul3A_1780 : vector<16xf32>
        %add3A_1782 = arith.addf %add3A_1732, %gather3A_1763 : vector<16xf32>
        %add3A_1783 = arith.constant 38 : i32
        %add3A_1784 = arith.addi %mul3A_832, %add3A_1783 : i32
        %add3A_1785 = arith.constant 38 : i32
        %add3A_1786 = vector.broadcast %add3A_1785 : i32 to vector<16xi32>
        %add3A_1787 = arith.addi %broadcast_in_dim3A, %add3A_1786 : vector<16xi32>
        %gather3A_1788 = tpu.vector_load_idx %arg9[%add3A_1787] : memref<25600xf32, #tpu.memory_space<vmem>>[vector<16xi32>], vector<16xf32>,
        %get3A_1789 = arith.constant 0 : i32
        %get3A_1790 = arith.constant 0 : i32
        %get3A_1791 = tpu.memref_slice %arg10[%scan3A_797, %get3A_1789, %get3A_1790] : memref<2x800x32xf32, #tpu.memory_space<vmem>> -> memref<1x800x32xf32, #tpu.memory_space<vmem>>
        %get3A_1792 = tpu.memref_squeeze %get3A_1791 : memref<1x800x32xf32, #tpu.memory_space<vmem>> -> memref<800x32xf32, #tpu.memory_space<vmem>>
        %get3A_1793 = arith.index_cast %add3A_1784 : i32 to index
        %get3A_1794 = arith.constant 0 : index
        %get3A_1795 = tpu.vector_load %get3A_1792[%get3A_1793, %get3A_1794] {strides = array<i32>} : memref<800x32xf32, #tpu.memory_space<vmem>>, vector<16xf32>,
        %mul3A_1796 = arith.mulf %gather3A_1788, %get3A_1795 : vector<16xf32>
        %add3A_1797 = arith.addf %add3A_1747, %mul3A_1796 : vector<16xf32>
        %get3A_1798 = arith.constant 0 : i32
        %get3A_1799 = arith.constant 0 : i32
        %get3A_1800 = tpu.memref_slice %arg10[%scan3A_797, %get3A_1798, %get3A_1799] : memref<2x800x32xf32, #tpu.memory_space<vmem>> -> memref<1x800x32xf32, #tpu.memory_space<vmem>>
        %get3A_1801 = tpu.memref_squeeze %get3A_1800 : memref<1x800x32xf32, #tpu.memory_space<vmem>> -> memref<800x32xf32, #tpu.memory_space<vmem>>
        %get3A_1802 = arith.index_cast %add3A_1784 : i32 to index
        %get3A_1803 = arith.constant 16 : index
        %get3A_1804 = tpu.vector_load %get3A_1801[%get3A_1802, %get3A_1803] {strides = array<i32>} : memref<800x32xf32, #tpu.memory_space<vmem>>, vector<16xf32>,
        %mul3A_1805 = arith.mulf %gather3A_1788, %get3A_1804 : vector<16xf32>
        %add3A_1806 = arith.addf %add3A_1756, %mul3A_1805 : vector<16xf32>
        %add3A_1807 = arith.addf %add3A_1757, %gather3A_1788 : vector<16xf32>
        %add3A_1808 = arith.constant 39 : i32
        %add3A_1809 = arith.addi %mul3A_832, %add3A_1808 : i32
        %add3A_1810 = arith.constant 39 : i32
        %add3A_1811 = vector.broadcast %add3A_1810 : i32 to vector<16xi32>
        %add3A_1812 = arith.addi %broadcast_in_dim3A, %add3A_1811 : vector<16xi32>
        %gather3A_1813 = tpu.vector_load_idx %arg9[%add3A_1812] : memref<25600xf32, #tpu.memory_space<vmem>>[vector<16xi32>], vector<16xf32>,
        %get3A_1814 = arith.constant 0 : i32
        %get3A_1815 = arith.constant 0 : i32
        %get3A_1816 = tpu.memref_slice %arg10[%scan3A_797, %get3A_1814, %get3A_1815] : memref<2x800x32xf32, #tpu.memory_space<vmem>> -> memref<1x800x32xf32, #tpu.memory_space<vmem>>
        %get3A_1817 = tpu.memref_squeeze %get3A_1816 : memref<1x800x32xf32, #tpu.memory_space<vmem>> -> memref<800x32xf32, #tpu.memory_space<vmem>>
        %get3A_1818 = arith.index_cast %add3A_1809 : i32 to index
        %get3A_1819 = arith.constant 0 : index
        %get3A_1820 = tpu.vector_load %get3A_1817[%get3A_1818, %get3A_1819] {strides = array<i32>} : memref<800x32xf32, #tpu.memory_space<vmem>>, vector<16xf32>,
        %mul3A_1821 = arith.mulf %gather3A_1813, %get3A_1820 : vector<16xf32>
        %add3A_1822 = arith.addf %add3A_1772, %mul3A_1821 : vector<16xf32>
        %get3A_1823 = arith.constant 0 : i32
        %get3A_1824 = arith.constant 0 : i32
        %get3A_1825 = tpu.memref_slice %arg10[%scan3A_797, %get3A_1823, %get3A_1824] : memref<2x800x32xf32, #tpu.memory_space<vmem>> -> memref<1x800x32xf32, #tpu.memory_space<vmem>>
        %get3A_1826 = tpu.memref_squeeze %get3A_1825 : memref<1x800x32xf32, #tpu.memory_space<vmem>> -> memref<800x32xf32, #tpu.memory_space<vmem>>
        %get3A_1827 = arith.index_cast %add3A_1809 : i32 to index
        %get3A_1828 = arith.constant 16 : index
        %get3A_1829 = tpu.vector_load %get3A_1826[%get3A_1827, %get3A_1828] {strides = array<i32>} : memref<800x32xf32, #tpu.memory_space<vmem>>, vector<16xf32>,
        %mul3A_1830 = arith.mulf %gather3A_1813, %get3A_1829 : vector<16xf32>
        %add3A_1831 = arith.addf %add3A_1781, %mul3A_1830 : vector<16xf32>
        %add3A_1832 = arith.addf %add3A_1782, %gather3A_1813 : vector<16xf32>
        %add3A_1833 = arith.constant 40 : i32
        %add3A_1834 = arith.addi %mul3A_832, %add3A_1833 : i32
        %add3A_1835 = arith.constant 40 : i32
        %add3A_1836 = vector.broadcast %add3A_1835 : i32 to vector<16xi32>
        %add3A_1837 = arith.addi %broadcast_in_dim3A, %add3A_1836 : vector<16xi32>
        %gather3A_1838 = tpu.vector_load_idx %arg9[%add3A_1837] : memref<25600xf32, #tpu.memory_space<vmem>>[vector<16xi32>], vector<16xf32>,
        %get3A_1839 = arith.constant 0 : i32
        %get3A_1840 = arith.constant 0 : i32
        %get3A_1841 = tpu.memref_slice %arg10[%scan3A_797, %get3A_1839, %get3A_1840] : memref<2x800x32xf32, #tpu.memory_space<vmem>> -> memref<1x800x32xf32, #tpu.memory_space<vmem>>
        %get3A_1842 = tpu.memref_squeeze %get3A_1841 : memref<1x800x32xf32, #tpu.memory_space<vmem>> -> memref<800x32xf32, #tpu.memory_space<vmem>>
        %get3A_1843 = arith.index_cast %add3A_1834 : i32 to index
        %get3A_1844 = arith.constant 0 : index
        %get3A_1845 = tpu.vector_load %get3A_1842[%get3A_1843, %get3A_1844] {strides = array<i32>} : memref<800x32xf32, #tpu.memory_space<vmem>>, vector<16xf32>,
        %mul3A_1846 = arith.mulf %gather3A_1838, %get3A_1845 : vector<16xf32>
        %add3A_1847 = arith.addf %add3A_1797, %mul3A_1846 : vector<16xf32>
        %get3A_1848 = arith.constant 0 : i32
        %get3A_1849 = arith.constant 0 : i32
        %get3A_1850 = tpu.memref_slice %arg10[%scan3A_797, %get3A_1848, %get3A_1849] : memref<2x800x32xf32, #tpu.memory_space<vmem>> -> memref<1x800x32xf32, #tpu.memory_space<vmem>>
        %get3A_1851 = tpu.memref_squeeze %get3A_1850 : memref<1x800x32xf32, #tpu.memory_space<vmem>> -> memref<800x32xf32, #tpu.memory_space<vmem>>
        %get3A_1852 = arith.index_cast %add3A_1834 : i32 to index
        %get3A_1853 = arith.constant 16 : index
        %get3A_1854 = tpu.vector_load %get3A_1851[%get3A_1852, %get3A_1853] {strides = array<i32>} : memref<800x32xf32, #tpu.memory_space<vmem>>, vector<16xf32>,
        %mul3A_1855 = arith.mulf %gather3A_1838, %get3A_1854 : vector<16xf32>
        %add3A_1856 = arith.addf %add3A_1806, %mul3A_1855 : vector<16xf32>
        %add3A_1857 = arith.addf %add3A_1807, %gather3A_1838 : vector<16xf32>
        %add3A_1858 = arith.constant 41 : i32
        %add3A_1859 = arith.addi %mul3A_832, %add3A_1858 : i32
        %add3A_1860 = arith.constant 41 : i32
        %add3A_1861 = vector.broadcast %add3A_1860 : i32 to vector<16xi32>
        %add3A_1862 = arith.addi %broadcast_in_dim3A, %add3A_1861 : vector<16xi32>
        %gather3A_1863 = tpu.vector_load_idx %arg9[%add3A_1862] : memref<25600xf32, #tpu.memory_space<vmem>>[vector<16xi32>], vector<16xf32>,
        %get3A_1864 = arith.constant 0 : i32
        %get3A_1865 = arith.constant 0 : i32
        %get3A_1866 = tpu.memref_slice %arg10[%scan3A_797, %get3A_1864, %get3A_1865] : memref<2x800x32xf32, #tpu.memory_space<vmem>> -> memref<1x800x32xf32, #tpu.memory_space<vmem>>
        %get3A_1867 = tpu.memref_squeeze %get3A_1866 : memref<1x800x32xf32, #tpu.memory_space<vmem>> -> memref<800x32xf32, #tpu.memory_space<vmem>>
        %get3A_1868 = arith.index_cast %add3A_1859 : i32 to index
        %get3A_1869 = arith.constant 0 : index
        %get3A_1870 = tpu.vector_load %get3A_1867[%get3A_1868, %get3A_1869] {strides = array<i32>} : memref<800x32xf32, #tpu.memory_space<vmem>>, vector<16xf32>,
        %mul3A_1871 = arith.mulf %gather3A_1863, %get3A_1870 : vector<16xf32>
        %add3A_1872 = arith.addf %add3A_1822, %mul3A_1871 : vector<16xf32>
        %get3A_1873 = arith.constant 0 : i32
        %get3A_1874 = arith.constant 0 : i32
        %get3A_1875 = tpu.memref_slice %arg10[%scan3A_797, %get3A_1873, %get3A_1874] : memref<2x800x32xf32, #tpu.memory_space<vmem>> -> memref<1x800x32xf32, #tpu.memory_space<vmem>>
        %get3A_1876 = tpu.memref_squeeze %get3A_1875 : memref<1x800x32xf32, #tpu.memory_space<vmem>> -> memref<800x32xf32, #tpu.memory_space<vmem>>
        %get3A_1877 = arith.index_cast %add3A_1859 : i32 to index
        %get3A_1878 = arith.constant 16 : index
        %get3A_1879 = tpu.vector_load %get3A_1876[%get3A_1877, %get3A_1878] {strides = array<i32>} : memref<800x32xf32, #tpu.memory_space<vmem>>, vector<16xf32>,
        %mul3A_1880 = arith.mulf %gather3A_1863, %get3A_1879 : vector<16xf32>
        %add3A_1881 = arith.addf %add3A_1831, %mul3A_1880 : vector<16xf32>
        %add3A_1882 = arith.addf %add3A_1832, %gather3A_1863 : vector<16xf32>
        %add3A_1883 = arith.constant 42 : i32
        %add3A_1884 = arith.addi %mul3A_832, %add3A_1883 : i32
        %add3A_1885 = arith.constant 42 : i32
        %add3A_1886 = vector.broadcast %add3A_1885 : i32 to vector<16xi32>
        %add3A_1887 = arith.addi %broadcast_in_dim3A, %add3A_1886 : vector<16xi32>
        %gather3A_1888 = tpu.vector_load_idx %arg9[%add3A_1887] : memref<25600xf32, #tpu.memory_space<vmem>>[vector<16xi32>], vector<16xf32>,
        %get3A_1889 = arith.constant 0 : i32
        %get3A_1890 = arith.constant 0 : i32
        %get3A_1891 = tpu.memref_slice %arg10[%scan3A_797, %get3A_1889, %get3A_1890] : memref<2x800x32xf32, #tpu.memory_space<vmem>> -> memref<1x800x32xf32, #tpu.memory_space<vmem>>
        %get3A_1892 = tpu.memref_squeeze %get3A_1891 : memref<1x800x32xf32, #tpu.memory_space<vmem>> -> memref<800x32xf32, #tpu.memory_space<vmem>>
        %get3A_1893 = arith.index_cast %add3A_1884 : i32 to index
        %get3A_1894 = arith.constant 0 : index
        %get3A_1895 = tpu.vector_load %get3A_1892[%get3A_1893, %get3A_1894] {strides = array<i32>} : memref<800x32xf32, #tpu.memory_space<vmem>>, vector<16xf32>,
        %mul3A_1896 = arith.mulf %gather3A_1888, %get3A_1895 : vector<16xf32>
        %add3A_1897 = arith.addf %add3A_1847, %mul3A_1896 : vector<16xf32>
        %get3A_1898 = arith.constant 0 : i32
        %get3A_1899 = arith.constant 0 : i32
        %get3A_1900 = tpu.memref_slice %arg10[%scan3A_797, %get3A_1898, %get3A_1899] : memref<2x800x32xf32, #tpu.memory_space<vmem>> -> memref<1x800x32xf32, #tpu.memory_space<vmem>>
        %get3A_1901 = tpu.memref_squeeze %get3A_1900 : memref<1x800x32xf32, #tpu.memory_space<vmem>> -> memref<800x32xf32, #tpu.memory_space<vmem>>
        %get3A_1902 = arith.index_cast %add3A_1884 : i32 to index
        %get3A_1903 = arith.constant 16 : index
        %get3A_1904 = tpu.vector_load %get3A_1901[%get3A_1902, %get3A_1903] {strides = array<i32>} : memref<800x32xf32, #tpu.memory_space<vmem>>, vector<16xf32>,
        %mul3A_1905 = arith.mulf %gather3A_1888, %get3A_1904 : vector<16xf32>
        %add3A_1906 = arith.addf %add3A_1856, %mul3A_1905 : vector<16xf32>
        %add3A_1907 = arith.addf %add3A_1857, %gather3A_1888 : vector<16xf32>
        %add3A_1908 = arith.constant 43 : i32
        %add3A_1909 = arith.addi %mul3A_832, %add3A_1908 : i32
        %add3A_1910 = arith.constant 43 : i32
        %add3A_1911 = vector.broadcast %add3A_1910 : i32 to vector<16xi32>
        %add3A_1912 = arith.addi %broadcast_in_dim3A, %add3A_1911 : vector<16xi32>
        %gather3A_1913 = tpu.vector_load_idx %arg9[%add3A_1912] : memref<25600xf32, #tpu.memory_space<vmem>>[vector<16xi32>], vector<16xf32>,
        %get3A_1914 = arith.constant 0 : i32
        %get3A_1915 = arith.constant 0 : i32
        %get3A_1916 = tpu.memref_slice %arg10[%scan3A_797, %get3A_1914, %get3A_1915] : memref<2x800x32xf32, #tpu.memory_space<vmem>> -> memref<1x800x32xf32, #tpu.memory_space<vmem>>
        %get3A_1917 = tpu.memref_squeeze %get3A_1916 : memref<1x800x32xf32, #tpu.memory_space<vmem>> -> memref<800x32xf32, #tpu.memory_space<vmem>>
        %get3A_1918 = arith.index_cast %add3A_1909 : i32 to index
        %get3A_1919 = arith.constant 0 : index
        %get3A_1920 = tpu.vector_load %get3A_1917[%get3A_1918, %get3A_1919] {strides = array<i32>} : memref<800x32xf32, #tpu.memory_space<vmem>>, vector<16xf32>,
        %mul3A_1921 = arith.mulf %gather3A_1913, %get3A_1920 : vector<16xf32>
        %add3A_1922 = arith.addf %add3A_1872, %mul3A_1921 : vector<16xf32>
        %get3A_1923 = arith.constant 0 : i32
        %get3A_1924 = arith.constant 0 : i32
        %get3A_1925 = tpu.memref_slice %arg10[%scan3A_797, %get3A_1923, %get3A_1924] : memref<2x800x32xf32, #tpu.memory_space<vmem>> -> memref<1x800x32xf32, #tpu.memory_space<vmem>>
        %get3A_1926 = tpu.memref_squeeze %get3A_1925 : memref<1x800x32xf32, #tpu.memory_space<vmem>> -> memref<800x32xf32, #tpu.memory_space<vmem>>
        %get3A_1927 = arith.index_cast %add3A_1909 : i32 to index
        %get3A_1928 = arith.constant 16 : index
        %get3A_1929 = tpu.vector_load %get3A_1926[%get3A_1927, %get3A_1928] {strides = array<i32>} : memref<800x32xf32, #tpu.memory_space<vmem>>, vector<16xf32>,
        %mul3A_1930 = arith.mulf %gather3A_1913, %get3A_1929 : vector<16xf32>
        %add3A_1931 = arith.addf %add3A_1881, %mul3A_1930 : vector<16xf32>
        %add3A_1932 = arith.addf %add3A_1882, %gather3A_1913 : vector<16xf32>
        %add3A_1933 = arith.constant 44 : i32
        %add3A_1934 = arith.addi %mul3A_832, %add3A_1933 : i32
        %add3A_1935 = arith.constant 44 : i32
        %add3A_1936 = vector.broadcast %add3A_1935 : i32 to vector<16xi32>
        %add3A_1937 = arith.addi %broadcast_in_dim3A, %add3A_1936 : vector<16xi32>
        %gather3A_1938 = tpu.vector_load_idx %arg9[%add3A_1937] : memref<25600xf32, #tpu.memory_space<vmem>>[vector<16xi32>], vector<16xf32>,
        %get3A_1939 = arith.constant 0 : i32
        %get3A_1940 = arith.constant 0 : i32
        %get3A_1941 = tpu.memref_slice %arg10[%scan3A_797, %get3A_1939, %get3A_1940] : memref<2x800x32xf32, #tpu.memory_space<vmem>> -> memref<1x800x32xf32, #tpu.memory_space<vmem>>
        %get3A_1942 = tpu.memref_squeeze %get3A_1941 : memref<1x800x32xf32, #tpu.memory_space<vmem>> -> memref<800x32xf32, #tpu.memory_space<vmem>>
        %get3A_1943 = arith.index_cast %add3A_1934 : i32 to index
        %get3A_1944 = arith.constant 0 : index
        %get3A_1945 = tpu.vector_load %get3A_1942[%get3A_1943, %get3A_1944] {strides = array<i32>} : memref<800x32xf32, #tpu.memory_space<vmem>>, vector<16xf32>,
        %mul3A_1946 = arith.mulf %gather3A_1938, %get3A_1945 : vector<16xf32>
        %add3A_1947 = arith.addf %add3A_1897, %mul3A_1946 : vector<16xf32>
        %get3A_1948 = arith.constant 0 : i32
        %get3A_1949 = arith.constant 0 : i32
        %get3A_1950 = tpu.memref_slice %arg10[%scan3A_797, %get3A_1948, %get3A_1949] : memref<2x800x32xf32, #tpu.memory_space<vmem>> -> memref<1x800x32xf32, #tpu.memory_space<vmem>>
        %get3A_1951 = tpu.memref_squeeze %get3A_1950 : memref<1x800x32xf32, #tpu.memory_space<vmem>> -> memref<800x32xf32, #tpu.memory_space<vmem>>
        %get3A_1952 = arith.index_cast %add3A_1934 : i32 to index
        %get3A_1953 = arith.constant 16 : index
        %get3A_1954 = tpu.vector_load %get3A_1951[%get3A_1952, %get3A_1953] {strides = array<i32>} : memref<800x32xf32, #tpu.memory_space<vmem>>, vector<16xf32>,
        %mul3A_1955 = arith.mulf %gather3A_1938, %get3A_1954 : vector<16xf32>
        %add3A_1956 = arith.addf %add3A_1906, %mul3A_1955 : vector<16xf32>
        %add3A_1957 = arith.addf %add3A_1907, %gather3A_1938 : vector<16xf32>
        %add3A_1958 = arith.constant 45 : i32
        %add3A_1959 = arith.addi %mul3A_832, %add3A_1958 : i32
        %add3A_1960 = arith.constant 45 : i32
        %add3A_1961 = vector.broadcast %add3A_1960 : i32 to vector<16xi32>
        %add3A_1962 = arith.addi %broadcast_in_dim3A, %add3A_1961 : vector<16xi32>
        %gather3A_1963 = tpu.vector_load_idx %arg9[%add3A_1962] : memref<25600xf32, #tpu.memory_space<vmem>>[vector<16xi32>], vector<16xf32>,
        %get3A_1964 = arith.constant 0 : i32
        %get3A_1965 = arith.constant 0 : i32
        %get3A_1966 = tpu.memref_slice %arg10[%scan3A_797, %get3A_1964, %get3A_1965] : memref<2x800x32xf32, #tpu.memory_space<vmem>> -> memref<1x800x32xf32, #tpu.memory_space<vmem>>
        %get3A_1967 = tpu.memref_squeeze %get3A_1966 : memref<1x800x32xf32, #tpu.memory_space<vmem>> -> memref<800x32xf32, #tpu.memory_space<vmem>>
        %get3A_1968 = arith.index_cast %add3A_1959 : i32 to index
        %get3A_1969 = arith.constant 0 : index
        %get3A_1970 = tpu.vector_load %get3A_1967[%get3A_1968, %get3A_1969] {strides = array<i32>} : memref<800x32xf32, #tpu.memory_space<vmem>>, vector<16xf32>,
        %mul3A_1971 = arith.mulf %gather3A_1963, %get3A_1970 : vector<16xf32>
        %add3A_1972 = arith.addf %add3A_1922, %mul3A_1971 : vector<16xf32>
        %get3A_1973 = arith.constant 0 : i32
        %get3A_1974 = arith.constant 0 : i32
        %get3A_1975 = tpu.memref_slice %arg10[%scan3A_797, %get3A_1973, %get3A_1974] : memref<2x800x32xf32, #tpu.memory_space<vmem>> -> memref<1x800x32xf32, #tpu.memory_space<vmem>>
        %get3A_1976 = tpu.memref_squeeze %get3A_1975 : memref<1x800x32xf32, #tpu.memory_space<vmem>> -> memref<800x32xf32, #tpu.memory_space<vmem>>
        %get3A_1977 = arith.index_cast %add3A_1959 : i32 to index
        %get3A_1978 = arith.constant 16 : index
        %get3A_1979 = tpu.vector_load %get3A_1976[%get3A_1977, %get3A_1978] {strides = array<i32>} : memref<800x32xf32, #tpu.memory_space<vmem>>, vector<16xf32>,
        %mul3A_1980 = arith.mulf %gather3A_1963, %get3A_1979 : vector<16xf32>
        %add3A_1981 = arith.addf %add3A_1931, %mul3A_1980 : vector<16xf32>
        %add3A_1982 = arith.addf %add3A_1932, %gather3A_1963 : vector<16xf32>
        %add3A_1983 = arith.constant 46 : i32
        %add3A_1984 = arith.addi %mul3A_832, %add3A_1983 : i32
        %add3A_1985 = arith.constant 46 : i32
        %add3A_1986 = vector.broadcast %add3A_1985 : i32 to vector<16xi32>
        %add3A_1987 = arith.addi %broadcast_in_dim3A, %add3A_1986 : vector<16xi32>
        %gather3A_1988 = tpu.vector_load_idx %arg9[%add3A_1987] : memref<25600xf32, #tpu.memory_space<vmem>>[vector<16xi32>], vector<16xf32>,
        %get3A_1989 = arith.constant 0 : i32
        %get3A_1990 = arith.constant 0 : i32
        %get3A_1991 = tpu.memref_slice %arg10[%scan3A_797, %get3A_1989, %get3A_1990] : memref<2x800x32xf32, #tpu.memory_space<vmem>> -> memref<1x800x32xf32, #tpu.memory_space<vmem>>
        %get3A_1992 = tpu.memref_squeeze %get3A_1991 : memref<1x800x32xf32, #tpu.memory_space<vmem>> -> memref<800x32xf32, #tpu.memory_space<vmem>>
        %get3A_1993 = arith.index_cast %add3A_1984 : i32 to index
        %get3A_1994 = arith.constant 0 : index
        %get3A_1995 = tpu.vector_load %get3A_1992[%get3A_1993, %get3A_1994] {strides = array<i32>} : memref<800x32xf32, #tpu.memory_space<vmem>>, vector<16xf32>,
        %mul3A_1996 = arith.mulf %gather3A_1988, %get3A_1995 : vector<16xf32>
        %add3A_1997 = arith.addf %add3A_1947, %mul3A_1996 : vector<16xf32>
        %get3A_1998 = arith.constant 0 : i32
        %get3A_1999 = arith.constant 0 : i32
        %get3A_2000 = tpu.memref_slice %arg10[%scan3A_797, %get3A_1998, %get3A_1999] : memref<2x800x32xf32, #tpu.memory_space<vmem>> -> memref<1x800x32xf32, #tpu.memory_space<vmem>>
        %get3A_2001 = tpu.memref_squeeze %get3A_2000 : memref<1x800x32xf32, #tpu.memory_space<vmem>> -> memref<800x32xf32, #tpu.memory_space<vmem>>
        %get3A_2002 = arith.index_cast %add3A_1984 : i32 to index
        %get3A_2003 = arith.constant 16 : index
        %get3A_2004 = tpu.vector_load %get3A_2001[%get3A_2002, %get3A_2003] {strides = array<i32>} : memref<800x32xf32, #tpu.memory_space<vmem>>, vector<16xf32>,
        %mul3A_2005 = arith.mulf %gather3A_1988, %get3A_2004 : vector<16xf32>
        %add3A_2006 = arith.addf %add3A_1956, %mul3A_2005 : vector<16xf32>
        %add3A_2007 = arith.addf %add3A_1957, %gather3A_1988 : vector<16xf32>
        %add3A_2008 = arith.constant 47 : i32
        %add3A_2009 = arith.addi %mul3A_832, %add3A_2008 : i32
        %add3A_2010 = arith.constant 47 : i32
        %add3A_2011 = vector.broadcast %add3A_2010 : i32 to vector<16xi32>
        %add3A_2012 = arith.addi %broadcast_in_dim3A, %add3A_2011 : vector<16xi32>
        %gather3A_2013 = tpu.vector_load_idx %arg9[%add3A_2012] : memref<25600xf32, #tpu.memory_space<vmem>>[vector<16xi32>], vector<16xf32>,
        %get3A_2014 = arith.constant 0 : i32
        %get3A_2015 = arith.constant 0 : i32
        %get3A_2016 = tpu.memref_slice %arg10[%scan3A_797, %get3A_2014, %get3A_2015] : memref<2x800x32xf32, #tpu.memory_space<vmem>> -> memref<1x800x32xf32, #tpu.memory_space<vmem>>
        %get3A_2017 = tpu.memref_squeeze %get3A_2016 : memref<1x800x32xf32, #tpu.memory_space<vmem>> -> memref<800x32xf32, #tpu.memory_space<vmem>>
        %get3A_2018 = arith.index_cast %add3A_2009 : i32 to index
        %get3A_2019 = arith.constant 0 : index
        %get3A_2020 = tpu.vector_load %get3A_2017[%get3A_2018, %get3A_2019] {strides = array<i32>} : memref<800x32xf32, #tpu.memory_space<vmem>>, vector<16xf32>,
        %mul3A_2021 = arith.mulf %gather3A_2013, %get3A_2020 : vector<16xf32>
        %add3A_2022 = arith.addf %add3A_1972, %mul3A_2021 : vector<16xf32>
        %get3A_2023 = arith.constant 0 : i32
        %get3A_2024 = arith.constant 0 : i32
        %get3A_2025 = tpu.memref_slice %arg10[%scan3A_797, %get3A_2023, %get3A_2024] : memref<2x800x32xf32, #tpu.memory_space<vmem>> -> memref<1x800x32xf32, #tpu.memory_space<vmem>>
        %get3A_2026 = tpu.memref_squeeze %get3A_2025 : memref<1x800x32xf32, #tpu.memory_space<vmem>> -> memref<800x32xf32, #tpu.memory_space<vmem>>
        %get3A_2027 = arith.index_cast %add3A_2009 : i32 to index
        %get3A_2028 = arith.constant 16 : index
        %get3A_2029 = tpu.vector_load %get3A_2026[%get3A_2027, %get3A_2028] {strides = array<i32>} : memref<800x32xf32, #tpu.memory_space<vmem>>, vector<16xf32>,
        %mul3A_2030 = arith.mulf %gather3A_2013, %get3A_2029 : vector<16xf32>
        %add3A_2031 = arith.addf %add3A_1981, %mul3A_2030 : vector<16xf32>
        %add3A_2032 = arith.addf %add3A_1982, %gather3A_2013 : vector<16xf32>
        %add3A_2033 = arith.constant 48 : i32
        %add3A_2034 = arith.addi %mul3A_832, %add3A_2033 : i32
        %add3A_2035 = arith.constant 48 : i32
        %add3A_2036 = vector.broadcast %add3A_2035 : i32 to vector<16xi32>
        %add3A_2037 = arith.addi %broadcast_in_dim3A, %add3A_2036 : vector<16xi32>
        %gather3A_2038 = tpu.vector_load_idx %arg9[%add3A_2037] : memref<25600xf32, #tpu.memory_space<vmem>>[vector<16xi32>], vector<16xf32>,
        %get3A_2039 = arith.constant 0 : i32
        %get3A_2040 = arith.constant 0 : i32
        %get3A_2041 = tpu.memref_slice %arg10[%scan3A_797, %get3A_2039, %get3A_2040] : memref<2x800x32xf32, #tpu.memory_space<vmem>> -> memref<1x800x32xf32, #tpu.memory_space<vmem>>
        %get3A_2042 = tpu.memref_squeeze %get3A_2041 : memref<1x800x32xf32, #tpu.memory_space<vmem>> -> memref<800x32xf32, #tpu.memory_space<vmem>>
        %get3A_2043 = arith.index_cast %add3A_2034 : i32 to index
        %get3A_2044 = arith.constant 0 : index
        %get3A_2045 = tpu.vector_load %get3A_2042[%get3A_2043, %get3A_2044] {strides = array<i32>} : memref<800x32xf32, #tpu.memory_space<vmem>>, vector<16xf32>,
        %mul3A_2046 = arith.mulf %gather3A_2038, %get3A_2045 : vector<16xf32>
        %add3A_2047 = arith.addf %add3A_1997, %mul3A_2046 : vector<16xf32>
        %get3A_2048 = arith.constant 0 : i32
        %get3A_2049 = arith.constant 0 : i32
        %get3A_2050 = tpu.memref_slice %arg10[%scan3A_797, %get3A_2048, %get3A_2049] : memref<2x800x32xf32, #tpu.memory_space<vmem>> -> memref<1x800x32xf32, #tpu.memory_space<vmem>>
        %get3A_2051 = tpu.memref_squeeze %get3A_2050 : memref<1x800x32xf32, #tpu.memory_space<vmem>> -> memref<800x32xf32, #tpu.memory_space<vmem>>
        %get3A_2052 = arith.index_cast %add3A_2034 : i32 to index
        %get3A_2053 = arith.constant 16 : index
        %get3A_2054 = tpu.vector_load %get3A_2051[%get3A_2052, %get3A_2053] {strides = array<i32>} : memref<800x32xf32, #tpu.memory_space<vmem>>, vector<16xf32>,
        %mul3A_2055 = arith.mulf %gather3A_2038, %get3A_2054 : vector<16xf32>
        %add3A_2056 = arith.addf %add3A_2006, %mul3A_2055 : vector<16xf32>
        %add3A_2057 = arith.addf %add3A_2007, %gather3A_2038 : vector<16xf32>
        %add3A_2058 = arith.constant 49 : i32
        %add3A_2059 = arith.addi %mul3A_832, %add3A_2058 : i32
        %add3A_2060 = arith.constant 49 : i32
        %add3A_2061 = vector.broadcast %add3A_2060 : i32 to vector<16xi32>
        %add3A_2062 = arith.addi %broadcast_in_dim3A, %add3A_2061 : vector<16xi32>
        %gather3A_2063 = tpu.vector_load_idx %arg9[%add3A_2062] : memref<25600xf32, #tpu.memory_space<vmem>>[vector<16xi32>], vector<16xf32>,
        %get3A_2064 = arith.constant 0 : i32
        %get3A_2065 = arith.constant 0 : i32
        %get3A_2066 = tpu.memref_slice %arg10[%scan3A_797, %get3A_2064, %get3A_2065] : memref<2x800x32xf32, #tpu.memory_space<vmem>> -> memref<1x800x32xf32, #tpu.memory_space<vmem>>
        %get3A_2067 = tpu.memref_squeeze %get3A_2066 : memref<1x800x32xf32, #tpu.memory_space<vmem>> -> memref<800x32xf32, #tpu.memory_space<vmem>>
        %get3A_2068 = arith.index_cast %add3A_2059 : i32 to index
        %get3A_2069 = arith.constant 0 : index
        %get3A_2070 = tpu.vector_load %get3A_2067[%get3A_2068, %get3A_2069] {strides = array<i32>} : memref<800x32xf32, #tpu.memory_space<vmem>>, vector<16xf32>,
        %mul3A_2071 = arith.mulf %gather3A_2063, %get3A_2070 : vector<16xf32>
        %add3A_2072 = arith.addf %add3A_2022, %mul3A_2071 : vector<16xf32>
        %get3A_2073 = arith.constant 0 : i32
        %get3A_2074 = arith.constant 0 : i32
        %get3A_2075 = tpu.memref_slice %arg10[%scan3A_797, %get3A_2073, %get3A_2074] : memref<2x800x32xf32, #tpu.memory_space<vmem>> -> memref<1x800x32xf32, #tpu.memory_space<vmem>>
        %get3A_2076 = tpu.memref_squeeze %get3A_2075 : memref<1x800x32xf32, #tpu.memory_space<vmem>> -> memref<800x32xf32, #tpu.memory_space<vmem>>
        %get3A_2077 = arith.index_cast %add3A_2059 : i32 to index
        %get3A_2078 = arith.constant 16 : index
        %get3A_2079 = tpu.vector_load %get3A_2076[%get3A_2077, %get3A_2078] {strides = array<i32>} : memref<800x32xf32, #tpu.memory_space<vmem>>, vector<16xf32>,
        %mul3A_2080 = arith.mulf %gather3A_2063, %get3A_2079 : vector<16xf32>
        %add3A_2081 = arith.addf %add3A_2031, %mul3A_2080 : vector<16xf32>
        %add3A_2082 = arith.addf %add3A_2032, %gather3A_2063 : vector<16xf32>
        %add3A_2083 = arith.addf %add3A_2047, %add3A_2072 : vector<16xf32>
        %add3A_2084 = arith.addf %add3A_2056, %add3A_2081 : vector<16xf32>
        %add3A_2085 = arith.addf %add3A_2057, %add3A_2082 : vector<16xf32>
        %get3A_2086 = arith.constant 0 : i32
        %get3A_2087 = arith.constant 0 : i32
        %get3A_2088 = tpu.memref_slice %arg11[%scan3A_798, %get3A_2086, %get3A_2087] : memref<2x16x32xf32, #tpu.memory_space<vmem>> -> memref<1x16x32xf32, #tpu.memory_space<vmem>>
        %get3A_2089 = tpu.memref_squeeze %get3A_2088 : memref<1x16x32xf32, #tpu.memory_space<vmem>> -> memref<16x32xf32, #tpu.memory_space<vmem>>
        %get3A_2090 = arith.index_cast %scan3A_824 : i32 to index
        %get3A_2091 = arith.constant 0 : index
        %get3A_2092 = tpu.vector_load %get3A_2089[%get3A_2090, %get3A_2091] {strides = array<i32>} : memref<16x32xf32, #tpu.memory_space<vmem>>, vector<16xf32>,
        %swap3A = arith.constant 0 : i32
        %swap3A_2093 = arith.constant 0 : i32
        %swap3A_2094 = tpu.memref_slice %arg12[%scan3A_799, %swap3A, %swap3A_2093] : memref<2x16x64xf32, #tpu.memory_space<vmem>> -> memref<1x16x64xf32, #tpu.memory_space<vmem>>
        %swap3A_2095 = tpu.memref_squeeze %swap3A_2094 : memref<1x16x64xf32, #tpu.memory_space<vmem>> -> memref<16x64xf32, #tpu.memory_space<vmem>>
        %swap3A_2096 = arith.index_cast %scan3A_824 : i32 to index
        %swap3A_2097 = arith.constant 0 : index
        %swap3A_2098 = tpu.vector_load %swap3A_2095[%swap3A_2096, %swap3A_2097] {strides = array<i32>} : memref<16x64xf32, #tpu.memory_space<vmem>>, vector<16xf32>,
        tpu.vector_store %swap3A_2095[%swap3A_2096, %swap3A_2097], %get3A_2092 {strides = array<i32>} : memref<16x64xf32, #tpu.memory_space<vmem>>, vector<16xf32>,
        %get3A_2099 = arith.constant 0 : i32
        %get3A_2100 = arith.constant 0 : i32
        %get3A_2101 = tpu.memref_slice %arg11[%scan3A_798, %get3A_2099, %get3A_2100] : memref<2x16x32xf32, #tpu.memory_space<vmem>> -> memref<1x16x32xf32, #tpu.memory_space<vmem>>
        %get3A_2102 = tpu.memref_squeeze %get3A_2101 : memref<1x16x32xf32, #tpu.memory_space<vmem>> -> memref<16x32xf32, #tpu.memory_space<vmem>>
        %get3A_2103 = arith.index_cast %scan3A_824 : i32 to index
        %get3A_2104 = arith.constant 16 : index
        %get3A_2105 = tpu.vector_load %get3A_2102[%get3A_2103, %get3A_2104] {strides = array<i32>} : memref<16x32xf32, #tpu.memory_space<vmem>>, vector<16xf32>,
        %swap3A_2106 = arith.constant 0 : i32
        %swap3A_2107 = arith.constant 0 : i32
        %swap3A_2108 = tpu.memref_slice %arg12[%scan3A_799, %swap3A_2106, %swap3A_2107] : memref<2x16x64xf32, #tpu.memory_space<vmem>> -> memref<1x16x64xf32, #tpu.memory_space<vmem>>
        %swap3A_2109 = tpu.memref_squeeze %swap3A_2108 : memref<1x16x64xf32, #tpu.memory_space<vmem>> -> memref<16x64xf32, #tpu.memory_space<vmem>>
        %swap3A_2110 = arith.index_cast %scan3A_824 : i32 to index
        %swap3A_2111 = arith.constant 16 : index
        %swap3A_2112 = tpu.vector_load %swap3A_2109[%swap3A_2110, %swap3A_2111] {strides = array<i32>} : memref<16x64xf32, #tpu.memory_space<vmem>>, vector<16xf32>,
        tpu.vector_store %swap3A_2109[%swap3A_2110, %swap3A_2111], %get3A_2105 {strides = array<i32>} : memref<16x64xf32, #tpu.memory_space<vmem>>, vector<16xf32>,
        %div3A = arith.divf %add3A_2083, %add3A_2085 : vector<16xf32>
        %swap3A_2113 = arith.constant 0 : i32
        %swap3A_2114 = arith.constant 0 : i32
        %swap3A_2115 = tpu.memref_slice %arg12[%scan3A_799, %swap3A_2113, %swap3A_2114] : memref<2x16x64xf32, #tpu.memory_space<vmem>> -> memref<1x16x64xf32, #tpu.memory_space<vmem>>
        %swap3A_2116 = tpu.memref_squeeze %swap3A_2115 : memref<1x16x64xf32, #tpu.memory_space<vmem>> -> memref<16x64xf32, #tpu.memory_space<vmem>>
        %swap3A_2117 = arith.index_cast %scan3A_824 : i32 to index
        %swap3A_2118 = arith.constant 32 : index
        %swap3A_2119 = tpu.vector_load %swap3A_2116[%swap3A_2117, %swap3A_2118] {strides = array<i32>} : memref<16x64xf32, #tpu.memory_space<vmem>>, vector<16xf32>,
        tpu.vector_store %swap3A_2116[%swap3A_2117, %swap3A_2118], %div3A {strides = array<i32>} : memref<16x64xf32, #tpu.memory_space<vmem>>, vector<16xf32>,
        %div3A_2120 = arith.divf %add3A_2084, %add3A_2085 : vector<16xf32>
        %swap3A_2121 = arith.constant 0 : i32
        %swap3A_2122 = arith.constant 0 : i32
        %swap3A_2123 = tpu.memref_slice %arg12[%scan3A_799, %swap3A_2121, %swap3A_2122] : memref<2x16x64xf32, #tpu.memory_space<vmem>> -> memref<1x16x64xf32, #tpu.memory_space<vmem>>
        %swap3A_2124 = tpu.memref_squeeze %swap3A_2123 : memref<1x16x64xf32, #tpu.memory_space<vmem>> -> memref<16x64xf32, #tpu.memory_space<vmem>>
        %swap3A_2125 = arith.index_cast %scan3A_824 : i32 to index
        %swap3A_2126 = arith.constant 48 : index
        %swap3A_2127 = tpu.vector_load %swap3A_2124[%swap3A_2125, %swap3A_2126] {strides = array<i32>} : memref<16x64xf32, #tpu.memory_space<vmem>>, vector<16xf32>,
        tpu.vector_store %swap3A_2124[%swap3A_2125, %swap3A_2126], %div3A_2120 {strides = array<i32>} : memref<16x64xf32, #tpu.memory_space<vmem>>, vector<16xf32>,
        %scan3A_2128 = arith.constant 0 : i32
        scf.yield %scan3A_2128 : i32
      }
      %scan3A_806 = arith.constant 16 : i32
      %mul3A_807 = arith.constant 16 : i32
      %mul3A_808 = arith.muli %add3A_541, %mul3A_807 : i32
      %add3A_809 = arith.addi %mul3A_2, %mul3A_808 : i32
      %dma_start3A_810 = arith.constant 1 : i32
      %dma_start3A_811 = arith.constant 0 : i32
      %dma_start3A_812 = arith.constant 0 : i32
      %dma_start3A_813 = tpu.memref_slice %arg12[%dma_start3A_810, %dma_start3A_811, %dma_start3A_812] : memref<2x16x64xf32, #tpu.memory_space<vmem>> -> memref<1x16x64xf32, #tpu.memory_space<vmem>>
      %dma_start3A_814 = tpu.memref_squeeze %dma_start3A_813 : memref<1x16x64xf32, #tpu.memory_space<vmem>> -> memref<16x64xf32, #tpu.memory_space<vmem>>
      %dma_start3A_815 = arith.constant 0 : i32
      %dma_start3A_816 = tpu.memref_slice %arg6[%add3A_809, %dma_start3A_815] : memref<16384x64xf32, #tpu.memory_space<hbm>> -> memref<16x64xf32, #tpu.memory_space<hbm>>
      %dma_start3A_817 = arith.constant 0 : i32
      %dma_start3A_818 = tpu.memref_slice %arg6[%add3A_809, %dma_start3A_817] : memref<16384x64xf32, #tpu.memory_space<hbm>> -> memref<16x64xf32, #tpu.memory_space<hbm>>
      %dma_start3A_819 = arith.constant 0 : i32
      %dma_start3A_820 = arith.constant 0 : i32
      %dma_start3A_821 = tpu.memref_slice %arg12[%dma_start3A_810, %dma_start3A_819, %dma_start3A_820] : memref<2x16x64xf32, #tpu.memory_space<vmem>> -> memref<1x16x64xf32, #tpu.memory_space<vmem>>
      %dma_start3A_822 = tpu.memref_squeeze %dma_start3A_821 : memref<1x16x64xf32, #tpu.memory_space<vmem>> -> memref<16x64xf32, #tpu.memory_space<vmem>>
      tpu.enqueue_dma source(%dma_start3A_822 : memref<16x64xf32, #tpu.memory_space<vmem>>) target(%dma_start3A_818 : memref<16x64xf32, #tpu.memory_space<hbm>>) target_semaphore(%arg16 : memref<!tpu.dma_semaphore, #tpu.memory_space<semaphore_mem>>)
      %scan3A_823 = arith.constant 0 : i32
      scf.yield %scan3A_823 : i32
    }
    %scan3A_123 = arith.constant 16 : i32
    %dma_wait3A_124 = arith.constant 0 : i32
    %dma_wait3A_125 = arith.constant 0 : i32
    %dma_wait3A_126 = arith.constant 0 : i32
    %dma_wait3A_127 = tpu.memref_slice %arg10[%dma_wait3A_124, %dma_wait3A_125, %dma_wait3A_126] : memref<2x800x32xf32, #tpu.memory_space<vmem>> -> memref<1x800x32xf32, #tpu.memory_space<vmem>>
    %dma_wait3A_128 = tpu.memref_squeeze %dma_wait3A_127 : memref<1x800x32xf32, #tpu.memory_space<vmem>> -> memref<800x32xf32, #tpu.memory_space<vmem>>
    %dma_wait3A_129 = arith.constant 0 : i32
    %dma_wait3A_130 = arith.constant 0 : i32
    %dma_wait3A_131 = tpu.memref_slice %dma_wait3A_128[%dma_wait3A_129, %dma_wait3A_130] : memref<800x32xf32, #tpu.memory_space<vmem>> -> memref<128x32xf32, #tpu.memory_space<vmem>>
    %dma_wait3A_132 = arith.constant 24800 : i32
    %dma_wait3A_133 = tpu.memref_slice %arg7[%dma_wait3A_132] : memref<25600xi32, #tpu.memory_space<vmem>> -> memref<128xi32, #tpu.memory_space<vmem>>
    %dma_wait3A_134 = arith.constant 0 : i32
    %dma_wait3A_135 = arith.constant 0 : i32
    %dma_wait3A_136 = tpu.memref_slice %arg5[%dma_wait3A_134, %dma_wait3A_135] : memref<1000000x32xf32, #tpu.memory_space<hbm>> -> memref<1000000x32xf32, #tpu.memory_space<hbm>>
    tpu.wait_indirect_dma semaphore(%arg13 : memref<!tpu.dma_semaphore, #tpu.memory_space<semaphore_mem>>) src(%dma_wait3A_136 : memref<1000000x32xf32, #tpu.memory_space<hbm>>) dst(%dma_wait3A_131 : memref<128x32xf32, #tpu.memory_space<vmem>>)
    %dma_wait3A_137 = arith.constant 0 : i32
    %dma_wait3A_138 = arith.constant 0 : i32
    %dma_wait3A_139 = arith.constant 0 : i32
    %dma_wait3A_140 = tpu.memref_slice %arg10[%dma_wait3A_137, %dma_wait3A_138, %dma_wait3A_139] : memref<2x800x32xf32, #tpu.memory_space<vmem>> -> memref<1x800x32xf32, #tpu.memory_space<vmem>>
    %dma_wait3A_141 = tpu.memref_squeeze %dma_wait3A_140 : memref<1x800x32xf32, #tpu.memory_space<vmem>> -> memref<800x32xf32, #tpu.memory_space<vmem>>
    %dma_wait3A_142 = arith.constant 128 : i32
    %dma_wait3A_143 = arith.constant 0 : i32
    %dma_wait3A_144 = tpu.memref_slice %dma_wait3A_141[%dma_wait3A_142, %dma_wait3A_143] : memref<800x32xf32, #tpu.memory_space<vmem>> -> memref<128x32xf32, #tpu.memory_space<vmem>>
    %dma_wait3A_145 = arith.constant 24928 : i32
    %dma_wait3A_146 = tpu.memref_slice %arg7[%dma_wait3A_145] : memref<25600xi32, #tpu.memory_space<vmem>> -> memref<128xi32, #tpu.memory_space<vmem>>
    %dma_wait3A_147 = arith.constant 0 : i32
    %dma_wait3A_148 = arith.constant 0 : i32
    %dma_wait3A_149 = tpu.memref_slice %arg5[%dma_wait3A_147, %dma_wait3A_148] : memref<1000000x32xf32, #tpu.memory_space<hbm>> -> memref<1000000x32xf32, #tpu.memory_space<hbm>>
    tpu.wait_indirect_dma semaphore(%arg13 : memref<!tpu.dma_semaphore, #tpu.memory_space<semaphore_mem>>) src(%dma_wait3A_149 : memref<1000000x32xf32, #tpu.memory_space<hbm>>) dst(%dma_wait3A_144 : memref<128x32xf32, #tpu.memory_space<vmem>>)
    %dma_wait3A_150 = arith.constant 0 : i32
    %dma_wait3A_151 = arith.constant 0 : i32
    %dma_wait3A_152 = arith.constant 0 : i32
    %dma_wait3A_153 = tpu.memref_slice %arg10[%dma_wait3A_150, %dma_wait3A_151, %dma_wait3A_152] : memref<2x800x32xf32, #tpu.memory_space<vmem>> -> memref<1x800x32xf32, #tpu.memory_space<vmem>>
    %dma_wait3A_154 = tpu.memref_squeeze %dma_wait3A_153 : memref<1x800x32xf32, #tpu.memory_space<vmem>> -> memref<800x32xf32, #tpu.memory_space<vmem>>
    %dma_wait3A_155 = arith.constant 256 : i32
    %dma_wait3A_156 = arith.constant 0 : i32
    %dma_wait3A_157 = tpu.memref_slice %dma_wait3A_154[%dma_wait3A_155, %dma_wait3A_156] : memref<800x32xf32, #tpu.memory_space<vmem>> -> memref<128x32xf32, #tpu.memory_space<vmem>>
    %dma_wait3A_158 = arith.constant 25056 : i32
    %dma_wait3A_159 = tpu.memref_slice %arg7[%dma_wait3A_158] : memref<25600xi32, #tpu.memory_space<vmem>> -> memref<128xi32, #tpu.memory_space<vmem>>
    %dma_wait3A_160 = arith.constant 0 : i32
    %dma_wait3A_161 = arith.constant 0 : i32
    %dma_wait3A_162 = tpu.memref_slice %arg5[%dma_wait3A_160, %dma_wait3A_161] : memref<1000000x32xf32, #tpu.memory_space<hbm>> -> memref<1000000x32xf32, #tpu.memory_space<hbm>>
    tpu.wait_indirect_dma semaphore(%arg13 : memref<!tpu.dma_semaphore, #tpu.memory_space<semaphore_mem>>) src(%dma_wait3A_162 : memref<1000000x32xf32, #tpu.memory_space<hbm>>) dst(%dma_wait3A_157 : memref<128x32xf32, #tpu.memory_space<vmem>>)
    %dma_wait3A_163 = arith.constant 0 : i32
    %dma_wait3A_164 = arith.constant 0 : i32
    %dma_wait3A_165 = arith.constant 0 : i32
    %dma_wait3A_166 = tpu.memref_slice %arg10[%dma_wait3A_163, %dma_wait3A_164, %dma_wait3A_165] : memref<2x800x32xf32, #tpu.memory_space<vmem>> -> memref<1x800x32xf32, #tpu.memory_space<vmem>>
    %dma_wait3A_167 = tpu.memref_squeeze %dma_wait3A_166 : memref<1x800x32xf32, #tpu.memory_space<vmem>> -> memref<800x32xf32, #tpu.memory_space<vmem>>
    %dma_wait3A_168 = arith.constant 384 : i32
    %dma_wait3A_169 = arith.constant 0 : i32
    %dma_wait3A_170 = tpu.memref_slice %dma_wait3A_167[%dma_wait3A_168, %dma_wait3A_169] : memref<800x32xf32, #tpu.memory_space<vmem>> -> memref<128x32xf32, #tpu.memory_space<vmem>>
    %dma_wait3A_171 = arith.constant 25184 : i32
    %dma_wait3A_172 = tpu.memref_slice %arg7[%dma_wait3A_171] : memref<25600xi32, #tpu.memory_space<vmem>> -> memref<128xi32, #tpu.memory_space<vmem>>
    %dma_wait3A_173 = arith.constant 0 : i32
    %dma_wait3A_174 = arith.constant 0 : i32
    %dma_wait3A_175 = tpu.memref_slice %arg5[%dma_wait3A_173, %dma_wait3A_174] : memref<1000000x32xf32, #tpu.memory_space<hbm>> -> memref<1000000x32xf32, #tpu.memory_space<hbm>>
    tpu.wait_indirect_dma semaphore(%arg13 : memref<!tpu.dma_semaphore, #tpu.memory_space<semaphore_mem>>) src(%dma_wait3A_175 : memref<1000000x32xf32, #tpu.memory_space<hbm>>) dst(%dma_wait3A_170 : memref<128x32xf32, #tpu.memory_space<vmem>>)
    %dma_wait3A_176 = arith.constant 0 : i32
    %dma_wait3A_177 = arith.constant 0 : i32
    %dma_wait3A_178 = arith.constant 0 : i32
    %dma_wait3A_179 = tpu.memref_slice %arg10[%dma_wait3A_176, %dma_wait3A_177, %dma_wait3A_178] : memref<2x800x32xf32, #tpu.memory_space<vmem>> -> memref<1x800x32xf32, #tpu.memory_space<vmem>>
    %dma_wait3A_180 = tpu.memref_squeeze %dma_wait3A_179 : memref<1x800x32xf32, #tpu.memory_space<vmem>> -> memref<800x32xf32, #tpu.memory_space<vmem>>
    %dma_wait3A_181 = arith.constant 512 : i32
    %dma_wait3A_182 = arith.constant 0 : i32
    %dma_wait3A_183 = tpu.memref_slice %dma_wait3A_180[%dma_wait3A_181, %dma_wait3A_182] : memref<800x32xf32, #tpu.memory_space<vmem>> -> memref<128x32xf32, #tpu.memory_space<vmem>>
    %dma_wait3A_184 = arith.constant 25312 : i32
    %dma_wait3A_185 = tpu.memref_slice %arg7[%dma_wait3A_184] : memref<25600xi32, #tpu.memory_space<vmem>> -> memref<128xi32, #tpu.memory_space<vmem>>
    %dma_wait3A_186 = arith.constant 0 : i32
    %dma_wait3A_187 = arith.constant 0 : i32
    %dma_wait3A_188 = tpu.memref_slice %arg5[%dma_wait3A_186, %dma_wait3A_187] : memref<1000000x32xf32, #tpu.memory_space<hbm>> -> memref<1000000x32xf32, #tpu.memory_space<hbm>>
    tpu.wait_indirect_dma semaphore(%arg13 : memref<!tpu.dma_semaphore, #tpu.memory_space<semaphore_mem>>) src(%dma_wait3A_188 : memref<1000000x32xf32, #tpu.memory_space<hbm>>) dst(%dma_wait3A_183 : memref<128x32xf32, #tpu.memory_space<vmem>>)
    %dma_wait3A_189 = arith.constant 0 : i32
    %dma_wait3A_190 = arith.constant 0 : i32
    %dma_wait3A_191 = arith.constant 0 : i32
    %dma_wait3A_192 = tpu.memref_slice %arg10[%dma_wait3A_189, %dma_wait3A_190, %dma_wait3A_191] : memref<2x800x32xf32, #tpu.memory_space<vmem>> -> memref<1x800x32xf32, #tpu.memory_space<vmem>>
    %dma_wait3A_193 = tpu.memref_squeeze %dma_wait3A_192 : memref<1x800x32xf32, #tpu.memory_space<vmem>> -> memref<800x32xf32, #tpu.memory_space<vmem>>
    %dma_wait3A_194 = arith.constant 640 : i32
    %dma_wait3A_195 = arith.constant 0 : i32
    %dma_wait3A_196 = tpu.memref_slice %dma_wait3A_193[%dma_wait3A_194, %dma_wait3A_195] : memref<800x32xf32, #tpu.memory_space<vmem>> -> memref<128x32xf32, #tpu.memory_space<vmem>>
    %dma_wait3A_197 = arith.constant 25440 : i32
    %dma_wait3A_198 = tpu.memref_slice %arg7[%dma_wait3A_197] : memref<25600xi32, #tpu.memory_space<vmem>> -> memref<128xi32, #tpu.memory_space<vmem>>
    %dma_wait3A_199 = arith.constant 0 : i32
    %dma_wait3A_200 = arith.constant 0 : i32
    %dma_wait3A_201 = tpu.memref_slice %arg5[%dma_wait3A_199, %dma_wait3A_200] : memref<1000000x32xf32, #tpu.memory_space<hbm>> -> memref<1000000x32xf32, #tpu.memory_space<hbm>>
    tpu.wait_indirect_dma semaphore(%arg13 : memref<!tpu.dma_semaphore, #tpu.memory_space<semaphore_mem>>) src(%dma_wait3A_201 : memref<1000000x32xf32, #tpu.memory_space<hbm>>) dst(%dma_wait3A_196 : memref<128x32xf32, #tpu.memory_space<vmem>>)
    %dma_wait3A_202 = arith.constant 0 : i32
    %dma_wait3A_203 = arith.constant 0 : i32
    %dma_wait3A_204 = arith.constant 0 : i32
    %dma_wait3A_205 = tpu.memref_slice %arg10[%dma_wait3A_202, %dma_wait3A_203, %dma_wait3A_204] : memref<2x800x32xf32, #tpu.memory_space<vmem>> -> memref<1x800x32xf32, #tpu.memory_space<vmem>>
    %dma_wait3A_206 = tpu.memref_squeeze %dma_wait3A_205 : memref<1x800x32xf32, #tpu.memory_space<vmem>> -> memref<800x32xf32, #tpu.memory_space<vmem>>
    %dma_wait3A_207 = arith.constant 768 : i32
    %dma_wait3A_208 = arith.constant 0 : i32
    %dma_wait3A_209 = tpu.memref_slice %dma_wait3A_206[%dma_wait3A_207, %dma_wait3A_208] : memref<800x32xf32, #tpu.memory_space<vmem>> -> memref<32x32xf32, #tpu.memory_space<vmem>>
    %dma_wait3A_210 = arith.constant 25568 : i32
    %dma_wait3A_211 = tpu.memref_slice %arg7[%dma_wait3A_210] : memref<25600xi32, #tpu.memory_space<vmem>> -> memref<32xi32, #tpu.memory_space<vmem>>
    %dma_wait3A_212 = arith.constant 0 : i32
    %dma_wait3A_213 = arith.constant 0 : i32
    %dma_wait3A_214 = tpu.memref_slice %arg5[%dma_wait3A_212, %dma_wait3A_213] : memref<1000000x32xf32, #tpu.memory_space<hbm>> -> memref<1000000x32xf32, #tpu.memory_space<hbm>>
    tpu.wait_indirect_dma semaphore(%arg13 : memref<!tpu.dma_semaphore, #tpu.memory_space<semaphore_mem>>) src(%dma_wait3A_214 : memref<1000000x32xf32, #tpu.memory_space<hbm>>) dst(%dma_wait3A_209 : memref<32x32xf32, #tpu.memory_space<vmem>>)
    %dma_wait3A_215 = arith.constant 0 : i32
    %dma_wait3A_216 = arith.constant 0 : i32
    %dma_wait3A_217 = arith.constant 0 : i32
    %dma_wait3A_218 = tpu.memref_slice %arg11[%dma_wait3A_215, %dma_wait3A_216, %dma_wait3A_217] : memref<2x16x32xf32, #tpu.memory_space<vmem>> -> memref<1x16x32xf32, #tpu.memory_space<vmem>>
    %dma_wait3A_219 = tpu.memref_squeeze %dma_wait3A_218 : memref<1x16x32xf32, #tpu.memory_space<vmem>> -> memref<16x32xf32, #tpu.memory_space<vmem>>
    %dma_wait3A_220 = arith.constant 496 : i32
    %dma_wait3A_221 = tpu.memref_slice %arg8[%dma_wait3A_220] : memref<512xi32, #tpu.memory_space<vmem>> -> memref<16xi32, #tpu.memory_space<vmem>>
    %dma_wait3A_222 = arith.constant 0 : i32
    %dma_wait3A_223 = arith.constant 0 : i32
    %dma_wait3A_224 = tpu.memref_slice %arg5[%dma_wait3A_222, %dma_wait3A_223] : memref<1000000x32xf32, #tpu.memory_space<hbm>> -> memref<1000000x32xf32, #tpu.memory_space<hbm>>
    tpu.wait_indirect_dma semaphore(%arg13 : memref<!tpu.dma_semaphore, #tpu.memory_space<semaphore_mem>>) src(%dma_wait3A_224 : memref<1000000x32xf32, #tpu.memory_space<hbm>>) dst(%dma_wait3A_219 : memref<16x32xf32, #tpu.memory_space<vmem>>)
    %add3A_225 = arith.constant 480 : i32
    %add3A_226 = arith.addi %mul3A_2, %add3A_225 : i32
    %dma_wait3A_227 = arith.constant 0 : i32
    %dma_wait3A_228 = arith.constant 0 : i32
    %dma_wait3A_229 = arith.constant 0 : i32
    %dma_wait3A_230 = tpu.memref_slice %arg12[%dma_wait3A_227, %dma_wait3A_228, %dma_wait3A_229] : memref<2x16x64xf32, #tpu.memory_space<vmem>> -> memref<1x16x64xf32, #tpu.memory_space<vmem>>
    %dma_wait3A_231 = tpu.memref_squeeze %dma_wait3A_230 : memref<1x16x64xf32, #tpu.memory_space<vmem>> -> memref<16x64xf32, #tpu.memory_space<vmem>>
    %dma_wait3A_232 = arith.constant 0 : i32
    %dma_wait3A_233 = tpu.memref_slice %arg6[%add3A_226, %dma_wait3A_232] : memref<16384x64xf32, #tpu.memory_space<hbm>> -> memref<16x64xf32, #tpu.memory_space<hbm>>
    %dma_wait3A_234 = arith.constant 0 : i32
    %dma_wait3A_235 = tpu.memref_slice %arg6[%add3A_226, %dma_wait3A_234] : memref<16384x64xf32, #tpu.memory_space<hbm>> -> memref<16x64xf32, #tpu.memory_space<hbm>>
    %dma_wait3A_236 = arith.constant 0 : i32
    %dma_wait3A_237 = arith.constant 0 : i32
    %dma_wait3A_238 = tpu.memref_slice %arg12[%dma_wait3A_227, %dma_wait3A_236, %dma_wait3A_237] : memref<2x16x64xf32, #tpu.memory_space<vmem>> -> memref<1x16x64xf32, #tpu.memory_space<vmem>>
    %dma_wait3A_239 = tpu.memref_squeeze %dma_wait3A_238 : memref<1x16x64xf32, #tpu.memory_space<vmem>> -> memref<16x64xf32, #tpu.memory_space<vmem>>
    tpu.wait_dma2 semaphore(%arg15 : memref<!tpu.dma_semaphore, #tpu.memory_space<semaphore_mem>>) src(%dma_wait3A_239 : memref<16x64xf32, #tpu.memory_space<vmem>>) dst(%dma_wait3A_235 : memref<16x64xf32, #tpu.memory_space<hbm>>)
    %add3A_240 = arith.constant 496 : i32
    %add3A_241 = arith.addi %mul3A_2, %add3A_240 : i32
    %dma_wait3A_242 = arith.constant 1 : i32
    %dma_wait3A_243 = arith.constant 0 : i32
    %dma_wait3A_244 = arith.constant 0 : i32
    %dma_wait3A_245 = tpu.memref_slice %arg12[%dma_wait3A_242, %dma_wait3A_243, %dma_wait3A_244] : memref<2x16x64xf32, #tpu.memory_space<vmem>> -> memref<1x16x64xf32, #tpu.memory_space<vmem>>
    %dma_wait3A_246 = tpu.memref_squeeze %dma_wait3A_245 : memref<1x16x64xf32, #tpu.memory_space<vmem>> -> memref<16x64xf32, #tpu.memory_space<vmem>>
    %dma_wait3A_247 = arith.constant 0 : i32
    %dma_wait3A_248 = tpu.memref_slice %arg6[%add3A_241, %dma_wait3A_247] : memref<16384x64xf32, #tpu.memory_space<hbm>> -> memref<16x64xf32, #tpu.memory_space<hbm>>
    %dma_wait3A_249 = arith.constant 0 : i32
    %dma_wait3A_250 = tpu.memref_slice %arg6[%add3A_241, %dma_wait3A_249] : memref<16384x64xf32, #tpu.memory_space<hbm>> -> memref<16x64xf32, #tpu.memory_space<hbm>>
    %dma_wait3A_251 = arith.constant 0 : i32
    %dma_wait3A_252 = arith.constant 0 : i32
    %dma_wait3A_253 = tpu.memref_slice %arg12[%dma_wait3A_242, %dma_wait3A_251, %dma_wait3A_252] : memref<2x16x64xf32, #tpu.memory_space<vmem>> -> memref<1x16x64xf32, #tpu.memory_space<vmem>>
    %dma_wait3A_254 = tpu.memref_squeeze %dma_wait3A_253 : memref<1x16x64xf32, #tpu.memory_space<vmem>> -> memref<16x64xf32, #tpu.memory_space<vmem>>
    tpu.wait_dma2 semaphore(%arg16 : memref<!tpu.dma_semaphore, #tpu.memory_space<semaphore_mem>>) src(%dma_wait3A_254 : memref<16x64xf32, #tpu.memory_space<vmem>>) dst(%dma_wait3A_250 : memref<16x64xf32, #tpu.memory_space<hbm>>)
    return
  }
}

</mosaic_0001>

<sc_bundles>
// kernel: kernel.3.cloned.1.call-start
scs
__scs_entry_jumppad:
0x0: {  	(pc) =	sbr.rel $0x88, $3  }
0x1: {  	(tag) =	ssettag $0x0;
	lr =	simm.s32 $0x1  }
0x2: {  	[smem:$0x3F9D] =	sst lr;
	_ =	strace $0xD0000000  }
0x3: {  	_ = 	snop  }
0x4: {  	_ = 	snop  }
0x5: {  	_ = 	snop  }
0x6: {  	_ = 	snop  }
0x7: {  	_ = 	snop  }
__scs_overlays_trampoline_lowered:
0x8: {  	[smem:$0x3FAC] =	sst s0  }
0x9: {  	[smem:$0x3FAD] =	sst s1  }
0xa: {  	[smem:$0x3FAE] =	sst s2  }
0xb: {  	[smem:$0x3FAF] =	sst s3  }
0xc: {  	[smem:$0x3FB0] =	sst s4  }
0xd: {  	[smem:$0x3FB1] =	sst s5  }
0xe: {  	[smem:$0x3FB2] =	sst s6  }
0xf: {  	[smem:$0x3FB3] =	sst s7  }
0x10: {  	[smem:$0x3FB4] =	sst s8  }
0x11: {  	[smem:$0x3FB5] =	sst s9;
	s0 =	simm.s32 @!p0 $0x0  }
0x12: {  	s1 =	sld [smem:$0x3F9B];
	s0 =	simm.s32 @p0 $0x1  }
0x13: {  	[smem:$0x3FB6] =	sst s0;
	s0 =	simm.s32 @!p1 $0x0  }
0x14: {  	s2 =	sld [smem:$0x3F9A];
	s0 =	simm.s32 @p1 $0x1  }
0x15: {  	[smem:$0x3FB7] =	sst s0;
	s0 =	simm.s32 @!p2 $0x0  }
0x16: {  	s3 =	sld [smem:$0x3FDB];
	s0 =	simm.s32 @p2 $0x1  }
0x17: {  	s4 =	simm.s32 $0x1BF5;
	[smem:$0x3FB9] =	sst s0  }
0x18: {  	s0 =	sld [smem:$0x3F9C];
	_ =	swait.ge [sflag:s4], $0x0  }
0x19: {  	s7 =	sld [smem:$0x3F9D]  }
0x1a: {  	s8 =	sadd.s32 $0xFFFFE003, lr  }
0x1b: {  	s9 =	sadd.s32 $0xFFFFFEF7, lr;
	s5 =	simm.s32 $0xFFFFFFFF;
	p2 =	slt.u32 s8, $0xFFFFF086  }
0x1c: {  	p1 =	slt.u32 s9, $0xF7A;
	s5 =	simm.s32 @!p2 $0x0  }
0x1d: {  	s5 =	simm.s32 @p1 $0x1;
	p0 =	seq.s32 s7, s2  }
0x1e: {  	s7 =	smul.u32 @!p0 $0xF7A, s2;
	p2 =	seq.s32 @!p0 s5, $0x0  }
0x1f: {  	s9 =	smul.u32 $0xF7A, s1;
	s8 =	simm.s32 @!p0 $0x1BF5;
	p2 =	por !p2, p0  }
0x20: {  	[sflag:s8] =	ssyncset.s32 @!p0 $0xFFFFF086;
	s6 =	sadd.s32 @!p0 s3, s7;
	s7 =	simm.s32 @!p0 $0x108  }
0x21: {  	s3 =	sadd.s32 s3, s9;
	s6 =	sadd.s32 @!p0 $0x88, s6;
	s7 =	simm.s32 @p2 $0x1082  }
0x22: {  	[simem:s7], [sflag:s8] =	dma.local @!p0 [hbm:s6], $0xF7A  }
0x23: {  	s9 =	sor.u32 $0xD0000000, s2;
	s6 =	simm.s32 $0x108;
	_ =	swait.ge @!p0 [sflag:s8], $0x0  }
0x24: {  	s3 =	sadd.s32 $0x88, s3;
	s6 =	simm.s32 @!p1 $0x1082;
	[sflag:s4] =	ssyncset.s32 $0xFFFFF086  }
0x25: {  	[simem:s6], [sflag:s4] =	dma.local [hbm:s3], $0xF7A  }
0x26: {  	[smem:$0x3F9D] =	sst s1;
	(tag) =	ssettag s2;
	_ =	strace s9  }
0x27: {  	s1 =	sld [smem:$0x3FAD]  }
0x28: {  	s2 =	sld [smem:$0x3FAE]  }
0x29: {  	s4 =	sld [smem:$0x3FB0]  }
0x2a: {  	p0 =	seq.s32 s5, $0x0;
	s5 =	sld [smem:$0x3FB1]  }
0x2b: {  	s6 =	sld [smem:$0x3FB2]  }
0x2c: {  	s7 =	sld [smem:$0x3FB3]  }
0x2d: {  	s3 =	simm.s32 $0x108;
	s8 =	sld [smem:$0x3FB4]  }
0x2e: {  	s3 =	simm.s32 @!p0 $0x1082;
	s9 =	sld [smem:$0x3FB5]  }
0x2f: {  	lr =	sadd.s32 s0, s3;
	s0 =	sld [smem:$0x3FAC]  }
0x30: {  	s3 =	sld [smem:$0x3FAF]  }
0x31: {  	[smem:$0x3FB8] =	sst s10  }
0x32: {  	s10 =	sld [smem:$0x3FB6];
	_ =	sdelay $0x3  }
0x33: {  	p0 =	seq.s32 s10, $0x1;
	s10 =	sld [smem:$0x3FB8];
	_ =	sdelay $0x3  }
0x34: {  	[smem:$0x3FB8] =	sst s10  }
0x35: {  	s10 =	sld [smem:$0x3FB7];
	_ =	sdelay $0x3  }
0x36: {  	p1 =	seq.s32 s10, $0x1;
	s10 =	sld [smem:$0x3FB8];
	_ =	sdelay $0x3  }
0x37: {  	[smem:$0x3FB8] =	sst s10  }
0x38: {  	s10 =	sld [smem:$0x3FB9]  }
0x39: {  	_ = 	snop;
	(pc) =	sbr.ind lr, $3  }
0x3a: {  	_ = 	snop  }
0x3b: {  	_ = 	snop  }
0x3c: {  	p2 =	seq.s32 s10, $0x1;
	s10 =	sld [smem:$0x3FB8]  }
0x3d: {  	_ =	shalt  }
0x3e: {  	_ =	shalt  }
0x3f: {  	_ =	shalt  }
0x40: {  	_ =	shalt  }
0x41: {  	_ =	shalt  }
0x42: {  	_ =	shalt  }
0x43: {  	_ =	shalt  }
0x44: {  	_ =	shalt  }
0x45: {  	_ =	shalt  }
0x46: {  	_ =	shalt  }
0x47: {  	_ =	shalt  }
0x48: {  	_ =	shalt  }
0x49: {  	_ =	shalt  }
0x4a: {  	_ =	shalt  }
0x4b: {  	_ =	shalt  }
0x4c: {  	_ =	shalt  }
0x4d: {  	_ =	shalt  }
0x4e: {  	_ =	shalt  }
0x4f: {  	_ =	shalt  }
0x50: {  	_ =	shalt  }
0x51: {  	_ =	shalt  }
0x52: {  	_ =	shalt  }
0x53: {  	_ =	shalt  }
0x54: {  	_ =	shalt  }
0x55: {  	_ =	shalt  }
0x56: {  	_ =	shalt  }
0x57: {  	_ =	shalt  }
0x58: {  	_ =	shalt  }
0x59: {  	_ =	shalt  }
0x5a: {  	_ =	shalt  }
0x5b: {  	_ =	shalt  }
0x5c: {  	_ =	shalt  }
0x5d: {  	_ =	shalt  }
0x5e: {  	_ =	shalt  }
0x5f: {  	_ =	shalt  }
0x60: {  	_ =	shalt  }
0x61: {  	_ =	shalt  }
0x62: {  	_ =	shalt  }
0x63: {  	_ =	shalt  }
0x64: {  	_ =	shalt  }
0x65: {  	_ =	shalt  }
0x66: {  	_ =	shalt  }
0x67: {  	_ =	shalt  }
0x68: {  	_ =	shalt  }
0x69: {  	_ =	shalt  }
0x6a: {  	_ =	shalt  }
0x6b: {  	_ =	shalt  }
0x6c: {  	_ =	shalt  }
0x6d: {  	_ =	shalt  }
0x6e: {  	_ =	shalt  }
0x6f: {  	_ =	shalt  }
0x70: {  	_ =	shalt  }
0x71: {  	_ =	shalt  }
0x72: {  	_ =	shalt  }
0x73: {  	_ =	shalt  }
0x74: {  	_ =	shalt  }
0x75: {  	_ =	shalt  }
0x76: {  	_ =	shalt  }
0x77: {  	_ =	shalt  }
0x78: {  	_ =	shalt  }
0x79: {  	_ =	shalt  }
0x7a: {  	_ =	shalt  }
0x7b: {  	_ =	shalt  }
0x7c: {  	_ =	shalt  }
0x7d: {  	_ =	shalt  }
0x7e: {  	_ =	shalt  }
0x7f: {  	_ =	shalt  }
0x80: {  	_ =	shalt  }
0x81: {  	_ =	shalt  }
0x82: {  	_ =	shalt  }
0x83: {  	_ =	shalt  }
0x84: {  	_ =	shalt  }
0x85: {  	_ =	shalt  }
0x86: {  	_ =	shalt  }
0x87: {  	_ =	shalt  }
.Lfunc_end0:
.L_simem_size_0:
called_computation_lowered:
.L_overlay_start_0:
0x88: {  	s2 =	sld [smem:$0x3FD9]  }
0x89: {  	s3 =	sld [smem:$0x3FFE];
	_ =	sdelay $0x1  }
0x8a: {  	s1 =	srdreg.scid  }
0x8b: {  	s0 =	sand.u32 $0x1, s1  }
0x8c: {  	s17 =	sshll.u32 s0, $0xA;
	s2 =	sadd.s32 s3, s2  }
0x8d: {  	s2 =	sadd.s32 s2, s17  }
0x8e: {  	[smem:$0x3FC4] =	sst s2  }
0x8f: {  	_ = 	snop  }
0x90: {  	s2 =	sld [smem:$0x3FC9]  }
0x91: {  	s18 =	sld [smem:$0x3FD0];
	(tm) =	ssettm $0x1  }
0x92: {  	s4 =	sld [smem:$0x3FFB];
	_ =	sdelay $0x3  }
0x93: {  	_ =	strace s4  }
0x94: {  	s4 =	sld [smem:$0x3FFC];
	_ =	sdelay $0x3  }
0x95: {  	_ =	strace s4  }
0x96: {  	s4 =	sld [smem:$0x3FFD];
	_ =	sdelay $0x3  }
0x97: {  	_ =	strace s4  }
0x98: {  	_ =	strace $0x8FFFFFFF  }
0x99: {  	s19 =	sld [smem:$0x3FDB];
	_ =	sdelay $0x1  }
0x9a: {  	s5 =	simm.s32 $_scs_section_size  }
0x9b: {  	s6 =	simm.s32 $_size__tile_overlayer_lowered;
	s7 =	simm.s32 $_tile_overlayer_lowered  }
0x9c: {  	s22 =	simm.s32 $0x1BFF;
	s21 =	sshll.u32 s7, $0x1;
	s4 =	sadd.s32 s5, s19  }
0x9d: {  	s8 =	simm.s32 $0x0;
	s20 =	sshll.u32 s6, $0x1;
	s6 =	sadd.s32 s21, s4  }
0x9e: {  	[timem:s8], [sflag:s22] =	dma.local [hbm:s6], s20  }
0x9f: {  	_ =	swait.ge [sflag:s22], s20  }
0xa0: {  	s5 =	ssub.s32 $0x0, s20;
	[sflag:s22] =	ssyncset.done $0x0  }
0xa1: {  	[sflag:s22] =	ssyncadd.s32 s5;
	_ =	sdelay $0x1  }
0xa2: {  	s23 =	simm.s32 $0x1B8B  }
0xa3: {  	_ =	swait.ge [sflag:s23], $0x1  }
0xa4: {  	[sflag:s23] =	ssyncset.done $0x0  }
0xa5: {  	s25 =	simm.s32 $0x1B8E;
	s24 =	sld [smem:$0x3FFE];
	[sflag:s23] =	ssyncadd.s32 $0xFFFFFFFF  }
0xa6: {  	s26 =	simm.s32 $execute0_lowered;
	[smem:$0x3FD2] =	sst s25  }
0xa7: {  	s6 =	sshll.u32 s26, $0x1;
	_ =	strace $0x80000046;
	[dreg:$0x1] =	wrdreg $0xFFFFFFFF  }
0xa8: {  	s28 =	simm.s32 $_size_execute0_lowered;
	s4 =	sadd.s32 s4, s6;
	[dreg:$0x0] =	wrdreg $0x0  }
0xa9: {  	s6 =	sshll.u32 s28, $0x1;
	[dreg:$0x2] =	wrdreg s4  }
0xaa: {  	[dreg:$0x3] =	wrdreg s6  }
0xab: {  	[dreg:$0x4] =	wrdreg $0xC0  }
0xac: {  	_ =	task [dreg:s8], $0x5FFFF  }
0xad: {  	[dreg:$0x1] =	wrdreg $0xFFFFFFFF  }
0xae: {  	[dreg:$0x0] =	wrdreg $0x60  }
0xaf: {  	[dreg:$0x2] =	wrdreg s24  }
0xb0: {  	[dreg:$0x3] =	wrdreg s2  }
0xb1: {  	[dreg:$0x4] =	wrdreg s18  }
0xb2: {  	[dreg:$0x5] =	wrdreg $0x9  }
0xb3: {  	_ =	task.clear_ibuf [dreg:s8], $0x6FFFF;
	_ =	strace $0x90000046  }
0xb4: {  	s29 =	simm.s32 $0x9;
	_ =	strace $0x80000048  }
0xb5: {  	_ =	swait.ge [sflag:s29], $0x1  }
0xb6: {  	[sflag:s29] =	ssyncadd.s32 $0xFFFFFFFF  }
0xb7: {  	_ =	strace $0x90000048  }
0xb8: {  	_ =	sfence  }
0xb9: {  	s30 =	sld [smem:$0x0];
	_ =	sdelay $0x2  }
0xba: {  	s31 =	sshll.u32 s1, $0xD;
	s1 =	sshrl.u32 s1, $0x2  }
0xbb: {  	s3 =	sand.u32 $0x4000, s31;
	s1 =	sadd.s32 s1, s30  }
0xbc: {  	s0 =	sor.u32 s3, s0;
	s1 =	sshll.u32 s1, $0x11  }
0xbd: {  	s0 =	sor.u32 s1, s0  }
0xbe: {  	s0 =	sadd.s32 $0x8F2B, s0  }
0xbf: {  	[sflag:s0] =	ssyncadd.remote.s32 $0x1  }
0xc0: {  	_ =	sfence.sel $0xFFFF  }
0xc1: {  	[dreg:$0x0] =	wrdreg $0xFFFFFFFF;
	(pc) =	sbr.abs _section_cstart, $3  }
0xc2: {  	[dreg:$0x1] =	wrdreg $0xFFFFFFFF  }
0xc3: {  	_ =	task.clear_ibuf [dreg:s8], $0x2FFFF;
	_ =	strace $0x9FFFFFFF  }
0xc4: {  	(tm) =	ssettm $0x7FFFFFFF  }
0xc5: {  	_ =	shalt  }
tec
execute0_lowered:
.L_overlay_start_1:
0x0: {  	(tag) =	ssettag $0x1  }
0x1: {  	s0 =	rddreg [dreg:$0x0]  }
0x2: {  	s1 =	rddreg [dreg:$0x1];
	s2 =	srdreg.scid  }
0x3: {  	s5 =	stileid.u32;
	s4 =	rddreg [dreg:$0x2]  }
0x4: {  	s10 =	simm.s32 $0x6600;
	s12 =	simm.s32 $0x80;
	s13 =	simm.s32 $0xCA00  }
0x5: {  	s14 =	simm.s32 $0xDA00;
	s16 =	simm.s32 $0xEA00;
	s18 =	simm.s32 $0xFA00  }
0x6: {  	s20 =	simm.s32 $0x10A00;
	s22 =	simm.s32 $0x11A00;
	s23 =	simm.s32 $0x20  }
0x7: {  	s28 =	simm.s32 $0x19200;
	s17 =	simm.s32 $0x18E00;
	s19 =	simm.s32 $0x19400  }
0x8: {  	s21 =	simm.s32 $0x1;
	s3 =	sand.u32 $0x1, s2;
	s5 =	sshll.u32 s5, $0x1  }
0x9: {  	s24 =	simm.s32 $0x19600;
	s2 =	simm.s32 $0x0;
	s5 =	sor.u32 s3, s5  }
0xa: {  	[smem:$0x7FF] =	sst s2;
	s7 =	ssub.s32 $0x2, s3;
	s3 =	sadd.s32 $0xF42C00, s0  }
0xb: {  	s9 =	simm.s32 $0x2;
	s6 =	smul.u32 $0xC80, s5;
	_ =	strace $0x80000047  }
0xc: {  	s25 =	sshrl.u32 s7, $0x1;
	s29 =	sshll.u32 s5, $0x6;
	s31 =	sshll.u32 s5, $0xC  }
0xd: {  	s5 =	simm.s32 $0x0;
	s1 =	sadd.s32 s1, s29;
	s6 =	sadd.s32 s6, s0  }
0xe: {  	s0 =	ssub.s32 s7, s25;
	[dreg:$0x5] =	wrdreg s1;
	s26 =	sadd.s32 $0x19800, s6  }
0xf: {  	s7 =	sadd.s32 s4, s31;
	s30 =	sadd.s32 $0x800, s6;
	[dreg:$0x4] =	wrdreg s26  }
0x10: {  	s25 =	simm.s32 $0x12A00;
	s0 =	smax.u32 s0, $0x1;
	[dreg:$0x6] =	wrdreg s30  }
0x11: {  	s4 =	simm.s32 $0x19A00;
	[dreg:$0x7] =	wrdreg s0;
	s26 =	simm.s32 $0x10  }
.LBB2_1:
0x12: {  	[dreg:$0x8] =	wrdreg s5  }
0x13: {  	s0 =	rddreg [dreg:$0x4]  }
0x14: {  	[tilespmem:s2], [sflag:$0x5] =	stream.linear.gather [hbm4b:s0+s2], $0x6400, $0x38;
	[tilespmem:$0x19E00] =	vst v63  }
0x15: {  	s5 =	rddreg [dreg:$0x5];
	s1 =	simm.s32 $0x6400  }
0x16: {  	[tilespmem:s1], [sflag:$0x5] =	stream.linear.gather [hbm4b:s5+s2], $0x200, $0x38;
	[tilespmem:$0x19E00] =	vst v63  }
0x17: {  	s6 =	rddreg [dreg:$0x6];
	s8 =	simm.s32 $0x5  }
0x18: {  	[tilespmem:s10], [sflag:$0x5] =	stream.linear.gather [hbm4b:s6+s2], $0x6400, $0x38;
	[tilespmem:$0x19E00] =	vst v63  }
0x19: {  	_ =	swait.ge [sflag:s8], $0x6400  }
0x1a: {  	[sflag:s8] =	ssyncset.done $0x0  }
0x1b: {  	[sflag:s8] =	ssyncadd.s32 $0xFFFF9C00  }
0x1c: {  	_ =	swait.ge [sflag:s8], $0x200  }
0x1d: {  	[sflag:s8] =	ssyncset.done $0x0  }
0x1e: {  	[sflag:s8] =	ssyncadd.s32 $0xFFFFFE00  }
0x1f: {  	_ =	swait.ge [sflag:s8], $0x6400  }
0x20: {  	[sflag:s8] =	ssyncset.done $0x0  }
0x21: {  	[sflag:s8] =	ssyncadd.s32 $0xFFFF9C00  }
0x22: {  	[tilespmem:s13], [sflag:$0x1] =	stream.indirect.gather [hbm4b:s3+s12], $0x20, s2, s12, $0xb8;
	[tilespmem:$0x19E00] =	vst v63  }
0x23: {  	_ = 	snop  }
0x24: {  	[tilespmem:s14], [sflag:$0x1] =	stream.indirect.gather [hbm4b:s3+s12], $0x20, s12, s12, $0xb8;
	[tilespmem:$0x19E00] =	vst v63  }
0x25: {  	s11 =	simm.s32 $0x100  }
0x26: {  	[tilespmem:s16], [sflag:$0x1] =	stream.indirect.gather [hbm4b:s3+s12], $0x20, s11, s12, $0xb8;
	[tilespmem:$0x19E00] =	vst v63  }
0x27: {  	s15 =	simm.s32 $0x180  }
0x28: {  	[tilespmem:s18], [sflag:$0x1] =	stream.indirect.gather [hbm4b:s3+s12], $0x20, s15, s12, $0xb8;
	[tilespmem:$0x19E00] =	vst v63  }
0x29: {  	s29 =	simm.s32 $0x200  }
0x2a: {  	[tilespmem:s20], [sflag:$0x1] =	stream.indirect.gather [hbm4b:s3+s12], $0x20, s29, s12, $0xb8;
	[tilespmem:$0x19E00] =	vst v63  }
0x2b: {  	s30 =	simm.s32 $0x280  }
0x2c: {  	[tilespmem:s22], [sflag:$0x1] =	stream.indirect.gather [hbm4b:s3+s12], $0x20, s30, s12, $0xb8;
	[tilespmem:$0x19E00] =	vst v63  }
0x2d: {  	s31 =	simm.s32 $0x300  }
0x2e: {  	[tilespmem:s25], [sflag:$0x1] =	stream.indirect.gather [hbm4b:s3+s23], $0x20, s31, s23, $0xb8;
	[tilespmem:$0x19E00] =	vst v63  }
0x2f: {  	s5 =	simm.s32 $0x320;
	s6 =	simm.s32 $0x0;
	s11 =	simm.s32 $0x0  }
0x30: {  	[tilespmem:s28], [sflag:$0x1] =	stream.indirect.gather [hbm4b:s3+s26], $0x20, s1, s26, $0xb8;
	[tilespmem:$0x19E00] =	vst v63  }
.LBB2_2:
0x31: {  	s8 =	sshllo.u32 s11, $0x1  }
0x32: {  	s0 =	smul.u32 $0x320, s8  }
0x33: {  	s1 =	simm.s32 $0x12E00  }
0x34: {  	[tilespmem:s1], [sflag:$0x2] =	stream.indirect.gather [hbm4b:s3+s12], $0x20, s0, s12, $0xb8;
	[tilespmem:$0x19E00] =	vst v63  }
0x35: {  	s15 =	simm.s32 $0x13E00;
	s1 =	sadd.s32 $0x80, s0  }
0x36: {  	[tilespmem:s15], [sflag:$0x2] =	stream.indirect.gather [hbm4b:s3+s12], $0x20, s1, s12, $0xb8;
	[tilespmem:$0x19E00] =	vst v63  }
0x37: {  	s1 =	sadd.s32 $0x100, s0;
	s15 =	simm.s32 $0x14E00  }
0x38: {  	[tilespmem:s15], [sflag:$0x2] =	stream.indirect.gather [hbm4b:s3+s12], $0x20, s1, s12, $0xb8;
	[tilespmem:$0x19E00] =	vst v63  }
0x39: {  	s1 =	sadd.s32 $0x180, s0;
	s15 =	simm.s32 $0x15E00  }
0x3a: {  	[tilespmem:s15], [sflag:$0x2] =	stream.indirect.gather [hbm4b:s3+s12], $0x20, s1, s12, $0xb8;
	[tilespmem:$0x19E00] =	vst v63  }
0x3b: {  	s1 =	sadd.s32 $0x200, s0;
	s15 =	simm.s32 $0x16E00  }
0x3c: {  	[tilespmem:s15], [sflag:$0x2] =	stream.indirect.gather [hbm4b:s3+s12], $0x20, s1, s12, $0xb8;
	[tilespmem:$0x19E00] =	vst v63  }
0x3d: {  	s1 =	sadd.s32 $0x280, s0;
	s15 =	simm.s32 $0x17E00  }
0x3e: {  	[tilespmem:s15], [sflag:$0x2] =	stream.indirect.gather [hbm4b:s3+s12], $0x20, s1, s12, $0xb8;
	[tilespmem:$0x19E00] =	vst v63  }
0x3f: {  	s0 =	sadd.s32 $0x300, s0;
	s15 =	sshll.u32 s8, $0x4  }
0x40: {  	[tilespmem:s17], [sflag:$0x2] =	stream.indirect.gather [hbm4b:s3+s23], $0x20, s0, s23, $0xb8;
	[tilespmem:$0x19E00] =	vst v63  }
0x41: {  	s0 =	sand.u32 $0x3FFFFFF0, s15  }
0x42: {  	p0 =	seq.s32 s11, $0x0;
	s0 =	sadd.s32 $0x6400, s0  }
0x43: {  	[tilespmem:s19], [sflag:$0x2] =	stream.indirect.gather [hbm4b:s3+s26], $0x20, s0, s26, $0xb8;
	[tilespmem:$0x19E00] =	vst v63  }
0x44: {  	s0 =	simm.s32 @!p0 $0x3  }
0x45: {  	_ =	swait.ge @!p0 [sflag:s0], $0x400  }
0x46: {  	[sflag:s0] =	ssyncset.done @!p0 $0x0  }
0x47: {  	[sflag:s0] =	ssyncadd.s32 @!p0 $0xFFFFFC00  }
0x48: {  	_ =	swait.ge [sflag:s21], $0x1000  }
0x49: {  	[sflag:s21] =	ssyncset.done $0x0  }
0x4a: {  	[sflag:s21] =	ssyncadd.s32 $0xFFFFF000  }
0x4b: {  	_ =	swait.ge [sflag:s21], $0x1000  }
0x4c: {  	[sflag:s21] =	ssyncset.done $0x0  }
0x4d: {  	[sflag:s21] =	ssyncadd.s32 $0xFFFFF000  }
0x4e: {  	_ =	swait.ge [sflag:s21], $0x1000  }
0x4f: {  	[sflag:s21] =	ssyncset.done $0x0  }
0x50: {  	[sflag:s21] =	ssyncadd.s32 $0xFFFFF000  }
0x51: {  	_ =	swait.ge [sflag:s21], $0x1000  }
0x52: {  	[sflag:s21] =	ssyncset.done $0x0  }
0x53: {  	[sflag:s21] =	ssyncadd.s32 $0xFFFFF000  }
0x54: {  	_ =	swait.ge [sflag:s21], $0x1000  }
0x55: {  	[sflag:s21] =	ssyncset.done $0x0  }
0x56: {  	[sflag:s21] =	ssyncadd.s32 $0xFFFFF000  }
0x57: {  	_ =	swait.ge [sflag:s21], $0x1000  }
0x58: {  	[sflag:s21] =	ssyncset.done $0x0  }
0x59: {  	[sflag:s21] =	ssyncadd.s32 $0xFFFFF000  }
0x5a: {  	_ =	swait.ge [sflag:s21], $0x400  }
0x5b: {  	[sflag:s21] =	ssyncset.done $0x0  }
0x5c: {  	[sflag:s21] =	ssyncadd.s32 $0xFFFFFC00  }
0x5d: {  	s29 =	sshll.u32 s11, $0x1;
	_ =	swait.ge [sflag:s21], $0x200  }
0x5e: {  	s30 =	simm.s32 $0x0;
	s31 =	simm.s32 $0x19620;
	[sflag:s21] =	ssyncset.done $0x0  }
0x5f: {  	s1 =	simm.s32 $0x19210;
	s0 =	simm.s32 $0xCD20;
	[sflag:s21] =	ssyncadd.s32 $0xFFFFFE00  }
.LBB2_3:
0x60: {  	v2 =	vld [tilespmem:s0+$0xFFFFFCE0]  }
0x61: {  	v7 =	vld [tilespmem:s0+$0xFFFFFCF0]  }
0x62: {  	v14 =	vld [tilespmem:s0+$0xFFFFFD00]  }
0x63: {  	v17 =	vld [tilespmem:s0+$0xFFFFFD10]  }
0x64: {  	v18 =	vld [tilespmem:s0+$0xFFFFFD20]  }
0x65: {  	v19 =	vld [tilespmem:s0+$0xFFFFFD30]  }
0x66: {  	v26 =	vld [tilespmem:s0+$0xFFFFFD40]  }
0x67: {  	v28 =	vld [tilespmem:s0+$0xFFFFFD50]  }
0x68: {  	v30 =	vld [tilespmem:s0+$0xFFFFFD60]  }
0x69: {  	v31 =	vld [tilespmem:s0+$0xFFFFFD70]  }
0x6a: {  	v34 =	vld [tilespmem:s0+$0xFFFFFD80]  }
0x6b: {  	v35 =	vld [tilespmem:s0+$0xFFFFFD90]  }
0x6c: {  	v37 =	vld [tilespmem:s0+$0xFFFFFDA0]  }
0x6d: {  	v38 =	vld [tilespmem:s0+$0xFFFFFDB0]  }
0x6e: {  	v40 =	vld [tilespmem:s0+$0xFFFFFDC0]  }
0x6f: {  	v41 =	vld [tilespmem:s0+$0xFFFFFDD0]  }
0x70: {  	v43 =	vld [tilespmem:s0+$0xFFFFFDE0]  }
0x71: {  	v44 =	vld [tilespmem:s0+$0xFFFFFDF0]  }
0x72: {  	v46 =	vld [tilespmem:s0+$0xFFFFFE00]  }
0x73: {  	v47 =	vld [tilespmem:s0+$0xFFFFFE10]  }
0x74: {  	v49 =	vld [tilespmem:s0+$0xFFFFFE20]  }
0x75: {  	v50 =	vld [tilespmem:s0+$0xFFFFFE30]  }
0x76: {  	v52 =	vld [tilespmem:s0+$0xFFFFFE40]  }
0x77: {  	v53 =	vld [tilespmem:s0+$0xFFFFFE50]  }
0x78: {  	v54 =	vld [tilespmem:s0+$0xFFFFFE60]  }
0x79: {  	s15 =	sadd.s32 s30, s6;
	v55 =	vld [tilespmem:s0+$0xFFFFFE70]  }
0x7a: {  	v56 =	vld [tilespmem:s0+$0xFFFFFE80];
	v0 =	vmov s15  }
0x7b: {  	v57 =	vld [tilespmem:s0+$0xFFFFFE90];
	v1 =	vor.u32 $0x1, v0  }
0x7c: {  	v58 =	vld [tilespmem:s0+$0xFFFFFEA0];
	v3 =	vadd.s32 $0x2, v0  }
0x7d: {  	v29 =	vld [tilespmem:s0+$0xFFFFFED0];
	v59 =	vadd.s32 $0x3, v0  }
0x7e: {  	v22 =	vld [tilespmem:s0+$0xFFFFFEE0];
	v60 =	vadd.s32 $0x4, v0  }
0x7f: {  	v61 =	vadd.s32 $0x5, v0;
	v4 =	vld.idx.msk [tilespmem:v0+s10+$0x0], $0xffff  }
0x80: {  	v62 =	vadd.s32 $0x6, v0;
	v10 =	vld.idx.msk [tilespmem:v1+s10+$0x0], $0xffff  }
0x81: {  	v5 =	vadd.s32 $0x7, v0;
	v21 =	vld.idx.msk [tilespmem:v3+s10+$0x0], $0xffff  }
0x82: {  	v8 =	vadd.s32 $0x9, v0;
	v25 =	vld.idx.msk [tilespmem:v59+s10+$0x0], $0xffff  }
0x83: {  	v9 =	vadd.s32 $0xA, v0;
	v32 =	vld.idx.msk [tilespmem:v60+s10+$0x0], $0xffff  }
0x84: {  	v11 =	vadd.s32 $0xB, v0;
	v33 =	vld.idx.msk [tilespmem:v61+s10+$0x0], $0xffff  }
0x85: {  	v13 =	vadd.s32 $0xC, v0;
	v36 =	vld.idx.msk [tilespmem:v62+s10+$0x0], $0xffff  }
0x86: {  	v15 =	vadd.s32 $0xD, v0;
	v39 =	vld.idx.msk [tilespmem:v5+s10+$0x0], $0xffff  }
0x87: {  	v16 =	vadd.s32 $0xE, v0;
	v45 =	vld.idx.msk [tilespmem:v8+s10+$0x0], $0xffff  }
0x88: {  	v48 =	vld.idx.msk [tilespmem:v9+s10+$0x0], $0xffff  }
0x89: {  	v23 =	vadd.s32 $0xF, v0;
	v51 =	vld.idx.msk [tilespmem:v11+s10+$0x0], $0xffff  }
0x8a: {  	v27 =	vld.idx.msk [tilespmem:v13+s10+$0x0], $0xffff  }
0x8b: {  	v20 =	vld.idx.msk [tilespmem:v15+s10+$0x0], $0xffff  }
0x8c: {  	v13 =	vld.idx.msk [tilespmem:v16+s10+$0x0], $0xffff  }
0x8d: {  	v12 =	vand.u32 $0xFFFE, v0;
	v59 =	vld [tilespmem:s0+$0xFFFFFEB0]  }
0x8e: {  	v63 =	vadd.s32 $0x8, v12;
	v11 =	vld.idx.msk [tilespmem:v23+s10+$0x0], $0xffff  }
0x8f: {  	v24 =	vadd.s32 $0x10, v12;
	v60 =	vld [tilespmem:s0+$0xFFFFFEC0]  }
0x90: {  	v23 =	vld [tilespmem:s0+$0xFFFFFF00]  }
0x91: {  	v16 =	vld [tilespmem:s0+$0xFFFFFF10]  }
0x92: {  	v61 =	vadd.s32 $0x11, v0;
	v15 =	vld [tilespmem:s0+$0xFFFFFF20]  }
0x93: {  	v9 =	vadd.s32 $0x13, v0;
	v42 =	vld.idx.msk [tilespmem:v63+s10+$0x0], $0xffff  }
0x94: {  	v8 =	vld.idx.msk [tilespmem:v24+s10+$0x0], $0xffff  }
0x95: {  	v62 =	vadd.s32 $0x12, v0;
	v24 =	vld [tilespmem:s0+$0xFFFFFEF0]  }
0x96: {  	v63 =	vld [tilespmem:s0+$0xFFFFFF30]  }
0x97: {  	v6 =	vld.idx.msk [tilespmem:v61+s10+$0x0], $0xffff  }
0x98: {  	v3 =	vld.idx.msk [tilespmem:v9+s10+$0x0], $0xffff  }
0x99: {  	v2 =	vmul.f32 v2, v4;
	v61 =	vadd.s32 $0x14, v0;
	v9 =	vld [tilespmem:s0+$0xFFFFFF40]  }
0x9a: {  	v5 =	vld.idx.msk [tilespmem:v62+s10+$0x0], $0xffff;
	v62 =	vadd.s32 $0x15, v0  }
0x9b: {  	v7 =	vmul.f32 v7, v4;
	v1 =	vmul.f32 v18, v21;
	v18 =	vld [tilespmem:s0+$0xFFFFFF50];
	[tilespmem:$0x1FFE0] =	vst v63;
	v63 =	vadd.f32 $0.0e+00, v2  }
0x9c: {  	v4 =	vadd.f32 $0.0e+00, v4;
	v14 =	vmul.f32 v14, v10;
	v2 =	vmul.f32 v19, v21;
	v19 =	vld [tilespmem:s0+$0xFFFFFF60]  }
0x9d: {  	v7 =	vadd.f32 $0.0e+00, v7;
	v1 =	vadd.f32 v1, v63;
	v63 =	vmul.f32 v17, v10;
	v17 =	vld [tilespmem:s0+$0xFFFFFF70]  }
0x9e: {  	v26 =	vmul.f32 v26, v25;
	v31 =	vmul.f32 v31, v32;
	v14 =	vadd.f32 $0.0e+00, v14;
	[tilespmem:$0x1FFF0] =	vst v9;
	v9 =	vld.idx.msk [tilespmem:v61+s10+$0x0], $0xffff  }
0x9f: {  	v2 =	vadd.f32 v2, v7;
	v7 =	vld.idx.msk [tilespmem:v62+s10+$0x0], $0xffff;
	v62 =	vadd.f32 $0.0e+00, v63;
	v63 =	vmul.f32 v28, v25  }
0xa0: {  	v10 =	vadd.f32 $0.0e+00, v10;
	v14 =	vadd.f32 v26, v14;
	v61 =	vadd.s32 $0x16, v0;
	v28 =	vld [tilespmem:s0+$0xFFFFFF80]  }
0xa1: {  	v35 =	vmul.f32 v35, v33;
	v2 =	vadd.f32 v31, v2;
	v31 =	vld [tilespmem:s0+$0xFFFFFFB0];
	v26 =	vadd.f32 v63, v62  }
0xa2: {  	v62 =	vmul.f32 v30, v32;
	v30 =	vld [tilespmem:s0+$0xFFFFFF90];
	v63 =	vadd.f32 v25, v10;
	v10 =	vmul.f32 v34, v33  }
0xa3: {  	v25 =	vld [tilespmem:s0+$0xFFFFFFA0];
	v34 =	vadd.s32 $0x18, v12;
	v26 =	vadd.f32 v35, v26;
	v35 =	vmul.f32 v38, v36  }
0xa4: {  	v1 =	vadd.f32 v62, v1;
	v62 =	vmul.f32 v37, v36;
	v37 =	vld [tilespmem:s0+$0xFFFFFFC0];
	v33 =	vadd.f32 v33, v63  }
0xa5: {  	v21 =	vadd.f32 v21, v4;
	v4 =	vld.idx.msk [tilespmem:v61+s10+$0x0], $0xffff;
	v2 =	vadd.f32 v35, v2  }
0xa6: {  	v35 =	vmul.f32 v40, v39;
	v40 =	vmul.f32 v41, v39;
	v33 =	vadd.f32 v39, v33;
	v39 =	vld [tilespmem:s0+$0x10]  }
0xa7: {  	v21 =	vadd.f32 v32, v21;
	v41 =	vld [tilespmem:s0+$0x50]  }
0xa8: {  	v32 =	vadd.f32 v10, v14;
	v38 =	vadd.s32 $0x19, v0;
	v14 =	vld.idx.msk [tilespmem:v34+s10+$0x0], $0xffff  }
0xa9: {  	v34 =	vadd.f32 v36, v21;
	v36 =	vld [tilespmem:s0+$0xFFFFFFE0]  }
0xaa: {  	v46 =	vmul.f32 v46, v45;
	v44 =	vmul.f32 v44, v42;
	v26 =	vadd.f32 v40, v26;
	v40 =	vld [tilespmem:s0+$0xFFFFFFF0]  }
0xab: {  	v47 =	vmul.f32 v47, v45;
	v61 =	vadd.s32 $0x17, v0;
	v33 =	vadd.f32 v45, v33;
	v45 =	vld [tilespmem:s0+$0x20]  }
0xac: {  	v2 =	vadd.f32 v44, v2;
	v44 =	vld [tilespmem:s0+$0x30]  }
0xad: {  	v63 =	vadd.s32 $0x1A, v0;
	v21 =	vld.idx.msk [tilespmem:v38+s10+$0x0], $0xffff  }
0xae: {  	v38 =	vld [tilespmem:s0+$0x0]  }
0xaf: {  	v1 =	vadd.f32 v62, v1;
	v62 =	vmul.f32 v43, v42;
	v34 =	vadd.f32 v42, v34;
	v42 =	vld [tilespmem:s0+$0x80]  }
0xb0: {  	v49 =	vmul.f32 v49, v48;
	v50 =	vmul.f32 v50, v48;
	v43 =	vadd.s32 $0x1B, v0;
	v10 =	vld.idx.msk [tilespmem:v61+s10+$0x0], $0xffff  }
0xb1: {  	v32 =	vadd.f32 v35, v32;
	v1 =	vadd.f32 v62, v1;
	v62 =	vmul.f32 v52, v51;
	v61 =	vld [tilespmem:s0+$0xFFFFFFD0]  }
0xb2: {  	v52 =	vmul.f32 v54, v27;
	v54 =	vadd.s32 $0x1D, v0;
	v35 =	vadd.f32 v47, v26;
	v26 =	vld.idx.msk [tilespmem:v63+s10+$0x0], $0xffff  }
0xb3: {  	v32 =	vadd.f32 v46, v32;
	v2 =	vadd.f32 v50, v2;
	v50 =	vmul.f32 v53, v51;
	v47 =	vld [tilespmem:s0+$0x40]  }
0xb4: {  	v1 =	vadd.f32 v49, v1;
	v53 =	vmul.f32 v55, v27;
	v55 =	vmul.f32 v56, v20;
	v49 =	vld [tilespmem:s0+$0x70]  }
0xb5: {  	v63 =	vadd.s32 $0x1C, v0;
	v56 =	vmul.f32 v57, v20;
	v57 =	vmul.f32 v58, v13;
	v43 =	vld.idx.msk [tilespmem:v43+s10+$0x0], $0xffff  }
0xb6: {  	v58 =	vadd.s32 $0x1E, v0;
	v34 =	vadd.f32 v48, v34;
	v35 =	vadd.f32 v50, v35;
	v50 =	vld [tilespmem:s0+$0x60]  }
0xb7: {  	v32 =	vadd.f32 v62, v32;
	v1 =	vadd.f32 v52, v1;
	v52 =	vmul.f32 v23, v6;
	v23 =	vld [tilespmem:s0+$0xA0]  }
0xb8: {  	v27 =	vadd.f32 v27, v34;
	v34 =	vld.idx.msk [tilespmem:v54+s10+$0x0], $0xffff  }
0xb9: {  	v32 =	vadd.f32 v55, v32;
	v55 =	vld [tilespmem:$0x1FFE0]  }
0xba: {  	v33 =	vadd.f32 v51, v33;
	v1 =	vadd.f32 v57, v1;
	v57 =	vld [tilespmem:$0x1FFF0]  }
0xbb: {  	v46 =	vld.idx.msk [tilespmem:v63+s10+$0x0], $0xffff  }
0xbc: {  	v59 =	vmul.f32 v59, v13;
	v20 =	vadd.f32 v20, v33;
	v33 =	vld.idx.msk [tilespmem:v58+s10+$0x0], $0xffff  }
0xbd: {  	v60 =	vmul.f32 v60, v11;
	v22 =	vmul.f32 v22, v8;
	v13 =	vadd.f32 v13, v27;
	v27 =	vld [tilespmem:s0+$0xC0]  }
0xbe: {  	v2 =	vadd.f32 v53, v2;
	v62 =	vadd.s32 $0x1F, v0;
	v58 =	vmul.f32 v19, v9;
	v19 =	vld [tilespmem:s0+$0xE0]  }
0xbf: {  	v29 =	vmul.f32 v29, v11;
	v11 =	vadd.f32 v11, v20;
	v63 =	vadd.f32 v60, v32;
	v32 =	vld [tilespmem:s0+$0x90]  }
0xc0: {  	v24 =	vmul.f32 v24, v8;
	v35 =	vadd.f32 v56, v35;
	v1 =	vadd.f32 v22, v1;
	v22 =	vld [tilespmem:s0+$0xB0]  }
0xc1: {  	v16 =	vmul.f32 v16, v6;
	v15 =	vmul.f32 v15, v5;
	v6 =	vadd.f32 v6, v11;
	v11 =	vld [tilespmem:s0+$0xD0]  }
0xc2: {  	v2 =	vadd.f32 v59, v2;
	v56 =	vadd.s32 $0x21, v0;
	v29 =	vadd.f32 v29, v35;
	v35 =	vld [tilespmem:s0+$0x160]  }
0xc3: {  	v18 =	vmul.f32 v18, v3;
	v51 =	vadd.s32 $0x23, v0;
	v48 =	vmul.f32 v30, v7;
	v20 =	vld.idx.msk [tilespmem:v62+s10+$0x0], $0xffff  }
0xc4: {  	v53 =	vadd.s32 $0x20, v12;
	v2 =	vadd.f32 v24, v2;
	v62 =	vmul.f32 v17, v9;
	v17 =	vld [tilespmem:s0+$0xF0]  }
0xc5: {  	v59 =	vadd.s32 $0x22, v0;
	v8 =	vadd.f32 v8, v13;
	v16 =	vadd.f32 v16, v29;
	v29 =	vld [tilespmem:s0+$0x120]  }
0xc6: {  	v54 =	vadd.f32 v52, v63;
	v1 =	vadd.f32 v15, v1;
	v63 =	vmul.f32 v28, v7;
	v28 =	vld [tilespmem:s0+$0x140]  }
0xc7: {  	v24 =	vmul.f32 v55, v5;
	v15 =	vmul.f32 v57, v3;
	v5 =	vadd.f32 v5, v8;
	v8 =	vld.idx.msk [tilespmem:v56+s10+$0x0], $0xffff  }
0xc8: {  	v3 =	vadd.f32 v3, v6;
	v55 =	vmul.f32 v37, v10;
	v56 =	vadd.s32 $0x24, v0;
	v37 =	vld [tilespmem:s0+$0x290]  }
0xc9: {  	v57 =	vmul.f32 v61, v10;
	v61 =	vadd.s32 $0x25, v0;
	v60 =	vadd.f32 v18, v16;
	v18 =	vld [tilespmem:s0+$0x100]  }
0xca: {  	v1 =	vadd.f32 v58, v1;
	v16 =	vld [tilespmem:s0+$0x130];
	v23 =	vmul.f32 v23, v33;
	v2 =	vadd.f32 v24, v2  }
0xcb: {  	v24 =	vld.idx.msk [tilespmem:v53+s10+$0x0], $0xffff;
	v13 =	vadd.f32 v15, v54;
	v5 =	vadd.f32 v9, v5;
	v53 =	vmul.f32 v25, v4  }
0xcc: {  	v54 =	vmul.f32 v31, v4;
	v25 =	vld.idx.msk [tilespmem:v59+s10+$0x0], $0xffff;
	v3 =	vadd.f32 v7, v3;
	v59 =	vmul.f32 v36, v14  }
0xcd: {  	v7 =	vld.idx.msk [tilespmem:v51+s10+$0x0], $0xffff;
	v51 =	vmul.f32 v44, v26;
	v52 =	vadd.f32 v48, v60;
	v60 =	vmul.f32 v40, v14  }
0xce: {  	v9 =	vld [tilespmem:s0+$0x110];
	v40 =	vmul.f32 v45, v26;
	v45 =	vadd.s32 $0x26, v0;
	v2 =	vadd.f32 v62, v2  }
0xcf: {  	v15 =	vld [tilespmem:s0+$0x170];
	v11 =	vmul.f32 v11, v20;
	v6 =	vadd.f32 v63, v13;
	v1 =	vadd.f32 v53, v1  }
0xd0: {  	v31 =	vld [tilespmem:s0+$0x180];
	v4 =	vadd.f32 v4, v5;
	v3 =	vadd.f32 v10, v3;
	v62 =	vmul.f32 v38, v21  }
0xd1: {  	v63 =	vmul.f32 v39, v21;
	v53 =	vmul.f32 v41, v43;
	v39 =	vld [tilespmem:s0+$0x1A0];
	v13 =	vadd.f32 v57, v52  }
0xd2: {  	v30 =	vld.idx.msk [tilespmem:v56+s10+$0x0], $0xffff;
	v52 =	vmul.f32 v47, v43;
	v56 =	vmul.f32 v49, v46;
	v2 =	vadd.f32 v54, v2  }
0xd3: {  	v41 =	vld [tilespmem:s0+$0x200];
	v57 =	vmul.f32 v42, v34;
	v58 =	vadd.f32 v55, v6;
	v1 =	vadd.f32 v59, v1  }
0xd4: {  	v42 =	vadd.s32 $0x2B, v0;
	v47 =	vld [tilespmem:s0+$0x220];
	v4 =	vadd.f32 v14, v4;
	v3 =	vadd.f32 v21, v3  }
0xd5: {  	v49 =	vld [tilespmem:s0+$0x230];
	v54 =	vadd.s32 $0x27, v0;
	v55 =	vmul.f32 v50, v46;
	v59 =	vmul.f32 v32, v34  }
0xd6: {  	v21 =	vld.idx.msk [tilespmem:v61+s10+$0x0], $0xffff;
	v61 =	vadd.s32 $0x29, v0;
	v48 =	vadd.f32 v63, v13;
	v19 =	vmul.f32 v19, v24  }
0xd7: {  	v6 =	vld [tilespmem:s0+$0x150];
	v63 =	vadd.s32 $0x2A, v0;
	v38 =	vmul.f32 v17, v24;
	v9 =	vmul.f32 v9, v8  }
0xd8: {  	v14 =	vld [tilespmem:s0+$0x190];
	v44 =	vmul.f32 v29, v25;
	v2 =	vadd.f32 v60, v2;
	v5 =	vadd.f32 v62, v58  }
0xd9: {  	v13 =	vld [tilespmem:s0+$0x1F0];
	v16 =	vmul.f32 v16, v25;
	v1 =	vadd.f32 v40, v1;
	v4 =	vadd.f32 v26, v4  }
0xda: {  	v36 =	vld.idx.msk [tilespmem:v45+s10+$0x0], $0xffff;
	v3 =	vadd.f32 v43, v3;
	v58 =	vadd.s32 $0x28, v12;
	v60 =	vmul.f32 v22, v33  }
0xdb: {  	v26 =	vld [tilespmem:s0+$0x1B0];
	v62 =	vmul.f32 v27, v20;
	v40 =	vmul.f32 v18, v8;
	v10 =	vadd.f32 v53, v48  }
0xdc: {  	v22 =	vld [tilespmem:s0+$0x1C0];
	v12 =	vadd.s32 $0x30, v12;
	v2 =	vadd.f32 v51, v2;
	v5 =	vadd.f32 v52, v5  }
0xdd: {  	v43 =	vld [tilespmem:s0+$0x210];
	v48 =	vadd.s32 $0x2C, v0;
	v1 =	vadd.f32 v55, v1;
	v4 =	vadd.f32 v46, v4  }
0xde: {  	v53 =	vld [tilespmem:s0+$0x240];
	v3 =	vadd.f32 v34, v3;
	v46 =	vmul.f32 v28, v7;
	v50 =	vmul.f32 v35, v30  }
0xdf: {  	v51 =	vld.idx.msk [tilespmem:v42+s10+$0x0], $0xffff;
	v52 =	vmul.f32 v15, v30;
	v10 =	vadd.f32 v59, v10;
	v6 =	vmul.f32 v6, v7  }
0xe0: {  	v32 =	vld.idx.msk [tilespmem:v54+s10+$0x0], $0xffff;
	v54 =	vadd.s32 $0x2D, v0;
	v2 =	vadd.f32 v56, v2;
	v5 =	vadd.f32 v57, v5  }
0xe1: {  	v18 =	vld.idx.msk [tilespmem:v61+s10+$0x0], $0xffff;
	v55 =	vmul.f32 v31, v21;
	v1 =	vadd.f32 v23, v1;
	v4 =	vadd.f32 v33, v4  }
0xe2: {  	v61 =	vadd.s32 $0x2E, v0;
	v23 =	vld [tilespmem:s0+$0x1D0];
	v3 =	vadd.f32 v20, v3;
	v10 =	vadd.f32 v11, v10  }
0xe3: {  	v33 =	vld [tilespmem:s0+$0x1E0];
	v57 =	vmul.f32 v14, v21;
	v2 =	vadd.f32 v60, v2;
	v5 =	vadd.f32 v62, v5  }
0xe4: {  	v45 =	vld.idx.msk [tilespmem:v63+s10+$0x0], $0xffff;
	v63 =	vadd.s32 $0x2F, v0;
	v4 =	vadd.f32 v24, v4;
	v3 =	vadd.f32 v8, v3  }
0xe5: {  	v56 =	vld [tilespmem:s0+$0x250];
	v0 =	vadd.s32 $0x31, v0;
	v1 =	vadd.f32 v19, v1;
	v9 =	vadd.f32 v9, v10  }
0xe6: {  	v27 =	vld.idx.msk [tilespmem:v58+s10+$0x0], $0xffff;
	v59 =	vmul.f32 v39, v36;
	v4 =	vadd.f32 v25, v4;
	v3 =	vadd.f32 v7, v3  }
0xe7: {  	v31 =	vmul.f32 v26, v36;
	v12 =	vld.idx.msk [tilespmem:v12+s10+$0x0], $0xffff;
	v2 =	vadd.f32 v38, v2;
	v5 =	vadd.f32 v40, v5  }
0xe8: {  	v58 =	vld.idx.msk [tilespmem:v48+s10+$0x0], $0xffff;
	v15 =	vmul.f32 v53, v51;
	v4 =	vadd.f32 v30, v4;
	v3 =	vadd.f32 v21, v3  }
0xe9: {  	v60 =	vld [tilespmem:s0+$0x260];
	v1 =	vadd.f32 v44, v1;
	v35 =	vmul.f32 v22, v32;
	v11 =	vmul.f32 v41, v18  }
0xea: {  	v48 =	vld [tilespmem:s0+$0x2F0];
	v41 =	vmul.f32 v43, v18;
	v4 =	vadd.f32 v36, v4;
	v3 =	vadd.f32 v32, v3  }
0xeb: {  	v19 =	vld.idx.msk [tilespmem:v54+s10+$0x0], $0xffff;
	v6 =	vadd.f32 v6, v9;
	v44 =	vmul.f32 v47, v45;
	v2 =	vadd.f32 v16, v2  }
0xec: {  	v28 =	vld.idx.msk [tilespmem:v61+s10+$0x0], $0xffff;
	v10 =	vmul.f32 v49, v45;
	v4 =	vadd.f32 v27, v4;
	v3 =	vadd.f32 v18, v3  }
0xed: {  	v47 =	vmul.f32 v56, v51;
	v5 =	vadd.f32 v46, v5;
	v1 =	vadd.f32 v50, v1;
	v21 =	vld.idx.msk [tilespmem:v63+s10+$0x0], $0xffff  }
0xee: {  	v34 =	vld [tilespmem:s0+$0x280];
	v38 =	vmul.f32 v33, v27;
	v4 =	vadd.f32 v45, v4;
	v3 =	vadd.f32 v51, v3  }
0xef: {  	v0 =	vld.idx.msk [tilespmem:v0+s10+$0x0], $0xffff;
	v39 =	vmul.f32 v13, v27;
	v6 =	vadd.f32 v57, v6;
	v2 =	vadd.f32 v52, v2  }
0xf0: {  	v40 =	vld [tilespmem:s0+$0x2A0];
	v49 =	vmul.f32 v60, v58;
	v4 =	vadd.f32 v58, v4;
	v3 =	vadd.f32 v19, v3  }
0xf1: {  	v43 =	vld [tilespmem:s0+$0x2C0];
	v60 =	vmul.f32 v48, v12;
	v5 =	vadd.f32 v55, v5;
	v1 =	vadd.f32 v59, v1  }
0xf2: {  	v46 =	vld [tilespmem:s0+$0x2E0];
	v36 =	vmul.f32 v23, v32;
	v4 =	vadd.f32 v28, v4;
	v3 =	vadd.f32 v21, v3  }
0xf3: {  	v42 =	vld [tilespmem:s0+$0x2B0];
	v52 =	vmul.f32 v34, v19;
	v2 =	vadd.f32 v31, v2;
	v5 =	vadd.f32 v35, v5  }
0xf4: {  	v62 =	vld [tilespmem:s0+$0x270];
	v54 =	vmul.f32 v37, v19;
	v4 =	vadd.f32 v12, v4;
	v3 =	vadd.f32 v0, v3  }
0xf5: {  	v53 =	vld [tilespmem:s0+$0x310];
	v56 =	vmul.f32 v40, v28;
	v6 =	vadd.f32 v36, v6;
	v1 =	vadd.f32 v38, v1  }
0xf6: {  	v57 =	vmul.f32 v43, v21;
	v5 =	vadd.f32 v11, v5;
	v45 =	vld [tilespmem:s0+$0x2D0];
	v3 =	vadd.f32 v3, v4  }
0xf7: {  	v50 =	vld [tilespmem:s0+$0x300];
	v59 =	vmul.f32 v46, v12;
	v2 =	vadd.f32 v39, v2;
	v6 =	vadd.f32 v41, v6  }
0xf8: {  	v55 =	vld [tilespmem:s1+$0xFFFFFFF0];
	v1 =	vadd.f32 v44, v1;
	v5 =	vadd.f32 v15, v5;
	(erf) = vrcp.f32 v3  }
0xf9: {  	v51 =	vmul.f32 v62, v58;
	v2 =	vadd.f32 v10, v2;
	v6 =	vadd.f32 v47, v6  }
0xfa: {  	v11 =	vmul.f32 v42, v28;
	v1 =	vadd.f32 v49, v1;
	v5 =	vadd.f32 v52, v5  }
0xfb: {  	v2 =	vadd.f32 v51, v2;
	v6 =	vadd.f32 v54, v6;
	v58 =	vmul.f32 v45, v21  }
0xfc: {  	v1 =	vadd.f32 v56, v1;
	v5 =	vadd.f32 v57, v5;
	v4 =	vmul.f32 v50, v0  }
0xfd: {  	[tilespmem:s31+$0xFFFFFFE0] =	vst v55;
	v2 =	vadd.f32 v11, v2;
	v6 =	vadd.f32 v58, v6;
	v0 =	vmul.f32 v53, v0  }
0xfe: {  	v62 =	vld [tilespmem:s1+$0x0];
	v1 =	vadd.f32 v59, v1;
	v61 =	vadd.f32 v4, v5  }
0xff: {  	v2 =	vadd.f32 v60, v2;
	v0 =	vadd.f32 v0, v6  }
0x100: {  	p1 =	sne.s32 s30, $0x2EE;
	v1 =	vadd.f32 v61, v1  }
.Ltmp0:
0x101: {  	v0 =	vadd.f32 v0, v2;
	v63 =	vpop (erf);
	(pc) =	sbr.rel @p1 .LBB2_3-.Ltmp0, $4  }
0x102: {  	v1 =	vmul.f32 v1, v63  }
0x103: {  	[tilespmem:s31+$0xFFFFFFF0] =	vst v62;
	v0 =	vmul.f32 v0, v63  }
0x104: {  	s30 =	sadd.s32 $0x32, s30;
	[tilespmem:s31+$0x0] =	vst v1  }
0x105: {  	s0 =	sadd.s32 $0x640, s0;
	s1 =	sadd.s32 $0x20, s1;
	[tilespmem:s31+$0x10] =	vst v0;
	s31 =	sadd.s32 $0x40, s31  }
0x106: {  	s0 =	smin.u32 s29, $0x1D  }
0x107: {  	s1 =	sshll.u32 s11, $0x8;
	s0 =	sadd.s32 $0x2, s0  }
0x108: {  	s1 =	sadd.s32 s1, s7;
	s15 =	smul.u32 $0xC80, s0  }
0x109: {  	[hbm4b:s1+s2] =	stream.linear.scatter [tilespmem:s24], [sflag:$0x3], $0x400, $0x38;
	[tilespmem:$0x19E00] =	vst v63  }
0x10a: {  	s1 =	sshrl.u32 s15, $0x2  }
0x10b: {  	[tilespmem:s13], [sflag:$0x1] =	stream.indirect.gather [hbm4b:s3+s12], $0x20, s1, s12, $0xb8;
	[tilespmem:$0x19E00] =	vst v63  }
0x10c: {  	s15 =	sadd.s32 $0x80, s1  }
0x10d: {  	[tilespmem:s14], [sflag:$0x1] =	stream.indirect.gather [hbm4b:s3+s12], $0x20, s15, s12, $0xb8;
	[tilespmem:$0x19E00] =	vst v63  }
0x10e: {  	s31 =	sadd.s32 $0x100, s1  }
0x10f: {  	[tilespmem:s16], [sflag:$0x1] =	stream.indirect.gather [hbm4b:s3+s12], $0x20, s31, s12, $0xb8;
	[tilespmem:$0x19E00] =	vst v63  }
0x110: {  	s31 =	sadd.s32 $0x180, s1  }
0x111: {  	[tilespmem:s18], [sflag:$0x1] =	stream.indirect.gather [hbm4b:s3+s12], $0x20, s31, s12, $0xb8;
	[tilespmem:$0x19E00] =	vst v63  }
0x112: {  	s31 =	sadd.s32 $0x200, s1  }
0x113: {  	[tilespmem:s20], [sflag:$0x1] =	stream.indirect.gather [hbm4b:s3+s12], $0x20, s31, s12, $0xb8;
	[tilespmem:$0x19E00] =	vst v63  }
0x114: {  	s31 =	sadd.s32 $0x280, s1  }
0x115: {  	[tilespmem:s22], [sflag:$0x1] =	stream.indirect.gather [hbm4b:s3+s12], $0x20, s31, s12, $0xb8;
	[tilespmem:$0x19E00] =	vst v63  }
0x116: {  	s0 =	sshll.u32 s0, $0x4;
	s1 =	sadd.s32 $0x300, s1  }
0x117: {  	[tilespmem:s25], [sflag:$0x1] =	stream.indirect.gather [hbm4b:s3+s23], $0x20, s1, s23, $0xb8;
	[tilespmem:$0x19E00] =	vst v63  }
0x118: {  	s0 =	sor.u32 $0x6400, s0  }
0x119: {  	[tilespmem:s28], [sflag:$0x1] =	stream.indirect.gather [hbm4b:s3+s26], $0x20, s0, s26, $0xb8;
	[tilespmem:$0x19E00] =	vst v63  }
0x11a: {  	s0 =	simm.s32 @!p0 $0x4  }
0x11b: {  	_ =	swait.ge @!p0 [sflag:s0], $0x400  }
0x11c: {  	[sflag:s0] =	ssyncset.done @!p0 $0x0  }
0x11d: {  	[sflag:s0] =	ssyncadd.s32 @!p0 $0xFFFFFC00  }
0x11e: {  	_ =	swait.ge [sflag:s9], $0x1000  }
0x11f: {  	[sflag:s9] =	ssyncset.done $0x0  }
0x120: {  	[sflag:s9] =	ssyncadd.s32 $0xFFFFF000  }
0x121: {  	_ =	swait.ge [sflag:s9], $0x1000  }
0x122: {  	[sflag:s9] =	ssyncset.done $0x0  }
0x123: {  	[sflag:s9] =	ssyncadd.s32 $0xFFFFF000  }
0x124: {  	_ =	swait.ge [sflag:s9], $0x1000  }
0x125: {  	[sflag:s9] =	ssyncset.done $0x0  }
0x126: {  	[sflag:s9] =	ssyncadd.s32 $0xFFFFF000  }
0x127: {  	_ =	swait.ge [sflag:s9], $0x1000  }
0x128: {  	[sflag:s9] =	ssyncset.done $0x0  }
0x129: {  	[sflag:s9] =	ssyncadd.s32 $0xFFFFF000  }
0x12a: {  	_ =	swait.ge [sflag:s9], $0x1000  }
0x12b: {  	[sflag:s9] =	ssyncset.done $0x0  }
0x12c: {  	[sflag:s9] =	ssyncadd.s32 $0xFFFFF000  }
0x12d: {  	_ =	swait.ge [sflag:s9], $0x1000  }
0x12e: {  	[sflag:s9] =	ssyncset.done $0x0  }
0x12f: {  	[sflag:s9] =	ssyncadd.s32 $0xFFFFF000  }
0x130: {  	_ =	swait.ge [sflag:s9], $0x400  }
0x131: {  	[sflag:s9] =	ssyncset.done $0x0  }
0x132: {  	[sflag:s9] =	ssyncadd.s32 $0xFFFFFC00  }
0x133: {  	_ =	swait.ge [sflag:s9], $0x200  }
0x134: {  	s29 =	simm.s32 $0x0;
	s30 =	simm.s32 $0x19A30;
	[sflag:s9] =	ssyncset.done $0x0  }
0x135: {  	s1 =	simm.s32 $0x19410;
	s0 =	smov.u32 s5;
	[sflag:s9] =	ssyncadd.s32 $0xFFFFFE00  }
.LBB2_5:
0x136: {  	s31 =	sshra.s32 s29, $0x2  }
0x137: {  	v2 =	vld [tilespmem:s31+$0x12E00]  }
0x138: {  	v7 =	vld [tilespmem:s31+$0x12E10]  }
0x139: {  	v14 =	vld [tilespmem:s31+$0x12E20]  }
0x13a: {  	v17 =	vld [tilespmem:s31+$0x12E30]  }
0x13b: {  	v18 =	vld [tilespmem:s31+$0x12E40]  }
0x13c: {  	v19 =	vld [tilespmem:s31+$0x12E50]  }
0x13d: {  	v26 =	vld [tilespmem:s31+$0x12E60]  }
0x13e: {  	v28 =	vld [tilespmem:s31+$0x12E70]  }
0x13f: {  	v30 =	vld [tilespmem:s31+$0x12E80]  }
0x140: {  	v31 =	vld [tilespmem:s31+$0x12E90]  }
0x141: {  	v34 =	vld [tilespmem:s31+$0x12EA0]  }
0x142: {  	v35 =	vld [tilespmem:s31+$0x12EB0]  }
0x143: {  	v37 =	vld [tilespmem:s31+$0x12EC0]  }
0x144: {  	v38 =	vld [tilespmem:s31+$0x12ED0]  }
0x145: {  	v40 =	vld [tilespmem:s31+$0x12EE0]  }
0x146: {  	v41 =	vld [tilespmem:s31+$0x12EF0]  }
0x147: {  	v43 =	vld [tilespmem:s31+$0x12F00]  }
0x148: {  	v44 =	vld [tilespmem:s31+$0x12F10]  }
0x149: {  	v46 =	vld [tilespmem:s31+$0x12F20]  }
0x14a: {  	v47 =	vld [tilespmem:s31+$0x12F30]  }
0x14b: {  	v49 =	vld [tilespmem:s31+$0x12F40]  }
0x14c: {  	v50 =	vld [tilespmem:s31+$0x12F50]  }
0x14d: {  	v52 =	vld [tilespmem:s31+$0x12F60]  }
0x14e: {  	v53 =	vld [tilespmem:s31+$0x12F70]  }
0x14f: {  	v54 =	vld [tilespmem:s31+$0x12F80]  }
0x150: {  	v55 =	vld [tilespmem:s31+$0x12F90]  }
0x151: {  	v0 =	vmov s0;
	v56 =	vld [tilespmem:s31+$0x12FA0]  }
0x152: {  	v1 =	vor.u32 $0x1, v0;
	v57 =	vld [tilespmem:s31+$0x12FB0]  }
0x153: {  	v3 =	vadd.s32 $0x2, v0;
	v58 =	vld [tilespmem:s31+$0x12FC0]  }
0x154: {  	v59 =	vadd.s32 $0x3, v0;
	v29 =	vld [tilespmem:s31+$0x12FF0]  }
0x155: {  	v60 =	vadd.s32 $0x4, v0;
	v22 =	vld [tilespmem:s31+$0x13000]  }
0x156: {  	v61 =	vadd.s32 $0x5, v0;
	v4 =	vld.idx.msk [tilespmem:v0+s10+$0x0], $0xffff  }
0x157: {  	v62 =	vadd.s32 $0x6, v0;
	v10 =	vld.idx.msk [tilespmem:v1+s10+$0x0], $0xffff  }
0x158: {  	v5 =	vadd.s32 $0x7, v0;
	v21 =	vld.idx.msk [tilespmem:v3+s10+$0x0], $0xffff  }
0x159: {  	v8 =	vadd.s32 $0x9, v0;
	v25 =	vld.idx.msk [tilespmem:v59+s10+$0x0], $0xffff  }
0x15a: {  	v9 =	vadd.s32 $0xA, v0;
	v32 =	vld.idx.msk [tilespmem:v60+s10+$0x0], $0xffff  }
0x15b: {  	v11 =	vadd.s32 $0xB, v0;
	v33 =	vld.idx.msk [tilespmem:v61+s10+$0x0], $0xffff  }
0x15c: {  	v13 =	vadd.s32 $0xC, v0;
	v36 =	vld.idx.msk [tilespmem:v62+s10+$0x0], $0xffff  }
0x15d: {  	v15 =	vadd.s32 $0xD, v0;
	v39 =	vld.idx.msk [tilespmem:v5+s10+$0x0], $0xffff  }
0x15e: {  	v16 =	vadd.s32 $0xE, v0;
	v45 =	vld.idx.msk [tilespmem:v8+s10+$0x0], $0xffff  }
0x15f: {  	v48 =	vld.idx.msk [tilespmem:v9+s10+$0x0], $0xffff  }
0x160: {  	v23 =	vadd.s32 $0xF, v0;
	v51 =	vld.idx.msk [tilespmem:v11+s10+$0x0], $0xffff  }
0x161: {  	v27 =	vld.idx.msk [tilespmem:v13+s10+$0x0], $0xffff  }
0x162: {  	v20 =	vld.idx.msk [tilespmem:v15+s10+$0x0], $0xffff  }
0x163: {  	v13 =	vld.idx.msk [tilespmem:v16+s10+$0x0], $0xffff  }
0x164: {  	v12 =	vand.u32 $0x7FFFFFFE, v0;
	v59 =	vld [tilespmem:s31+$0x12FD0]  }
0x165: {  	v63 =	vadd.s32 $0x8, v12;
	v11 =	vld.idx.msk [tilespmem:v23+s10+$0x0], $0xffff  }
0x166: {  	v24 =	vadd.s32 $0x10, v12;
	v60 =	vld [tilespmem:s31+$0x12FE0]  }
0x167: {  	v23 =	vld [tilespmem:s31+$0x13020]  }
0x168: {  	v16 =	vld [tilespmem:s31+$0x13030]  }
0x169: {  	v61 =	vadd.s32 $0x11, v0;
	v15 =	vld [tilespmem:s31+$0x13040]  }
0x16a: {  	v9 =	vadd.s32 $0x13, v0;
	v42 =	vld.idx.msk [tilespmem:v63+s10+$0x0], $0xffff  }
0x16b: {  	v8 =	vld.idx.msk [tilespmem:v24+s10+$0x0], $0xffff  }
0x16c: {  	v62 =	vadd.s32 $0x12, v0;
	v24 =	vld [tilespmem:s31+$0x13010]  }
0x16d: {  	v63 =	vld [tilespmem:s31+$0x13050]  }
0x16e: {  	v6 =	vld.idx.msk [tilespmem:v61+s10+$0x0], $0xffff  }
0x16f: {  	v3 =	vld.idx.msk [tilespmem:v9+s10+$0x0], $0xffff  }
0x170: {  	v2 =	vmul.f32 v2, v4;
	v61 =	vadd.s32 $0x14, v0;
	v9 =	vld [tilespmem:s31+$0x13060]  }
0x171: {  	v5 =	vld.idx.msk [tilespmem:v62+s10+$0x0], $0xffff;
	v62 =	vadd.s32 $0x15, v0  }
0x172: {  	v7 =	vmul.f32 v7, v4;
	v1 =	vmul.f32 v18, v21;
	v18 =	vld [tilespmem:s31+$0x13070];
	[tilespmem:$0x1FFC0] =	vst v63;
	v63 =	vadd.f32 $0.0e+00, v2  }
0x173: {  	v4 =	vadd.f32 $0.0e+00, v4;
	v14 =	vmul.f32 v14, v10;
	v2 =	vmul.f32 v19, v21;
	v19 =	vld [tilespmem:s31+$0x13080]  }
0x174: {  	v7 =	vadd.f32 $0.0e+00, v7;
	v1 =	vadd.f32 v1, v63;
	v63 =	vmul.f32 v17, v10;
	v17 =	vld [tilespmem:s31+$0x13090]  }
0x175: {  	v26 =	vmul.f32 v26, v25;
	v31 =	vmul.f32 v31, v32;
	v14 =	vadd.f32 $0.0e+00, v14;
	[tilespmem:$0x1FFD0] =	vst v9;
	v9 =	vld.idx.msk [tilespmem:v61+s10+$0x0], $0xffff  }
0x176: {  	v2 =	vadd.f32 v2, v7;
	v7 =	vld.idx.msk [tilespmem:v62+s10+$0x0], $0xffff;
	v62 =	vadd.f32 $0.0e+00, v63;
	v63 =	vmul.f32 v28, v25  }
0x177: {  	v10 =	vadd.f32 $0.0e+00, v10;
	v14 =	vadd.f32 v26, v14;
	v61 =	vadd.s32 $0x16, v0;
	v28 =	vld [tilespmem:s31+$0x130A0]  }
0x178: {  	v35 =	vmul.f32 v35, v33;
	v2 =	vadd.f32 v31, v2;
	v31 =	vld [tilespmem:s31+$0x130D0];
	v26 =	vadd.f32 v63, v62  }
0x179: {  	v62 =	vmul.f32 v30, v32;
	v30 =	vld [tilespmem:s31+$0x130B0];
	v63 =	vadd.f32 v25, v10;
	v10 =	vmul.f32 v34, v33  }
0x17a: {  	v25 =	vld [tilespmem:s31+$0x130C0];
	v34 =	vadd.s32 $0x18, v12;
	v26 =	vadd.f32 v35, v26;
	v35 =	vmul.f32 v38, v36  }
0x17b: {  	v1 =	vadd.f32 v62, v1;
	v62 =	vmul.f32 v37, v36;
	v37 =	vld [tilespmem:s31+$0x130E0];
	v33 =	vadd.f32 v33, v63  }
0x17c: {  	v21 =	vadd.f32 v21, v4;
	v4 =	vld.idx.msk [tilespmem:v61+s10+$0x0], $0xffff;
	v2 =	vadd.f32 v35, v2  }
0x17d: {  	v35 =	vmul.f32 v40, v39;
	v40 =	vmul.f32 v41, v39;
	v33 =	vadd.f32 v39, v33;
	v39 =	vld [tilespmem:s31+$0x13130]  }
0x17e: {  	v21 =	vadd.f32 v32, v21;
	v41 =	vld [tilespmem:s31+$0x13170]  }
0x17f: {  	v32 =	vadd.f32 v10, v14;
	v38 =	vadd.s32 $0x19, v0;
	v14 =	vld.idx.msk [tilespmem:v34+s10+$0x0], $0xffff  }
0x180: {  	v34 =	vadd.f32 v36, v21;
	v36 =	vld [tilespmem:s31+$0x13100]  }
0x181: {  	v46 =	vmul.f32 v46, v45;
	v44 =	vmul.f32 v44, v42;
	v26 =	vadd.f32 v40, v26;
	v40 =	vld [tilespmem:s31+$0x13110]  }
0x182: {  	v47 =	vmul.f32 v47, v45;
	v61 =	vadd.s32 $0x17, v0;
	v33 =	vadd.f32 v45, v33;
	v45 =	vld [tilespmem:s31+$0x13140]  }
0x183: {  	v2 =	vadd.f32 v44, v2;
	v44 =	vld [tilespmem:s31+$0x13150]  }
0x184: {  	v63 =	vadd.s32 $0x1A, v0;
	v21 =	vld.idx.msk [tilespmem:v38+s10+$0x0], $0xffff  }
0x185: {  	v38 =	vld [tilespmem:s31+$0x13120]  }
0x186: {  	v1 =	vadd.f32 v62, v1;
	v62 =	vmul.f32 v43, v42;
	v34 =	vadd.f32 v42, v34;
	v42 =	vld [tilespmem:s31+$0x131A0]  }
0x187: {  	v49 =	vmul.f32 v49, v48;
	v50 =	vmul.f32 v50, v48;
	v43 =	vadd.s32 $0x1B, v0;
	v10 =	vld.idx.msk [tilespmem:v61+s10+$0x0], $0xffff  }
0x188: {  	v32 =	vadd.f32 v35, v32;
	v1 =	vadd.f32 v62, v1;
	v62 =	vmul.f32 v52, v51;
	v61 =	vld [tilespmem:s31+$0x130F0]  }
0x189: {  	v52 =	vmul.f32 v54, v27;
	v54 =	vadd.s32 $0x1D, v0;
	v35 =	vadd.f32 v47, v26;
	v26 =	vld.idx.msk [tilespmem:v63+s10+$0x0], $0xffff  }
0x18a: {  	v32 =	vadd.f32 v46, v32;
	v2 =	vadd.f32 v50, v2;
	v50 =	vmul.f32 v53, v51;
	v47 =	vld [tilespmem:s31+$0x13160]  }
0x18b: {  	v1 =	vadd.f32 v49, v1;
	v53 =	vmul.f32 v55, v27;
	v55 =	vmul.f32 v56, v20;
	v49 =	vld [tilespmem:s31+$0x13190]  }
0x18c: {  	v63 =	vadd.s32 $0x1C, v0;
	v56 =	vmul.f32 v57, v20;
	v57 =	vmul.f32 v58, v13;
	v43 =	vld.idx.msk [tilespmem:v43+s10+$0x0], $0xffff  }
0x18d: {  	v58 =	vadd.s32 $0x1E, v0;
	v34 =	vadd.f32 v48, v34;
	v35 =	vadd.f32 v50, v35;
	v50 =	vld [tilespmem:s31+$0x13180]  }
0x18e: {  	v32 =	vadd.f32 v62, v32;
	v1 =	vadd.f32 v52, v1;
	v52 =	vmul.f32 v23, v6;
	v23 =	vld [tilespmem:s31+$0x131C0]  }
0x18f: {  	v27 =	vadd.f32 v27, v34;
	v34 =	vld.idx.msk [tilespmem:v54+s10+$0x0], $0xffff  }
0x190: {  	v32 =	vadd.f32 v55, v32;
	v55 =	vld [tilespmem:$0x1FFC0]  }
0x191: {  	v33 =	vadd.f32 v51, v33;
	v1 =	vadd.f32 v57, v1;
	v57 =	vld [tilespmem:$0x1FFD0]  }
0x192: {  	v46 =	vld.idx.msk [tilespmem:v63+s10+$0x0], $0xffff  }
0x193: {  	v59 =	vmul.f32 v59, v13;
	v20 =	vadd.f32 v20, v33;
	v33 =	vld.idx.msk [tilespmem:v58+s10+$0x0], $0xffff  }
0x194: {  	v60 =	vmul.f32 v60, v11;
	v22 =	vmul.f32 v22, v8;
	v13 =	vadd.f32 v13, v27;
	v27 =	vld [tilespmem:s31+$0x131E0]  }
0x195: {  	v2 =	vadd.f32 v53, v2;
	v62 =	vadd.s32 $0x1F, v0;
	v58 =	vmul.f32 v19, v9;
	v19 =	vld [tilespmem:s31+$0x13200]  }
0x196: {  	v29 =	vmul.f32 v29, v11;
	v11 =	vadd.f32 v11, v20;
	v63 =	vadd.f32 v60, v32;
	v32 =	vld [tilespmem:s31+$0x131B0]  }
0x197: {  	v24 =	vmul.f32 v24, v8;
	v35 =	vadd.f32 v56, v35;
	v1 =	vadd.f32 v22, v1;
	v22 =	vld [tilespmem:s31+$0x131D0]  }
0x198: {  	v16 =	vmul.f32 v16, v6;
	v15 =	vmul.f32 v15, v5;
	v6 =	vadd.f32 v6, v11;
	v11 =	vld [tilespmem:s31+$0x131F0]  }
0x199: {  	v2 =	vadd.f32 v59, v2;
	v56 =	vadd.s32 $0x21, v0;
	v29 =	vadd.f32 v29, v35;
	v35 =	vld [tilespmem:s31+$0x13280]  }
0x19a: {  	v18 =	vmul.f32 v18, v3;
	v51 =	vadd.s32 $0x23, v0;
	v48 =	vmul.f32 v30, v7;
	v20 =	vld.idx.msk [tilespmem:v62+s10+$0x0], $0xffff  }
0x19b: {  	v53 =	vadd.s32 $0x20, v12;
	v2 =	vadd.f32 v24, v2;
	v62 =	vmul.f32 v17, v9;
	v17 =	vld [tilespmem:s31+$0x13210]  }
0x19c: {  	v59 =	vadd.s32 $0x22, v0;
	v8 =	vadd.f32 v8, v13;
	v16 =	vadd.f32 v16, v29;
	v29 =	vld [tilespmem:s31+$0x13240]  }
0x19d: {  	v54 =	vadd.f32 v52, v63;
	v1 =	vadd.f32 v15, v1;
	v63 =	vmul.f32 v28, v7;
	v28 =	vld [tilespmem:s31+$0x13260]  }
0x19e: {  	v24 =	vmul.f32 v55, v5;
	v15 =	vmul.f32 v57, v3;
	v5 =	vadd.f32 v5, v8;
	v8 =	vld.idx.msk [tilespmem:v56+s10+$0x0], $0xffff  }
0x19f: {  	v3 =	vadd.f32 v3, v6;
	v55 =	vmul.f32 v37, v10;
	v56 =	vadd.s32 $0x24, v0;
	v37 =	vld [tilespmem:s31+$0x133B0]  }
0x1a0: {  	v57 =	vmul.f32 v61, v10;
	v61 =	vadd.s32 $0x25, v0;
	v60 =	vadd.f32 v18, v16;
	v18 =	vld [tilespmem:s31+$0x13220]  }
0x1a1: {  	v1 =	vadd.f32 v58, v1;
	v16 =	vld [tilespmem:s31+$0x13250];
	v23 =	vmul.f32 v23, v33;
	v2 =	vadd.f32 v24, v2  }
0x1a2: {  	v24 =	vld.idx.msk [tilespmem:v53+s10+$0x0], $0xffff;
	v13 =	vadd.f32 v15, v54;
	v5 =	vadd.f32 v9, v5;
	v53 =	vmul.f32 v25, v4  }
0x1a3: {  	v54 =	vmul.f32 v31, v4;
	v25 =	vld.idx.msk [tilespmem:v59+s10+$0x0], $0xffff;
	v3 =	vadd.f32 v7, v3;
	v59 =	vmul.f32 v36, v14  }
0x1a4: {  	v7 =	vld.idx.msk [tilespmem:v51+s10+$0x0], $0xffff;
	v51 =	vmul.f32 v44, v26;
	v52 =	vadd.f32 v48, v60;
	v60 =	vmul.f32 v40, v14  }
0x1a5: {  	v9 =	vld [tilespmem:s31+$0x13230];
	v40 =	vmul.f32 v45, v26;
	v45 =	vadd.s32 $0x26, v0;
	v2 =	vadd.f32 v62, v2  }
0x1a6: {  	v15 =	vld [tilespmem:s31+$0x13290];
	v11 =	vmul.f32 v11, v20;
	v6 =	vadd.f32 v63, v13;
	v1 =	vadd.f32 v53, v1  }
0x1a7: {  	v31 =	vld [tilespmem:s31+$0x132A0];
	v4 =	vadd.f32 v4, v5;
	v3 =	vadd.f32 v10, v3;
	v62 =	vmul.f32 v38, v21  }
0x1a8: {  	v63 =	vmul.f32 v39, v21;
	v53 =	vmul.f32 v41, v43;
	v39 =	vld [tilespmem:s31+$0x132C0];
	v13 =	vadd.f32 v57, v52  }
0x1a9: {  	v30 =	vld.idx.msk [tilespmem:v56+s10+$0x0], $0xffff;
	v52 =	vmul.f32 v47, v43;
	v56 =	vmul.f32 v49, v46;
	v2 =	vadd.f32 v54, v2  }
0x1aa: {  	v41 =	vld [tilespmem:s31+$0x13320];
	v57 =	vmul.f32 v42, v34;
	v58 =	vadd.f32 v55, v6;
	v1 =	vadd.f32 v59, v1  }
0x1ab: {  	v42 =	vadd.s32 $0x2B, v0;
	v47 =	vld [tilespmem:s31+$0x13340];
	v4 =	vadd.f32 v14, v4;
	v3 =	vadd.f32 v21, v3  }
0x1ac: {  	v49 =	vld [tilespmem:s31+$0x13350];
	v54 =	vadd.s32 $0x27, v0;
	v55 =	vmul.f32 v50, v46;
	v59 =	vmul.f32 v32, v34  }
0x1ad: {  	v21 =	vld.idx.msk [tilespmem:v61+s10+$0x0], $0xffff;
	v61 =	vadd.s32 $0x29, v0;
	v48 =	vadd.f32 v63, v13;
	v19 =	vmul.f32 v19, v24  }
0x1ae: {  	v6 =	vld [tilespmem:s31+$0x13270];
	v63 =	vadd.s32 $0x2A, v0;
	v38 =	vmul.f32 v17, v24;
	v9 =	vmul.f32 v9, v8  }
0x1af: {  	v14 =	vld [tilespmem:s31+$0x132B0];
	v44 =	vmul.f32 v29, v25;
	v2 =	vadd.f32 v60, v2;
	v5 =	vadd.f32 v62, v58  }
0x1b0: {  	v13 =	vld [tilespmem:s31+$0x13310];
	v16 =	vmul.f32 v16, v25;
	v1 =	vadd.f32 v40, v1;
	v4 =	vadd.f32 v26, v4  }
0x1b1: {  	v36 =	vld.idx.msk [tilespmem:v45+s10+$0x0], $0xffff;
	v3 =	vadd.f32 v43, v3;
	v58 =	vadd.s32 $0x28, v12;
	v60 =	vmul.f32 v22, v33  }
0x1b2: {  	v26 =	vld [tilespmem:s31+$0x132D0];
	v62 =	vmul.f32 v27, v20;
	v40 =	vmul.f32 v18, v8;
	v10 =	vadd.f32 v53, v48  }
0x1b3: {  	v22 =	vld [tilespmem:s31+$0x132E0];
	v12 =	vadd.s32 $0x30, v12;
	v2 =	vadd.f32 v51, v2;
	v5 =	vadd.f32 v52, v5  }
0x1b4: {  	v43 =	vld [tilespmem:s31+$0x13330];
	v48 =	vadd.s32 $0x2C, v0;
	v1 =	vadd.f32 v55, v1;
	v4 =	vadd.f32 v46, v4  }
0x1b5: {  	v53 =	vld [tilespmem:s31+$0x13360];
	v3 =	vadd.f32 v34, v3;
	v46 =	vmul.f32 v28, v7;
	v50 =	vmul.f32 v35, v30  }
0x1b6: {  	v51 =	vld.idx.msk [tilespmem:v42+s10+$0x0], $0xffff;
	v52 =	vmul.f32 v15, v30;
	v10 =	vadd.f32 v59, v10;
	v6 =	vmul.f32 v6, v7  }
0x1b7: {  	v32 =	vld.idx.msk [tilespmem:v54+s10+$0x0], $0xffff;
	v54 =	vadd.s32 $0x2D, v0;
	v2 =	vadd.f32 v56, v2;
	v5 =	vadd.f32 v57, v5  }
0x1b8: {  	v18 =	vld.idx.msk [tilespmem:v61+s10+$0x0], $0xffff;
	v55 =	vmul.f32 v31, v21;
	v1 =	vadd.f32 v23, v1;
	v4 =	vadd.f32 v33, v4  }
0x1b9: {  	v61 =	vadd.s32 $0x2E, v0;
	v23 =	vld [tilespmem:s31+$0x132F0];
	v3 =	vadd.f32 v20, v3;
	v10 =	vadd.f32 v11, v10  }
0x1ba: {  	v33 =	vld [tilespmem:s31+$0x13300];
	v57 =	vmul.f32 v14, v21;
	v2 =	vadd.f32 v60, v2;
	v5 =	vadd.f32 v62, v5  }
0x1bb: {  	v45 =	vld.idx.msk [tilespmem:v63+s10+$0x0], $0xffff;
	v63 =	vadd.s32 $0x2F, v0;
	v4 =	vadd.f32 v24, v4;
	v3 =	vadd.f32 v8, v3  }
0x1bc: {  	v56 =	vld [tilespmem:s31+$0x13370];
	v0 =	vadd.s32 $0x31, v0;
	v1 =	vadd.f32 v19, v1;
	v9 =	vadd.f32 v9, v10  }
0x1bd: {  	v27 =	vld.idx.msk [tilespmem:v58+s10+$0x0], $0xffff;
	v59 =	vmul.f32 v39, v36;
	v4 =	vadd.f32 v25, v4;
	v3 =	vadd.f32 v7, v3  }
0x1be: {  	v31 =	vmul.f32 v26, v36;
	v12 =	vld.idx.msk [tilespmem:v12+s10+$0x0], $0xffff;
	v2 =	vadd.f32 v38, v2;
	v5 =	vadd.f32 v40, v5  }
0x1bf: {  	v58 =	vld.idx.msk [tilespmem:v48+s10+$0x0], $0xffff;
	v15 =	vmul.f32 v53, v51;
	v4 =	vadd.f32 v30, v4;
	v3 =	vadd.f32 v21, v3  }
0x1c0: {  	v60 =	vld [tilespmem:s31+$0x13380];
	v1 =	vadd.f32 v44, v1;
	v35 =	vmul.f32 v22, v32;
	v11 =	vmul.f32 v41, v18  }
0x1c1: {  	v48 =	vld [tilespmem:s31+$0x13410];
	v41 =	vmul.f32 v43, v18;
	v4 =	vadd.f32 v36, v4;
	v3 =	vadd.f32 v32, v3  }
0x1c2: {  	v19 =	vld.idx.msk [tilespmem:v54+s10+$0x0], $0xffff;
	v6 =	vadd.f32 v6, v9;
	v44 =	vmul.f32 v47, v45;
	v2 =	vadd.f32 v16, v2  }
0x1c3: {  	v28 =	vld.idx.msk [tilespmem:v61+s10+$0x0], $0xffff;
	v10 =	vmul.f32 v49, v45;
	v4 =	vadd.f32 v27, v4;
	v3 =	vadd.f32 v18, v3  }
0x1c4: {  	v47 =	vmul.f32 v56, v51;
	v5 =	vadd.f32 v46, v5;
	v1 =	vadd.f32 v50, v1;
	v21 =	vld.idx.msk [tilespmem:v63+s10+$0x0], $0xffff  }
0x1c5: {  	v34 =	vld [tilespmem:s31+$0x133A0];
	v38 =	vmul.f32 v33, v27;
	v4 =	vadd.f32 v45, v4;
	v3 =	vadd.f32 v51, v3  }
0x1c6: {  	v0 =	vld.idx.msk [tilespmem:v0+s10+$0x0], $0xffff;
	v39 =	vmul.f32 v13, v27;
	v6 =	vadd.f32 v57, v6;
	v2 =	vadd.f32 v52, v2  }
0x1c7: {  	v40 =	vld [tilespmem:s31+$0x133C0];
	v49 =	vmul.f32 v60, v58;
	v4 =	vadd.f32 v58, v4;
	v3 =	vadd.f32 v19, v3  }
0x1c8: {  	v43 =	vld [tilespmem:s31+$0x133E0];
	v60 =	vmul.f32 v48, v12;
	v5 =	vadd.f32 v55, v5;
	v1 =	vadd.f32 v59, v1  }
0x1c9: {  	v46 =	vld [tilespmem:s31+$0x13400];
	v36 =	vmul.f32 v23, v32;
	v4 =	vadd.f32 v28, v4;
	v3 =	vadd.f32 v21, v3  }
0x1ca: {  	v42 =	vld [tilespmem:s31+$0x133D0];
	v52 =	vmul.f32 v34, v19;
	v2 =	vadd.f32 v31, v2;
	v5 =	vadd.f32 v35, v5  }
0x1cb: {  	v62 =	vld [tilespmem:s31+$0x13390];
	v54 =	vmul.f32 v37, v19;
	v4 =	vadd.f32 v12, v4;
	v3 =	vadd.f32 v0, v3  }
0x1cc: {  	v53 =	vld [tilespmem:s31+$0x13430];
	v56 =	vmul.f32 v40, v28;
	v6 =	vadd.f32 v36, v6;
	v1 =	vadd.f32 v38, v1  }
0x1cd: {  	v57 =	vmul.f32 v43, v21;
	v5 =	vadd.f32 v11, v5;
	v45 =	vld [tilespmem:s31+$0x133F0];
	v3 =	vadd.f32 v3, v4  }
0x1ce: {  	v50 =	vld [tilespmem:s31+$0x13420];
	v59 =	vmul.f32 v46, v12;
	v2 =	vadd.f32 v39, v2;
	v6 =	vadd.f32 v41, v6  }
0x1cf: {  	v55 =	vld [tilespmem:s1+$0xFFFFFFF0];
	v1 =	vadd.f32 v44, v1;
	v5 =	vadd.f32 v15, v5;
	(erf) = vrcp.f32 v3  }
0x1d0: {  	v51 =	vmul.f32 v62, v58;
	v2 =	vadd.f32 v10, v2;
	v6 =	vadd.f32 v47, v6  }
0x1d1: {  	v11 =	vmul.f32 v42, v28;
	v1 =	vadd.f32 v49, v1;
	v5 =	vadd.f32 v52, v5  }
0x1d2: {  	v2 =	vadd.f32 v51, v2;
	v6 =	vadd.f32 v54, v6;
	v58 =	vmul.f32 v45, v21  }
0x1d3: {  	v1 =	vadd.f32 v56, v1;
	v5 =	vadd.f32 v57, v5;
	v4 =	vmul.f32 v50, v0  }
0x1d4: {  	[tilespmem:s30+$0xFFFFFFD0] =	vst v55;
	v2 =	vadd.f32 v11, v2;
	v6 =	vadd.f32 v58, v6;
	v0 =	vmul.f32 v53, v0  }
0x1d5: {  	v62 =	vld [tilespmem:s1+$0x0];
	v1 =	vadd.f32 v59, v1;
	v61 =	vadd.f32 v4, v5  }
0x1d6: {  	v2 =	vadd.f32 v60, v2;
	v0 =	vadd.f32 v0, v6  }
0x1d7: {  	p0 =	sne.s32 s29, $0x17700;
	v1 =	vadd.f32 v61, v1  }
.Ltmp1:
0x1d8: {  	v0 =	vadd.f32 v0, v2;
	v63 =	vpop (erf);
	(pc) =	sbr.rel @p0 .LBB2_5-.Ltmp1, $4  }
0x1d9: {  	v1 =	vmul.f32 v1, v63  }
0x1da: {  	[tilespmem:s30+$0xFFFFFFE0] =	vst v62;
	v0 =	vmul.f32 v0, v63  }
0x1db: {  	s0 =	sadd.s32 $0x32, s0;
	[tilespmem:s30+$0xFFFFFFF0] =	vst v1  }
0x1dc: {  	s29 =	sadd.s32 $0x1900, s29;
	s1 =	sadd.s32 $0x20, s1;
	[tilespmem:s30+$0x0] =	vst v0;
	s30 =	sadd.s32 $0x40, s30  }
0x1dd: {  	s11 =	sadd.s32 $0x1, s11  }
0x1de: {  	p0 =	sne.s32 s11, $0x10  }
.Ltmp2:
0x1df: {  	_ = 	snop;
	(pc) =	sbr.rel @p0 .LBB2_2-.Ltmp2, $4  }
0x1e0: {  	_ = 	snop  }
0x1e1: {  	s0 =	sshll.u32 s8, $0x7  }
0x1e2: {  	s6 =	sadd.s32 $0x640, s6;
	s5 =	sadd.s32 $0x640, s5;
	s0 =	sadd.s32 s0, s7  }
0x1e3: {  	[hbm4b:s0+s2] =	stream.linear.scatter [tilespmem:s4], [sflag:$0x4], $0x400, $0x38;
	[tilespmem:$0x19E00] =	vst v63  }
0x1e4: {  	_ =	swait.ge [sflag:s21], $0x1000  }
0x1e5: {  	[sflag:s21] =	ssyncset.done $0x0  }
0x1e6: {  	[sflag:s21] =	ssyncadd.s32 $0xFFFFF000  }
0x1e7: {  	_ =	swait.ge [sflag:s21], $0x1000  }
0x1e8: {  	[sflag:s21] =	ssyncset.done $0x0  }
0x1e9: {  	[sflag:s21] =	ssyncadd.s32 $0xFFFFF000  }
0x1ea: {  	_ =	swait.ge [sflag:s21], $0x1000  }
0x1eb: {  	[sflag:s21] =	ssyncset.done $0x0  }
0x1ec: {  	[sflag:s21] =	ssyncadd.s32 $0xFFFFF000  }
0x1ed: {  	_ =	swait.ge [sflag:s21], $0x1000  }
0x1ee: {  	[sflag:s21] =	ssyncset.done $0x0  }
0x1ef: {  	[sflag:s21] =	ssyncadd.s32 $0xFFFFF000  }
0x1f0: {  	_ =	swait.ge [sflag:s21], $0x1000  }
0x1f1: {  	[sflag:s21] =	ssyncset.done $0x0  }
0x1f2: {  	[sflag:s21] =	ssyncadd.s32 $0xFFFFF000  }
0x1f3: {  	_ =	swait.ge [sflag:s21], $0x1000  }
0x1f4: {  	[sflag:s21] =	ssyncset.done $0x0  }
0x1f5: {  	[sflag:s21] =	ssyncadd.s32 $0xFFFFF000  }
0x1f6: {  	_ =	swait.ge [sflag:s21], $0x400  }
0x1f7: {  	[sflag:s21] =	ssyncset.done $0x0  }
0x1f8: {  	[sflag:s21] =	ssyncadd.s32 $0xFFFFFC00  }
0x1f9: {  	_ =	swait.ge [sflag:s21], $0x200  }
0x1fa: {  	[sflag:s21] =	ssyncset.done $0x0  }
0x1fb: {  	s0 =	simm.s32 $0x3;
	[sflag:s21] =	ssyncadd.s32 $0xFFFFFE00  }
0x1fc: {  	_ =	swait.ge [sflag:s0], $0x400  }
0x1fd: {  	[sflag:s0] =	ssyncset.done $0x0  }
0x1fe: {  	s1 =	simm.s32 $0x4;
	[sflag:s0] =	ssyncadd.s32 $0xFFFFFC00  }
0x1ff: {  	_ =	swait.ge [sflag:s1], $0x400  }
0x200: {  	s5 =	rddreg [dreg:$0x8]  }
0x201: {  	s31 =	rddreg [dreg:$0x7];
	s5 =	sadd.s32 $0x1, s5  }
0x202: {  	p0 =	sne.s32 s5, s31  }
.Ltmp3:
0x203: {  	_ = 	snop;
	(pc) =	sbr.rel @p0 .LBB2_1-.Ltmp3, $3  }
0x204: {  	_ =	sdelay $0x1  }
0x205: {  	[sflag:s1] =	ssyncset.done $0x0  }
0x206: {  	[sflag:s1] =	ssyncadd.s32 $0xFFFFFC00  }
0x207: {  	_ =	sfence.sel $0x180000  }
0x208: {  	[bflag:$0x0] =	sbarrier.arrive $0xFFFF  }
0x209: {  	_ =	strace $0x90000047  }
0x20a: {  	s0 =	stileid.u32;
	[bflag:$0x2] =	sbarrier.arrive $0xFFFF  }
0x20b: {  	p0 =	sne.s32 s0, $0x0;
	s0 =	rddreg [dreg:$0x3]  }
0x20c: {  	s0 =	sadd.s32 @!p0 $0x100000, s0  }
0x20d: {  	[sflag:s0] =	ssyncadd.tile.s32 @!p0 $0x1;
	_ =	shalt  }
.Lfunc_end2:
_tile_overlayer_lowered:
.L_overlay_start_2:
0x20e: {  	(tag) =	ssettag $0x2  }
0x20f: {  	s0 =	rddreg [dreg:$0x0];
	s2 =	stileid.u32  }
0x210: {  	s1 =	rddreg [dreg:$0x1];
	p0 =	sne.s32 s2, $0x0  }
0x211: {  	s3 =	rddreg [dreg:$0x2];
	[bflag:$0x3] =	sbarrier.arrive $0xFFFF;
	s2 =	simm.s32 @!p0 $0x1C06  }
0x212: {  	[timem:s3], [sflag:s2] =	dma.local @!p0 [hbm:s0], s1  }
0x213: {  	s0 =	simm.s32 @!p0 $0x6  }
0x214: {  	_ =	swait.ge @!p0 [sflag:s0], s1  }
0x215: {  	s1 =	ssub.s32 @!p0 $0x0, s1;
	[sflag:s0] =	ssyncset.done @!p0 $0x0  }
0x216: {  	[sflag:s0] =	ssyncadd.s32 @!p0 s1  }
0x217: {  	[bflag:$0x3] =	sbarrier.arrive $0xFFFF  }
0x218: {  	_ =	shalt  }

</sc_bundles>
